<compile_context>
chip_gen: v7x
topology: tpu7x:2x2x1
jax: 0.10.2.dev20260603
libtpu: 0.0.44.dev20260713+nightly
codegen_flags: <defaults>
</compile_context>

<pallas_src>
import functools

import jax
import jax.numpy as jnp
from jax import lax
from jax.experimental import pallas as pl
from jax.experimental.pallas import tpu as pltpu
from jax.experimental.pallas import tpu_sc as plsc

B = 4096
NS = 26
V = 100000
D = 16
L = 50
NF = NS + 1
R = NF * D

NC = 2
NSUB = 16
NW = NC * NSUB
BW = B // NW
QL = 13
QS = 12
GD = BW // D


def _body(tab, seq, sidx, qidx, out, sidx_v, qidx_v, asm_v, sq0_v, sq1_v,
          cnt_v, sem_a, sem_b):
    c = lax.axis_index("c")
    s = lax.axis_index("s")
    w = s * NC + c
    b0 = w * BW

    h_sidx = pltpu.async_copy(sidx.at[:, pl.ds(b0, BW)], sidx_v, sem_a)
    h_qidx = pltpu.async_copy(qidx.at[:, pl.ds(b0, BW)], qidx_v, sem_b)
    h_sidx.wait()

    def sparse_f(f, carry):
        for d in range(D):
            pltpu.async_copy(tab.at[f * D + d].at[sidx_v.at[f]],
                             asm_v.at[f * D + d], sem_a)
        return carry

    lax.fori_loop(0, NS, sparse_f, 0)
    h_qidx.wait()

    bufs = [sq0_v, sq1_v, sq0_v, sq1_v]
    offs = [0, QL, 2 * QL, 2 * QL + QS]
    qls = [QL, QL, QS, QS]

    def issue_q(q):
        buf, off = bufs[q], offs[q]

        def body(l, carry):
            for d in range(D):
                pltpu.async_copy(seq.at[d].at[qidx_v.at[off + l]],
                                 buf.at[d, pl.ds(l * BW, BW)], sem_b)
            return carry

        lax.fori_loop(0, qls[q], body, 0)

    def drain_q(q):
        n = qls[q] * BW
        pltpu.make_async_copy(seq.at[:, pl.ds(0, n)],
                              bufs[q].at[:, pl.ds(0, n)], sem_b).wait()

    def clear_acc(k, carry):
        d = k // GD
        g16 = (k % GD) * D
        asm_v[NS * D + d, pl.ds(g16, D)] = jnp.zeros((D,), jnp.float32)
        cnt_v[d, pl.ds(g16, D)] = jnp.zeros((D,), jnp.float32)
        return carry

    def accum_q(q, final=False):
        buf = bufs[q]

        def body(k, carry):
            d = k // GD
            g16 = (k % GD) * D
            acc = asm_v[NS * D + d, pl.ds(g16, D)]
            cnt = cnt_v[d, pl.ds(g16, D)]
            for l in range(qls[q]):
                v = buf[d, pl.ds(l * BW + g16, D)]
                acc = acc + v
                cnt = cnt + jnp.where(v != 0.0, 1.0, 0.0)
            if final:
                asm_v[NS * D + d, pl.ds(g16, D)] = acc / (cnt + 1e-16)
            else:
                asm_v[NS * D + d, pl.ds(g16, D)] = acc
                cnt_v[d, pl.ds(g16, D)] = cnt
            return carry

        lax.fori_loop(0, BW, body, 0)

    issue_q(0)
    issue_q(1)
    lax.fori_loop(0, BW, clear_acc, 0)
    drain_q(0)
    accum_q(0)
    issue_q(2)
    drain_q(1)
    accum_q(1)
    issue_q(3)
    pltpu.make_async_copy(tab.at[:, pl.ds(0, BW)],
                          asm_v.at[pl.ds(0, NS * D)], sem_a).wait()
    h_out = pltpu.async_copy(asm_v.at[pl.ds(0, NS * D)],
                             out.at[pl.ds(0, NS * D), pl.ds(b0, BW)], sem_a)
    drain_q(2)
    accum_q(2)
    drain_q(3)
    accum_q(3, final=True)
    h_pool = pltpu.async_copy(asm_v.at[pl.ds(NS * D, D)],
                              out.at[pl.ds(NS * D, D), pl.ds(b0, BW)], sem_a)
    h_out.wait()
    h_pool.wait()


_sc_call = functools.partial(
    pl.kernel,
    out_type=jax.ShapeDtypeStruct((R, B), jnp.float32),
    mesh=plsc.VectorSubcoreMesh(core_axis_name="c", subcore_axis_name="s"),
    compiler_params=pltpu.CompilerParams(use_tc_tiling_on_sc=False),
    scratch_types=[
        pltpu.VMEM((NS, BW), jnp.int32),
        pltpu.VMEM((L, BW), jnp.int32),
        pltpu.VMEM((R, BW), jnp.float32),
        pltpu.VMEM((D, QL * BW), jnp.float32),
        pltpu.VMEM((D, QL * BW), jnp.float32),
        pltpu.VMEM((D, BW), jnp.float32),
        pltpu.SemaphoreType.DMA,
        pltpu.SemaphoreType.DMA,
    ],
)(_body)


@jax.jit
def kernel(sparse_indices, seq_indices, sparse_tables, seq_table):
    sidxT = jnp.transpose(sparse_indices).astype(jnp.int32)
    qidxT = jnp.transpose(seq_indices).astype(jnp.int32)
    tabT = jnp.transpose(sparse_tables, (0, 2, 1)).reshape(NS * D, V)
    seqT = jnp.transpose(seq_table)

    outT = _sc_call(tabT, seqT, sidxT, qidxT)
    return jnp.transpose(outT.reshape(NF, D, B), (2, 0, 1))

# --- scband reference (transcript-rebuilt; emitter-appended) ---
"""Pipeline reference for scband-embedding-layer-56521769615468 (READ-ONLY COPY).

The authoritative reference and input builder live on the scoring server;
editing this copy changes nothing except your own understanding.
"""

import jax, jax.numpy as jnp
import numpy as np

B = 4096
NS = 26      # number of sparse features
V = 100000   # vocab size per feature
D = 16       # embed_dim
L = 50       # history length for the sequence feature


def setup_inputs(seed: int = 0) -> dict:
    key = jax.random.key(seed)
    k1, k2, k3, k4 = jax.random.split(key, 4)
    sparse_indices = jax.random.randint(k1, (B, NS), 0, V)
    seq_indices = jax.random.randint(k2, (B, L), 0, V)
    # xavier_normal_ init: std = sqrt(2 / (fan_in + fan_out)) = sqrt(2 / (V + D))
    scale = (2.0 / (V + D)) ** 0.5
    sparse_tables = jax.random.normal(k3, (NS, V, D), dtype=jnp.float32) * scale
    seq_table = jax.random.normal(k4, (V, D), dtype=jnp.float32) * scale
    return {
        "sparse_indices": sparse_indices,
        "seq_indices": seq_indices,
        "sparse_tables": sparse_tables,
        "seq_table": seq_table,
    }


def reference(sparse_indices, seq_indices, sparse_tables, seq_table):
    # Sparse feature lookups: one embedding table per field, each lookup
    # unsqueezed to (B, 1, D) then concatenated -> (B, NS, D).
    sp = jax.vmap(
        lambda table, idx: jnp.take(table, idx, axis=0),
        in_axes=(0, 1),
        out_axes=1,
    )(sparse_tables, sparse_indices)  # (B, NS, D)

    # Sequence feature lookup + AveragePooling (mean over non-padding,
    # where non_padding_length = (emb != 0).sum(dim=1), per torch code).
    seq_emb = jnp.take(seq_table, seq_indices, axis=0)  # (B, L, D)
    sum_pool = jnp.sum(seq_emb, axis=1)  # (B, D)
    non_pad = jnp.sum(seq_emb != 0, axis=1).astype(jnp.float32)  # (B, D)
    pooled = sum_pool / (non_pad + 1e-16)  # (B, D)

    # squeeze_dim=False path: concat sparse embeddings along feature axis
    out = jnp.concatenate([sp, pooled[:, None, :]], axis=1)  # (B, NS+1, D)
    return out

if __name__ == "__main__":
    import jax
    _d = setup_inputs()
    print(jax.jit(kernel)(*tuple(_d.values())))

</pallas_src>

<mosaic_0001>
#map = affine_map<(d0, d1) -> (0, 0)>
module attributes {stable_mosaic.version = 14 : i64} {
  func.func @_body(%arg0: i32, %arg1: i32, %arg2: memref<416x100000xf32, #tpu.memory_space<hbm>>, %arg3: memref<16x100000xf32, #tpu.memory_space<hbm>>, %arg4: memref<26x4096xi32, #tpu.memory_space<hbm>>, %arg5: memref<50x4096xi32, #tpu.memory_space<hbm>>, %arg6: memref<432x4096xf32, #tpu.memory_space<hbm>>, %arg7: memref<26x128xi32, #tpu.memory_space<vmem>>, %arg8: memref<50x128xi32, #tpu.memory_space<vmem>>, %arg9: memref<432x128xf32, #tpu.memory_space<vmem>>, %arg10: memref<16x1664xf32, #tpu.memory_space<vmem>>, %arg11: memref<16x1664xf32, #tpu.memory_space<vmem>>, %arg12: memref<16x128xf32, #tpu.memory_space<vmem>>, %arg13: memref<!tpu.dma_semaphore, #tpu.memory_space<semaphore_mem>>, %arg14: memref<!tpu.dma_semaphore, #tpu.memory_space<semaphore_mem>>) attributes {dimension_semantics = [#tpu.dimension_semantics<core_parallel>, #tpu.dimension_semantics<subcore_parallel>], iteration_bounds = array<i64: 2, 16>, scalar_prefetch = 0 : i64, scratch_operands = 8 : i64, tpu.core_type = #tpu.core_type<sc_vector_subcore>, window_params = [{transform_indices = #map}, {transform_indices = #map}, {transform_indices = #map}, {transform_indices = #map}, {transform_indices = #map}]} {
    %mul3A = arith.constant 2 : i32
    %mul3A_0 = arith.muli %arg1, %mul3A : i32
    %add3A = arith.addi %mul3A_0, %arg0 : i32
    %mul3A_1 = arith.constant 128 : i32
    %mul3A_2 = arith.muli %add3A, %mul3A_1 : i32
    %dma_start3A = arith.constant 0 : i32
    %dma_start3A_3 = tpu.memref_slice %arg4[%dma_start3A, %mul3A_2] : memref<26x4096xi32, #tpu.memory_space<hbm>> -> memref<26x128xi32, #tpu.memory_space<hbm>>
    %dma_start3A_4 = arith.constant 0 : i32
    %dma_start3A_5 = tpu.memref_slice %arg4[%dma_start3A_4, %mul3A_2] : memref<26x4096xi32, #tpu.memory_space<hbm>> -> memref<26x128xi32, #tpu.memory_space<hbm>>
    tpu.enqueue_dma source(%dma_start3A_5 : memref<26x128xi32, #tpu.memory_space<hbm>>) target(%arg7 : memref<26x128xi32, #tpu.memory_space<vmem>>) target_semaphore(%arg13 : memref<!tpu.dma_semaphore, #tpu.memory_space<semaphore_mem>>)
    %dma_start3A_6 = arith.constant 0 : i32
    %dma_start3A_7 = tpu.memref_slice %arg5[%dma_start3A_6, %mul3A_2] : memref<50x4096xi32, #tpu.memory_space<hbm>> -> memref<50x128xi32, #tpu.memory_space<hbm>>
    %dma_start3A_8 = arith.constant 0 : i32
    %dma_start3A_9 = tpu.memref_slice %arg5[%dma_start3A_8, %mul3A_2] : memref<50x4096xi32, #tpu.memory_space<hbm>> -> memref<50x128xi32, #tpu.memory_space<hbm>>
    tpu.enqueue_dma source(%dma_start3A_9 : memref<50x128xi32, #tpu.memory_space<hbm>>) target(%arg8 : memref<50x128xi32, #tpu.memory_space<vmem>>) target_semaphore(%arg14 : memref<!tpu.dma_semaphore, #tpu.memory_space<semaphore_mem>>)
    %dma_wait3A = arith.constant 0 : i32
    %dma_wait3A_10 = tpu.memref_slice %arg4[%dma_wait3A, %mul3A_2] : memref<26x4096xi32, #tpu.memory_space<hbm>> -> memref<26x128xi32, #tpu.memory_space<hbm>>
    %dma_wait3A_11 = arith.constant 0 : i32
    %dma_wait3A_12 = tpu.memref_slice %arg4[%dma_wait3A_11, %mul3A_2] : memref<26x4096xi32, #tpu.memory_space<hbm>> -> memref<26x128xi32, #tpu.memory_space<hbm>>
    tpu.wait_dma2 semaphore(%arg13 : memref<!tpu.dma_semaphore, #tpu.memory_space<semaphore_mem>>) src(%dma_wait3A_12 : memref<26x128xi32, #tpu.memory_space<hbm>>) dst(%arg7 : memref<26x128xi32, #tpu.memory_space<vmem>>)
    %scan3A = arith.constant 0 : i32
    %scan3A_13 = arith.constant 0 : i32
    %scan3A_14 = arith.constant 26 : i32
    %scan3A_15 = arith.addi %scan3A_13, %scan3A_14 : i32
    %scan3A_16 = arith.constant 1 : i32
    scf.for %scan3A_176 = %scan3A_13 to %scan3A_15 step %scan3A_16  : i32 {
      %mul3A_177 = arith.constant 16 : i32
      %mul3A_178 = arith.muli %scan3A_176, %mul3A_177 : i32
      %add3A_179 = arith.constant 0 : i32
      %add3A_180 = arith.addi %mul3A_178, %add3A_179 : i32
      %mul3A_181 = arith.constant 16 : i32
      %mul3A_182 = arith.muli %scan3A_176, %mul3A_181 : i32
      %add3A_183 = arith.constant 0 : i32
      %add3A_184 = arith.addi %mul3A_182, %add3A_183 : i32
      %dma_start3A_185 = arith.constant 0 : i32
      %dma_start3A_186 = tpu.memref_slice %arg9[%add3A_184, %dma_start3A_185] : memref<432x128xf32, #tpu.memory_space<vmem>> -> memref<1x128xf32, #tpu.memory_space<vmem>>
      %dma_start3A_187 = tpu.memref_squeeze %dma_start3A_186 : memref<1x128xf32, #tpu.memory_space<vmem>> -> memref<128xf32, #tpu.memory_space<vmem>>
      %dma_start3A_188 = arith.constant 0 : i32
      %dma_start3A_189 = tpu.memref_slice %arg7[%scan3A_176, %dma_start3A_188] : memref<26x128xi32, #tpu.memory_space<vmem>> -> memref<1x128xi32, #tpu.memory_space<vmem>>
      %dma_start3A_190 = tpu.memref_squeeze %dma_start3A_189 : memref<1x128xi32, #tpu.memory_space<vmem>> -> memref<128xi32, #tpu.memory_space<vmem>>
      %dma_start3A_191 = arith.constant 0 : i32
      %dma_start3A_192 = tpu.memref_slice %arg2[%add3A_180, %dma_start3A_191] : memref<416x100000xf32, #tpu.memory_space<hbm>> -> memref<1x100000xf32, #tpu.memory_space<hbm>>
      %dma_start3A_193 = tpu.memref_squeeze %dma_start3A_192 : memref<1x100000xf32, #tpu.memory_space<hbm>> -> memref<100000xf32, #tpu.memory_space<hbm>>
      %dma_start3A_194 = arith.constant 0 : i32
      %dma_start3A_195 = tpu.memref_slice %dma_start3A_193[%dma_start3A_194] : memref<100000xf32, #tpu.memory_space<hbm>> -> memref<100000xf32, #tpu.memory_space<hbm>>
      tpu.enqueue_indirect_dma source(%dma_start3A_195 : memref<100000xf32, #tpu.memory_space<hbm>>) target(%dma_start3A_187 : memref<128xf32, #tpu.memory_space<vmem>>) offsets(%dma_start3A_190 : memref<128xi32, #tpu.memory_space<vmem>>) semaphore(%arg13 : memref<!tpu.dma_semaphore, #tpu.memory_space<semaphore_mem>>)
      %mul3A_196 = arith.constant 16 : i32
      %mul3A_197 = arith.muli %scan3A_176, %mul3A_196 : i32
      %add3A_198 = arith.constant 1 : i32
      %add3A_199 = arith.addi %mul3A_197, %add3A_198 : i32
      %mul3A_200 = arith.constant 16 : i32
      %mul3A_201 = arith.muli %scan3A_176, %mul3A_200 : i32
      %add3A_202 = arith.constant 1 : i32
      %add3A_203 = arith.addi %mul3A_201, %add3A_202 : i32
      %dma_start3A_204 = arith.constant 0 : i32
      %dma_start3A_205 = tpu.memref_slice %arg9[%add3A_203, %dma_start3A_204] : memref<432x128xf32, #tpu.memory_space<vmem>> -> memref<1x128xf32, #tpu.memory_space<vmem>>
      %dma_start3A_206 = tpu.memref_squeeze %dma_start3A_205 : memref<1x128xf32, #tpu.memory_space<vmem>> -> memref<128xf32, #tpu.memory_space<vmem>>
      %dma_start3A_207 = arith.constant 0 : i32
      %dma_start3A_208 = tpu.memref_slice %arg7[%scan3A_176, %dma_start3A_207] : memref<26x128xi32, #tpu.memory_space<vmem>> -> memref<1x128xi32, #tpu.memory_space<vmem>>
      %dma_start3A_209 = tpu.memref_squeeze %dma_start3A_208 : memref<1x128xi32, #tpu.memory_space<vmem>> -> memref<128xi32, #tpu.memory_space<vmem>>
      %dma_start3A_210 = arith.constant 0 : i32
      %dma_start3A_211 = tpu.memref_slice %arg2[%add3A_199, %dma_start3A_210] : memref<416x100000xf32, #tpu.memory_space<hbm>> -> memref<1x100000xf32, #tpu.memory_space<hbm>>
      %dma_start3A_212 = tpu.memref_squeeze %dma_start3A_211 : memref<1x100000xf32, #tpu.memory_space<hbm>> -> memref<100000xf32, #tpu.memory_space<hbm>>
      %dma_start3A_213 = arith.constant 0 : i32
      %dma_start3A_214 = tpu.memref_slice %dma_start3A_212[%dma_start3A_213] : memref<100000xf32, #tpu.memory_space<hbm>> -> memref<100000xf32, #tpu.memory_space<hbm>>
      tpu.enqueue_indirect_dma source(%dma_start3A_214 : memref<100000xf32, #tpu.memory_space<hbm>>) target(%dma_start3A_206 : memref<128xf32, #tpu.memory_space<vmem>>) offsets(%dma_start3A_209 : memref<128xi32, #tpu.memory_space<vmem>>) semaphore(%arg13 : memref<!tpu.dma_semaphore, #tpu.memory_space<semaphore_mem>>)
      %mul3A_215 = arith.constant 16 : i32
      %mul3A_216 = arith.muli %scan3A_176, %mul3A_215 : i32
      %add3A_217 = arith.constant 2 : i32
      %add3A_218 = arith.addi %mul3A_216, %add3A_217 : i32
      %mul3A_219 = arith.constant 16 : i32
      %mul3A_220 = arith.muli %scan3A_176, %mul3A_219 : i32
      %add3A_221 = arith.constant 2 : i32
      %add3A_222 = arith.addi %mul3A_220, %add3A_221 : i32
      %dma_start3A_223 = arith.constant 0 : i32
      %dma_start3A_224 = tpu.memref_slice %arg9[%add3A_222, %dma_start3A_223] : memref<432x128xf32, #tpu.memory_space<vmem>> -> memref<1x128xf32, #tpu.memory_space<vmem>>
      %dma_start3A_225 = tpu.memref_squeeze %dma_start3A_224 : memref<1x128xf32, #tpu.memory_space<vmem>> -> memref<128xf32, #tpu.memory_space<vmem>>
      %dma_start3A_226 = arith.constant 0 : i32
      %dma_start3A_227 = tpu.memref_slice %arg7[%scan3A_176, %dma_start3A_226] : memref<26x128xi32, #tpu.memory_space<vmem>> -> memref<1x128xi32, #tpu.memory_space<vmem>>
      %dma_start3A_228 = tpu.memref_squeeze %dma_start3A_227 : memref<1x128xi32, #tpu.memory_space<vmem>> -> memref<128xi32, #tpu.memory_space<vmem>>
      %dma_start3A_229 = arith.constant 0 : i32
      %dma_start3A_230 = tpu.memref_slice %arg2[%add3A_218, %dma_start3A_229] : memref<416x100000xf32, #tpu.memory_space<hbm>> -> memref<1x100000xf32, #tpu.memory_space<hbm>>
      %dma_start3A_231 = tpu.memref_squeeze %dma_start3A_230 : memref<1x100000xf32, #tpu.memory_space<hbm>> -> memref<100000xf32, #tpu.memory_space<hbm>>
      %dma_start3A_232 = arith.constant 0 : i32
      %dma_start3A_233 = tpu.memref_slice %dma_start3A_231[%dma_start3A_232] : memref<100000xf32, #tpu.memory_space<hbm>> -> memref<100000xf32, #tpu.memory_space<hbm>>
      tpu.enqueue_indirect_dma source(%dma_start3A_233 : memref<100000xf32, #tpu.memory_space<hbm>>) target(%dma_start3A_225 : memref<128xf32, #tpu.memory_space<vmem>>) offsets(%dma_start3A_228 : memref<128xi32, #tpu.memory_space<vmem>>) semaphore(%arg13 : memref<!tpu.dma_semaphore, #tpu.memory_space<semaphore_mem>>)
      %mul3A_234 = arith.constant 16 : i32
      %mul3A_235 = arith.muli %scan3A_176, %mul3A_234 : i32
      %add3A_236 = arith.constant 3 : i32
      %add3A_237 = arith.addi %mul3A_235, %add3A_236 : i32
      %mul3A_238 = arith.constant 16 : i32
      %mul3A_239 = arith.muli %scan3A_176, %mul3A_238 : i32
      %add3A_240 = arith.constant 3 : i32
      %add3A_241 = arith.addi %mul3A_239, %add3A_240 : i32
      %dma_start3A_242 = arith.constant 0 : i32
      %dma_start3A_243 = tpu.memref_slice %arg9[%add3A_241, %dma_start3A_242] : memref<432x128xf32, #tpu.memory_space<vmem>> -> memref<1x128xf32, #tpu.memory_space<vmem>>
      %dma_start3A_244 = tpu.memref_squeeze %dma_start3A_243 : memref<1x128xf32, #tpu.memory_space<vmem>> -> memref<128xf32, #tpu.memory_space<vmem>>
      %dma_start3A_245 = arith.constant 0 : i32
      %dma_start3A_246 = tpu.memref_slice %arg7[%scan3A_176, %dma_start3A_245] : memref<26x128xi32, #tpu.memory_space<vmem>> -> memref<1x128xi32, #tpu.memory_space<vmem>>
      %dma_start3A_247 = tpu.memref_squeeze %dma_start3A_246 : memref<1x128xi32, #tpu.memory_space<vmem>> -> memref<128xi32, #tpu.memory_space<vmem>>
      %dma_start3A_248 = arith.constant 0 : i32
      %dma_start3A_249 = tpu.memref_slice %arg2[%add3A_237, %dma_start3A_248] : memref<416x100000xf32, #tpu.memory_space<hbm>> -> memref<1x100000xf32, #tpu.memory_space<hbm>>
      %dma_start3A_250 = tpu.memref_squeeze %dma_start3A_249 : memref<1x100000xf32, #tpu.memory_space<hbm>> -> memref<100000xf32, #tpu.memory_space<hbm>>
      %dma_start3A_251 = arith.constant 0 : i32
      %dma_start3A_252 = tpu.memref_slice %dma_start3A_250[%dma_start3A_251] : memref<100000xf32, #tpu.memory_space<hbm>> -> memref<100000xf32, #tpu.memory_space<hbm>>
      tpu.enqueue_indirect_dma source(%dma_start3A_252 : memref<100000xf32, #tpu.memory_space<hbm>>) target(%dma_start3A_244 : memref<128xf32, #tpu.memory_space<vmem>>) offsets(%dma_start3A_247 : memref<128xi32, #tpu.memory_space<vmem>>) semaphore(%arg13 : memref<!tpu.dma_semaphore, #tpu.memory_space<semaphore_mem>>)
      %mul3A_253 = arith.constant 16 : i32
      %mul3A_254 = arith.muli %scan3A_176, %mul3A_253 : i32
      %add3A_255 = arith.constant 4 : i32
      %add3A_256 = arith.addi %mul3A_254, %add3A_255 : i32
      %mul3A_257 = arith.constant 16 : i32
      %mul3A_258 = arith.muli %scan3A_176, %mul3A_257 : i32
      %add3A_259 = arith.constant 4 : i32
      %add3A_260 = arith.addi %mul3A_258, %add3A_259 : i32
      %dma_start3A_261 = arith.constant 0 : i32
      %dma_start3A_262 = tpu.memref_slice %arg9[%add3A_260, %dma_start3A_261] : memref<432x128xf32, #tpu.memory_space<vmem>> -> memref<1x128xf32, #tpu.memory_space<vmem>>
      %dma_start3A_263 = tpu.memref_squeeze %dma_start3A_262 : memref<1x128xf32, #tpu.memory_space<vmem>> -> memref<128xf32, #tpu.memory_space<vmem>>
      %dma_start3A_264 = arith.constant 0 : i32
      %dma_start3A_265 = tpu.memref_slice %arg7[%scan3A_176, %dma_start3A_264] : memref<26x128xi32, #tpu.memory_space<vmem>> -> memref<1x128xi32, #tpu.memory_space<vmem>>
      %dma_start3A_266 = tpu.memref_squeeze %dma_start3A_265 : memref<1x128xi32, #tpu.memory_space<vmem>> -> memref<128xi32, #tpu.memory_space<vmem>>
      %dma_start3A_267 = arith.constant 0 : i32
      %dma_start3A_268 = tpu.memref_slice %arg2[%add3A_256, %dma_start3A_267] : memref<416x100000xf32, #tpu.memory_space<hbm>> -> memref<1x100000xf32, #tpu.memory_space<hbm>>
      %dma_start3A_269 = tpu.memref_squeeze %dma_start3A_268 : memref<1x100000xf32, #tpu.memory_space<hbm>> -> memref<100000xf32, #tpu.memory_space<hbm>>
      %dma_start3A_270 = arith.constant 0 : i32
      %dma_start3A_271 = tpu.memref_slice %dma_start3A_269[%dma_start3A_270] : memref<100000xf32, #tpu.memory_space<hbm>> -> memref<100000xf32, #tpu.memory_space<hbm>>
      tpu.enqueue_indirect_dma source(%dma_start3A_271 : memref<100000xf32, #tpu.memory_space<hbm>>) target(%dma_start3A_263 : memref<128xf32, #tpu.memory_space<vmem>>) offsets(%dma_start3A_266 : memref<128xi32, #tpu.memory_space<vmem>>) semaphore(%arg13 : memref<!tpu.dma_semaphore, #tpu.memory_space<semaphore_mem>>)
      %mul3A_272 = arith.constant 16 : i32
      %mul3A_273 = arith.muli %scan3A_176, %mul3A_272 : i32
      %add3A_274 = arith.constant 5 : i32
      %add3A_275 = arith.addi %mul3A_273, %add3A_274 : i32
      %mul3A_276 = arith.constant 16 : i32
      %mul3A_277 = arith.muli %scan3A_176, %mul3A_276 : i32
      %add3A_278 = arith.constant 5 : i32
      %add3A_279 = arith.addi %mul3A_277, %add3A_278 : i32
      %dma_start3A_280 = arith.constant 0 : i32
      %dma_start3A_281 = tpu.memref_slice %arg9[%add3A_279, %dma_start3A_280] : memref<432x128xf32, #tpu.memory_space<vmem>> -> memref<1x128xf32, #tpu.memory_space<vmem>>
      %dma_start3A_282 = tpu.memref_squeeze %dma_start3A_281 : memref<1x128xf32, #tpu.memory_space<vmem>> -> memref<128xf32, #tpu.memory_space<vmem>>
      %dma_start3A_283 = arith.constant 0 : i32
      %dma_start3A_284 = tpu.memref_slice %arg7[%scan3A_176, %dma_start3A_283] : memref<26x128xi32, #tpu.memory_space<vmem>> -> memref<1x128xi32, #tpu.memory_space<vmem>>
      %dma_start3A_285 = tpu.memref_squeeze %dma_start3A_284 : memref<1x128xi32, #tpu.memory_space<vmem>> -> memref<128xi32, #tpu.memory_space<vmem>>
      %dma_start3A_286 = arith.constant 0 : i32
      %dma_start3A_287 = tpu.memref_slice %arg2[%add3A_275, %dma_start3A_286] : memref<416x100000xf32, #tpu.memory_space<hbm>> -> memref<1x100000xf32, #tpu.memory_space<hbm>>
      %dma_start3A_288 = tpu.memref_squeeze %dma_start3A_287 : memref<1x100000xf32, #tpu.memory_space<hbm>> -> memref<100000xf32, #tpu.memory_space<hbm>>
      %dma_start3A_289 = arith.constant 0 : i32
      %dma_start3A_290 = tpu.memref_slice %dma_start3A_288[%dma_start3A_289] : memref<100000xf32, #tpu.memory_space<hbm>> -> memref<100000xf32, #tpu.memory_space<hbm>>
      tpu.enqueue_indirect_dma source(%dma_start3A_290 : memref<100000xf32, #tpu.memory_space<hbm>>) target(%dma_start3A_282 : memref<128xf32, #tpu.memory_space<vmem>>) offsets(%dma_start3A_285 : memref<128xi32, #tpu.memory_space<vmem>>) semaphore(%arg13 : memref<!tpu.dma_semaphore, #tpu.memory_space<semaphore_mem>>)
      %mul3A_291 = arith.constant 16 : i32
      %mul3A_292 = arith.muli %scan3A_176, %mul3A_291 : i32
      %add3A_293 = arith.constant 6 : i32
      %add3A_294 = arith.addi %mul3A_292, %add3A_293 : i32
      %mul3A_295 = arith.constant 16 : i32
      %mul3A_296 = arith.muli %scan3A_176, %mul3A_295 : i32
      %add3A_297 = arith.constant 6 : i32
      %add3A_298 = arith.addi %mul3A_296, %add3A_297 : i32
      %dma_start3A_299 = arith.constant 0 : i32
      %dma_start3A_300 = tpu.memref_slice %arg9[%add3A_298, %dma_start3A_299] : memref<432x128xf32, #tpu.memory_space<vmem>> -> memref<1x128xf32, #tpu.memory_space<vmem>>
      %dma_start3A_301 = tpu.memref_squeeze %dma_start3A_300 : memref<1x128xf32, #tpu.memory_space<vmem>> -> memref<128xf32, #tpu.memory_space<vmem>>
      %dma_start3A_302 = arith.constant 0 : i32
      %dma_start3A_303 = tpu.memref_slice %arg7[%scan3A_176, %dma_start3A_302] : memref<26x128xi32, #tpu.memory_space<vmem>> -> memref<1x128xi32, #tpu.memory_space<vmem>>
      %dma_start3A_304 = tpu.memref_squeeze %dma_start3A_303 : memref<1x128xi32, #tpu.memory_space<vmem>> -> memref<128xi32, #tpu.memory_space<vmem>>
      %dma_start3A_305 = arith.constant 0 : i32
      %dma_start3A_306 = tpu.memref_slice %arg2[%add3A_294, %dma_start3A_305] : memref<416x100000xf32, #tpu.memory_space<hbm>> -> memref<1x100000xf32, #tpu.memory_space<hbm>>
      %dma_start3A_307 = tpu.memref_squeeze %dma_start3A_306 : memref<1x100000xf32, #tpu.memory_space<hbm>> -> memref<100000xf32, #tpu.memory_space<hbm>>
      %dma_start3A_308 = arith.constant 0 : i32
      %dma_start3A_309 = tpu.memref_slice %dma_start3A_307[%dma_start3A_308] : memref<100000xf32, #tpu.memory_space<hbm>> -> memref<100000xf32, #tpu.memory_space<hbm>>
      tpu.enqueue_indirect_dma source(%dma_start3A_309 : memref<100000xf32, #tpu.memory_space<hbm>>) target(%dma_start3A_301 : memref<128xf32, #tpu.memory_space<vmem>>) offsets(%dma_start3A_304 : memref<128xi32, #tpu.memory_space<vmem>>) semaphore(%arg13 : memref<!tpu.dma_semaphore, #tpu.memory_space<semaphore_mem>>)
      %mul3A_310 = arith.constant 16 : i32
      %mul3A_311 = arith.muli %scan3A_176, %mul3A_310 : i32
      %add3A_312 = arith.constant 7 : i32
      %add3A_313 = arith.addi %mul3A_311, %add3A_312 : i32
      %mul3A_314 = arith.constant 16 : i32
      %mul3A_315 = arith.muli %scan3A_176, %mul3A_314 : i32
      %add3A_316 = arith.constant 7 : i32
      %add3A_317 = arith.addi %mul3A_315, %add3A_316 : i32
      %dma_start3A_318 = arith.constant 0 : i32
      %dma_start3A_319 = tpu.memref_slice %arg9[%add3A_317, %dma_start3A_318] : memref<432x128xf32, #tpu.memory_space<vmem>> -> memref<1x128xf32, #tpu.memory_space<vmem>>
      %dma_start3A_320 = tpu.memref_squeeze %dma_start3A_319 : memref<1x128xf32, #tpu.memory_space<vmem>> -> memref<128xf32, #tpu.memory_space<vmem>>
      %dma_start3A_321 = arith.constant 0 : i32
      %dma_start3A_322 = tpu.memref_slice %arg7[%scan3A_176, %dma_start3A_321] : memref<26x128xi32, #tpu.memory_space<vmem>> -> memref<1x128xi32, #tpu.memory_space<vmem>>
      %dma_start3A_323 = tpu.memref_squeeze %dma_start3A_322 : memref<1x128xi32, #tpu.memory_space<vmem>> -> memref<128xi32, #tpu.memory_space<vmem>>
      %dma_start3A_324 = arith.constant 0 : i32
      %dma_start3A_325 = tpu.memref_slice %arg2[%add3A_313, %dma_start3A_324] : memref<416x100000xf32, #tpu.memory_space<hbm>> -> memref<1x100000xf32, #tpu.memory_space<hbm>>
      %dma_start3A_326 = tpu.memref_squeeze %dma_start3A_325 : memref<1x100000xf32, #tpu.memory_space<hbm>> -> memref<100000xf32, #tpu.memory_space<hbm>>
      %dma_start3A_327 = arith.constant 0 : i32
      %dma_start3A_328 = tpu.memref_slice %dma_start3A_326[%dma_start3A_327] : memref<100000xf32, #tpu.memory_space<hbm>> -> memref<100000xf32, #tpu.memory_space<hbm>>
      tpu.enqueue_indirect_dma source(%dma_start3A_328 : memref<100000xf32, #tpu.memory_space<hbm>>) target(%dma_start3A_320 : memref<128xf32, #tpu.memory_space<vmem>>) offsets(%dma_start3A_323 : memref<128xi32, #tpu.memory_space<vmem>>) semaphore(%arg13 : memref<!tpu.dma_semaphore, #tpu.memory_space<semaphore_mem>>)
      %mul3A_329 = arith.constant 16 : i32
      %mul3A_330 = arith.muli %scan3A_176, %mul3A_329 : i32
      %add3A_331 = arith.constant 8 : i32
      %add3A_332 = arith.addi %mul3A_330, %add3A_331 : i32
      %mul3A_333 = arith.constant 16 : i32
      %mul3A_334 = arith.muli %scan3A_176, %mul3A_333 : i32
      %add3A_335 = arith.constant 8 : i32
      %add3A_336 = arith.addi %mul3A_334, %add3A_335 : i32
      %dma_start3A_337 = arith.constant 0 : i32
      %dma_start3A_338 = tpu.memref_slice %arg9[%add3A_336, %dma_start3A_337] : memref<432x128xf32, #tpu.memory_space<vmem>> -> memref<1x128xf32, #tpu.memory_space<vmem>>
      %dma_start3A_339 = tpu.memref_squeeze %dma_start3A_338 : memref<1x128xf32, #tpu.memory_space<vmem>> -> memref<128xf32, #tpu.memory_space<vmem>>
      %dma_start3A_340 = arith.constant 0 : i32
      %dma_start3A_341 = tpu.memref_slice %arg7[%scan3A_176, %dma_start3A_340] : memref<26x128xi32, #tpu.memory_space<vmem>> -> memref<1x128xi32, #tpu.memory_space<vmem>>
      %dma_start3A_342 = tpu.memref_squeeze %dma_start3A_341 : memref<1x128xi32, #tpu.memory_space<vmem>> -> memref<128xi32, #tpu.memory_space<vmem>>
      %dma_start3A_343 = arith.constant 0 : i32
      %dma_start3A_344 = tpu.memref_slice %arg2[%add3A_332, %dma_start3A_343] : memref<416x100000xf32, #tpu.memory_space<hbm>> -> memref<1x100000xf32, #tpu.memory_space<hbm>>
      %dma_start3A_345 = tpu.memref_squeeze %dma_start3A_344 : memref<1x100000xf32, #tpu.memory_space<hbm>> -> memref<100000xf32, #tpu.memory_space<hbm>>
      %dma_start3A_346 = arith.constant 0 : i32
      %dma_start3A_347 = tpu.memref_slice %dma_start3A_345[%dma_start3A_346] : memref<100000xf32, #tpu.memory_space<hbm>> -> memref<100000xf32, #tpu.memory_space<hbm>>
      tpu.enqueue_indirect_dma source(%dma_start3A_347 : memref<100000xf32, #tpu.memory_space<hbm>>) target(%dma_start3A_339 : memref<128xf32, #tpu.memory_space<vmem>>) offsets(%dma_start3A_342 : memref<128xi32, #tpu.memory_space<vmem>>) semaphore(%arg13 : memref<!tpu.dma_semaphore, #tpu.memory_space<semaphore_mem>>)
      %mul3A_348 = arith.constant 16 : i32
      %mul3A_349 = arith.muli %scan3A_176, %mul3A_348 : i32
      %add3A_350 = arith.constant 9 : i32
      %add3A_351 = arith.addi %mul3A_349, %add3A_350 : i32
      %mul3A_352 = arith.constant 16 : i32
      %mul3A_353 = arith.muli %scan3A_176, %mul3A_352 : i32
      %add3A_354 = arith.constant 9 : i32
      %add3A_355 = arith.addi %mul3A_353, %add3A_354 : i32
      %dma_start3A_356 = arith.constant 0 : i32
      %dma_start3A_357 = tpu.memref_slice %arg9[%add3A_355, %dma_start3A_356] : memref<432x128xf32, #tpu.memory_space<vmem>> -> memref<1x128xf32, #tpu.memory_space<vmem>>
      %dma_start3A_358 = tpu.memref_squeeze %dma_start3A_357 : memref<1x128xf32, #tpu.memory_space<vmem>> -> memref<128xf32, #tpu.memory_space<vmem>>
      %dma_start3A_359 = arith.constant 0 : i32
      %dma_start3A_360 = tpu.memref_slice %arg7[%scan3A_176, %dma_start3A_359] : memref<26x128xi32, #tpu.memory_space<vmem>> -> memref<1x128xi32, #tpu.memory_space<vmem>>
      %dma_start3A_361 = tpu.memref_squeeze %dma_start3A_360 : memref<1x128xi32, #tpu.memory_space<vmem>> -> memref<128xi32, #tpu.memory_space<vmem>>
      %dma_start3A_362 = arith.constant 0 : i32
      %dma_start3A_363 = tpu.memref_slice %arg2[%add3A_351, %dma_start3A_362] : memref<416x100000xf32, #tpu.memory_space<hbm>> -> memref<1x100000xf32, #tpu.memory_space<hbm>>
      %dma_start3A_364 = tpu.memref_squeeze %dma_start3A_363 : memref<1x100000xf32, #tpu.memory_space<hbm>> -> memref<100000xf32, #tpu.memory_space<hbm>>
      %dma_start3A_365 = arith.constant 0 : i32
      %dma_start3A_366 = tpu.memref_slice %dma_start3A_364[%dma_start3A_365] : memref<100000xf32, #tpu.memory_space<hbm>> -> memref<100000xf32, #tpu.memory_space<hbm>>
      tpu.enqueue_indirect_dma source(%dma_start3A_366 : memref<100000xf32, #tpu.memory_space<hbm>>) target(%dma_start3A_358 : memref<128xf32, #tpu.memory_space<vmem>>) offsets(%dma_start3A_361 : memref<128xi32, #tpu.memory_space<vmem>>) semaphore(%arg13 : memref<!tpu.dma_semaphore, #tpu.memory_space<semaphore_mem>>)
      %mul3A_367 = arith.constant 16 : i32
      %mul3A_368 = arith.muli %scan3A_176, %mul3A_367 : i32
      %add3A_369 = arith.constant 10 : i32
      %add3A_370 = arith.addi %mul3A_368, %add3A_369 : i32
      %mul3A_371 = arith.constant 16 : i32
      %mul3A_372 = arith.muli %scan3A_176, %mul3A_371 : i32
      %add3A_373 = arith.constant 10 : i32
      %add3A_374 = arith.addi %mul3A_372, %add3A_373 : i32
      %dma_start3A_375 = arith.constant 0 : i32
      %dma_start3A_376 = tpu.memref_slice %arg9[%add3A_374, %dma_start3A_375] : memref<432x128xf32, #tpu.memory_space<vmem>> -> memref<1x128xf32, #tpu.memory_space<vmem>>
      %dma_start3A_377 = tpu.memref_squeeze %dma_start3A_376 : memref<1x128xf32, #tpu.memory_space<vmem>> -> memref<128xf32, #tpu.memory_space<vmem>>
      %dma_start3A_378 = arith.constant 0 : i32
      %dma_start3A_379 = tpu.memref_slice %arg7[%scan3A_176, %dma_start3A_378] : memref<26x128xi32, #tpu.memory_space<vmem>> -> memref<1x128xi32, #tpu.memory_space<vmem>>
      %dma_start3A_380 = tpu.memref_squeeze %dma_start3A_379 : memref<1x128xi32, #tpu.memory_space<vmem>> -> memref<128xi32, #tpu.memory_space<vmem>>
      %dma_start3A_381 = arith.constant 0 : i32
      %dma_start3A_382 = tpu.memref_slice %arg2[%add3A_370, %dma_start3A_381] : memref<416x100000xf32, #tpu.memory_space<hbm>> -> memref<1x100000xf32, #tpu.memory_space<hbm>>
      %dma_start3A_383 = tpu.memref_squeeze %dma_start3A_382 : memref<1x100000xf32, #tpu.memory_space<hbm>> -> memref<100000xf32, #tpu.memory_space<hbm>>
      %dma_start3A_384 = arith.constant 0 : i32
      %dma_start3A_385 = tpu.memref_slice %dma_start3A_383[%dma_start3A_384] : memref<100000xf32, #tpu.memory_space<hbm>> -> memref<100000xf32, #tpu.memory_space<hbm>>
      tpu.enqueue_indirect_dma source(%dma_start3A_385 : memref<100000xf32, #tpu.memory_space<hbm>>) target(%dma_start3A_377 : memref<128xf32, #tpu.memory_space<vmem>>) offsets(%dma_start3A_380 : memref<128xi32, #tpu.memory_space<vmem>>) semaphore(%arg13 : memref<!tpu.dma_semaphore, #tpu.memory_space<semaphore_mem>>)
      %mul3A_386 = arith.constant 16 : i32
      %mul3A_387 = arith.muli %scan3A_176, %mul3A_386 : i32
      %add3A_388 = arith.constant 11 : i32
      %add3A_389 = arith.addi %mul3A_387, %add3A_388 : i32
      %mul3A_390 = arith.constant 16 : i32
      %mul3A_391 = arith.muli %scan3A_176, %mul3A_390 : i32
      %add3A_392 = arith.constant 11 : i32
      %add3A_393 = arith.addi %mul3A_391, %add3A_392 : i32
      %dma_start3A_394 = arith.constant 0 : i32
      %dma_start3A_395 = tpu.memref_slice %arg9[%add3A_393, %dma_start3A_394] : memref<432x128xf32, #tpu.memory_space<vmem>> -> memref<1x128xf32, #tpu.memory_space<vmem>>
      %dma_start3A_396 = tpu.memref_squeeze %dma_start3A_395 : memref<1x128xf32, #tpu.memory_space<vmem>> -> memref<128xf32, #tpu.memory_space<vmem>>
      %dma_start3A_397 = arith.constant 0 : i32
      %dma_start3A_398 = tpu.memref_slice %arg7[%scan3A_176, %dma_start3A_397] : memref<26x128xi32, #tpu.memory_space<vmem>> -> memref<1x128xi32, #tpu.memory_space<vmem>>
      %dma_start3A_399 = tpu.memref_squeeze %dma_start3A_398 : memref<1x128xi32, #tpu.memory_space<vmem>> -> memref<128xi32, #tpu.memory_space<vmem>>
      %dma_start3A_400 = arith.constant 0 : i32
      %dma_start3A_401 = tpu.memref_slice %arg2[%add3A_389, %dma_start3A_400] : memref<416x100000xf32, #tpu.memory_space<hbm>> -> memref<1x100000xf32, #tpu.memory_space<hbm>>
      %dma_start3A_402 = tpu.memref_squeeze %dma_start3A_401 : memref<1x100000xf32, #tpu.memory_space<hbm>> -> memref<100000xf32, #tpu.memory_space<hbm>>
      %dma_start3A_403 = arith.constant 0 : i32
      %dma_start3A_404 = tpu.memref_slice %dma_start3A_402[%dma_start3A_403] : memref<100000xf32, #tpu.memory_space<hbm>> -> memref<100000xf32, #tpu.memory_space<hbm>>
      tpu.enqueue_indirect_dma source(%dma_start3A_404 : memref<100000xf32, #tpu.memory_space<hbm>>) target(%dma_start3A_396 : memref<128xf32, #tpu.memory_space<vmem>>) offsets(%dma_start3A_399 : memref<128xi32, #tpu.memory_space<vmem>>) semaphore(%arg13 : memref<!tpu.dma_semaphore, #tpu.memory_space<semaphore_mem>>)
      %mul3A_405 = arith.constant 16 : i32
      %mul3A_406 = arith.muli %scan3A_176, %mul3A_405 : i32
      %add3A_407 = arith.constant 12 : i32
      %add3A_408 = arith.addi %mul3A_406, %add3A_407 : i32
      %mul3A_409 = arith.constant 16 : i32
      %mul3A_410 = arith.muli %scan3A_176, %mul3A_409 : i32
      %add3A_411 = arith.constant 12 : i32
      %add3A_412 = arith.addi %mul3A_410, %add3A_411 : i32
      %dma_start3A_413 = arith.constant 0 : i32
      %dma_start3A_414 = tpu.memref_slice %arg9[%add3A_412, %dma_start3A_413] : memref<432x128xf32, #tpu.memory_space<vmem>> -> memref<1x128xf32, #tpu.memory_space<vmem>>
      %dma_start3A_415 = tpu.memref_squeeze %dma_start3A_414 : memref<1x128xf32, #tpu.memory_space<vmem>> -> memref<128xf32, #tpu.memory_space<vmem>>
      %dma_start3A_416 = arith.constant 0 : i32
      %dma_start3A_417 = tpu.memref_slice %arg7[%scan3A_176, %dma_start3A_416] : memref<26x128xi32, #tpu.memory_space<vmem>> -> memref<1x128xi32, #tpu.memory_space<vmem>>
      %dma_start3A_418 = tpu.memref_squeeze %dma_start3A_417 : memref<1x128xi32, #tpu.memory_space<vmem>> -> memref<128xi32, #tpu.memory_space<vmem>>
      %dma_start3A_419 = arith.constant 0 : i32
      %dma_start3A_420 = tpu.memref_slice %arg2[%add3A_408, %dma_start3A_419] : memref<416x100000xf32, #tpu.memory_space<hbm>> -> memref<1x100000xf32, #tpu.memory_space<hbm>>
      %dma_start3A_421 = tpu.memref_squeeze %dma_start3A_420 : memref<1x100000xf32, #tpu.memory_space<hbm>> -> memref<100000xf32, #tpu.memory_space<hbm>>
      %dma_start3A_422 = arith.constant 0 : i32
      %dma_start3A_423 = tpu.memref_slice %dma_start3A_421[%dma_start3A_422] : memref<100000xf32, #tpu.memory_space<hbm>> -> memref<100000xf32, #tpu.memory_space<hbm>>
      tpu.enqueue_indirect_dma source(%dma_start3A_423 : memref<100000xf32, #tpu.memory_space<hbm>>) target(%dma_start3A_415 : memref<128xf32, #tpu.memory_space<vmem>>) offsets(%dma_start3A_418 : memref<128xi32, #tpu.memory_space<vmem>>) semaphore(%arg13 : memref<!tpu.dma_semaphore, #tpu.memory_space<semaphore_mem>>)
      %mul3A_424 = arith.constant 16 : i32
      %mul3A_425 = arith.muli %scan3A_176, %mul3A_424 : i32
      %add3A_426 = arith.constant 13 : i32
      %add3A_427 = arith.addi %mul3A_425, %add3A_426 : i32
      %mul3A_428 = arith.constant 16 : i32
      %mul3A_429 = arith.muli %scan3A_176, %mul3A_428 : i32
      %add3A_430 = arith.constant 13 : i32
      %add3A_431 = arith.addi %mul3A_429, %add3A_430 : i32
      %dma_start3A_432 = arith.constant 0 : i32
      %dma_start3A_433 = tpu.memref_slice %arg9[%add3A_431, %dma_start3A_432] : memref<432x128xf32, #tpu.memory_space<vmem>> -> memref<1x128xf32, #tpu.memory_space<vmem>>
      %dma_start3A_434 = tpu.memref_squeeze %dma_start3A_433 : memref<1x128xf32, #tpu.memory_space<vmem>> -> memref<128xf32, #tpu.memory_space<vmem>>
      %dma_start3A_435 = arith.constant 0 : i32
      %dma_start3A_436 = tpu.memref_slice %arg7[%scan3A_176, %dma_start3A_435] : memref<26x128xi32, #tpu.memory_space<vmem>> -> memref<1x128xi32, #tpu.memory_space<vmem>>
      %dma_start3A_437 = tpu.memref_squeeze %dma_start3A_436 : memref<1x128xi32, #tpu.memory_space<vmem>> -> memref<128xi32, #tpu.memory_space<vmem>>
      %dma_start3A_438 = arith.constant 0 : i32
      %dma_start3A_439 = tpu.memref_slice %arg2[%add3A_427, %dma_start3A_438] : memref<416x100000xf32, #tpu.memory_space<hbm>> -> memref<1x100000xf32, #tpu.memory_space<hbm>>
      %dma_start3A_440 = tpu.memref_squeeze %dma_start3A_439 : memref<1x100000xf32, #tpu.memory_space<hbm>> -> memref<100000xf32, #tpu.memory_space<hbm>>
      %dma_start3A_441 = arith.constant 0 : i32
      %dma_start3A_442 = tpu.memref_slice %dma_start3A_440[%dma_start3A_441] : memref<100000xf32, #tpu.memory_space<hbm>> -> memref<100000xf32, #tpu.memory_space<hbm>>
      tpu.enqueue_indirect_dma source(%dma_start3A_442 : memref<100000xf32, #tpu.memory_space<hbm>>) target(%dma_start3A_434 : memref<128xf32, #tpu.memory_space<vmem>>) offsets(%dma_start3A_437 : memref<128xi32, #tpu.memory_space<vmem>>) semaphore(%arg13 : memref<!tpu.dma_semaphore, #tpu.memory_space<semaphore_mem>>)
      %mul3A_443 = arith.constant 16 : i32
      %mul3A_444 = arith.muli %scan3A_176, %mul3A_443 : i32
      %add3A_445 = arith.constant 14 : i32
      %add3A_446 = arith.addi %mul3A_444, %add3A_445 : i32
      %mul3A_447 = arith.constant 16 : i32
      %mul3A_448 = arith.muli %scan3A_176, %mul3A_447 : i32
      %add3A_449 = arith.constant 14 : i32
      %add3A_450 = arith.addi %mul3A_448, %add3A_449 : i32
      %dma_start3A_451 = arith.constant 0 : i32
      %dma_start3A_452 = tpu.memref_slice %arg9[%add3A_450, %dma_start3A_451] : memref<432x128xf32, #tpu.memory_space<vmem>> -> memref<1x128xf32, #tpu.memory_space<vmem>>
      %dma_start3A_453 = tpu.memref_squeeze %dma_start3A_452 : memref<1x128xf32, #tpu.memory_space<vmem>> -> memref<128xf32, #tpu.memory_space<vmem>>
      %dma_start3A_454 = arith.constant 0 : i32
      %dma_start3A_455 = tpu.memref_slice %arg7[%scan3A_176, %dma_start3A_454] : memref<26x128xi32, #tpu.memory_space<vmem>> -> memref<1x128xi32, #tpu.memory_space<vmem>>
      %dma_start3A_456 = tpu.memref_squeeze %dma_start3A_455 : memref<1x128xi32, #tpu.memory_space<vmem>> -> memref<128xi32, #tpu.memory_space<vmem>>
      %dma_start3A_457 = arith.constant 0 : i32
      %dma_start3A_458 = tpu.memref_slice %arg2[%add3A_446, %dma_start3A_457] : memref<416x100000xf32, #tpu.memory_space<hbm>> -> memref<1x100000xf32, #tpu.memory_space<hbm>>
      %dma_start3A_459 = tpu.memref_squeeze %dma_start3A_458 : memref<1x100000xf32, #tpu.memory_space<hbm>> -> memref<100000xf32, #tpu.memory_space<hbm>>
      %dma_start3A_460 = arith.constant 0 : i32
      %dma_start3A_461 = tpu.memref_slice %dma_start3A_459[%dma_start3A_460] : memref<100000xf32, #tpu.memory_space<hbm>> -> memref<100000xf32, #tpu.memory_space<hbm>>
      tpu.enqueue_indirect_dma source(%dma_start3A_461 : memref<100000xf32, #tpu.memory_space<hbm>>) target(%dma_start3A_453 : memref<128xf32, #tpu.memory_space<vmem>>) offsets(%dma_start3A_456 : memref<128xi32, #tpu.memory_space<vmem>>) semaphore(%arg13 : memref<!tpu.dma_semaphore, #tpu.memory_space<semaphore_mem>>)
      %mul3A_462 = arith.constant 16 : i32
      %mul3A_463 = arith.muli %scan3A_176, %mul3A_462 : i32
      %add3A_464 = arith.constant 15 : i32
      %add3A_465 = arith.addi %mul3A_463, %add3A_464 : i32
      %mul3A_466 = arith.constant 16 : i32
      %mul3A_467 = arith.muli %scan3A_176, %mul3A_466 : i32
      %add3A_468 = arith.constant 15 : i32
      %add3A_469 = arith.addi %mul3A_467, %add3A_468 : i32
      %dma_start3A_470 = arith.constant 0 : i32
      %dma_start3A_471 = tpu.memref_slice %arg9[%add3A_469, %dma_start3A_470] : memref<432x128xf32, #tpu.memory_space<vmem>> -> memref<1x128xf32, #tpu.memory_space<vmem>>
      %dma_start3A_472 = tpu.memref_squeeze %dma_start3A_471 : memref<1x128xf32, #tpu.memory_space<vmem>> -> memref<128xf32, #tpu.memory_space<vmem>>
      %dma_start3A_473 = arith.constant 0 : i32
      %dma_start3A_474 = tpu.memref_slice %arg7[%scan3A_176, %dma_start3A_473] : memref<26x128xi32, #tpu.memory_space<vmem>> -> memref<1x128xi32, #tpu.memory_space<vmem>>
      %dma_start3A_475 = tpu.memref_squeeze %dma_start3A_474 : memref<1x128xi32, #tpu.memory_space<vmem>> -> memref<128xi32, #tpu.memory_space<vmem>>
      %dma_start3A_476 = arith.constant 0 : i32
      %dma_start3A_477 = tpu.memref_slice %arg2[%add3A_465, %dma_start3A_476] : memref<416x100000xf32, #tpu.memory_space<hbm>> -> memref<1x100000xf32, #tpu.memory_space<hbm>>
      %dma_start3A_478 = tpu.memref_squeeze %dma_start3A_477 : memref<1x100000xf32, #tpu.memory_space<hbm>> -> memref<100000xf32, #tpu.memory_space<hbm>>
      %dma_start3A_479 = arith.constant 0 : i32
      %dma_start3A_480 = tpu.memref_slice %dma_start3A_478[%dma_start3A_479] : memref<100000xf32, #tpu.memory_space<hbm>> -> memref<100000xf32, #tpu.memory_space<hbm>>
      tpu.enqueue_indirect_dma source(%dma_start3A_480 : memref<100000xf32, #tpu.memory_space<hbm>>) target(%dma_start3A_472 : memref<128xf32, #tpu.memory_space<vmem>>) offsets(%dma_start3A_475 : memref<128xi32, #tpu.memory_space<vmem>>) semaphore(%arg13 : memref<!tpu.dma_semaphore, #tpu.memory_space<semaphore_mem>>)
    }
    %scan3A_17 = arith.constant 26 : i32
    %dma_wait3A_18 = arith.constant 0 : i32
    %dma_wait3A_19 = tpu.memref_slice %arg5[%dma_wait3A_18, %mul3A_2] : memref<50x4096xi32, #tpu.memory_space<hbm>> -> memref<50x128xi32, #tpu.memory_space<hbm>>
    %dma_wait3A_20 = arith.constant 0 : i32
    %dma_wait3A_21 = tpu.memref_slice %arg5[%dma_wait3A_20, %mul3A_2] : memref<50x4096xi32, #tpu.memory_space<hbm>> -> memref<50x128xi32, #tpu.memory_space<hbm>>
    tpu.wait_dma2 semaphore(%arg14 : memref<!tpu.dma_semaphore, #tpu.memory_space<semaphore_mem>>) src(%dma_wait3A_21 : memref<50x128xi32, #tpu.memory_space<hbm>>) dst(%arg8 : memref<50x128xi32, #tpu.memory_space<vmem>>)
    %scan3A_22 = arith.constant 0 : i32
    %scan3A_23 = arith.constant 0 : i32
    %scan3A_24 = arith.constant 13 : i32
    %scan3A_25 = arith.addi %scan3A_23, %scan3A_24 : i32
    %scan3A_26 = arith.constant 1 : i32
    scf.for %scan3A_176 = %scan3A_23 to %scan3A_25 step %scan3A_26  : i32 {
      %add3A_177 = arith.constant 0 : i32
      %add3A_178 = arith.addi %add3A_177, %scan3A_176 : i32
      %mul3A_179 = arith.constant 128 : i32
      %mul3A_180 = arith.muli %scan3A_176, %mul3A_179 : i32
      %dma_start3A_181 = arith.constant 0 : i32
      %dma_start3A_182 = arith.constant 0 : i32
      %dma_start3A_183 = tpu.memref_slice %arg10[%dma_start3A_182, %mul3A_180] : memref<16x1664xf32, #tpu.memory_space<vmem>> -> memref<1x128xf32, #tpu.memory_space<vmem>>
      %dma_start3A_184 = tpu.memref_squeeze %dma_start3A_183 : memref<1x128xf32, #tpu.memory_space<vmem>> -> memref<128xf32, #tpu.memory_space<vmem>>
      %dma_start3A_185 = arith.constant 0 : i32
      %dma_start3A_186 = tpu.memref_slice %arg8[%add3A_178, %dma_start3A_185] : memref<50x128xi32, #tpu.memory_space<vmem>> -> memref<1x128xi32, #tpu.memory_space<vmem>>
      %dma_start3A_187 = tpu.memref_squeeze %dma_start3A_186 : memref<1x128xi32, #tpu.memory_space<vmem>> -> memref<128xi32, #tpu.memory_space<vmem>>
      %dma_start3A_188 = arith.constant 0 : i32
      %dma_start3A_189 = tpu.memref_slice %arg3[%dma_start3A_181, %dma_start3A_188] : memref<16x100000xf32, #tpu.memory_space<hbm>> -> memref<1x100000xf32, #tpu.memory_space<hbm>>
      %dma_start3A_190 = tpu.memref_squeeze %dma_start3A_189 : memref<1x100000xf32, #tpu.memory_space<hbm>> -> memref<100000xf32, #tpu.memory_space<hbm>>
      %dma_start3A_191 = arith.constant 0 : i32
      %dma_start3A_192 = tpu.memref_slice %dma_start3A_190[%dma_start3A_191] : memref<100000xf32, #tpu.memory_space<hbm>> -> memref<100000xf32, #tpu.memory_space<hbm>>
      tpu.enqueue_indirect_dma source(%dma_start3A_192 : memref<100000xf32, #tpu.memory_space<hbm>>) target(%dma_start3A_184 : memref<128xf32, #tpu.memory_space<vmem>>) offsets(%dma_start3A_187 : memref<128xi32, #tpu.memory_space<vmem>>) semaphore(%arg14 : memref<!tpu.dma_semaphore, #tpu.memory_space<semaphore_mem>>)
      %add3A_193 = arith.constant 0 : i32
      %add3A_194 = arith.addi %add3A_193, %scan3A_176 : i32
      %mul3A_195 = arith.constant 128 : i32
      %mul3A_196 = arith.muli %scan3A_176, %mul3A_195 : i32
      %dma_start3A_197 = arith.constant 1 : i32
      %dma_start3A_198 = arith.constant 1 : i32
      %dma_start3A_199 = tpu.memref_slice %arg10[%dma_start3A_198, %mul3A_196] : memref<16x1664xf32, #tpu.memory_space<vmem>> -> memref<1x128xf32, #tpu.memory_space<vmem>>
      %dma_start3A_200 = tpu.memref_squeeze %dma_start3A_199 : memref<1x128xf32, #tpu.memory_space<vmem>> -> memref<128xf32, #tpu.memory_space<vmem>>
      %dma_start3A_201 = arith.constant 0 : i32
      %dma_start3A_202 = tpu.memref_slice %arg8[%add3A_194, %dma_start3A_201] : memref<50x128xi32, #tpu.memory_space<vmem>> -> memref<1x128xi32, #tpu.memory_space<vmem>>
      %dma_start3A_203 = tpu.memref_squeeze %dma_start3A_202 : memref<1x128xi32, #tpu.memory_space<vmem>> -> memref<128xi32, #tpu.memory_space<vmem>>
      %dma_start3A_204 = arith.constant 0 : i32
      %dma_start3A_205 = tpu.memref_slice %arg3[%dma_start3A_197, %dma_start3A_204] : memref<16x100000xf32, #tpu.memory_space<hbm>> -> memref<1x100000xf32, #tpu.memory_space<hbm>>
      %dma_start3A_206 = tpu.memref_squeeze %dma_start3A_205 : memref<1x100000xf32, #tpu.memory_space<hbm>> -> memref<100000xf32, #tpu.memory_space<hbm>>
      %dma_start3A_207 = arith.constant 0 : i32
      %dma_start3A_208 = tpu.memref_slice %dma_start3A_206[%dma_start3A_207] : memref<100000xf32, #tpu.memory_space<hbm>> -> memref<100000xf32, #tpu.memory_space<hbm>>
      tpu.enqueue_indirect_dma source(%dma_start3A_208 : memref<100000xf32, #tpu.memory_space<hbm>>) target(%dma_start3A_200 : memref<128xf32, #tpu.memory_space<vmem>>) offsets(%dma_start3A_203 : memref<128xi32, #tpu.memory_space<vmem>>) semaphore(%arg14 : memref<!tpu.dma_semaphore, #tpu.memory_space<semaphore_mem>>)
      %add3A_209 = arith.constant 0 : i32
      %add3A_210 = arith.addi %add3A_209, %scan3A_176 : i32
      %mul3A_211 = arith.constant 128 : i32
      %mul3A_212 = arith.muli %scan3A_176, %mul3A_211 : i32
      %dma_start3A_213 = arith.constant 2 : i32
      %dma_start3A_214 = arith.constant 2 : i32
      %dma_start3A_215 = tpu.memref_slice %arg10[%dma_start3A_214, %mul3A_212] : memref<16x1664xf32, #tpu.memory_space<vmem>> -> memref<1x128xf32, #tpu.memory_space<vmem>>
      %dma_start3A_216 = tpu.memref_squeeze %dma_start3A_215 : memref<1x128xf32, #tpu.memory_space<vmem>> -> memref<128xf32, #tpu.memory_space<vmem>>
      %dma_start3A_217 = arith.constant 0 : i32
      %dma_start3A_218 = tpu.memref_slice %arg8[%add3A_210, %dma_start3A_217] : memref<50x128xi32, #tpu.memory_space<vmem>> -> memref<1x128xi32, #tpu.memory_space<vmem>>
      %dma_start3A_219 = tpu.memref_squeeze %dma_start3A_218 : memref<1x128xi32, #tpu.memory_space<vmem>> -> memref<128xi32, #tpu.memory_space<vmem>>
      %dma_start3A_220 = arith.constant 0 : i32
      %dma_start3A_221 = tpu.memref_slice %arg3[%dma_start3A_213, %dma_start3A_220] : memref<16x100000xf32, #tpu.memory_space<hbm>> -> memref<1x100000xf32, #tpu.memory_space<hbm>>
      %dma_start3A_222 = tpu.memref_squeeze %dma_start3A_221 : memref<1x100000xf32, #tpu.memory_space<hbm>> -> memref<100000xf32, #tpu.memory_space<hbm>>
      %dma_start3A_223 = arith.constant 0 : i32
      %dma_start3A_224 = tpu.memref_slice %dma_start3A_222[%dma_start3A_223] : memref<100000xf32, #tpu.memory_space<hbm>> -> memref<100000xf32, #tpu.memory_space<hbm>>
      tpu.enqueue_indirect_dma source(%dma_start3A_224 : memref<100000xf32, #tpu.memory_space<hbm>>) target(%dma_start3A_216 : memref<128xf32, #tpu.memory_space<vmem>>) offsets(%dma_start3A_219 : memref<128xi32, #tpu.memory_space<vmem>>) semaphore(%arg14 : memref<!tpu.dma_semaphore, #tpu.memory_space<semaphore_mem>>)
      %add3A_225 = arith.constant 0 : i32
      %add3A_226 = arith.addi %add3A_225, %scan3A_176 : i32
      %mul3A_227 = arith.constant 128 : i32
      %mul3A_228 = arith.muli %scan3A_176, %mul3A_227 : i32
      %dma_start3A_229 = arith.constant 3 : i32
      %dma_start3A_230 = arith.constant 3 : i32
      %dma_start3A_231 = tpu.memref_slice %arg10[%dma_start3A_230, %mul3A_228] : memref<16x1664xf32, #tpu.memory_space<vmem>> -> memref<1x128xf32, #tpu.memory_space<vmem>>
      %dma_start3A_232 = tpu.memref_squeeze %dma_start3A_231 : memref<1x128xf32, #tpu.memory_space<vmem>> -> memref<128xf32, #tpu.memory_space<vmem>>
      %dma_start3A_233 = arith.constant 0 : i32
      %dma_start3A_234 = tpu.memref_slice %arg8[%add3A_226, %dma_start3A_233] : memref<50x128xi32, #tpu.memory_space<vmem>> -> memref<1x128xi32, #tpu.memory_space<vmem>>
      %dma_start3A_235 = tpu.memref_squeeze %dma_start3A_234 : memref<1x128xi32, #tpu.memory_space<vmem>> -> memref<128xi32, #tpu.memory_space<vmem>>
      %dma_start3A_236 = arith.constant 0 : i32
      %dma_start3A_237 = tpu.memref_slice %arg3[%dma_start3A_229, %dma_start3A_236] : memref<16x100000xf32, #tpu.memory_space<hbm>> -> memref<1x100000xf32, #tpu.memory_space<hbm>>
      %dma_start3A_238 = tpu.memref_squeeze %dma_start3A_237 : memref<1x100000xf32, #tpu.memory_space<hbm>> -> memref<100000xf32, #tpu.memory_space<hbm>>
      %dma_start3A_239 = arith.constant 0 : i32
      %dma_start3A_240 = tpu.memref_slice %dma_start3A_238[%dma_start3A_239] : memref<100000xf32, #tpu.memory_space<hbm>> -> memref<100000xf32, #tpu.memory_space<hbm>>
      tpu.enqueue_indirect_dma source(%dma_start3A_240 : memref<100000xf32, #tpu.memory_space<hbm>>) target(%dma_start3A_232 : memref<128xf32, #tpu.memory_space<vmem>>) offsets(%dma_start3A_235 : memref<128xi32, #tpu.memory_space<vmem>>) semaphore(%arg14 : memref<!tpu.dma_semaphore, #tpu.memory_space<semaphore_mem>>)
      %add3A_241 = arith.constant 0 : i32
      %add3A_242 = arith.addi %add3A_241, %scan3A_176 : i32
      %mul3A_243 = arith.constant 128 : i32
      %mul3A_244 = arith.muli %scan3A_176, %mul3A_243 : i32
      %dma_start3A_245 = arith.constant 4 : i32
      %dma_start3A_246 = arith.constant 4 : i32
      %dma_start3A_247 = tpu.memref_slice %arg10[%dma_start3A_246, %mul3A_244] : memref<16x1664xf32, #tpu.memory_space<vmem>> -> memref<1x128xf32, #tpu.memory_space<vmem>>
      %dma_start3A_248 = tpu.memref_squeeze %dma_start3A_247 : memref<1x128xf32, #tpu.memory_space<vmem>> -> memref<128xf32, #tpu.memory_space<vmem>>
      %dma_start3A_249 = arith.constant 0 : i32
      %dma_start3A_250 = tpu.memref_slice %arg8[%add3A_242, %dma_start3A_249] : memref<50x128xi32, #tpu.memory_space<vmem>> -> memref<1x128xi32, #tpu.memory_space<vmem>>
      %dma_start3A_251 = tpu.memref_squeeze %dma_start3A_250 : memref<1x128xi32, #tpu.memory_space<vmem>> -> memref<128xi32, #tpu.memory_space<vmem>>
      %dma_start3A_252 = arith.constant 0 : i32
      %dma_start3A_253 = tpu.memref_slice %arg3[%dma_start3A_245, %dma_start3A_252] : memref<16x100000xf32, #tpu.memory_space<hbm>> -> memref<1x100000xf32, #tpu.memory_space<hbm>>
      %dma_start3A_254 = tpu.memref_squeeze %dma_start3A_253 : memref<1x100000xf32, #tpu.memory_space<hbm>> -> memref<100000xf32, #tpu.memory_space<hbm>>
      %dma_start3A_255 = arith.constant 0 : i32
      %dma_start3A_256 = tpu.memref_slice %dma_start3A_254[%dma_start3A_255] : memref<100000xf32, #tpu.memory_space<hbm>> -> memref<100000xf32, #tpu.memory_space<hbm>>
      tpu.enqueue_indirect_dma source(%dma_start3A_256 : memref<100000xf32, #tpu.memory_space<hbm>>) target(%dma_start3A_248 : memref<128xf32, #tpu.memory_space<vmem>>) offsets(%dma_start3A_251 : memref<128xi32, #tpu.memory_space<vmem>>) semaphore(%arg14 : memref<!tpu.dma_semaphore, #tpu.memory_space<semaphore_mem>>)
      %add3A_257 = arith.constant 0 : i32
      %add3A_258 = arith.addi %add3A_257, %scan3A_176 : i32
      %mul3A_259 = arith.constant 128 : i32
      %mul3A_260 = arith.muli %scan3A_176, %mul3A_259 : i32
      %dma_start3A_261 = arith.constant 5 : i32
      %dma_start3A_262 = arith.constant 5 : i32
      %dma_start3A_263 = tpu.memref_slice %arg10[%dma_start3A_262, %mul3A_260] : memref<16x1664xf32, #tpu.memory_space<vmem>> -> memref<1x128xf32, #tpu.memory_space<vmem>>
      %dma_start3A_264 = tpu.memref_squeeze %dma_start3A_263 : memref<1x128xf32, #tpu.memory_space<vmem>> -> memref<128xf32, #tpu.memory_space<vmem>>
      %dma_start3A_265 = arith.constant 0 : i32
      %dma_start3A_266 = tpu.memref_slice %arg8[%add3A_258, %dma_start3A_265] : memref<50x128xi32, #tpu.memory_space<vmem>> -> memref<1x128xi32, #tpu.memory_space<vmem>>
      %dma_start3A_267 = tpu.memref_squeeze %dma_start3A_266 : memref<1x128xi32, #tpu.memory_space<vmem>> -> memref<128xi32, #tpu.memory_space<vmem>>
      %dma_start3A_268 = arith.constant 0 : i32
      %dma_start3A_269 = tpu.memref_slice %arg3[%dma_start3A_261, %dma_start3A_268] : memref<16x100000xf32, #tpu.memory_space<hbm>> -> memref<1x100000xf32, #tpu.memory_space<hbm>>
      %dma_start3A_270 = tpu.memref_squeeze %dma_start3A_269 : memref<1x100000xf32, #tpu.memory_space<hbm>> -> memref<100000xf32, #tpu.memory_space<hbm>>
      %dma_start3A_271 = arith.constant 0 : i32
      %dma_start3A_272 = tpu.memref_slice %dma_start3A_270[%dma_start3A_271] : memref<100000xf32, #tpu.memory_space<hbm>> -> memref<100000xf32, #tpu.memory_space<hbm>>
      tpu.enqueue_indirect_dma source(%dma_start3A_272 : memref<100000xf32, #tpu.memory_space<hbm>>) target(%dma_start3A_264 : memref<128xf32, #tpu.memory_space<vmem>>) offsets(%dma_start3A_267 : memref<128xi32, #tpu.memory_space<vmem>>) semaphore(%arg14 : memref<!tpu.dma_semaphore, #tpu.memory_space<semaphore_mem>>)
      %add3A_273 = arith.constant 0 : i32
      %add3A_274 = arith.addi %add3A_273, %scan3A_176 : i32
      %mul3A_275 = arith.constant 128 : i32
      %mul3A_276 = arith.muli %scan3A_176, %mul3A_275 : i32
      %dma_start3A_277 = arith.constant 6 : i32
      %dma_start3A_278 = arith.constant 6 : i32
      %dma_start3A_279 = tpu.memref_slice %arg10[%dma_start3A_278, %mul3A_276] : memref<16x1664xf32, #tpu.memory_space<vmem>> -> memref<1x128xf32, #tpu.memory_space<vmem>>
      %dma_start3A_280 = tpu.memref_squeeze %dma_start3A_279 : memref<1x128xf32, #tpu.memory_space<vmem>> -> memref<128xf32, #tpu.memory_space<vmem>>
      %dma_start3A_281 = arith.constant 0 : i32
      %dma_start3A_282 = tpu.memref_slice %arg8[%add3A_274, %dma_start3A_281] : memref<50x128xi32, #tpu.memory_space<vmem>> -> memref<1x128xi32, #tpu.memory_space<vmem>>
      %dma_start3A_283 = tpu.memref_squeeze %dma_start3A_282 : memref<1x128xi32, #tpu.memory_space<vmem>> -> memref<128xi32, #tpu.memory_space<vmem>>
      %dma_start3A_284 = arith.constant 0 : i32
      %dma_start3A_285 = tpu.memref_slice %arg3[%dma_start3A_277, %dma_start3A_284] : memref<16x100000xf32, #tpu.memory_space<hbm>> -> memref<1x100000xf32, #tpu.memory_space<hbm>>
      %dma_start3A_286 = tpu.memref_squeeze %dma_start3A_285 : memref<1x100000xf32, #tpu.memory_space<hbm>> -> memref<100000xf32, #tpu.memory_space<hbm>>
      %dma_start3A_287 = arith.constant 0 : i32
      %dma_start3A_288 = tpu.memref_slice %dma_start3A_286[%dma_start3A_287] : memref<100000xf32, #tpu.memory_space<hbm>> -> memref<100000xf32, #tpu.memory_space<hbm>>
      tpu.enqueue_indirect_dma source(%dma_start3A_288 : memref<100000xf32, #tpu.memory_space<hbm>>) target(%dma_start3A_280 : memref<128xf32, #tpu.memory_space<vmem>>) offsets(%dma_start3A_283 : memref<128xi32, #tpu.memory_space<vmem>>) semaphore(%arg14 : memref<!tpu.dma_semaphore, #tpu.memory_space<semaphore_mem>>)
      %add3A_289 = arith.constant 0 : i32
      %add3A_290 = arith.addi %add3A_289, %scan3A_176 : i32
      %mul3A_291 = arith.constant 128 : i32
      %mul3A_292 = arith.muli %scan3A_176, %mul3A_291 : i32
      %dma_start3A_293 = arith.constant 7 : i32
      %dma_start3A_294 = arith.constant 7 : i32
      %dma_start3A_295 = tpu.memref_slice %arg10[%dma_start3A_294, %mul3A_292] : memref<16x1664xf32, #tpu.memory_space<vmem>> -> memref<1x128xf32, #tpu.memory_space<vmem>>
      %dma_start3A_296 = tpu.memref_squeeze %dma_start3A_295 : memref<1x128xf32, #tpu.memory_space<vmem>> -> memref<128xf32, #tpu.memory_space<vmem>>
      %dma_start3A_297 = arith.constant 0 : i32
      %dma_start3A_298 = tpu.memref_slice %arg8[%add3A_290, %dma_start3A_297] : memref<50x128xi32, #tpu.memory_space<vmem>> -> memref<1x128xi32, #tpu.memory_space<vmem>>
      %dma_start3A_299 = tpu.memref_squeeze %dma_start3A_298 : memref<1x128xi32, #tpu.memory_space<vmem>> -> memref<128xi32, #tpu.memory_space<vmem>>
      %dma_start3A_300 = arith.constant 0 : i32
      %dma_start3A_301 = tpu.memref_slice %arg3[%dma_start3A_293, %dma_start3A_300] : memref<16x100000xf32, #tpu.memory_space<hbm>> -> memref<1x100000xf32, #tpu.memory_space<hbm>>
      %dma_start3A_302 = tpu.memref_squeeze %dma_start3A_301 : memref<1x100000xf32, #tpu.memory_space<hbm>> -> memref<100000xf32, #tpu.memory_space<hbm>>
      %dma_start3A_303 = arith.constant 0 : i32
      %dma_start3A_304 = tpu.memref_slice %dma_start3A_302[%dma_start3A_303] : memref<100000xf32, #tpu.memory_space<hbm>> -> memref<100000xf32, #tpu.memory_space<hbm>>
      tpu.enqueue_indirect_dma source(%dma_start3A_304 : memref<100000xf32, #tpu.memory_space<hbm>>) target(%dma_start3A_296 : memref<128xf32, #tpu.memory_space<vmem>>) offsets(%dma_start3A_299 : memref<128xi32, #tpu.memory_space<vmem>>) semaphore(%arg14 : memref<!tpu.dma_semaphore, #tpu.memory_space<semaphore_mem>>)
      %add3A_305 = arith.constant 0 : i32
      %add3A_306 = arith.addi %add3A_305, %scan3A_176 : i32
      %mul3A_307 = arith.constant 128 : i32
      %mul3A_308 = arith.muli %scan3A_176, %mul3A_307 : i32
      %dma_start3A_309 = arith.constant 8 : i32
      %dma_start3A_310 = arith.constant 8 : i32
      %dma_start3A_311 = tpu.memref_slice %arg10[%dma_start3A_310, %mul3A_308] : memref<16x1664xf32, #tpu.memory_space<vmem>> -> memref<1x128xf32, #tpu.memory_space<vmem>>
      %dma_start3A_312 = tpu.memref_squeeze %dma_start3A_311 : memref<1x128xf32, #tpu.memory_space<vmem>> -> memref<128xf32, #tpu.memory_space<vmem>>
      %dma_start3A_313 = arith.constant 0 : i32
      %dma_start3A_314 = tpu.memref_slice %arg8[%add3A_306, %dma_start3A_313] : memref<50x128xi32, #tpu.memory_space<vmem>> -> memref<1x128xi32, #tpu.memory_space<vmem>>
      %dma_start3A_315 = tpu.memref_squeeze %dma_start3A_314 : memref<1x128xi32, #tpu.memory_space<vmem>> -> memref<128xi32, #tpu.memory_space<vmem>>
      %dma_start3A_316 = arith.constant 0 : i32
      %dma_start3A_317 = tpu.memref_slice %arg3[%dma_start3A_309, %dma_start3A_316] : memref<16x100000xf32, #tpu.memory_space<hbm>> -> memref<1x100000xf32, #tpu.memory_space<hbm>>
      %dma_start3A_318 = tpu.memref_squeeze %dma_start3A_317 : memref<1x100000xf32, #tpu.memory_space<hbm>> -> memref<100000xf32, #tpu.memory_space<hbm>>
      %dma_start3A_319 = arith.constant 0 : i32
      %dma_start3A_320 = tpu.memref_slice %dma_start3A_318[%dma_start3A_319] : memref<100000xf32, #tpu.memory_space<hbm>> -> memref<100000xf32, #tpu.memory_space<hbm>>
      tpu.enqueue_indirect_dma source(%dma_start3A_320 : memref<100000xf32, #tpu.memory_space<hbm>>) target(%dma_start3A_312 : memref<128xf32, #tpu.memory_space<vmem>>) offsets(%dma_start3A_315 : memref<128xi32, #tpu.memory_space<vmem>>) semaphore(%arg14 : memref<!tpu.dma_semaphore, #tpu.memory_space<semaphore_mem>>)
      %add3A_321 = arith.constant 0 : i32
      %add3A_322 = arith.addi %add3A_321, %scan3A_176 : i32
      %mul3A_323 = arith.constant 128 : i32
      %mul3A_324 = arith.muli %scan3A_176, %mul3A_323 : i32
      %dma_start3A_325 = arith.constant 9 : i32
      %dma_start3A_326 = arith.constant 9 : i32
      %dma_start3A_327 = tpu.memref_slice %arg10[%dma_start3A_326, %mul3A_324] : memref<16x1664xf32, #tpu.memory_space<vmem>> -> memref<1x128xf32, #tpu.memory_space<vmem>>
      %dma_start3A_328 = tpu.memref_squeeze %dma_start3A_327 : memref<1x128xf32, #tpu.memory_space<vmem>> -> memref<128xf32, #tpu.memory_space<vmem>>
      %dma_start3A_329 = arith.constant 0 : i32
      %dma_start3A_330 = tpu.memref_slice %arg8[%add3A_322, %dma_start3A_329] : memref<50x128xi32, #tpu.memory_space<vmem>> -> memref<1x128xi32, #tpu.memory_space<vmem>>
      %dma_start3A_331 = tpu.memref_squeeze %dma_start3A_330 : memref<1x128xi32, #tpu.memory_space<vmem>> -> memref<128xi32, #tpu.memory_space<vmem>>
      %dma_start3A_332 = arith.constant 0 : i32
      %dma_start3A_333 = tpu.memref_slice %arg3[%dma_start3A_325, %dma_start3A_332] : memref<16x100000xf32, #tpu.memory_space<hbm>> -> memref<1x100000xf32, #tpu.memory_space<hbm>>
      %dma_start3A_334 = tpu.memref_squeeze %dma_start3A_333 : memref<1x100000xf32, #tpu.memory_space<hbm>> -> memref<100000xf32, #tpu.memory_space<hbm>>
      %dma_start3A_335 = arith.constant 0 : i32
      %dma_start3A_336 = tpu.memref_slice %dma_start3A_334[%dma_start3A_335] : memref<100000xf32, #tpu.memory_space<hbm>> -> memref<100000xf32, #tpu.memory_space<hbm>>
      tpu.enqueue_indirect_dma source(%dma_start3A_336 : memref<100000xf32, #tpu.memory_space<hbm>>) target(%dma_start3A_328 : memref<128xf32, #tpu.memory_space<vmem>>) offsets(%dma_start3A_331 : memref<128xi32, #tpu.memory_space<vmem>>) semaphore(%arg14 : memref<!tpu.dma_semaphore, #tpu.memory_space<semaphore_mem>>)
      %add3A_337 = arith.constant 0 : i32
      %add3A_338 = arith.addi %add3A_337, %scan3A_176 : i32
      %mul3A_339 = arith.constant 128 : i32
      %mul3A_340 = arith.muli %scan3A_176, %mul3A_339 : i32
      %dma_start3A_341 = arith.constant 10 : i32
      %dma_start3A_342 = arith.constant 10 : i32
      %dma_start3A_343 = tpu.memref_slice %arg10[%dma_start3A_342, %mul3A_340] : memref<16x1664xf32, #tpu.memory_space<vmem>> -> memref<1x128xf32, #tpu.memory_space<vmem>>
      %dma_start3A_344 = tpu.memref_squeeze %dma_start3A_343 : memref<1x128xf32, #tpu.memory_space<vmem>> -> memref<128xf32, #tpu.memory_space<vmem>>
      %dma_start3A_345 = arith.constant 0 : i32
      %dma_start3A_346 = tpu.memref_slice %arg8[%add3A_338, %dma_start3A_345] : memref<50x128xi32, #tpu.memory_space<vmem>> -> memref<1x128xi32, #tpu.memory_space<vmem>>
      %dma_start3A_347 = tpu.memref_squeeze %dma_start3A_346 : memref<1x128xi32, #tpu.memory_space<vmem>> -> memref<128xi32, #tpu.memory_space<vmem>>
      %dma_start3A_348 = arith.constant 0 : i32
      %dma_start3A_349 = tpu.memref_slice %arg3[%dma_start3A_341, %dma_start3A_348] : memref<16x100000xf32, #tpu.memory_space<hbm>> -> memref<1x100000xf32, #tpu.memory_space<hbm>>
      %dma_start3A_350 = tpu.memref_squeeze %dma_start3A_349 : memref<1x100000xf32, #tpu.memory_space<hbm>> -> memref<100000xf32, #tpu.memory_space<hbm>>
      %dma_start3A_351 = arith.constant 0 : i32
      %dma_start3A_352 = tpu.memref_slice %dma_start3A_350[%dma_start3A_351] : memref<100000xf32, #tpu.memory_space<hbm>> -> memref<100000xf32, #tpu.memory_space<hbm>>
      tpu.enqueue_indirect_dma source(%dma_start3A_352 : memref<100000xf32, #tpu.memory_space<hbm>>) target(%dma_start3A_344 : memref<128xf32, #tpu.memory_space<vmem>>) offsets(%dma_start3A_347 : memref<128xi32, #tpu.memory_space<vmem>>) semaphore(%arg14 : memref<!tpu.dma_semaphore, #tpu.memory_space<semaphore_mem>>)
      %add3A_353 = arith.constant 0 : i32
      %add3A_354 = arith.addi %add3A_353, %scan3A_176 : i32
      %mul3A_355 = arith.constant 128 : i32
      %mul3A_356 = arith.muli %scan3A_176, %mul3A_355 : i32
      %dma_start3A_357 = arith.constant 11 : i32
      %dma_start3A_358 = arith.constant 11 : i32
      %dma_start3A_359 = tpu.memref_slice %arg10[%dma_start3A_358, %mul3A_356] : memref<16x1664xf32, #tpu.memory_space<vmem>> -> memref<1x128xf32, #tpu.memory_space<vmem>>
      %dma_start3A_360 = tpu.memref_squeeze %dma_start3A_359 : memref<1x128xf32, #tpu.memory_space<vmem>> -> memref<128xf32, #tpu.memory_space<vmem>>
      %dma_start3A_361 = arith.constant 0 : i32
      %dma_start3A_362 = tpu.memref_slice %arg8[%add3A_354, %dma_start3A_361] : memref<50x128xi32, #tpu.memory_space<vmem>> -> memref<1x128xi32, #tpu.memory_space<vmem>>
      %dma_start3A_363 = tpu.memref_squeeze %dma_start3A_362 : memref<1x128xi32, #tpu.memory_space<vmem>> -> memref<128xi32, #tpu.memory_space<vmem>>
      %dma_start3A_364 = arith.constant 0 : i32
      %dma_start3A_365 = tpu.memref_slice %arg3[%dma_start3A_357, %dma_start3A_364] : memref<16x100000xf32, #tpu.memory_space<hbm>> -> memref<1x100000xf32, #tpu.memory_space<hbm>>
      %dma_start3A_366 = tpu.memref_squeeze %dma_start3A_365 : memref<1x100000xf32, #tpu.memory_space<hbm>> -> memref<100000xf32, #tpu.memory_space<hbm>>
      %dma_start3A_367 = arith.constant 0 : i32
      %dma_start3A_368 = tpu.memref_slice %dma_start3A_366[%dma_start3A_367] : memref<100000xf32, #tpu.memory_space<hbm>> -> memref<100000xf32, #tpu.memory_space<hbm>>
      tpu.enqueue_indirect_dma source(%dma_start3A_368 : memref<100000xf32, #tpu.memory_space<hbm>>) target(%dma_start3A_360 : memref<128xf32, #tpu.memory_space<vmem>>) offsets(%dma_start3A_363 : memref<128xi32, #tpu.memory_space<vmem>>) semaphore(%arg14 : memref<!tpu.dma_semaphore, #tpu.memory_space<semaphore_mem>>)
      %add3A_369 = arith.constant 0 : i32
      %add3A_370 = arith.addi %add3A_369, %scan3A_176 : i32
      %mul3A_371 = arith.constant 128 : i32
      %mul3A_372 = arith.muli %scan3A_176, %mul3A_371 : i32
      %dma_start3A_373 = arith.constant 12 : i32
      %dma_start3A_374 = arith.constant 12 : i32
      %dma_start3A_375 = tpu.memref_slice %arg10[%dma_start3A_374, %mul3A_372] : memref<16x1664xf32, #tpu.memory_space<vmem>> -> memref<1x128xf32, #tpu.memory_space<vmem>>
      %dma_start3A_376 = tpu.memref_squeeze %dma_start3A_375 : memref<1x128xf32, #tpu.memory_space<vmem>> -> memref<128xf32, #tpu.memory_space<vmem>>
      %dma_start3A_377 = arith.constant 0 : i32
      %dma_start3A_378 = tpu.memref_slice %arg8[%add3A_370, %dma_start3A_377] : memref<50x128xi32, #tpu.memory_space<vmem>> -> memref<1x128xi32, #tpu.memory_space<vmem>>
      %dma_start3A_379 = tpu.memref_squeeze %dma_start3A_378 : memref<1x128xi32, #tpu.memory_space<vmem>> -> memref<128xi32, #tpu.memory_space<vmem>>
      %dma_start3A_380 = arith.constant 0 : i32
      %dma_start3A_381 = tpu.memref_slice %arg3[%dma_start3A_373, %dma_start3A_380] : memref<16x100000xf32, #tpu.memory_space<hbm>> -> memref<1x100000xf32, #tpu.memory_space<hbm>>
      %dma_start3A_382 = tpu.memref_squeeze %dma_start3A_381 : memref<1x100000xf32, #tpu.memory_space<hbm>> -> memref<100000xf32, #tpu.memory_space<hbm>>
      %dma_start3A_383 = arith.constant 0 : i32
      %dma_start3A_384 = tpu.memref_slice %dma_start3A_382[%dma_start3A_383] : memref<100000xf32, #tpu.memory_space<hbm>> -> memref<100000xf32, #tpu.memory_space<hbm>>
      tpu.enqueue_indirect_dma source(%dma_start3A_384 : memref<100000xf32, #tpu.memory_space<hbm>>) target(%dma_start3A_376 : memref<128xf32, #tpu.memory_space<vmem>>) offsets(%dma_start3A_379 : memref<128xi32, #tpu.memory_space<vmem>>) semaphore(%arg14 : memref<!tpu.dma_semaphore, #tpu.memory_space<semaphore_mem>>)
      %add3A_385 = arith.constant 0 : i32
      %add3A_386 = arith.addi %add3A_385, %scan3A_176 : i32
      %mul3A_387 = arith.constant 128 : i32
      %mul3A_388 = arith.muli %scan3A_176, %mul3A_387 : i32
      %dma_start3A_389 = arith.constant 13 : i32
      %dma_start3A_390 = arith.constant 13 : i32
      %dma_start3A_391 = tpu.memref_slice %arg10[%dma_start3A_390, %mul3A_388] : memref<16x1664xf32, #tpu.memory_space<vmem>> -> memref<1x128xf32, #tpu.memory_space<vmem>>
      %dma_start3A_392 = tpu.memref_squeeze %dma_start3A_391 : memref<1x128xf32, #tpu.memory_space<vmem>> -> memref<128xf32, #tpu.memory_space<vmem>>
      %dma_start3A_393 = arith.constant 0 : i32
      %dma_start3A_394 = tpu.memref_slice %arg8[%add3A_386, %dma_start3A_393] : memref<50x128xi32, #tpu.memory_space<vmem>> -> memref<1x128xi32, #tpu.memory_space<vmem>>
      %dma_start3A_395 = tpu.memref_squeeze %dma_start3A_394 : memref<1x128xi32, #tpu.memory_space<vmem>> -> memref<128xi32, #tpu.memory_space<vmem>>
      %dma_start3A_396 = arith.constant 0 : i32
      %dma_start3A_397 = tpu.memref_slice %arg3[%dma_start3A_389, %dma_start3A_396] : memref<16x100000xf32, #tpu.memory_space<hbm>> -> memref<1x100000xf32, #tpu.memory_space<hbm>>
      %dma_start3A_398 = tpu.memref_squeeze %dma_start3A_397 : memref<1x100000xf32, #tpu.memory_space<hbm>> -> memref<100000xf32, #tpu.memory_space<hbm>>
      %dma_start3A_399 = arith.constant 0 : i32
      %dma_start3A_400 = tpu.memref_slice %dma_start3A_398[%dma_start3A_399] : memref<100000xf32, #tpu.memory_space<hbm>> -> memref<100000xf32, #tpu.memory_space<hbm>>
      tpu.enqueue_indirect_dma source(%dma_start3A_400 : memref<100000xf32, #tpu.memory_space<hbm>>) target(%dma_start3A_392 : memref<128xf32, #tpu.memory_space<vmem>>) offsets(%dma_start3A_395 : memref<128xi32, #tpu.memory_space<vmem>>) semaphore(%arg14 : memref<!tpu.dma_semaphore, #tpu.memory_space<semaphore_mem>>)
      %add3A_401 = arith.constant 0 : i32
      %add3A_402 = arith.addi %add3A_401, %scan3A_176 : i32
      %mul3A_403 = arith.constant 128 : i32
      %mul3A_404 = arith.muli %scan3A_176, %mul3A_403 : i32
      %dma_start3A_405 = arith.constant 14 : i32
      %dma_start3A_406 = arith.constant 14 : i32
      %dma_start3A_407 = tpu.memref_slice %arg10[%dma_start3A_406, %mul3A_404] : memref<16x1664xf32, #tpu.memory_space<vmem>> -> memref<1x128xf32, #tpu.memory_space<vmem>>
      %dma_start3A_408 = tpu.memref_squeeze %dma_start3A_407 : memref<1x128xf32, #tpu.memory_space<vmem>> -> memref<128xf32, #tpu.memory_space<vmem>>
      %dma_start3A_409 = arith.constant 0 : i32
      %dma_start3A_410 = tpu.memref_slice %arg8[%add3A_402, %dma_start3A_409] : memref<50x128xi32, #tpu.memory_space<vmem>> -> memref<1x128xi32, #tpu.memory_space<vmem>>
      %dma_start3A_411 = tpu.memref_squeeze %dma_start3A_410 : memref<1x128xi32, #tpu.memory_space<vmem>> -> memref<128xi32, #tpu.memory_space<vmem>>
      %dma_start3A_412 = arith.constant 0 : i32
      %dma_start3A_413 = tpu.memref_slice %arg3[%dma_start3A_405, %dma_start3A_412] : memref<16x100000xf32, #tpu.memory_space<hbm>> -> memref<1x100000xf32, #tpu.memory_space<hbm>>
      %dma_start3A_414 = tpu.memref_squeeze %dma_start3A_413 : memref<1x100000xf32, #tpu.memory_space<hbm>> -> memref<100000xf32, #tpu.memory_space<hbm>>
      %dma_start3A_415 = arith.constant 0 : i32
      %dma_start3A_416 = tpu.memref_slice %dma_start3A_414[%dma_start3A_415] : memref<100000xf32, #tpu.memory_space<hbm>> -> memref<100000xf32, #tpu.memory_space<hbm>>
      tpu.enqueue_indirect_dma source(%dma_start3A_416 : memref<100000xf32, #tpu.memory_space<hbm>>) target(%dma_start3A_408 : memref<128xf32, #tpu.memory_space<vmem>>) offsets(%dma_start3A_411 : memref<128xi32, #tpu.memory_space<vmem>>) semaphore(%arg14 : memref<!tpu.dma_semaphore, #tpu.memory_space<semaphore_mem>>)
      %add3A_417 = arith.constant 0 : i32
      %add3A_418 = arith.addi %add3A_417, %scan3A_176 : i32
      %mul3A_419 = arith.constant 128 : i32
      %mul3A_420 = arith.muli %scan3A_176, %mul3A_419 : i32
      %dma_start3A_421 = arith.constant 15 : i32
      %dma_start3A_422 = arith.constant 15 : i32
      %dma_start3A_423 = tpu.memref_slice %arg10[%dma_start3A_422, %mul3A_420] : memref<16x1664xf32, #tpu.memory_space<vmem>> -> memref<1x128xf32, #tpu.memory_space<vmem>>
      %dma_start3A_424 = tpu.memref_squeeze %dma_start3A_423 : memref<1x128xf32, #tpu.memory_space<vmem>> -> memref<128xf32, #tpu.memory_space<vmem>>
      %dma_start3A_425 = arith.constant 0 : i32
      %dma_start3A_426 = tpu.memref_slice %arg8[%add3A_418, %dma_start3A_425] : memref<50x128xi32, #tpu.memory_space<vmem>> -> memref<1x128xi32, #tpu.memory_space<vmem>>
      %dma_start3A_427 = tpu.memref_squeeze %dma_start3A_426 : memref<1x128xi32, #tpu.memory_space<vmem>> -> memref<128xi32, #tpu.memory_space<vmem>>
      %dma_start3A_428 = arith.constant 0 : i32
      %dma_start3A_429 = tpu.memref_slice %arg3[%dma_start3A_421, %dma_start3A_428] : memref<16x100000xf32, #tpu.memory_space<hbm>> -> memref<1x100000xf32, #tpu.memory_space<hbm>>
      %dma_start3A_430 = tpu.memref_squeeze %dma_start3A_429 : memref<1x100000xf32, #tpu.memory_space<hbm>> -> memref<100000xf32, #tpu.memory_space<hbm>>
      %dma_start3A_431 = arith.constant 0 : i32
      %dma_start3A_432 = tpu.memref_slice %dma_start3A_430[%dma_start3A_431] : memref<100000xf32, #tpu.memory_space<hbm>> -> memref<100000xf32, #tpu.memory_space<hbm>>
      tpu.enqueue_indirect_dma source(%dma_start3A_432 : memref<100000xf32, #tpu.memory_space<hbm>>) target(%dma_start3A_424 : memref<128xf32, #tpu.memory_space<vmem>>) offsets(%dma_start3A_427 : memref<128xi32, #tpu.memory_space<vmem>>) semaphore(%arg14 : memref<!tpu.dma_semaphore, #tpu.memory_space<semaphore_mem>>)
    }
    %scan3A_27 = arith.constant 13 : i32
    %scan3A_28 = arith.constant 0 : i32
    %scan3A_29 = arith.constant 0 : i32
    %scan3A_30 = arith.constant 13 : i32
    %scan3A_31 = arith.addi %scan3A_29, %scan3A_30 : i32
    %scan3A_32 = arith.constant 1 : i32
    scf.for %scan3A_176 = %scan3A_29 to %scan3A_31 step %scan3A_32  : i32 {
      %add3A_177 = arith.constant 13 : i32
      %add3A_178 = arith.addi %add3A_177, %scan3A_176 : i32
      %mul3A_179 = arith.constant 128 : i32
      %mul3A_180 = arith.muli %scan3A_176, %mul3A_179 : i32
      %dma_start3A_181 = arith.constant 0 : i32
      %dma_start3A_182 = arith.constant 0 : i32
      %dma_start3A_183 = tpu.memref_slice %arg11[%dma_start3A_182, %mul3A_180] : memref<16x1664xf32, #tpu.memory_space<vmem>> -> memref<1x128xf32, #tpu.memory_space<vmem>>
      %dma_start3A_184 = tpu.memref_squeeze %dma_start3A_183 : memref<1x128xf32, #tpu.memory_space<vmem>> -> memref<128xf32, #tpu.memory_space<vmem>>
      %dma_start3A_185 = arith.constant 0 : i32
      %dma_start3A_186 = tpu.memref_slice %arg8[%add3A_178, %dma_start3A_185] : memref<50x128xi32, #tpu.memory_space<vmem>> -> memref<1x128xi32, #tpu.memory_space<vmem>>
      %dma_start3A_187 = tpu.memref_squeeze %dma_start3A_186 : memref<1x128xi32, #tpu.memory_space<vmem>> -> memref<128xi32, #tpu.memory_space<vmem>>
      %dma_start3A_188 = arith.constant 0 : i32
      %dma_start3A_189 = tpu.memref_slice %arg3[%dma_start3A_181, %dma_start3A_188] : memref<16x100000xf32, #tpu.memory_space<hbm>> -> memref<1x100000xf32, #tpu.memory_space<hbm>>
      %dma_start3A_190 = tpu.memref_squeeze %dma_start3A_189 : memref<1x100000xf32, #tpu.memory_space<hbm>> -> memref<100000xf32, #tpu.memory_space<hbm>>
      %dma_start3A_191 = arith.constant 0 : i32
      %dma_start3A_192 = tpu.memref_slice %dma_start3A_190[%dma_start3A_191] : memref<100000xf32, #tpu.memory_space<hbm>> -> memref<100000xf32, #tpu.memory_space<hbm>>
      tpu.enqueue_indirect_dma source(%dma_start3A_192 : memref<100000xf32, #tpu.memory_space<hbm>>) target(%dma_start3A_184 : memref<128xf32, #tpu.memory_space<vmem>>) offsets(%dma_start3A_187 : memref<128xi32, #tpu.memory_space<vmem>>) semaphore(%arg14 : memref<!tpu.dma_semaphore, #tpu.memory_space<semaphore_mem>>)
      %add3A_193 = arith.constant 13 : i32
      %add3A_194 = arith.addi %add3A_193, %scan3A_176 : i32
      %mul3A_195 = arith.constant 128 : i32
      %mul3A_196 = arith.muli %scan3A_176, %mul3A_195 : i32
      %dma_start3A_197 = arith.constant 1 : i32
      %dma_start3A_198 = arith.constant 1 : i32
      %dma_start3A_199 = tpu.memref_slice %arg11[%dma_start3A_198, %mul3A_196] : memref<16x1664xf32, #tpu.memory_space<vmem>> -> memref<1x128xf32, #tpu.memory_space<vmem>>
      %dma_start3A_200 = tpu.memref_squeeze %dma_start3A_199 : memref<1x128xf32, #tpu.memory_space<vmem>> -> memref<128xf32, #tpu.memory_space<vmem>>
      %dma_start3A_201 = arith.constant 0 : i32
      %dma_start3A_202 = tpu.memref_slice %arg8[%add3A_194, %dma_start3A_201] : memref<50x128xi32, #tpu.memory_space<vmem>> -> memref<1x128xi32, #tpu.memory_space<vmem>>
      %dma_start3A_203 = tpu.memref_squeeze %dma_start3A_202 : memref<1x128xi32, #tpu.memory_space<vmem>> -> memref<128xi32, #tpu.memory_space<vmem>>
      %dma_start3A_204 = arith.constant 0 : i32
      %dma_start3A_205 = tpu.memref_slice %arg3[%dma_start3A_197, %dma_start3A_204] : memref<16x100000xf32, #tpu.memory_space<hbm>> -> memref<1x100000xf32, #tpu.memory_space<hbm>>
      %dma_start3A_206 = tpu.memref_squeeze %dma_start3A_205 : memref<1x100000xf32, #tpu.memory_space<hbm>> -> memref<100000xf32, #tpu.memory_space<hbm>>
      %dma_start3A_207 = arith.constant 0 : i32
      %dma_start3A_208 = tpu.memref_slice %dma_start3A_206[%dma_start3A_207] : memref<100000xf32, #tpu.memory_space<hbm>> -> memref<100000xf32, #tpu.memory_space<hbm>>
      tpu.enqueue_indirect_dma source(%dma_start3A_208 : memref<100000xf32, #tpu.memory_space<hbm>>) target(%dma_start3A_200 : memref<128xf32, #tpu.memory_space<vmem>>) offsets(%dma_start3A_203 : memref<128xi32, #tpu.memory_space<vmem>>) semaphore(%arg14 : memref<!tpu.dma_semaphore, #tpu.memory_space<semaphore_mem>>)
      %add3A_209 = arith.constant 13 : i32
      %add3A_210 = arith.addi %add3A_209, %scan3A_176 : i32
      %mul3A_211 = arith.constant 128 : i32
      %mul3A_212 = arith.muli %scan3A_176, %mul3A_211 : i32
      %dma_start3A_213 = arith.constant 2 : i32
      %dma_start3A_214 = arith.constant 2 : i32
      %dma_start3A_215 = tpu.memref_slice %arg11[%dma_start3A_214, %mul3A_212] : memref<16x1664xf32, #tpu.memory_space<vmem>> -> memref<1x128xf32, #tpu.memory_space<vmem>>
      %dma_start3A_216 = tpu.memref_squeeze %dma_start3A_215 : memref<1x128xf32, #tpu.memory_space<vmem>> -> memref<128xf32, #tpu.memory_space<vmem>>
      %dma_start3A_217 = arith.constant 0 : i32
      %dma_start3A_218 = tpu.memref_slice %arg8[%add3A_210, %dma_start3A_217] : memref<50x128xi32, #tpu.memory_space<vmem>> -> memref<1x128xi32, #tpu.memory_space<vmem>>
      %dma_start3A_219 = tpu.memref_squeeze %dma_start3A_218 : memref<1x128xi32, #tpu.memory_space<vmem>> -> memref<128xi32, #tpu.memory_space<vmem>>
      %dma_start3A_220 = arith.constant 0 : i32
      %dma_start3A_221 = tpu.memref_slice %arg3[%dma_start3A_213, %dma_start3A_220] : memref<16x100000xf32, #tpu.memory_space<hbm>> -> memref<1x100000xf32, #tpu.memory_space<hbm>>
      %dma_start3A_222 = tpu.memref_squeeze %dma_start3A_221 : memref<1x100000xf32, #tpu.memory_space<hbm>> -> memref<100000xf32, #tpu.memory_space<hbm>>
      %dma_start3A_223 = arith.constant 0 : i32
      %dma_start3A_224 = tpu.memref_slice %dma_start3A_222[%dma_start3A_223] : memref<100000xf32, #tpu.memory_space<hbm>> -> memref<100000xf32, #tpu.memory_space<hbm>>
      tpu.enqueue_indirect_dma source(%dma_start3A_224 : memref<100000xf32, #tpu.memory_space<hbm>>) target(%dma_start3A_216 : memref<128xf32, #tpu.memory_space<vmem>>) offsets(%dma_start3A_219 : memref<128xi32, #tpu.memory_space<vmem>>) semaphore(%arg14 : memref<!tpu.dma_semaphore, #tpu.memory_space<semaphore_mem>>)
      %add3A_225 = arith.constant 13 : i32
      %add3A_226 = arith.addi %add3A_225, %scan3A_176 : i32
      %mul3A_227 = arith.constant 128 : i32
      %mul3A_228 = arith.muli %scan3A_176, %mul3A_227 : i32
      %dma_start3A_229 = arith.constant 3 : i32
      %dma_start3A_230 = arith.constant 3 : i32
      %dma_start3A_231 = tpu.memref_slice %arg11[%dma_start3A_230, %mul3A_228] : memref<16x1664xf32, #tpu.memory_space<vmem>> -> memref<1x128xf32, #tpu.memory_space<vmem>>
      %dma_start3A_232 = tpu.memref_squeeze %dma_start3A_231 : memref<1x128xf32, #tpu.memory_space<vmem>> -> memref<128xf32, #tpu.memory_space<vmem>>
      %dma_start3A_233 = arith.constant 0 : i32
      %dma_start3A_234 = tpu.memref_slice %arg8[%add3A_226, %dma_start3A_233] : memref<50x128xi32, #tpu.memory_space<vmem>> -> memref<1x128xi32, #tpu.memory_space<vmem>>
      %dma_start3A_235 = tpu.memref_squeeze %dma_start3A_234 : memref<1x128xi32, #tpu.memory_space<vmem>> -> memref<128xi32, #tpu.memory_space<vmem>>
      %dma_start3A_236 = arith.constant 0 : i32
      %dma_start3A_237 = tpu.memref_slice %arg3[%dma_start3A_229, %dma_start3A_236] : memref<16x100000xf32, #tpu.memory_space<hbm>> -> memref<1x100000xf32, #tpu.memory_space<hbm>>
      %dma_start3A_238 = tpu.memref_squeeze %dma_start3A_237 : memref<1x100000xf32, #tpu.memory_space<hbm>> -> memref<100000xf32, #tpu.memory_space<hbm>>
      %dma_start3A_239 = arith.constant 0 : i32
      %dma_start3A_240 = tpu.memref_slice %dma_start3A_238[%dma_start3A_239] : memref<100000xf32, #tpu.memory_space<hbm>> -> memref<100000xf32, #tpu.memory_space<hbm>>
      tpu.enqueue_indirect_dma source(%dma_start3A_240 : memref<100000xf32, #tpu.memory_space<hbm>>) target(%dma_start3A_232 : memref<128xf32, #tpu.memory_space<vmem>>) offsets(%dma_start3A_235 : memref<128xi32, #tpu.memory_space<vmem>>) semaphore(%arg14 : memref<!tpu.dma_semaphore, #tpu.memory_space<semaphore_mem>>)
      %add3A_241 = arith.constant 13 : i32
      %add3A_242 = arith.addi %add3A_241, %scan3A_176 : i32
      %mul3A_243 = arith.constant 128 : i32
      %mul3A_244 = arith.muli %scan3A_176, %mul3A_243 : i32
      %dma_start3A_245 = arith.constant 4 : i32
      %dma_start3A_246 = arith.constant 4 : i32
      %dma_start3A_247 = tpu.memref_slice %arg11[%dma_start3A_246, %mul3A_244] : memref<16x1664xf32, #tpu.memory_space<vmem>> -> memref<1x128xf32, #tpu.memory_space<vmem>>
      %dma_start3A_248 = tpu.memref_squeeze %dma_start3A_247 : memref<1x128xf32, #tpu.memory_space<vmem>> -> memref<128xf32, #tpu.memory_space<vmem>>
      %dma_start3A_249 = arith.constant 0 : i32
      %dma_start3A_250 = tpu.memref_slice %arg8[%add3A_242, %dma_start3A_249] : memref<50x128xi32, #tpu.memory_space<vmem>> -> memref<1x128xi32, #tpu.memory_space<vmem>>
      %dma_start3A_251 = tpu.memref_squeeze %dma_start3A_250 : memref<1x128xi32, #tpu.memory_space<vmem>> -> memref<128xi32, #tpu.memory_space<vmem>>
      %dma_start3A_252 = arith.constant 0 : i32
      %dma_start3A_253 = tpu.memref_slice %arg3[%dma_start3A_245, %dma_start3A_252] : memref<16x100000xf32, #tpu.memory_space<hbm>> -> memref<1x100000xf32, #tpu.memory_space<hbm>>
      %dma_start3A_254 = tpu.memref_squeeze %dma_start3A_253 : memref<1x100000xf32, #tpu.memory_space<hbm>> -> memref<100000xf32, #tpu.memory_space<hbm>>
      %dma_start3A_255 = arith.constant 0 : i32
      %dma_start3A_256 = tpu.memref_slice %dma_start3A_254[%dma_start3A_255] : memref<100000xf32, #tpu.memory_space<hbm>> -> memref<100000xf32, #tpu.memory_space<hbm>>
      tpu.enqueue_indirect_dma source(%dma_start3A_256 : memref<100000xf32, #tpu.memory_space<hbm>>) target(%dma_start3A_248 : memref<128xf32, #tpu.memory_space<vmem>>) offsets(%dma_start3A_251 : memref<128xi32, #tpu.memory_space<vmem>>) semaphore(%arg14 : memref<!tpu.dma_semaphore, #tpu.memory_space<semaphore_mem>>)
      %add3A_257 = arith.constant 13 : i32
      %add3A_258 = arith.addi %add3A_257, %scan3A_176 : i32
      %mul3A_259 = arith.constant 128 : i32
      %mul3A_260 = arith.muli %scan3A_176, %mul3A_259 : i32
      %dma_start3A_261 = arith.constant 5 : i32
      %dma_start3A_262 = arith.constant 5 : i32
      %dma_start3A_263 = tpu.memref_slice %arg11[%dma_start3A_262, %mul3A_260] : memref<16x1664xf32, #tpu.memory_space<vmem>> -> memref<1x128xf32, #tpu.memory_space<vmem>>
      %dma_start3A_264 = tpu.memref_squeeze %dma_start3A_263 : memref<1x128xf32, #tpu.memory_space<vmem>> -> memref<128xf32, #tpu.memory_space<vmem>>
      %dma_start3A_265 = arith.constant 0 : i32
      %dma_start3A_266 = tpu.memref_slice %arg8[%add3A_258, %dma_start3A_265] : memref<50x128xi32, #tpu.memory_space<vmem>> -> memref<1x128xi32, #tpu.memory_space<vmem>>
      %dma_start3A_267 = tpu.memref_squeeze %dma_start3A_266 : memref<1x128xi32, #tpu.memory_space<vmem>> -> memref<128xi32, #tpu.memory_space<vmem>>
      %dma_start3A_268 = arith.constant 0 : i32
      %dma_start3A_269 = tpu.memref_slice %arg3[%dma_start3A_261, %dma_start3A_268] : memref<16x100000xf32, #tpu.memory_space<hbm>> -> memref<1x100000xf32, #tpu.memory_space<hbm>>
      %dma_start3A_270 = tpu.memref_squeeze %dma_start3A_269 : memref<1x100000xf32, #tpu.memory_space<hbm>> -> memref<100000xf32, #tpu.memory_space<hbm>>
      %dma_start3A_271 = arith.constant 0 : i32
      %dma_start3A_272 = tpu.memref_slice %dma_start3A_270[%dma_start3A_271] : memref<100000xf32, #tpu.memory_space<hbm>> -> memref<100000xf32, #tpu.memory_space<hbm>>
      tpu.enqueue_indirect_dma source(%dma_start3A_272 : memref<100000xf32, #tpu.memory_space<hbm>>) target(%dma_start3A_264 : memref<128xf32, #tpu.memory_space<vmem>>) offsets(%dma_start3A_267 : memref<128xi32, #tpu.memory_space<vmem>>) semaphore(%arg14 : memref<!tpu.dma_semaphore, #tpu.memory_space<semaphore_mem>>)
      %add3A_273 = arith.constant 13 : i32
      %add3A_274 = arith.addi %add3A_273, %scan3A_176 : i32
      %mul3A_275 = arith.constant 128 : i32
      %mul3A_276 = arith.muli %scan3A_176, %mul3A_275 : i32
      %dma_start3A_277 = arith.constant 6 : i32
      %dma_start3A_278 = arith.constant 6 : i32
      %dma_start3A_279 = tpu.memref_slice %arg11[%dma_start3A_278, %mul3A_276] : memref<16x1664xf32, #tpu.memory_space<vmem>> -> memref<1x128xf32, #tpu.memory_space<vmem>>
      %dma_start3A_280 = tpu.memref_squeeze %dma_start3A_279 : memref<1x128xf32, #tpu.memory_space<vmem>> -> memref<128xf32, #tpu.memory_space<vmem>>
      %dma_start3A_281 = arith.constant 0 : i32
      %dma_start3A_282 = tpu.memref_slice %arg8[%add3A_274, %dma_start3A_281] : memref<50x128xi32, #tpu.memory_space<vmem>> -> memref<1x128xi32, #tpu.memory_space<vmem>>
      %dma_start3A_283 = tpu.memref_squeeze %dma_start3A_282 : memref<1x128xi32, #tpu.memory_space<vmem>> -> memref<128xi32, #tpu.memory_space<vmem>>
      %dma_start3A_284 = arith.constant 0 : i32
      %dma_start3A_285 = tpu.memref_slice %arg3[%dma_start3A_277, %dma_start3A_284] : memref<16x100000xf32, #tpu.memory_space<hbm>> -> memref<1x100000xf32, #tpu.memory_space<hbm>>
      %dma_start3A_286 = tpu.memref_squeeze %dma_start3A_285 : memref<1x100000xf32, #tpu.memory_space<hbm>> -> memref<100000xf32, #tpu.memory_space<hbm>>
      %dma_start3A_287 = arith.constant 0 : i32
      %dma_start3A_288 = tpu.memref_slice %dma_start3A_286[%dma_start3A_287] : memref<100000xf32, #tpu.memory_space<hbm>> -> memref<100000xf32, #tpu.memory_space<hbm>>
      tpu.enqueue_indirect_dma source(%dma_start3A_288 : memref<100000xf32, #tpu.memory_space<hbm>>) target(%dma_start3A_280 : memref<128xf32, #tpu.memory_space<vmem>>) offsets(%dma_start3A_283 : memref<128xi32, #tpu.memory_space<vmem>>) semaphore(%arg14 : memref<!tpu.dma_semaphore, #tpu.memory_space<semaphore_mem>>)
      %add3A_289 = arith.constant 13 : i32
      %add3A_290 = arith.addi %add3A_289, %scan3A_176 : i32
      %mul3A_291 = arith.constant 128 : i32
      %mul3A_292 = arith.muli %scan3A_176, %mul3A_291 : i32
      %dma_start3A_293 = arith.constant 7 : i32
      %dma_start3A_294 = arith.constant 7 : i32
      %dma_start3A_295 = tpu.memref_slice %arg11[%dma_start3A_294, %mul3A_292] : memref<16x1664xf32, #tpu.memory_space<vmem>> -> memref<1x128xf32, #tpu.memory_space<vmem>>
      %dma_start3A_296 = tpu.memref_squeeze %dma_start3A_295 : memref<1x128xf32, #tpu.memory_space<vmem>> -> memref<128xf32, #tpu.memory_space<vmem>>
      %dma_start3A_297 = arith.constant 0 : i32
      %dma_start3A_298 = tpu.memref_slice %arg8[%add3A_290, %dma_start3A_297] : memref<50x128xi32, #tpu.memory_space<vmem>> -> memref<1x128xi32, #tpu.memory_space<vmem>>
      %dma_start3A_299 = tpu.memref_squeeze %dma_start3A_298 : memref<1x128xi32, #tpu.memory_space<vmem>> -> memref<128xi32, #tpu.memory_space<vmem>>
      %dma_start3A_300 = arith.constant 0 : i32
      %dma_start3A_301 = tpu.memref_slice %arg3[%dma_start3A_293, %dma_start3A_300] : memref<16x100000xf32, #tpu.memory_space<hbm>> -> memref<1x100000xf32, #tpu.memory_space<hbm>>
      %dma_start3A_302 = tpu.memref_squeeze %dma_start3A_301 : memref<1x100000xf32, #tpu.memory_space<hbm>> -> memref<100000xf32, #tpu.memory_space<hbm>>
      %dma_start3A_303 = arith.constant 0 : i32
      %dma_start3A_304 = tpu.memref_slice %dma_start3A_302[%dma_start3A_303] : memref<100000xf32, #tpu.memory_space<hbm>> -> memref<100000xf32, #tpu.memory_space<hbm>>
      tpu.enqueue_indirect_dma source(%dma_start3A_304 : memref<100000xf32, #tpu.memory_space<hbm>>) target(%dma_start3A_296 : memref<128xf32, #tpu.memory_space<vmem>>) offsets(%dma_start3A_299 : memref<128xi32, #tpu.memory_space<vmem>>) semaphore(%arg14 : memref<!tpu.dma_semaphore, #tpu.memory_space<semaphore_mem>>)
      %add3A_305 = arith.constant 13 : i32
      %add3A_306 = arith.addi %add3A_305, %scan3A_176 : i32
      %mul3A_307 = arith.constant 128 : i32
      %mul3A_308 = arith.muli %scan3A_176, %mul3A_307 : i32
      %dma_start3A_309 = arith.constant 8 : i32
      %dma_start3A_310 = arith.constant 8 : i32
      %dma_start3A_311 = tpu.memref_slice %arg11[%dma_start3A_310, %mul3A_308] : memref<16x1664xf32, #tpu.memory_space<vmem>> -> memref<1x128xf32, #tpu.memory_space<vmem>>
      %dma_start3A_312 = tpu.memref_squeeze %dma_start3A_311 : memref<1x128xf32, #tpu.memory_space<vmem>> -> memref<128xf32, #tpu.memory_space<vmem>>
      %dma_start3A_313 = arith.constant 0 : i32
      %dma_start3A_314 = tpu.memref_slice %arg8[%add3A_306, %dma_start3A_313] : memref<50x128xi32, #tpu.memory_space<vmem>> -> memref<1x128xi32, #tpu.memory_space<vmem>>
      %dma_start3A_315 = tpu.memref_squeeze %dma_start3A_314 : memref<1x128xi32, #tpu.memory_space<vmem>> -> memref<128xi32, #tpu.memory_space<vmem>>
      %dma_start3A_316 = arith.constant 0 : i32
      %dma_start3A_317 = tpu.memref_slice %arg3[%dma_start3A_309, %dma_start3A_316] : memref<16x100000xf32, #tpu.memory_space<hbm>> -> memref<1x100000xf32, #tpu.memory_space<hbm>>
      %dma_start3A_318 = tpu.memref_squeeze %dma_start3A_317 : memref<1x100000xf32, #tpu.memory_space<hbm>> -> memref<100000xf32, #tpu.memory_space<hbm>>
      %dma_start3A_319 = arith.constant 0 : i32
      %dma_start3A_320 = tpu.memref_slice %dma_start3A_318[%dma_start3A_319] : memref<100000xf32, #tpu.memory_space<hbm>> -> memref<100000xf32, #tpu.memory_space<hbm>>
      tpu.enqueue_indirect_dma source(%dma_start3A_320 : memref<100000xf32, #tpu.memory_space<hbm>>) target(%dma_start3A_312 : memref<128xf32, #tpu.memory_space<vmem>>) offsets(%dma_start3A_315 : memref<128xi32, #tpu.memory_space<vmem>>) semaphore(%arg14 : memref<!tpu.dma_semaphore, #tpu.memory_space<semaphore_mem>>)
      %add3A_321 = arith.constant 13 : i32
      %add3A_322 = arith.addi %add3A_321, %scan3A_176 : i32
      %mul3A_323 = arith.constant 128 : i32
      %mul3A_324 = arith.muli %scan3A_176, %mul3A_323 : i32
      %dma_start3A_325 = arith.constant 9 : i32
      %dma_start3A_326 = arith.constant 9 : i32
      %dma_start3A_327 = tpu.memref_slice %arg11[%dma_start3A_326, %mul3A_324] : memref<16x1664xf32, #tpu.memory_space<vmem>> -> memref<1x128xf32, #tpu.memory_space<vmem>>
      %dma_start3A_328 = tpu.memref_squeeze %dma_start3A_327 : memref<1x128xf32, #tpu.memory_space<vmem>> -> memref<128xf32, #tpu.memory_space<vmem>>
      %dma_start3A_329 = arith.constant 0 : i32
      %dma_start3A_330 = tpu.memref_slice %arg8[%add3A_322, %dma_start3A_329] : memref<50x128xi32, #tpu.memory_space<vmem>> -> memref<1x128xi32, #tpu.memory_space<vmem>>
      %dma_start3A_331 = tpu.memref_squeeze %dma_start3A_330 : memref<1x128xi32, #tpu.memory_space<vmem>> -> memref<128xi32, #tpu.memory_space<vmem>>
      %dma_start3A_332 = arith.constant 0 : i32
      %dma_start3A_333 = tpu.memref_slice %arg3[%dma_start3A_325, %dma_start3A_332] : memref<16x100000xf32, #tpu.memory_space<hbm>> -> memref<1x100000xf32, #tpu.memory_space<hbm>>
      %dma_start3A_334 = tpu.memref_squeeze %dma_start3A_333 : memref<1x100000xf32, #tpu.memory_space<hbm>> -> memref<100000xf32, #tpu.memory_space<hbm>>
      %dma_start3A_335 = arith.constant 0 : i32
      %dma_start3A_336 = tpu.memref_slice %dma_start3A_334[%dma_start3A_335] : memref<100000xf32, #tpu.memory_space<hbm>> -> memref<100000xf32, #tpu.memory_space<hbm>>
      tpu.enqueue_indirect_dma source(%dma_start3A_336 : memref<100000xf32, #tpu.memory_space<hbm>>) target(%dma_start3A_328 : memref<128xf32, #tpu.memory_space<vmem>>) offsets(%dma_start3A_331 : memref<128xi32, #tpu.memory_space<vmem>>) semaphore(%arg14 : memref<!tpu.dma_semaphore, #tpu.memory_space<semaphore_mem>>)
      %add3A_337 = arith.constant 13 : i32
      %add3A_338 = arith.addi %add3A_337, %scan3A_176 : i32
      %mul3A_339 = arith.constant 128 : i32
      %mul3A_340 = arith.muli %scan3A_176, %mul3A_339 : i32
      %dma_start3A_341 = arith.constant 10 : i32
      %dma_start3A_342 = arith.constant 10 : i32
      %dma_start3A_343 = tpu.memref_slice %arg11[%dma_start3A_342, %mul3A_340] : memref<16x1664xf32, #tpu.memory_space<vmem>> -> memref<1x128xf32, #tpu.memory_space<vmem>>
      %dma_start3A_344 = tpu.memref_squeeze %dma_start3A_343 : memref<1x128xf32, #tpu.memory_space<vmem>> -> memref<128xf32, #tpu.memory_space<vmem>>
      %dma_start3A_345 = arith.constant 0 : i32
      %dma_start3A_346 = tpu.memref_slice %arg8[%add3A_338, %dma_start3A_345] : memref<50x128xi32, #tpu.memory_space<vmem>> -> memref<1x128xi32, #tpu.memory_space<vmem>>
      %dma_start3A_347 = tpu.memref_squeeze %dma_start3A_346 : memref<1x128xi32, #tpu.memory_space<vmem>> -> memref<128xi32, #tpu.memory_space<vmem>>
      %dma_start3A_348 = arith.constant 0 : i32
      %dma_start3A_349 = tpu.memref_slice %arg3[%dma_start3A_341, %dma_start3A_348] : memref<16x100000xf32, #tpu.memory_space<hbm>> -> memref<1x100000xf32, #tpu.memory_space<hbm>>
      %dma_start3A_350 = tpu.memref_squeeze %dma_start3A_349 : memref<1x100000xf32, #tpu.memory_space<hbm>> -> memref<100000xf32, #tpu.memory_space<hbm>>
      %dma_start3A_351 = arith.constant 0 : i32
      %dma_start3A_352 = tpu.memref_slice %dma_start3A_350[%dma_start3A_351] : memref<100000xf32, #tpu.memory_space<hbm>> -> memref<100000xf32, #tpu.memory_space<hbm>>
      tpu.enqueue_indirect_dma source(%dma_start3A_352 : memref<100000xf32, #tpu.memory_space<hbm>>) target(%dma_start3A_344 : memref<128xf32, #tpu.memory_space<vmem>>) offsets(%dma_start3A_347 : memref<128xi32, #tpu.memory_space<vmem>>) semaphore(%arg14 : memref<!tpu.dma_semaphore, #tpu.memory_space<semaphore_mem>>)
      %add3A_353 = arith.constant 13 : i32
      %add3A_354 = arith.addi %add3A_353, %scan3A_176 : i32
      %mul3A_355 = arith.constant 128 : i32
      %mul3A_356 = arith.muli %scan3A_176, %mul3A_355 : i32
      %dma_start3A_357 = arith.constant 11 : i32
      %dma_start3A_358 = arith.constant 11 : i32
      %dma_start3A_359 = tpu.memref_slice %arg11[%dma_start3A_358, %mul3A_356] : memref<16x1664xf32, #tpu.memory_space<vmem>> -> memref<1x128xf32, #tpu.memory_space<vmem>>
      %dma_start3A_360 = tpu.memref_squeeze %dma_start3A_359 : memref<1x128xf32, #tpu.memory_space<vmem>> -> memref<128xf32, #tpu.memory_space<vmem>>
      %dma_start3A_361 = arith.constant 0 : i32
      %dma_start3A_362 = tpu.memref_slice %arg8[%add3A_354, %dma_start3A_361] : memref<50x128xi32, #tpu.memory_space<vmem>> -> memref<1x128xi32, #tpu.memory_space<vmem>>
      %dma_start3A_363 = tpu.memref_squeeze %dma_start3A_362 : memref<1x128xi32, #tpu.memory_space<vmem>> -> memref<128xi32, #tpu.memory_space<vmem>>
      %dma_start3A_364 = arith.constant 0 : i32
      %dma_start3A_365 = tpu.memref_slice %arg3[%dma_start3A_357, %dma_start3A_364] : memref<16x100000xf32, #tpu.memory_space<hbm>> -> memref<1x100000xf32, #tpu.memory_space<hbm>>
      %dma_start3A_366 = tpu.memref_squeeze %dma_start3A_365 : memref<1x100000xf32, #tpu.memory_space<hbm>> -> memref<100000xf32, #tpu.memory_space<hbm>>
      %dma_start3A_367 = arith.constant 0 : i32
      %dma_start3A_368 = tpu.memref_slice %dma_start3A_366[%dma_start3A_367] : memref<100000xf32, #tpu.memory_space<hbm>> -> memref<100000xf32, #tpu.memory_space<hbm>>
      tpu.enqueue_indirect_dma source(%dma_start3A_368 : memref<100000xf32, #tpu.memory_space<hbm>>) target(%dma_start3A_360 : memref<128xf32, #tpu.memory_space<vmem>>) offsets(%dma_start3A_363 : memref<128xi32, #tpu.memory_space<vmem>>) semaphore(%arg14 : memref<!tpu.dma_semaphore, #tpu.memory_space<semaphore_mem>>)
      %add3A_369 = arith.constant 13 : i32
      %add3A_370 = arith.addi %add3A_369, %scan3A_176 : i32
      %mul3A_371 = arith.constant 128 : i32
      %mul3A_372 = arith.muli %scan3A_176, %mul3A_371 : i32
      %dma_start3A_373 = arith.constant 12 : i32
      %dma_start3A_374 = arith.constant 12 : i32
      %dma_start3A_375 = tpu.memref_slice %arg11[%dma_start3A_374, %mul3A_372] : memref<16x1664xf32, #tpu.memory_space<vmem>> -> memref<1x128xf32, #tpu.memory_space<vmem>>
      %dma_start3A_376 = tpu.memref_squeeze %dma_start3A_375 : memref<1x128xf32, #tpu.memory_space<vmem>> -> memref<128xf32, #tpu.memory_space<vmem>>
      %dma_start3A_377 = arith.constant 0 : i32
      %dma_start3A_378 = tpu.memref_slice %arg8[%add3A_370, %dma_start3A_377] : memref<50x128xi32, #tpu.memory_space<vmem>> -> memref<1x128xi32, #tpu.memory_space<vmem>>
      %dma_start3A_379 = tpu.memref_squeeze %dma_start3A_378 : memref<1x128xi32, #tpu.memory_space<vmem>> -> memref<128xi32, #tpu.memory_space<vmem>>
      %dma_start3A_380 = arith.constant 0 : i32
      %dma_start3A_381 = tpu.memref_slice %arg3[%dma_start3A_373, %dma_start3A_380] : memref<16x100000xf32, #tpu.memory_space<hbm>> -> memref<1x100000xf32, #tpu.memory_space<hbm>>
      %dma_start3A_382 = tpu.memref_squeeze %dma_start3A_381 : memref<1x100000xf32, #tpu.memory_space<hbm>> -> memref<100000xf32, #tpu.memory_space<hbm>>
      %dma_start3A_383 = arith.constant 0 : i32
      %dma_start3A_384 = tpu.memref_slice %dma_start3A_382[%dma_start3A_383] : memref<100000xf32, #tpu.memory_space<hbm>> -> memref<100000xf32, #tpu.memory_space<hbm>>
      tpu.enqueue_indirect_dma source(%dma_start3A_384 : memref<100000xf32, #tpu.memory_space<hbm>>) target(%dma_start3A_376 : memref<128xf32, #tpu.memory_space<vmem>>) offsets(%dma_start3A_379 : memref<128xi32, #tpu.memory_space<vmem>>) semaphore(%arg14 : memref<!tpu.dma_semaphore, #tpu.memory_space<semaphore_mem>>)
      %add3A_385 = arith.constant 13 : i32
      %add3A_386 = arith.addi %add3A_385, %scan3A_176 : i32
      %mul3A_387 = arith.constant 128 : i32
      %mul3A_388 = arith.muli %scan3A_176, %mul3A_387 : i32
      %dma_start3A_389 = arith.constant 13 : i32
      %dma_start3A_390 = arith.constant 13 : i32
      %dma_start3A_391 = tpu.memref_slice %arg11[%dma_start3A_390, %mul3A_388] : memref<16x1664xf32, #tpu.memory_space<vmem>> -> memref<1x128xf32, #tpu.memory_space<vmem>>
      %dma_start3A_392 = tpu.memref_squeeze %dma_start3A_391 : memref<1x128xf32, #tpu.memory_space<vmem>> -> memref<128xf32, #tpu.memory_space<vmem>>
      %dma_start3A_393 = arith.constant 0 : i32
      %dma_start3A_394 = tpu.memref_slice %arg8[%add3A_386, %dma_start3A_393] : memref<50x128xi32, #tpu.memory_space<vmem>> -> memref<1x128xi32, #tpu.memory_space<vmem>>
      %dma_start3A_395 = tpu.memref_squeeze %dma_start3A_394 : memref<1x128xi32, #tpu.memory_space<vmem>> -> memref<128xi32, #tpu.memory_space<vmem>>
      %dma_start3A_396 = arith.constant 0 : i32
      %dma_start3A_397 = tpu.memref_slice %arg3[%dma_start3A_389, %dma_start3A_396] : memref<16x100000xf32, #tpu.memory_space<hbm>> -> memref<1x100000xf32, #tpu.memory_space<hbm>>
      %dma_start3A_398 = tpu.memref_squeeze %dma_start3A_397 : memref<1x100000xf32, #tpu.memory_space<hbm>> -> memref<100000xf32, #tpu.memory_space<hbm>>
      %dma_start3A_399 = arith.constant 0 : i32
      %dma_start3A_400 = tpu.memref_slice %dma_start3A_398[%dma_start3A_399] : memref<100000xf32, #tpu.memory_space<hbm>> -> memref<100000xf32, #tpu.memory_space<hbm>>
      tpu.enqueue_indirect_dma source(%dma_start3A_400 : memref<100000xf32, #tpu.memory_space<hbm>>) target(%dma_start3A_392 : memref<128xf32, #tpu.memory_space<vmem>>) offsets(%dma_start3A_395 : memref<128xi32, #tpu.memory_space<vmem>>) semaphore(%arg14 : memref<!tpu.dma_semaphore, #tpu.memory_space<semaphore_mem>>)
      %add3A_401 = arith.constant 13 : i32
      %add3A_402 = arith.addi %add3A_401, %scan3A_176 : i32
      %mul3A_403 = arith.constant 128 : i32
      %mul3A_404 = arith.muli %scan3A_176, %mul3A_403 : i32
      %dma_start3A_405 = arith.constant 14 : i32
      %dma_start3A_406 = arith.constant 14 : i32
      %dma_start3A_407 = tpu.memref_slice %arg11[%dma_start3A_406, %mul3A_404] : memref<16x1664xf32, #tpu.memory_space<vmem>> -> memref<1x128xf32, #tpu.memory_space<vmem>>
      %dma_start3A_408 = tpu.memref_squeeze %dma_start3A_407 : memref<1x128xf32, #tpu.memory_space<vmem>> -> memref<128xf32, #tpu.memory_space<vmem>>
      %dma_start3A_409 = arith.constant 0 : i32
      %dma_start3A_410 = tpu.memref_slice %arg8[%add3A_402, %dma_start3A_409] : memref<50x128xi32, #tpu.memory_space<vmem>> -> memref<1x128xi32, #tpu.memory_space<vmem>>
      %dma_start3A_411 = tpu.memref_squeeze %dma_start3A_410 : memref<1x128xi32, #tpu.memory_space<vmem>> -> memref<128xi32, #tpu.memory_space<vmem>>
      %dma_start3A_412 = arith.constant 0 : i32
      %dma_start3A_413 = tpu.memref_slice %arg3[%dma_start3A_405, %dma_start3A_412] : memref<16x100000xf32, #tpu.memory_space<hbm>> -> memref<1x100000xf32, #tpu.memory_space<hbm>>
      %dma_start3A_414 = tpu.memref_squeeze %dma_start3A_413 : memref<1x100000xf32, #tpu.memory_space<hbm>> -> memref<100000xf32, #tpu.memory_space<hbm>>
      %dma_start3A_415 = arith.constant 0 : i32
      %dma_start3A_416 = tpu.memref_slice %dma_start3A_414[%dma_start3A_415] : memref<100000xf32, #tpu.memory_space<hbm>> -> memref<100000xf32, #tpu.memory_space<hbm>>
      tpu.enqueue_indirect_dma source(%dma_start3A_416 : memref<100000xf32, #tpu.memory_space<hbm>>) target(%dma_start3A_408 : memref<128xf32, #tpu.memory_space<vmem>>) offsets(%dma_start3A_411 : memref<128xi32, #tpu.memory_space<vmem>>) semaphore(%arg14 : memref<!tpu.dma_semaphore, #tpu.memory_space<semaphore_mem>>)
      %add3A_417 = arith.constant 13 : i32
      %add3A_418 = arith.addi %add3A_417, %scan3A_176 : i32
      %mul3A_419 = arith.constant 128 : i32
      %mul3A_420 = arith.muli %scan3A_176, %mul3A_419 : i32
      %dma_start3A_421 = arith.constant 15 : i32
      %dma_start3A_422 = arith.constant 15 : i32
      %dma_start3A_423 = tpu.memref_slice %arg11[%dma_start3A_422, %mul3A_420] : memref<16x1664xf32, #tpu.memory_space<vmem>> -> memref<1x128xf32, #tpu.memory_space<vmem>>
      %dma_start3A_424 = tpu.memref_squeeze %dma_start3A_423 : memref<1x128xf32, #tpu.memory_space<vmem>> -> memref<128xf32, #tpu.memory_space<vmem>>
      %dma_start3A_425 = arith.constant 0 : i32
      %dma_start3A_426 = tpu.memref_slice %arg8[%add3A_418, %dma_start3A_425] : memref<50x128xi32, #tpu.memory_space<vmem>> -> memref<1x128xi32, #tpu.memory_space<vmem>>
      %dma_start3A_427 = tpu.memref_squeeze %dma_start3A_426 : memref<1x128xi32, #tpu.memory_space<vmem>> -> memref<128xi32, #tpu.memory_space<vmem>>
      %dma_start3A_428 = arith.constant 0 : i32
      %dma_start3A_429 = tpu.memref_slice %arg3[%dma_start3A_421, %dma_start3A_428] : memref<16x100000xf32, #tpu.memory_space<hbm>> -> memref<1x100000xf32, #tpu.memory_space<hbm>>
      %dma_start3A_430 = tpu.memref_squeeze %dma_start3A_429 : memref<1x100000xf32, #tpu.memory_space<hbm>> -> memref<100000xf32, #tpu.memory_space<hbm>>
      %dma_start3A_431 = arith.constant 0 : i32
      %dma_start3A_432 = tpu.memref_slice %dma_start3A_430[%dma_start3A_431] : memref<100000xf32, #tpu.memory_space<hbm>> -> memref<100000xf32, #tpu.memory_space<hbm>>
      tpu.enqueue_indirect_dma source(%dma_start3A_432 : memref<100000xf32, #tpu.memory_space<hbm>>) target(%dma_start3A_424 : memref<128xf32, #tpu.memory_space<vmem>>) offsets(%dma_start3A_427 : memref<128xi32, #tpu.memory_space<vmem>>) semaphore(%arg14 : memref<!tpu.dma_semaphore, #tpu.memory_space<semaphore_mem>>)
    }
    %scan3A_33 = arith.constant 13 : i32
    %scan3A_34 = arith.constant 0 : i32
    %scan3A_35 = arith.constant 0 : i32
    %scan3A_36 = arith.constant 128 : i32
    %scan3A_37 = arith.addi %scan3A_35, %scan3A_36 : i32
    %scan3A_38 = arith.constant 1 : i32
    scf.for %scan3A_176 = %scan3A_35 to %scan3A_37 step %scan3A_38  : i32 {
      %jit3A = arith.constant 8 : i32
      %div3A = arith.divsi %scan3A_176, %jit3A : i32
      %sign3A = arith.constant 0 : i32
      %sign3A_177 = arith.cmpi sgt, %scan3A_176, %sign3A : i32
      %sign3A_178 = arith.extui %sign3A_177 : i1 to i32
      %sign3A_179 = arith.constant 0 : i32
      %sign3A_180 = arith.cmpi slt, %scan3A_176, %sign3A_179 : i32
      %sign3A_181 = arith.extui %sign3A_180 : i1 to i32
      %sign3A_182 = arith.subi %sign3A_178, %sign3A_181 : i32
      %sign3A_183 = arith.constant 0 : i32
      %sign3A_184 = arith.cmpi sgt, %jit3A, %sign3A_183 : i32
      %sign3A_185 = arith.extui %sign3A_184 : i1 to i32
      %sign3A_186 = arith.constant 0 : i32
      %sign3A_187 = arith.cmpi slt, %jit3A, %sign3A_186 : i32
      %sign3A_188 = arith.extui %sign3A_187 : i1 to i32
      %sign3A_189 = arith.subi %sign3A_185, %sign3A_188 : i32
      %ne3A = arith.cmpi ne, %sign3A_182, %sign3A_189 : i32
      %rem3A = arith.remsi %scan3A_176, %jit3A : i32
      %ne3A_190 = arith.constant 0 : i32
      %ne3A_191 = arith.cmpi ne, %rem3A, %ne3A_190 : i32
      %and3A = arith.andi %ne3A, %ne3A_191 : i1
      %sub3A = arith.constant 1 : i32
      %sub3A_192 = arith.subi %div3A, %sub3A : i32
      %select_n3A = arith.select %and3A, %sub3A_192, %div3A : i32
      %jit3A_193 = arith.constant 8 : i32
      %eq3A = arith.constant 0 : i32
      %eq3A_194 = arith.cmpi eq, %jit3A_193, %eq3A : i32
      %jit3A_195 = arith.constant 1 : i32
      %select_n3A_196 = arith.select %eq3A_194, %jit3A_195, %jit3A_193 : i32
      %rem3A_197 = arith.remsi %scan3A_176, %select_n3A_196 : i32
      %ne3A_198 = arith.constant 0 : i32
      %ne3A_199 = arith.cmpi ne, %rem3A_197, %ne3A_198 : i32
      %lt3A = arith.constant 0 : i32
      %lt3A_200 = arith.cmpi slt, %rem3A_197, %lt3A : i32
      %lt3A_201 = arith.constant 0 : i32
      %lt3A_202 = arith.cmpi slt, %select_n3A_196, %lt3A_201 : i32
      %ne3A_203 = arith.xori %lt3A_200, %lt3A_202 : i1
      %and3A_204 = arith.andi %ne3A_203, %ne3A_199 : i1
      %add3A_205 = arith.addi %rem3A_197, %select_n3A_196 : i32
      %select_n3A_206 = arith.select %and3A_204, %add3A_205, %rem3A_197 : i32
      %mul3A_207 = arith.constant 16 : i32
      %mul3A_208 = arith.muli %select_n3A_206, %mul3A_207 : i32
      %broadcast_in_dim3A = arith.constant 0.000000e+00 : f32
      %broadcast_in_dim3A_209 = vector.broadcast %broadcast_in_dim3A : f32 to vector<16xf32>
      %add3A_210 = arith.constant 416 : i32
      %add3A_211 = arith.addi %add3A_210, %select_n3A : i32
      %swap3A = arith.index_cast %add3A_211 : i32 to index
      %swap3A_212 = arith.index_cast %mul3A_208 : i32 to index
      %swap3A_213 = tpu.vector_load %arg9[%swap3A, %swap3A_212] {strides = array<i32>} : memref<432x128xf32, #tpu.memory_space<vmem>>, vector<1x16xf32>,
      %swap3A_214 = vector.shape_cast %swap3A_213 : vector<1x16xf32> to vector<16xf32>
      %swap3A_215 = vector.shape_cast %broadcast_in_dim3A_209 : vector<16xf32> to vector<1x16xf32>
      tpu.vector_store %arg9[%swap3A, %swap3A_212], %swap3A_215 {strides = array<i32>} : memref<432x128xf32, #tpu.memory_space<vmem>>, vector<1x16xf32>,
      %broadcast_in_dim3A_216 = arith.constant 0.000000e+00 : f32
      %broadcast_in_dim3A_217 = vector.broadcast %broadcast_in_dim3A_216 : f32 to vector<16xf32>
      %swap3A_218 = arith.index_cast %select_n3A : i32 to index
      %swap3A_219 = arith.index_cast %mul3A_208 : i32 to index
      %swap3A_220 = tpu.vector_load %arg12[%swap3A_218, %swap3A_219] {strides = array<i32>} : memref<16x128xf32, #tpu.memory_space<vmem>>, vector<1x16xf32>,
      %swap3A_221 = vector.shape_cast %swap3A_220 : vector<1x16xf32> to vector<16xf32>
      %swap3A_222 = vector.shape_cast %broadcast_in_dim3A_217 : vector<16xf32> to vector<1x16xf32>
      tpu.vector_store %arg12[%swap3A_218, %swap3A_219], %swap3A_222 {strides = array<i32>} : memref<16x128xf32, #tpu.memory_space<vmem>>, vector<1x16xf32>,
    }
    %scan3A_39 = arith.constant 128 : i32
    %dma_wait3A_40 = arith.constant 0 : i32
    %dma_wait3A_41 = arith.constant 0 : i32
    %dma_wait3A_42 = tpu.memref_slice %arg10[%dma_wait3A_40, %dma_wait3A_41] : memref<16x1664xf32, #tpu.memory_space<vmem>> -> memref<16x1664xf32, #tpu.memory_space<vmem>>
    %dma_wait3A_43 = arith.constant 0 : i32
    %dma_wait3A_44 = arith.constant 0 : i32
    %dma_wait3A_45 = tpu.memref_slice %arg3[%dma_wait3A_43, %dma_wait3A_44] : memref<16x100000xf32, #tpu.memory_space<hbm>> -> memref<16x1664xf32, #tpu.memory_space<hbm>>
    %dma_wait3A_46 = arith.constant 0 : i32
    %dma_wait3A_47 = arith.constant 0 : i32
    %dma_wait3A_48 = tpu.memref_slice %arg10[%dma_wait3A_46, %dma_wait3A_47] : memref<16x1664xf32, #tpu.memory_space<vmem>> -> memref<16x1664xf32, #tpu.memory_space<vmem>>
    %dma_wait3A_49 = arith.constant 0 : i32
    %dma_wait3A_50 = arith.constant 0 : i32
    %dma_wait3A_51 = tpu.memref_slice %arg3[%dma_wait3A_49, %dma_wait3A_50] : memref<16x100000xf32, #tpu.memory_space<hbm>> -> memref<16x1664xf32, #tpu.memory_space<hbm>>
    tpu.wait_dma2 semaphore(%arg14 : memref<!tpu.dma_semaphore, #tpu.memory_space<semaphore_mem>>) src(%dma_wait3A_51 : memref<16x1664xf32, #tpu.memory_space<hbm>>) dst(%dma_wait3A_48 : memref<16x1664xf32, #tpu.memory_space<vmem>>)
    %scan3A_52 = arith.constant 0 : i32
    %scan3A_53 = arith.constant 0 : i32
    %scan3A_54 = arith.constant 128 : i32
    %scan3A_55 = arith.addi %scan3A_53, %scan3A_54 : i32
    %scan3A_56 = arith.constant 1 : i32
    scf.for %scan3A_176 = %scan3A_53 to %scan3A_55 step %scan3A_56  : i32 {
      %jit3A = arith.constant 8 : i32
      %div3A = arith.divsi %scan3A_176, %jit3A : i32
      %sign3A = arith.constant 0 : i32
      %sign3A_177 = arith.cmpi sgt, %scan3A_176, %sign3A : i32
      %sign3A_178 = arith.extui %sign3A_177 : i1 to i32
      %sign3A_179 = arith.constant 0 : i32
      %sign3A_180 = arith.cmpi slt, %scan3A_176, %sign3A_179 : i32
      %sign3A_181 = arith.extui %sign3A_180 : i1 to i32
      %sign3A_182 = arith.subi %sign3A_178, %sign3A_181 : i32
      %sign3A_183 = arith.constant 0 : i32
      %sign3A_184 = arith.cmpi sgt, %jit3A, %sign3A_183 : i32
      %sign3A_185 = arith.extui %sign3A_184 : i1 to i32
      %sign3A_186 = arith.constant 0 : i32
      %sign3A_187 = arith.cmpi slt, %jit3A, %sign3A_186 : i32
      %sign3A_188 = arith.extui %sign3A_187 : i1 to i32
      %sign3A_189 = arith.subi %sign3A_185, %sign3A_188 : i32
      %ne3A = arith.cmpi ne, %sign3A_182, %sign3A_189 : i32
      %rem3A = arith.remsi %scan3A_176, %jit3A : i32
      %ne3A_190 = arith.constant 0 : i32
      %ne3A_191 = arith.cmpi ne, %rem3A, %ne3A_190 : i32
      %and3A = arith.andi %ne3A, %ne3A_191 : i1
      %sub3A = arith.constant 1 : i32
      %sub3A_192 = arith.subi %div3A, %sub3A : i32
      %select_n3A = arith.select %and3A, %sub3A_192, %div3A : i32
      %jit3A_193 = arith.constant 8 : i32
      %eq3A = arith.constant 0 : i32
      %eq3A_194 = arith.cmpi eq, %jit3A_193, %eq3A : i32
      %jit3A_195 = arith.constant 1 : i32
      %select_n3A_196 = arith.select %eq3A_194, %jit3A_195, %jit3A_193 : i32
      %rem3A_197 = arith.remsi %scan3A_176, %select_n3A_196 : i32
      %ne3A_198 = arith.constant 0 : i32
      %ne3A_199 = arith.cmpi ne, %rem3A_197, %ne3A_198 : i32
      %lt3A = arith.constant 0 : i32
      %lt3A_200 = arith.cmpi slt, %rem3A_197, %lt3A : i32
      %lt3A_201 = arith.constant 0 : i32
      %lt3A_202 = arith.cmpi slt, %select_n3A_196, %lt3A_201 : i32
      %ne3A_203 = arith.xori %lt3A_200, %lt3A_202 : i1
      %and3A_204 = arith.andi %ne3A_203, %ne3A_199 : i1
      %add3A_205 = arith.addi %rem3A_197, %select_n3A_196 : i32
      %select_n3A_206 = arith.select %and3A_204, %add3A_205, %rem3A_197 : i32
      %mul3A_207 = arith.constant 16 : i32
      %mul3A_208 = arith.muli %select_n3A_206, %mul3A_207 : i32
      %add3A_209 = arith.constant 416 : i32
      %add3A_210 = arith.addi %add3A_209, %select_n3A : i32
      %get3A = arith.index_cast %add3A_210 : i32 to index
      %get3A_211 = arith.index_cast %mul3A_208 : i32 to index
      %get3A_212 = tpu.vector_load %arg9[%get3A, %get3A_211] {strides = array<i32>} : memref<432x128xf32, #tpu.memory_space<vmem>>, vector<1x16xf32>,
      %get3A_213 = vector.shape_cast %get3A_212 : vector<1x16xf32> to vector<16xf32>
      %get3A_214 = arith.index_cast %select_n3A : i32 to index
      %get3A_215 = arith.index_cast %mul3A_208 : i32 to index
      %get3A_216 = tpu.vector_load %arg12[%get3A_214, %get3A_215] {strides = array<i32>} : memref<16x128xf32, #tpu.memory_space<vmem>>, vector<1x16xf32>,
      %get3A_217 = vector.shape_cast %get3A_216 : vector<1x16xf32> to vector<16xf32>
      %add3A_218 = arith.constant 0 : i32
      %add3A_219 = arith.addi %add3A_218, %mul3A_208 : i32
      %get3A_220 = arith.index_cast %select_n3A : i32 to index
      %get3A_221 = arith.index_cast %add3A_219 : i32 to index
      %get3A_222 = tpu.vector_load %arg10[%get3A_220, %get3A_221] {strides = array<i32>} : memref<16x1664xf32, #tpu.memory_space<vmem>>, vector<1x16xf32>,
      %get3A_223 = vector.shape_cast %get3A_222 : vector<1x16xf32> to vector<16xf32>
      %add3A_224 = arith.addf %get3A_213, %get3A_223 : vector<16xf32>
      %ne3A_225 = arith.constant 0.000000e+00 : f32
      %ne3A_226 = vector.broadcast %ne3A_225 : f32 to vector<16xf32>
      %ne3A_227 = arith.cmpf one, %get3A_223, %ne3A_226 : vector<16xf32>
      %jit3A_228 = arith.constant 1.000000e+00 : f32
      %jit3A_229 = arith.constant 0.000000e+00 : f32
      %broadcast_in_dim3A = vector.broadcast %jit3A_228 : f32 to vector<16xf32>
      %broadcast_in_dim3A_230 = vector.broadcast %jit3A_229 : f32 to vector<16xf32>
      %select_n3A_231 = arith.select %ne3A_227, %broadcast_in_dim3A, %broadcast_in_dim3A_230 : vector<16xi1>, vector<16xf32>
      %add3A_232 = arith.addf %get3A_217, %select_n3A_231 : vector<16xf32>
      %add3A_233 = arith.constant 128 : i32
      %add3A_234 = arith.addi %add3A_233, %mul3A_208 : i32
      %get3A_235 = arith.index_cast %select_n3A : i32 to index
      %get3A_236 = arith.index_cast %add3A_234 : i32 to index
      %get3A_237 = tpu.vector_load %arg10[%get3A_235, %get3A_236] {strides = array<i32>} : memref<16x1664xf32, #tpu.memory_space<vmem>>, vector<1x16xf32>,
      %get3A_238 = vector.shape_cast %get3A_237 : vector<1x16xf32> to vector<16xf32>
      %add3A_239 = arith.addf %add3A_224, %get3A_238 : vector<16xf32>
      %ne3A_240 = arith.constant 0.000000e+00 : f32
      %ne3A_241 = vector.broadcast %ne3A_240 : f32 to vector<16xf32>
      %ne3A_242 = arith.cmpf one, %get3A_238, %ne3A_241 : vector<16xf32>
      %jit3A_243 = arith.constant 1.000000e+00 : f32
      %jit3A_244 = arith.constant 0.000000e+00 : f32
      %broadcast_in_dim3A_245 = vector.broadcast %jit3A_243 : f32 to vector<16xf32>
      %broadcast_in_dim3A_246 = vector.broadcast %jit3A_244 : f32 to vector<16xf32>
      %select_n3A_247 = arith.select %ne3A_242, %broadcast_in_dim3A_245, %broadcast_in_dim3A_246 : vector<16xi1>, vector<16xf32>
      %add3A_248 = arith.addf %add3A_232, %select_n3A_247 : vector<16xf32>
      %add3A_249 = arith.constant 256 : i32
      %add3A_250 = arith.addi %add3A_249, %mul3A_208 : i32
      %get3A_251 = arith.index_cast %select_n3A : i32 to index
      %get3A_252 = arith.index_cast %add3A_250 : i32 to index
      %get3A_253 = tpu.vector_load %arg10[%get3A_251, %get3A_252] {strides = array<i32>} : memref<16x1664xf32, #tpu.memory_space<vmem>>, vector<1x16xf32>,
      %get3A_254 = vector.shape_cast %get3A_253 : vector<1x16xf32> to vector<16xf32>
      %add3A_255 = arith.addf %add3A_239, %get3A_254 : vector<16xf32>
      %ne3A_256 = arith.constant 0.000000e+00 : f32
      %ne3A_257 = vector.broadcast %ne3A_256 : f32 to vector<16xf32>
      %ne3A_258 = arith.cmpf one, %get3A_254, %ne3A_257 : vector<16xf32>
      %jit3A_259 = arith.constant 1.000000e+00 : f32
      %jit3A_260 = arith.constant 0.000000e+00 : f32
      %broadcast_in_dim3A_261 = vector.broadcast %jit3A_259 : f32 to vector<16xf32>
      %broadcast_in_dim3A_262 = vector.broadcast %jit3A_260 : f32 to vector<16xf32>
      %select_n3A_263 = arith.select %ne3A_258, %broadcast_in_dim3A_261, %broadcast_in_dim3A_262 : vector<16xi1>, vector<16xf32>
      %add3A_264 = arith.addf %add3A_248, %select_n3A_263 : vector<16xf32>
      %add3A_265 = arith.constant 384 : i32
      %add3A_266 = arith.addi %add3A_265, %mul3A_208 : i32
      %get3A_267 = arith.index_cast %select_n3A : i32 to index
      %get3A_268 = arith.index_cast %add3A_266 : i32 to index
      %get3A_269 = tpu.vector_load %arg10[%get3A_267, %get3A_268] {strides = array<i32>} : memref<16x1664xf32, #tpu.memory_space<vmem>>, vector<1x16xf32>,
      %get3A_270 = vector.shape_cast %get3A_269 : vector<1x16xf32> to vector<16xf32>
      %add3A_271 = arith.addf %add3A_255, %get3A_270 : vector<16xf32>
      %ne3A_272 = arith.constant 0.000000e+00 : f32
      %ne3A_273 = vector.broadcast %ne3A_272 : f32 to vector<16xf32>
      %ne3A_274 = arith.cmpf one, %get3A_270, %ne3A_273 : vector<16xf32>
      %jit3A_275 = arith.constant 1.000000e+00 : f32
      %jit3A_276 = arith.constant 0.000000e+00 : f32
      %broadcast_in_dim3A_277 = vector.broadcast %jit3A_275 : f32 to vector<16xf32>
      %broadcast_in_dim3A_278 = vector.broadcast %jit3A_276 : f32 to vector<16xf32>
      %select_n3A_279 = arith.select %ne3A_274, %broadcast_in_dim3A_277, %broadcast_in_dim3A_278 : vector<16xi1>, vector<16xf32>
      %add3A_280 = arith.addf %add3A_264, %select_n3A_279 : vector<16xf32>
      %add3A_281 = arith.constant 512 : i32
      %add3A_282 = arith.addi %add3A_281, %mul3A_208 : i32
      %get3A_283 = arith.index_cast %select_n3A : i32 to index
      %get3A_284 = arith.index_cast %add3A_282 : i32 to index
      %get3A_285 = tpu.vector_load %arg10[%get3A_283, %get3A_284] {strides = array<i32>} : memref<16x1664xf32, #tpu.memory_space<vmem>>, vector<1x16xf32>,
      %get3A_286 = vector.shape_cast %get3A_285 : vector<1x16xf32> to vector<16xf32>
      %add3A_287 = arith.addf %add3A_271, %get3A_286 : vector<16xf32>
      %ne3A_288 = arith.constant 0.000000e+00 : f32
      %ne3A_289 = vector.broadcast %ne3A_288 : f32 to vector<16xf32>
      %ne3A_290 = arith.cmpf one, %get3A_286, %ne3A_289 : vector<16xf32>
      %jit3A_291 = arith.constant 1.000000e+00 : f32
      %jit3A_292 = arith.constant 0.000000e+00 : f32
      %broadcast_in_dim3A_293 = vector.broadcast %jit3A_291 : f32 to vector<16xf32>
      %broadcast_in_dim3A_294 = vector.broadcast %jit3A_292 : f32 to vector<16xf32>
      %select_n3A_295 = arith.select %ne3A_290, %broadcast_in_dim3A_293, %broadcast_in_dim3A_294 : vector<16xi1>, vector<16xf32>
      %add3A_296 = arith.addf %add3A_280, %select_n3A_295 : vector<16xf32>
      %add3A_297 = arith.constant 640 : i32
      %add3A_298 = arith.addi %add3A_297, %mul3A_208 : i32
      %get3A_299 = arith.index_cast %select_n3A : i32 to index
      %get3A_300 = arith.index_cast %add3A_298 : i32 to index
      %get3A_301 = tpu.vector_load %arg10[%get3A_299, %get3A_300] {strides = array<i32>} : memref<16x1664xf32, #tpu.memory_space<vmem>>, vector<1x16xf32>,
      %get3A_302 = vector.shape_cast %get3A_301 : vector<1x16xf32> to vector<16xf32>
      %add3A_303 = arith.addf %add3A_287, %get3A_302 : vector<16xf32>
      %ne3A_304 = arith.constant 0.000000e+00 : f32
      %ne3A_305 = vector.broadcast %ne3A_304 : f32 to vector<16xf32>
      %ne3A_306 = arith.cmpf one, %get3A_302, %ne3A_305 : vector<16xf32>
      %jit3A_307 = arith.constant 1.000000e+00 : f32
      %jit3A_308 = arith.constant 0.000000e+00 : f32
      %broadcast_in_dim3A_309 = vector.broadcast %jit3A_307 : f32 to vector<16xf32>
      %broadcast_in_dim3A_310 = vector.broadcast %jit3A_308 : f32 to vector<16xf32>
      %select_n3A_311 = arith.select %ne3A_306, %broadcast_in_dim3A_309, %broadcast_in_dim3A_310 : vector<16xi1>, vector<16xf32>
      %add3A_312 = arith.addf %add3A_296, %select_n3A_311 : vector<16xf32>
      %add3A_313 = arith.constant 768 : i32
      %add3A_314 = arith.addi %add3A_313, %mul3A_208 : i32
      %get3A_315 = arith.index_cast %select_n3A : i32 to index
      %get3A_316 = arith.index_cast %add3A_314 : i32 to index
      %get3A_317 = tpu.vector_load %arg10[%get3A_315, %get3A_316] {strides = array<i32>} : memref<16x1664xf32, #tpu.memory_space<vmem>>, vector<1x16xf32>,
      %get3A_318 = vector.shape_cast %get3A_317 : vector<1x16xf32> to vector<16xf32>
      %add3A_319 = arith.addf %add3A_303, %get3A_318 : vector<16xf32>
      %ne3A_320 = arith.constant 0.000000e+00 : f32
      %ne3A_321 = vector.broadcast %ne3A_320 : f32 to vector<16xf32>
      %ne3A_322 = arith.cmpf one, %get3A_318, %ne3A_321 : vector<16xf32>
      %jit3A_323 = arith.constant 1.000000e+00 : f32
      %jit3A_324 = arith.constant 0.000000e+00 : f32
      %broadcast_in_dim3A_325 = vector.broadcast %jit3A_323 : f32 to vector<16xf32>
      %broadcast_in_dim3A_326 = vector.broadcast %jit3A_324 : f32 to vector<16xf32>
      %select_n3A_327 = arith.select %ne3A_322, %broadcast_in_dim3A_325, %broadcast_in_dim3A_326 : vector<16xi1>, vector<16xf32>
      %add3A_328 = arith.addf %add3A_312, %select_n3A_327 : vector<16xf32>
      %add3A_329 = arith.constant 896 : i32
      %add3A_330 = arith.addi %add3A_329, %mul3A_208 : i32
      %get3A_331 = arith.index_cast %select_n3A : i32 to index
      %get3A_332 = arith.index_cast %add3A_330 : i32 to index
      %get3A_333 = tpu.vector_load %arg10[%get3A_331, %get3A_332] {strides = array<i32>} : memref<16x1664xf32, #tpu.memory_space<vmem>>, vector<1x16xf32>,
      %get3A_334 = vector.shape_cast %get3A_333 : vector<1x16xf32> to vector<16xf32>
      %add3A_335 = arith.addf %add3A_319, %get3A_334 : vector<16xf32>
      %ne3A_336 = arith.constant 0.000000e+00 : f32
      %ne3A_337 = vector.broadcast %ne3A_336 : f32 to vector<16xf32>
      %ne3A_338 = arith.cmpf one, %get3A_334, %ne3A_337 : vector<16xf32>
      %jit3A_339 = arith.constant 1.000000e+00 : f32
      %jit3A_340 = arith.constant 0.000000e+00 : f32
      %broadcast_in_dim3A_341 = vector.broadcast %jit3A_339 : f32 to vector<16xf32>
      %broadcast_in_dim3A_342 = vector.broadcast %jit3A_340 : f32 to vector<16xf32>
      %select_n3A_343 = arith.select %ne3A_338, %broadcast_in_dim3A_341, %broadcast_in_dim3A_342 : vector<16xi1>, vector<16xf32>
      %add3A_344 = arith.addf %add3A_328, %select_n3A_343 : vector<16xf32>
      %add3A_345 = arith.constant 1024 : i32
      %add3A_346 = arith.addi %add3A_345, %mul3A_208 : i32
      %get3A_347 = arith.index_cast %select_n3A : i32 to index
      %get3A_348 = arith.index_cast %add3A_346 : i32 to index
      %get3A_349 = tpu.vector_load %arg10[%get3A_347, %get3A_348] {strides = array<i32>} : memref<16x1664xf32, #tpu.memory_space<vmem>>, vector<1x16xf32>,
      %get3A_350 = vector.shape_cast %get3A_349 : vector<1x16xf32> to vector<16xf32>
      %add3A_351 = arith.addf %add3A_335, %get3A_350 : vector<16xf32>
      %ne3A_352 = arith.constant 0.000000e+00 : f32
      %ne3A_353 = vector.broadcast %ne3A_352 : f32 to vector<16xf32>
      %ne3A_354 = arith.cmpf one, %get3A_350, %ne3A_353 : vector<16xf32>
      %jit3A_355 = arith.constant 1.000000e+00 : f32
      %jit3A_356 = arith.constant 0.000000e+00 : f32
      %broadcast_in_dim3A_357 = vector.broadcast %jit3A_355 : f32 to vector<16xf32>
      %broadcast_in_dim3A_358 = vector.broadcast %jit3A_356 : f32 to vector<16xf32>
      %select_n3A_359 = arith.select %ne3A_354, %broadcast_in_dim3A_357, %broadcast_in_dim3A_358 : vector<16xi1>, vector<16xf32>
      %add3A_360 = arith.addf %add3A_344, %select_n3A_359 : vector<16xf32>
      %add3A_361 = arith.constant 1152 : i32
      %add3A_362 = arith.addi %add3A_361, %mul3A_208 : i32
      %get3A_363 = arith.index_cast %select_n3A : i32 to index
      %get3A_364 = arith.index_cast %add3A_362 : i32 to index
      %get3A_365 = tpu.vector_load %arg10[%get3A_363, %get3A_364] {strides = array<i32>} : memref<16x1664xf32, #tpu.memory_space<vmem>>, vector<1x16xf32>,
      %get3A_366 = vector.shape_cast %get3A_365 : vector<1x16xf32> to vector<16xf32>
      %add3A_367 = arith.addf %add3A_351, %get3A_366 : vector<16xf32>
      %ne3A_368 = arith.constant 0.000000e+00 : f32
      %ne3A_369 = vector.broadcast %ne3A_368 : f32 to vector<16xf32>
      %ne3A_370 = arith.cmpf one, %get3A_366, %ne3A_369 : vector<16xf32>
      %jit3A_371 = arith.constant 1.000000e+00 : f32
      %jit3A_372 = arith.constant 0.000000e+00 : f32
      %broadcast_in_dim3A_373 = vector.broadcast %jit3A_371 : f32 to vector<16xf32>
      %broadcast_in_dim3A_374 = vector.broadcast %jit3A_372 : f32 to vector<16xf32>
      %select_n3A_375 = arith.select %ne3A_370, %broadcast_in_dim3A_373, %broadcast_in_dim3A_374 : vector<16xi1>, vector<16xf32>
      %add3A_376 = arith.addf %add3A_360, %select_n3A_375 : vector<16xf32>
      %add3A_377 = arith.constant 1280 : i32
      %add3A_378 = arith.addi %add3A_377, %mul3A_208 : i32
      %get3A_379 = arith.index_cast %select_n3A : i32 to index
      %get3A_380 = arith.index_cast %add3A_378 : i32 to index
      %get3A_381 = tpu.vector_load %arg10[%get3A_379, %get3A_380] {strides = array<i32>} : memref<16x1664xf32, #tpu.memory_space<vmem>>, vector<1x16xf32>,
      %get3A_382 = vector.shape_cast %get3A_381 : vector<1x16xf32> to vector<16xf32>
      %add3A_383 = arith.addf %add3A_367, %get3A_382 : vector<16xf32>
      %ne3A_384 = arith.constant 0.000000e+00 : f32
      %ne3A_385 = vector.broadcast %ne3A_384 : f32 to vector<16xf32>
      %ne3A_386 = arith.cmpf one, %get3A_382, %ne3A_385 : vector<16xf32>
      %jit3A_387 = arith.constant 1.000000e+00 : f32
      %jit3A_388 = arith.constant 0.000000e+00 : f32
      %broadcast_in_dim3A_389 = vector.broadcast %jit3A_387 : f32 to vector<16xf32>
      %broadcast_in_dim3A_390 = vector.broadcast %jit3A_388 : f32 to vector<16xf32>
      %select_n3A_391 = arith.select %ne3A_386, %broadcast_in_dim3A_389, %broadcast_in_dim3A_390 : vector<16xi1>, vector<16xf32>
      %add3A_392 = arith.addf %add3A_376, %select_n3A_391 : vector<16xf32>
      %add3A_393 = arith.constant 1408 : i32
      %add3A_394 = arith.addi %add3A_393, %mul3A_208 : i32
      %get3A_395 = arith.index_cast %select_n3A : i32 to index
      %get3A_396 = arith.index_cast %add3A_394 : i32 to index
      %get3A_397 = tpu.vector_load %arg10[%get3A_395, %get3A_396] {strides = array<i32>} : memref<16x1664xf32, #tpu.memory_space<vmem>>, vector<1x16xf32>,
      %get3A_398 = vector.shape_cast %get3A_397 : vector<1x16xf32> to vector<16xf32>
      %add3A_399 = arith.addf %add3A_383, %get3A_398 : vector<16xf32>
      %ne3A_400 = arith.constant 0.000000e+00 : f32
      %ne3A_401 = vector.broadcast %ne3A_400 : f32 to vector<16xf32>
      %ne3A_402 = arith.cmpf one, %get3A_398, %ne3A_401 : vector<16xf32>
      %jit3A_403 = arith.constant 1.000000e+00 : f32
      %jit3A_404 = arith.constant 0.000000e+00 : f32
      %broadcast_in_dim3A_405 = vector.broadcast %jit3A_403 : f32 to vector<16xf32>
      %broadcast_in_dim3A_406 = vector.broadcast %jit3A_404 : f32 to vector<16xf32>
      %select_n3A_407 = arith.select %ne3A_402, %broadcast_in_dim3A_405, %broadcast_in_dim3A_406 : vector<16xi1>, vector<16xf32>
      %add3A_408 = arith.addf %add3A_392, %select_n3A_407 : vector<16xf32>
      %add3A_409 = arith.constant 1536 : i32
      %add3A_410 = arith.addi %add3A_409, %mul3A_208 : i32
      %get3A_411 = arith.index_cast %select_n3A : i32 to index
      %get3A_412 = arith.index_cast %add3A_410 : i32 to index
      %get3A_413 = tpu.vector_load %arg10[%get3A_411, %get3A_412] {strides = array<i32>} : memref<16x1664xf32, #tpu.memory_space<vmem>>, vector<1x16xf32>,
      %get3A_414 = vector.shape_cast %get3A_413 : vector<1x16xf32> to vector<16xf32>
      %add3A_415 = arith.addf %add3A_399, %get3A_414 : vector<16xf32>
      %ne3A_416 = arith.constant 0.000000e+00 : f32
      %ne3A_417 = vector.broadcast %ne3A_416 : f32 to vector<16xf32>
      %ne3A_418 = arith.cmpf one, %get3A_414, %ne3A_417 : vector<16xf32>
      %jit3A_419 = arith.constant 1.000000e+00 : f32
      %jit3A_420 = arith.constant 0.000000e+00 : f32
      %broadcast_in_dim3A_421 = vector.broadcast %jit3A_419 : f32 to vector<16xf32>
      %broadcast_in_dim3A_422 = vector.broadcast %jit3A_420 : f32 to vector<16xf32>
      %select_n3A_423 = arith.select %ne3A_418, %broadcast_in_dim3A_421, %broadcast_in_dim3A_422 : vector<16xi1>, vector<16xf32>
      %add3A_424 = arith.addf %add3A_408, %select_n3A_423 : vector<16xf32>
      %add3A_425 = arith.constant 416 : i32
      %add3A_426 = arith.addi %add3A_425, %select_n3A : i32
      %swap3A = arith.index_cast %add3A_426 : i32 to index
      %swap3A_427 = arith.index_cast %mul3A_208 : i32 to index
      %swap3A_428 = tpu.vector_load %arg9[%swap3A, %swap3A_427] {strides = array<i32>} : memref<432x128xf32, #tpu.memory_space<vmem>>, vector<1x16xf32>,
      %swap3A_429 = vector.shape_cast %swap3A_428 : vector<1x16xf32> to vector<16xf32>
      %swap3A_430 = vector.shape_cast %add3A_415 : vector<16xf32> to vector<1x16xf32>
      tpu.vector_store %arg9[%swap3A, %swap3A_427], %swap3A_430 {strides = array<i32>} : memref<432x128xf32, #tpu.memory_space<vmem>>, vector<1x16xf32>,
      %swap3A_431 = arith.index_cast %select_n3A : i32 to index
      %swap3A_432 = arith.index_cast %mul3A_208 : i32 to index
      %swap3A_433 = tpu.vector_load %arg12[%swap3A_431, %swap3A_432] {strides = array<i32>} : memref<16x128xf32, #tpu.memory_space<vmem>>, vector<1x16xf32>,
      %swap3A_434 = vector.shape_cast %swap3A_433 : vector<1x16xf32> to vector<16xf32>
      %swap3A_435 = vector.shape_cast %add3A_424 : vector<16xf32> to vector<1x16xf32>
      tpu.vector_store %arg12[%swap3A_431, %swap3A_432], %swap3A_435 {strides = array<i32>} : memref<16x128xf32, #tpu.memory_space<vmem>>, vector<1x16xf32>,
    }
    %scan3A_57 = arith.constant 128 : i32
    %scan3A_58 = arith.constant 0 : i32
    %scan3A_59 = arith.constant 0 : i32
    %scan3A_60 = arith.constant 12 : i32
    %scan3A_61 = arith.addi %scan3A_59, %scan3A_60 : i32
    %scan3A_62 = arith.constant 1 : i32
    scf.for %scan3A_176 = %scan3A_59 to %scan3A_61 step %scan3A_62  : i32 {
      %add3A_177 = arith.constant 26 : i32
      %add3A_178 = arith.addi %add3A_177, %scan3A_176 : i32
      %mul3A_179 = arith.constant 128 : i32
      %mul3A_180 = arith.muli %scan3A_176, %mul3A_179 : i32
      %dma_start3A_181 = arith.constant 0 : i32
      %dma_start3A_182 = arith.constant 0 : i32
      %dma_start3A_183 = tpu.memref_slice %arg10[%dma_start3A_182, %mul3A_180] : memref<16x1664xf32, #tpu.memory_space<vmem>> -> memref<1x128xf32, #tpu.memory_space<vmem>>
      %dma_start3A_184 = tpu.memref_squeeze %dma_start3A_183 : memref<1x128xf32, #tpu.memory_space<vmem>> -> memref<128xf32, #tpu.memory_space<vmem>>
      %dma_start3A_185 = arith.constant 0 : i32
      %dma_start3A_186 = tpu.memref_slice %arg8[%add3A_178, %dma_start3A_185] : memref<50x128xi32, #tpu.memory_space<vmem>> -> memref<1x128xi32, #tpu.memory_space<vmem>>
      %dma_start3A_187 = tpu.memref_squeeze %dma_start3A_186 : memref<1x128xi32, #tpu.memory_space<vmem>> -> memref<128xi32, #tpu.memory_space<vmem>>
      %dma_start3A_188 = arith.constant 0 : i32
      %dma_start3A_189 = tpu.memref_slice %arg3[%dma_start3A_181, %dma_start3A_188] : memref<16x100000xf32, #tpu.memory_space<hbm>> -> memref<1x100000xf32, #tpu.memory_space<hbm>>
      %dma_start3A_190 = tpu.memref_squeeze %dma_start3A_189 : memref<1x100000xf32, #tpu.memory_space<hbm>> -> memref<100000xf32, #tpu.memory_space<hbm>>
      %dma_start3A_191 = arith.constant 0 : i32
      %dma_start3A_192 = tpu.memref_slice %dma_start3A_190[%dma_start3A_191] : memref<100000xf32, #tpu.memory_space<hbm>> -> memref<100000xf32, #tpu.memory_space<hbm>>
      tpu.enqueue_indirect_dma source(%dma_start3A_192 : memref<100000xf32, #tpu.memory_space<hbm>>) target(%dma_start3A_184 : memref<128xf32, #tpu.memory_space<vmem>>) offsets(%dma_start3A_187 : memref<128xi32, #tpu.memory_space<vmem>>) semaphore(%arg14 : memref<!tpu.dma_semaphore, #tpu.memory_space<semaphore_mem>>)
      %add3A_193 = arith.constant 26 : i32
      %add3A_194 = arith.addi %add3A_193, %scan3A_176 : i32
      %mul3A_195 = arith.constant 128 : i32
      %mul3A_196 = arith.muli %scan3A_176, %mul3A_195 : i32
      %dma_start3A_197 = arith.constant 1 : i32
      %dma_start3A_198 = arith.constant 1 : i32
      %dma_start3A_199 = tpu.memref_slice %arg10[%dma_start3A_198, %mul3A_196] : memref<16x1664xf32, #tpu.memory_space<vmem>> -> memref<1x128xf32, #tpu.memory_space<vmem>>
      %dma_start3A_200 = tpu.memref_squeeze %dma_start3A_199 : memref<1x128xf32, #tpu.memory_space<vmem>> -> memref<128xf32, #tpu.memory_space<vmem>>
      %dma_start3A_201 = arith.constant 0 : i32
      %dma_start3A_202 = tpu.memref_slice %arg8[%add3A_194, %dma_start3A_201] : memref<50x128xi32, #tpu.memory_space<vmem>> -> memref<1x128xi32, #tpu.memory_space<vmem>>
      %dma_start3A_203 = tpu.memref_squeeze %dma_start3A_202 : memref<1x128xi32, #tpu.memory_space<vmem>> -> memref<128xi32, #tpu.memory_space<vmem>>
      %dma_start3A_204 = arith.constant 0 : i32
      %dma_start3A_205 = tpu.memref_slice %arg3[%dma_start3A_197, %dma_start3A_204] : memref<16x100000xf32, #tpu.memory_space<hbm>> -> memref<1x100000xf32, #tpu.memory_space<hbm>>
      %dma_start3A_206 = tpu.memref_squeeze %dma_start3A_205 : memref<1x100000xf32, #tpu.memory_space<hbm>> -> memref<100000xf32, #tpu.memory_space<hbm>>
      %dma_start3A_207 = arith.constant 0 : i32
      %dma_start3A_208 = tpu.memref_slice %dma_start3A_206[%dma_start3A_207] : memref<100000xf32, #tpu.memory_space<hbm>> -> memref<100000xf32, #tpu.memory_space<hbm>>
      tpu.enqueue_indirect_dma source(%dma_start3A_208 : memref<100000xf32, #tpu.memory_space<hbm>>) target(%dma_start3A_200 : memref<128xf32, #tpu.memory_space<vmem>>) offsets(%dma_start3A_203 : memref<128xi32, #tpu.memory_space<vmem>>) semaphore(%arg14 : memref<!tpu.dma_semaphore, #tpu.memory_space<semaphore_mem>>)
      %add3A_209 = arith.constant 26 : i32
      %add3A_210 = arith.addi %add3A_209, %scan3A_176 : i32
      %mul3A_211 = arith.constant 128 : i32
      %mul3A_212 = arith.muli %scan3A_176, %mul3A_211 : i32
      %dma_start3A_213 = arith.constant 2 : i32
      %dma_start3A_214 = arith.constant 2 : i32
      %dma_start3A_215 = tpu.memref_slice %arg10[%dma_start3A_214, %mul3A_212] : memref<16x1664xf32, #tpu.memory_space<vmem>> -> memref<1x128xf32, #tpu.memory_space<vmem>>
      %dma_start3A_216 = tpu.memref_squeeze %dma_start3A_215 : memref<1x128xf32, #tpu.memory_space<vmem>> -> memref<128xf32, #tpu.memory_space<vmem>>
      %dma_start3A_217 = arith.constant 0 : i32
      %dma_start3A_218 = tpu.memref_slice %arg8[%add3A_210, %dma_start3A_217] : memref<50x128xi32, #tpu.memory_space<vmem>> -> memref<1x128xi32, #tpu.memory_space<vmem>>
      %dma_start3A_219 = tpu.memref_squeeze %dma_start3A_218 : memref<1x128xi32, #tpu.memory_space<vmem>> -> memref<128xi32, #tpu.memory_space<vmem>>
      %dma_start3A_220 = arith.constant 0 : i32
      %dma_start3A_221 = tpu.memref_slice %arg3[%dma_start3A_213, %dma_start3A_220] : memref<16x100000xf32, #tpu.memory_space<hbm>> -> memref<1x100000xf32, #tpu.memory_space<hbm>>
      %dma_start3A_222 = tpu.memref_squeeze %dma_start3A_221 : memref<1x100000xf32, #tpu.memory_space<hbm>> -> memref<100000xf32, #tpu.memory_space<hbm>>
      %dma_start3A_223 = arith.constant 0 : i32
      %dma_start3A_224 = tpu.memref_slice %dma_start3A_222[%dma_start3A_223] : memref<100000xf32, #tpu.memory_space<hbm>> -> memref<100000xf32, #tpu.memory_space<hbm>>
      tpu.enqueue_indirect_dma source(%dma_start3A_224 : memref<100000xf32, #tpu.memory_space<hbm>>) target(%dma_start3A_216 : memref<128xf32, #tpu.memory_space<vmem>>) offsets(%dma_start3A_219 : memref<128xi32, #tpu.memory_space<vmem>>) semaphore(%arg14 : memref<!tpu.dma_semaphore, #tpu.memory_space<semaphore_mem>>)
      %add3A_225 = arith.constant 26 : i32
      %add3A_226 = arith.addi %add3A_225, %scan3A_176 : i32
      %mul3A_227 = arith.constant 128 : i32
      %mul3A_228 = arith.muli %scan3A_176, %mul3A_227 : i32
      %dma_start3A_229 = arith.constant 3 : i32
      %dma_start3A_230 = arith.constant 3 : i32
      %dma_start3A_231 = tpu.memref_slice %arg10[%dma_start3A_230, %mul3A_228] : memref<16x1664xf32, #tpu.memory_space<vmem>> -> memref<1x128xf32, #tpu.memory_space<vmem>>
      %dma_start3A_232 = tpu.memref_squeeze %dma_start3A_231 : memref<1x128xf32, #tpu.memory_space<vmem>> -> memref<128xf32, #tpu.memory_space<vmem>>
      %dma_start3A_233 = arith.constant 0 : i32
      %dma_start3A_234 = tpu.memref_slice %arg8[%add3A_226, %dma_start3A_233] : memref<50x128xi32, #tpu.memory_space<vmem>> -> memref<1x128xi32, #tpu.memory_space<vmem>>
      %dma_start3A_235 = tpu.memref_squeeze %dma_start3A_234 : memref<1x128xi32, #tpu.memory_space<vmem>> -> memref<128xi32, #tpu.memory_space<vmem>>
      %dma_start3A_236 = arith.constant 0 : i32
      %dma_start3A_237 = tpu.memref_slice %arg3[%dma_start3A_229, %dma_start3A_236] : memref<16x100000xf32, #tpu.memory_space<hbm>> -> memref<1x100000xf32, #tpu.memory_space<hbm>>
      %dma_start3A_238 = tpu.memref_squeeze %dma_start3A_237 : memref<1x100000xf32, #tpu.memory_space<hbm>> -> memref<100000xf32, #tpu.memory_space<hbm>>
      %dma_start3A_239 = arith.constant 0 : i32
      %dma_start3A_240 = tpu.memref_slice %dma_start3A_238[%dma_start3A_239] : memref<100000xf32, #tpu.memory_space<hbm>> -> memref<100000xf32, #tpu.memory_space<hbm>>
      tpu.enqueue_indirect_dma source(%dma_start3A_240 : memref<100000xf32, #tpu.memory_space<hbm>>) target(%dma_start3A_232 : memref<128xf32, #tpu.memory_space<vmem>>) offsets(%dma_start3A_235 : memref<128xi32, #tpu.memory_space<vmem>>) semaphore(%arg14 : memref<!tpu.dma_semaphore, #tpu.memory_space<semaphore_mem>>)
      %add3A_241 = arith.constant 26 : i32
      %add3A_242 = arith.addi %add3A_241, %scan3A_176 : i32
      %mul3A_243 = arith.constant 128 : i32
      %mul3A_244 = arith.muli %scan3A_176, %mul3A_243 : i32
      %dma_start3A_245 = arith.constant 4 : i32
      %dma_start3A_246 = arith.constant 4 : i32
      %dma_start3A_247 = tpu.memref_slice %arg10[%dma_start3A_246, %mul3A_244] : memref<16x1664xf32, #tpu.memory_space<vmem>> -> memref<1x128xf32, #tpu.memory_space<vmem>>
      %dma_start3A_248 = tpu.memref_squeeze %dma_start3A_247 : memref<1x128xf32, #tpu.memory_space<vmem>> -> memref<128xf32, #tpu.memory_space<vmem>>
      %dma_start3A_249 = arith.constant 0 : i32
      %dma_start3A_250 = tpu.memref_slice %arg8[%add3A_242, %dma_start3A_249] : memref<50x128xi32, #tpu.memory_space<vmem>> -> memref<1x128xi32, #tpu.memory_space<vmem>>
      %dma_start3A_251 = tpu.memref_squeeze %dma_start3A_250 : memref<1x128xi32, #tpu.memory_space<vmem>> -> memref<128xi32, #tpu.memory_space<vmem>>
      %dma_start3A_252 = arith.constant 0 : i32
      %dma_start3A_253 = tpu.memref_slice %arg3[%dma_start3A_245, %dma_start3A_252] : memref<16x100000xf32, #tpu.memory_space<hbm>> -> memref<1x100000xf32, #tpu.memory_space<hbm>>
      %dma_start3A_254 = tpu.memref_squeeze %dma_start3A_253 : memref<1x100000xf32, #tpu.memory_space<hbm>> -> memref<100000xf32, #tpu.memory_space<hbm>>
      %dma_start3A_255 = arith.constant 0 : i32
      %dma_start3A_256 = tpu.memref_slice %dma_start3A_254[%dma_start3A_255] : memref<100000xf32, #tpu.memory_space<hbm>> -> memref<100000xf32, #tpu.memory_space<hbm>>
      tpu.enqueue_indirect_dma source(%dma_start3A_256 : memref<100000xf32, #tpu.memory_space<hbm>>) target(%dma_start3A_248 : memref<128xf32, #tpu.memory_space<vmem>>) offsets(%dma_start3A_251 : memref<128xi32, #tpu.memory_space<vmem>>) semaphore(%arg14 : memref<!tpu.dma_semaphore, #tpu.memory_space<semaphore_mem>>)
      %add3A_257 = arith.constant 26 : i32
      %add3A_258 = arith.addi %add3A_257, %scan3A_176 : i32
      %mul3A_259 = arith.constant 128 : i32
      %mul3A_260 = arith.muli %scan3A_176, %mul3A_259 : i32
      %dma_start3A_261 = arith.constant 5 : i32
      %dma_start3A_262 = arith.constant 5 : i32
      %dma_start3A_263 = tpu.memref_slice %arg10[%dma_start3A_262, %mul3A_260] : memref<16x1664xf32, #tpu.memory_space<vmem>> -> memref<1x128xf32, #tpu.memory_space<vmem>>
      %dma_start3A_264 = tpu.memref_squeeze %dma_start3A_263 : memref<1x128xf32, #tpu.memory_space<vmem>> -> memref<128xf32, #tpu.memory_space<vmem>>
      %dma_start3A_265 = arith.constant 0 : i32
      %dma_start3A_266 = tpu.memref_slice %arg8[%add3A_258, %dma_start3A_265] : memref<50x128xi32, #tpu.memory_space<vmem>> -> memref<1x128xi32, #tpu.memory_space<vmem>>
      %dma_start3A_267 = tpu.memref_squeeze %dma_start3A_266 : memref<1x128xi32, #tpu.memory_space<vmem>> -> memref<128xi32, #tpu.memory_space<vmem>>
      %dma_start3A_268 = arith.constant 0 : i32
      %dma_start3A_269 = tpu.memref_slice %arg3[%dma_start3A_261, %dma_start3A_268] : memref<16x100000xf32, #tpu.memory_space<hbm>> -> memref<1x100000xf32, #tpu.memory_space<hbm>>
      %dma_start3A_270 = tpu.memref_squeeze %dma_start3A_269 : memref<1x100000xf32, #tpu.memory_space<hbm>> -> memref<100000xf32, #tpu.memory_space<hbm>>
      %dma_start3A_271 = arith.constant 0 : i32
      %dma_start3A_272 = tpu.memref_slice %dma_start3A_270[%dma_start3A_271] : memref<100000xf32, #tpu.memory_space<hbm>> -> memref<100000xf32, #tpu.memory_space<hbm>>
      tpu.enqueue_indirect_dma source(%dma_start3A_272 : memref<100000xf32, #tpu.memory_space<hbm>>) target(%dma_start3A_264 : memref<128xf32, #tpu.memory_space<vmem>>) offsets(%dma_start3A_267 : memref<128xi32, #tpu.memory_space<vmem>>) semaphore(%arg14 : memref<!tpu.dma_semaphore, #tpu.memory_space<semaphore_mem>>)
      %add3A_273 = arith.constant 26 : i32
      %add3A_274 = arith.addi %add3A_273, %scan3A_176 : i32
      %mul3A_275 = arith.constant 128 : i32
      %mul3A_276 = arith.muli %scan3A_176, %mul3A_275 : i32
      %dma_start3A_277 = arith.constant 6 : i32
      %dma_start3A_278 = arith.constant 6 : i32
      %dma_start3A_279 = tpu.memref_slice %arg10[%dma_start3A_278, %mul3A_276] : memref<16x1664xf32, #tpu.memory_space<vmem>> -> memref<1x128xf32, #tpu.memory_space<vmem>>
      %dma_start3A_280 = tpu.memref_squeeze %dma_start3A_279 : memref<1x128xf32, #tpu.memory_space<vmem>> -> memref<128xf32, #tpu.memory_space<vmem>>
      %dma_start3A_281 = arith.constant 0 : i32
      %dma_start3A_282 = tpu.memref_slice %arg8[%add3A_274, %dma_start3A_281] : memref<50x128xi32, #tpu.memory_space<vmem>> -> memref<1x128xi32, #tpu.memory_space<vmem>>
      %dma_start3A_283 = tpu.memref_squeeze %dma_start3A_282 : memref<1x128xi32, #tpu.memory_space<vmem>> -> memref<128xi32, #tpu.memory_space<vmem>>
      %dma_start3A_284 = arith.constant 0 : i32
      %dma_start3A_285 = tpu.memref_slice %arg3[%dma_start3A_277, %dma_start3A_284] : memref<16x100000xf32, #tpu.memory_space<hbm>> -> memref<1x100000xf32, #tpu.memory_space<hbm>>
      %dma_start3A_286 = tpu.memref_squeeze %dma_start3A_285 : memref<1x100000xf32, #tpu.memory_space<hbm>> -> memref<100000xf32, #tpu.memory_space<hbm>>
      %dma_start3A_287 = arith.constant 0 : i32
      %dma_start3A_288 = tpu.memref_slice %dma_start3A_286[%dma_start3A_287] : memref<100000xf32, #tpu.memory_space<hbm>> -> memref<100000xf32, #tpu.memory_space<hbm>>
      tpu.enqueue_indirect_dma source(%dma_start3A_288 : memref<100000xf32, #tpu.memory_space<hbm>>) target(%dma_start3A_280 : memref<128xf32, #tpu.memory_space<vmem>>) offsets(%dma_start3A_283 : memref<128xi32, #tpu.memory_space<vmem>>) semaphore(%arg14 : memref<!tpu.dma_semaphore, #tpu.memory_space<semaphore_mem>>)
      %add3A_289 = arith.constant 26 : i32
      %add3A_290 = arith.addi %add3A_289, %scan3A_176 : i32
      %mul3A_291 = arith.constant 128 : i32
      %mul3A_292 = arith.muli %scan3A_176, %mul3A_291 : i32
      %dma_start3A_293 = arith.constant 7 : i32
      %dma_start3A_294 = arith.constant 7 : i32
      %dma_start3A_295 = tpu.memref_slice %arg10[%dma_start3A_294, %mul3A_292] : memref<16x1664xf32, #tpu.memory_space<vmem>> -> memref<1x128xf32, #tpu.memory_space<vmem>>
      %dma_start3A_296 = tpu.memref_squeeze %dma_start3A_295 : memref<1x128xf32, #tpu.memory_space<vmem>> -> memref<128xf32, #tpu.memory_space<vmem>>
      %dma_start3A_297 = arith.constant 0 : i32
      %dma_start3A_298 = tpu.memref_slice %arg8[%add3A_290, %dma_start3A_297] : memref<50x128xi32, #tpu.memory_space<vmem>> -> memref<1x128xi32, #tpu.memory_space<vmem>>
      %dma_start3A_299 = tpu.memref_squeeze %dma_start3A_298 : memref<1x128xi32, #tpu.memory_space<vmem>> -> memref<128xi32, #tpu.memory_space<vmem>>
      %dma_start3A_300 = arith.constant 0 : i32
      %dma_start3A_301 = tpu.memref_slice %arg3[%dma_start3A_293, %dma_start3A_300] : memref<16x100000xf32, #tpu.memory_space<hbm>> -> memref<1x100000xf32, #tpu.memory_space<hbm>>
      %dma_start3A_302 = tpu.memref_squeeze %dma_start3A_301 : memref<1x100000xf32, #tpu.memory_space<hbm>> -> memref<100000xf32, #tpu.memory_space<hbm>>
      %dma_start3A_303 = arith.constant 0 : i32
      %dma_start3A_304 = tpu.memref_slice %dma_start3A_302[%dma_start3A_303] : memref<100000xf32, #tpu.memory_space<hbm>> -> memref<100000xf32, #tpu.memory_space<hbm>>
      tpu.enqueue_indirect_dma source(%dma_start3A_304 : memref<100000xf32, #tpu.memory_space<hbm>>) target(%dma_start3A_296 : memref<128xf32, #tpu.memory_space<vmem>>) offsets(%dma_start3A_299 : memref<128xi32, #tpu.memory_space<vmem>>) semaphore(%arg14 : memref<!tpu.dma_semaphore, #tpu.memory_space<semaphore_mem>>)
      %add3A_305 = arith.constant 26 : i32
      %add3A_306 = arith.addi %add3A_305, %scan3A_176 : i32
      %mul3A_307 = arith.constant 128 : i32
      %mul3A_308 = arith.muli %scan3A_176, %mul3A_307 : i32
      %dma_start3A_309 = arith.constant 8 : i32
      %dma_start3A_310 = arith.constant 8 : i32
      %dma_start3A_311 = tpu.memref_slice %arg10[%dma_start3A_310, %mul3A_308] : memref<16x1664xf32, #tpu.memory_space<vmem>> -> memref<1x128xf32, #tpu.memory_space<vmem>>
      %dma_start3A_312 = tpu.memref_squeeze %dma_start3A_311 : memref<1x128xf32, #tpu.memory_space<vmem>> -> memref<128xf32, #tpu.memory_space<vmem>>
      %dma_start3A_313 = arith.constant 0 : i32
      %dma_start3A_314 = tpu.memref_slice %arg8[%add3A_306, %dma_start3A_313] : memref<50x128xi32, #tpu.memory_space<vmem>> -> memref<1x128xi32, #tpu.memory_space<vmem>>
      %dma_start3A_315 = tpu.memref_squeeze %dma_start3A_314 : memref<1x128xi32, #tpu.memory_space<vmem>> -> memref<128xi32, #tpu.memory_space<vmem>>
      %dma_start3A_316 = arith.constant 0 : i32
      %dma_start3A_317 = tpu.memref_slice %arg3[%dma_start3A_309, %dma_start3A_316] : memref<16x100000xf32, #tpu.memory_space<hbm>> -> memref<1x100000xf32, #tpu.memory_space<hbm>>
      %dma_start3A_318 = tpu.memref_squeeze %dma_start3A_317 : memref<1x100000xf32, #tpu.memory_space<hbm>> -> memref<100000xf32, #tpu.memory_space<hbm>>
      %dma_start3A_319 = arith.constant 0 : i32
      %dma_start3A_320 = tpu.memref_slice %dma_start3A_318[%dma_start3A_319] : memref<100000xf32, #tpu.memory_space<hbm>> -> memref<100000xf32, #tpu.memory_space<hbm>>
      tpu.enqueue_indirect_dma source(%dma_start3A_320 : memref<100000xf32, #tpu.memory_space<hbm>>) target(%dma_start3A_312 : memref<128xf32, #tpu.memory_space<vmem>>) offsets(%dma_start3A_315 : memref<128xi32, #tpu.memory_space<vmem>>) semaphore(%arg14 : memref<!tpu.dma_semaphore, #tpu.memory_space<semaphore_mem>>)
      %add3A_321 = arith.constant 26 : i32
      %add3A_322 = arith.addi %add3A_321, %scan3A_176 : i32
      %mul3A_323 = arith.constant 128 : i32
      %mul3A_324 = arith.muli %scan3A_176, %mul3A_323 : i32
      %dma_start3A_325 = arith.constant 9 : i32
      %dma_start3A_326 = arith.constant 9 : i32
      %dma_start3A_327 = tpu.memref_slice %arg10[%dma_start3A_326, %mul3A_324] : memref<16x1664xf32, #tpu.memory_space<vmem>> -> memref<1x128xf32, #tpu.memory_space<vmem>>
      %dma_start3A_328 = tpu.memref_squeeze %dma_start3A_327 : memref<1x128xf32, #tpu.memory_space<vmem>> -> memref<128xf32, #tpu.memory_space<vmem>>
      %dma_start3A_329 = arith.constant 0 : i32
      %dma_start3A_330 = tpu.memref_slice %arg8[%add3A_322, %dma_start3A_329] : memref<50x128xi32, #tpu.memory_space<vmem>> -> memref<1x128xi32, #tpu.memory_space<vmem>>
      %dma_start3A_331 = tpu.memref_squeeze %dma_start3A_330 : memref<1x128xi32, #tpu.memory_space<vmem>> -> memref<128xi32, #tpu.memory_space<vmem>>
      %dma_start3A_332 = arith.constant 0 : i32
      %dma_start3A_333 = tpu.memref_slice %arg3[%dma_start3A_325, %dma_start3A_332] : memref<16x100000xf32, #tpu.memory_space<hbm>> -> memref<1x100000xf32, #tpu.memory_space<hbm>>
      %dma_start3A_334 = tpu.memref_squeeze %dma_start3A_333 : memref<1x100000xf32, #tpu.memory_space<hbm>> -> memref<100000xf32, #tpu.memory_space<hbm>>
      %dma_start3A_335 = arith.constant 0 : i32
      %dma_start3A_336 = tpu.memref_slice %dma_start3A_334[%dma_start3A_335] : memref<100000xf32, #tpu.memory_space<hbm>> -> memref<100000xf32, #tpu.memory_space<hbm>>
      tpu.enqueue_indirect_dma source(%dma_start3A_336 : memref<100000xf32, #tpu.memory_space<hbm>>) target(%dma_start3A_328 : memref<128xf32, #tpu.memory_space<vmem>>) offsets(%dma_start3A_331 : memref<128xi32, #tpu.memory_space<vmem>>) semaphore(%arg14 : memref<!tpu.dma_semaphore, #tpu.memory_space<semaphore_mem>>)
      %add3A_337 = arith.constant 26 : i32
      %add3A_338 = arith.addi %add3A_337, %scan3A_176 : i32
      %mul3A_339 = arith.constant 128 : i32
      %mul3A_340 = arith.muli %scan3A_176, %mul3A_339 : i32
      %dma_start3A_341 = arith.constant 10 : i32
      %dma_start3A_342 = arith.constant 10 : i32
      %dma_start3A_343 = tpu.memref_slice %arg10[%dma_start3A_342, %mul3A_340] : memref<16x1664xf32, #tpu.memory_space<vmem>> -> memref<1x128xf32, #tpu.memory_space<vmem>>
      %dma_start3A_344 = tpu.memref_squeeze %dma_start3A_343 : memref<1x128xf32, #tpu.memory_space<vmem>> -> memref<128xf32, #tpu.memory_space<vmem>>
      %dma_start3A_345 = arith.constant 0 : i32
      %dma_start3A_346 = tpu.memref_slice %arg8[%add3A_338, %dma_start3A_345] : memref<50x128xi32, #tpu.memory_space<vmem>> -> memref<1x128xi32, #tpu.memory_space<vmem>>
      %dma_start3A_347 = tpu.memref_squeeze %dma_start3A_346 : memref<1x128xi32, #tpu.memory_space<vmem>> -> memref<128xi32, #tpu.memory_space<vmem>>
      %dma_start3A_348 = arith.constant 0 : i32
      %dma_start3A_349 = tpu.memref_slice %arg3[%dma_start3A_341, %dma_start3A_348] : memref<16x100000xf32, #tpu.memory_space<hbm>> -> memref<1x100000xf32, #tpu.memory_space<hbm>>
      %dma_start3A_350 = tpu.memref_squeeze %dma_start3A_349 : memref<1x100000xf32, #tpu.memory_space<hbm>> -> memref<100000xf32, #tpu.memory_space<hbm>>
      %dma_start3A_351 = arith.constant 0 : i32
      %dma_start3A_352 = tpu.memref_slice %dma_start3A_350[%dma_start3A_351] : memref<100000xf32, #tpu.memory_space<hbm>> -> memref<100000xf32, #tpu.memory_space<hbm>>
      tpu.enqueue_indirect_dma source(%dma_start3A_352 : memref<100000xf32, #tpu.memory_space<hbm>>) target(%dma_start3A_344 : memref<128xf32, #tpu.memory_space<vmem>>) offsets(%dma_start3A_347 : memref<128xi32, #tpu.memory_space<vmem>>) semaphore(%arg14 : memref<!tpu.dma_semaphore, #tpu.memory_space<semaphore_mem>>)
      %add3A_353 = arith.constant 26 : i32
      %add3A_354 = arith.addi %add3A_353, %scan3A_176 : i32
      %mul3A_355 = arith.constant 128 : i32
      %mul3A_356 = arith.muli %scan3A_176, %mul3A_355 : i32
      %dma_start3A_357 = arith.constant 11 : i32
      %dma_start3A_358 = arith.constant 11 : i32
      %dma_start3A_359 = tpu.memref_slice %arg10[%dma_start3A_358, %mul3A_356] : memref<16x1664xf32, #tpu.memory_space<vmem>> -> memref<1x128xf32, #tpu.memory_space<vmem>>
      %dma_start3A_360 = tpu.memref_squeeze %dma_start3A_359 : memref<1x128xf32, #tpu.memory_space<vmem>> -> memref<128xf32, #tpu.memory_space<vmem>>
      %dma_start3A_361 = arith.constant 0 : i32
      %dma_start3A_362 = tpu.memref_slice %arg8[%add3A_354, %dma_start3A_361] : memref<50x128xi32, #tpu.memory_space<vmem>> -> memref<1x128xi32, #tpu.memory_space<vmem>>
      %dma_start3A_363 = tpu.memref_squeeze %dma_start3A_362 : memref<1x128xi32, #tpu.memory_space<vmem>> -> memref<128xi32, #tpu.memory_space<vmem>>
      %dma_start3A_364 = arith.constant 0 : i32
      %dma_start3A_365 = tpu.memref_slice %arg3[%dma_start3A_357, %dma_start3A_364] : memref<16x100000xf32, #tpu.memory_space<hbm>> -> memref<1x100000xf32, #tpu.memory_space<hbm>>
      %dma_start3A_366 = tpu.memref_squeeze %dma_start3A_365 : memref<1x100000xf32, #tpu.memory_space<hbm>> -> memref<100000xf32, #tpu.memory_space<hbm>>
      %dma_start3A_367 = arith.constant 0 : i32
      %dma_start3A_368 = tpu.memref_slice %dma_start3A_366[%dma_start3A_367] : memref<100000xf32, #tpu.memory_space<hbm>> -> memref<100000xf32, #tpu.memory_space<hbm>>
      tpu.enqueue_indirect_dma source(%dma_start3A_368 : memref<100000xf32, #tpu.memory_space<hbm>>) target(%dma_start3A_360 : memref<128xf32, #tpu.memory_space<vmem>>) offsets(%dma_start3A_363 : memref<128xi32, #tpu.memory_space<vmem>>) semaphore(%arg14 : memref<!tpu.dma_semaphore, #tpu.memory_space<semaphore_mem>>)
      %add3A_369 = arith.constant 26 : i32
      %add3A_370 = arith.addi %add3A_369, %scan3A_176 : i32
      %mul3A_371 = arith.constant 128 : i32
      %mul3A_372 = arith.muli %scan3A_176, %mul3A_371 : i32
      %dma_start3A_373 = arith.constant 12 : i32
      %dma_start3A_374 = arith.constant 12 : i32
      %dma_start3A_375 = tpu.memref_slice %arg10[%dma_start3A_374, %mul3A_372] : memref<16x1664xf32, #tpu.memory_space<vmem>> -> memref<1x128xf32, #tpu.memory_space<vmem>>
      %dma_start3A_376 = tpu.memref_squeeze %dma_start3A_375 : memref<1x128xf32, #tpu.memory_space<vmem>> -> memref<128xf32, #tpu.memory_space<vmem>>
      %dma_start3A_377 = arith.constant 0 : i32
      %dma_start3A_378 = tpu.memref_slice %arg8[%add3A_370, %dma_start3A_377] : memref<50x128xi32, #tpu.memory_space<vmem>> -> memref<1x128xi32, #tpu.memory_space<vmem>>
      %dma_start3A_379 = tpu.memref_squeeze %dma_start3A_378 : memref<1x128xi32, #tpu.memory_space<vmem>> -> memref<128xi32, #tpu.memory_space<vmem>>
      %dma_start3A_380 = arith.constant 0 : i32
      %dma_start3A_381 = tpu.memref_slice %arg3[%dma_start3A_373, %dma_start3A_380] : memref<16x100000xf32, #tpu.memory_space<hbm>> -> memref<1x100000xf32, #tpu.memory_space<hbm>>
      %dma_start3A_382 = tpu.memref_squeeze %dma_start3A_381 : memref<1x100000xf32, #tpu.memory_space<hbm>> -> memref<100000xf32, #tpu.memory_space<hbm>>
      %dma_start3A_383 = arith.constant 0 : i32
      %dma_start3A_384 = tpu.memref_slice %dma_start3A_382[%dma_start3A_383] : memref<100000xf32, #tpu.memory_space<hbm>> -> memref<100000xf32, #tpu.memory_space<hbm>>
      tpu.enqueue_indirect_dma source(%dma_start3A_384 : memref<100000xf32, #tpu.memory_space<hbm>>) target(%dma_start3A_376 : memref<128xf32, #tpu.memory_space<vmem>>) offsets(%dma_start3A_379 : memref<128xi32, #tpu.memory_space<vmem>>) semaphore(%arg14 : memref<!tpu.dma_semaphore, #tpu.memory_space<semaphore_mem>>)
      %add3A_385 = arith.constant 26 : i32
      %add3A_386 = arith.addi %add3A_385, %scan3A_176 : i32
      %mul3A_387 = arith.constant 128 : i32
      %mul3A_388 = arith.muli %scan3A_176, %mul3A_387 : i32
      %dma_start3A_389 = arith.constant 13 : i32
      %dma_start3A_390 = arith.constant 13 : i32
      %dma_start3A_391 = tpu.memref_slice %arg10[%dma_start3A_390, %mul3A_388] : memref<16x1664xf32, #tpu.memory_space<vmem>> -> memref<1x128xf32, #tpu.memory_space<vmem>>
      %dma_start3A_392 = tpu.memref_squeeze %dma_start3A_391 : memref<1x128xf32, #tpu.memory_space<vmem>> -> memref<128xf32, #tpu.memory_space<vmem>>
      %dma_start3A_393 = arith.constant 0 : i32
      %dma_start3A_394 = tpu.memref_slice %arg8[%add3A_386, %dma_start3A_393] : memref<50x128xi32, #tpu.memory_space<vmem>> -> memref<1x128xi32, #tpu.memory_space<vmem>>
      %dma_start3A_395 = tpu.memref_squeeze %dma_start3A_394 : memref<1x128xi32, #tpu.memory_space<vmem>> -> memref<128xi32, #tpu.memory_space<vmem>>
      %dma_start3A_396 = arith.constant 0 : i32
      %dma_start3A_397 = tpu.memref_slice %arg3[%dma_start3A_389, %dma_start3A_396] : memref<16x100000xf32, #tpu.memory_space<hbm>> -> memref<1x100000xf32, #tpu.memory_space<hbm>>
      %dma_start3A_398 = tpu.memref_squeeze %dma_start3A_397 : memref<1x100000xf32, #tpu.memory_space<hbm>> -> memref<100000xf32, #tpu.memory_space<hbm>>
      %dma_start3A_399 = arith.constant 0 : i32
      %dma_start3A_400 = tpu.memref_slice %dma_start3A_398[%dma_start3A_399] : memref<100000xf32, #tpu.memory_space<hbm>> -> memref<100000xf32, #tpu.memory_space<hbm>>
      tpu.enqueue_indirect_dma source(%dma_start3A_400 : memref<100000xf32, #tpu.memory_space<hbm>>) target(%dma_start3A_392 : memref<128xf32, #tpu.memory_space<vmem>>) offsets(%dma_start3A_395 : memref<128xi32, #tpu.memory_space<vmem>>) semaphore(%arg14 : memref<!tpu.dma_semaphore, #tpu.memory_space<semaphore_mem>>)
      %add3A_401 = arith.constant 26 : i32
      %add3A_402 = arith.addi %add3A_401, %scan3A_176 : i32
      %mul3A_403 = arith.constant 128 : i32
      %mul3A_404 = arith.muli %scan3A_176, %mul3A_403 : i32
      %dma_start3A_405 = arith.constant 14 : i32
      %dma_start3A_406 = arith.constant 14 : i32
      %dma_start3A_407 = tpu.memref_slice %arg10[%dma_start3A_406, %mul3A_404] : memref<16x1664xf32, #tpu.memory_space<vmem>> -> memref<1x128xf32, #tpu.memory_space<vmem>>
      %dma_start3A_408 = tpu.memref_squeeze %dma_start3A_407 : memref<1x128xf32, #tpu.memory_space<vmem>> -> memref<128xf32, #tpu.memory_space<vmem>>
      %dma_start3A_409 = arith.constant 0 : i32
      %dma_start3A_410 = tpu.memref_slice %arg8[%add3A_402, %dma_start3A_409] : memref<50x128xi32, #tpu.memory_space<vmem>> -> memref<1x128xi32, #tpu.memory_space<vmem>>
      %dma_start3A_411 = tpu.memref_squeeze %dma_start3A_410 : memref<1x128xi32, #tpu.memory_space<vmem>> -> memref<128xi32, #tpu.memory_space<vmem>>
      %dma_start3A_412 = arith.constant 0 : i32
      %dma_start3A_413 = tpu.memref_slice %arg3[%dma_start3A_405, %dma_start3A_412] : memref<16x100000xf32, #tpu.memory_space<hbm>> -> memref<1x100000xf32, #tpu.memory_space<hbm>>
      %dma_start3A_414 = tpu.memref_squeeze %dma_start3A_413 : memref<1x100000xf32, #tpu.memory_space<hbm>> -> memref<100000xf32, #tpu.memory_space<hbm>>
      %dma_start3A_415 = arith.constant 0 : i32
      %dma_start3A_416 = tpu.memref_slice %dma_start3A_414[%dma_start3A_415] : memref<100000xf32, #tpu.memory_space<hbm>> -> memref<100000xf32, #tpu.memory_space<hbm>>
      tpu.enqueue_indirect_dma source(%dma_start3A_416 : memref<100000xf32, #tpu.memory_space<hbm>>) target(%dma_start3A_408 : memref<128xf32, #tpu.memory_space<vmem>>) offsets(%dma_start3A_411 : memref<128xi32, #tpu.memory_space<vmem>>) semaphore(%arg14 : memref<!tpu.dma_semaphore, #tpu.memory_space<semaphore_mem>>)
      %add3A_417 = arith.constant 26 : i32
      %add3A_418 = arith.addi %add3A_417, %scan3A_176 : i32
      %mul3A_419 = arith.constant 128 : i32
      %mul3A_420 = arith.muli %scan3A_176, %mul3A_419 : i32
      %dma_start3A_421 = arith.constant 15 : i32
      %dma_start3A_422 = arith.constant 15 : i32
      %dma_start3A_423 = tpu.memref_slice %arg10[%dma_start3A_422, %mul3A_420] : memref<16x1664xf32, #tpu.memory_space<vmem>> -> memref<1x128xf32, #tpu.memory_space<vmem>>
      %dma_start3A_424 = tpu.memref_squeeze %dma_start3A_423 : memref<1x128xf32, #tpu.memory_space<vmem>> -> memref<128xf32, #tpu.memory_space<vmem>>
      %dma_start3A_425 = arith.constant 0 : i32
      %dma_start3A_426 = tpu.memref_slice %arg8[%add3A_418, %dma_start3A_425] : memref<50x128xi32, #tpu.memory_space<vmem>> -> memref<1x128xi32, #tpu.memory_space<vmem>>
      %dma_start3A_427 = tpu.memref_squeeze %dma_start3A_426 : memref<1x128xi32, #tpu.memory_space<vmem>> -> memref<128xi32, #tpu.memory_space<vmem>>
      %dma_start3A_428 = arith.constant 0 : i32
      %dma_start3A_429 = tpu.memref_slice %arg3[%dma_start3A_421, %dma_start3A_428] : memref<16x100000xf32, #tpu.memory_space<hbm>> -> memref<1x100000xf32, #tpu.memory_space<hbm>>
      %dma_start3A_430 = tpu.memref_squeeze %dma_start3A_429 : memref<1x100000xf32, #tpu.memory_space<hbm>> -> memref<100000xf32, #tpu.memory_space<hbm>>
      %dma_start3A_431 = arith.constant 0 : i32
      %dma_start3A_432 = tpu.memref_slice %dma_start3A_430[%dma_start3A_431] : memref<100000xf32, #tpu.memory_space<hbm>> -> memref<100000xf32, #tpu.memory_space<hbm>>
      tpu.enqueue_indirect_dma source(%dma_start3A_432 : memref<100000xf32, #tpu.memory_space<hbm>>) target(%dma_start3A_424 : memref<128xf32, #tpu.memory_space<vmem>>) offsets(%dma_start3A_427 : memref<128xi32, #tpu.memory_space<vmem>>) semaphore(%arg14 : memref<!tpu.dma_semaphore, #tpu.memory_space<semaphore_mem>>)
    }
    %scan3A_63 = arith.constant 12 : i32
    %dma_wait3A_64 = arith.constant 0 : i32
    %dma_wait3A_65 = arith.constant 0 : i32
    %dma_wait3A_66 = tpu.memref_slice %arg11[%dma_wait3A_64, %dma_wait3A_65] : memref<16x1664xf32, #tpu.memory_space<vmem>> -> memref<16x1664xf32, #tpu.memory_space<vmem>>
    %dma_wait3A_67 = arith.constant 0 : i32
    %dma_wait3A_68 = arith.constant 0 : i32
    %dma_wait3A_69 = tpu.memref_slice %arg3[%dma_wait3A_67, %dma_wait3A_68] : memref<16x100000xf32, #tpu.memory_space<hbm>> -> memref<16x1664xf32, #tpu.memory_space<hbm>>
    %dma_wait3A_70 = arith.constant 0 : i32
    %dma_wait3A_71 = arith.constant 0 : i32
    %dma_wait3A_72 = tpu.memref_slice %arg11[%dma_wait3A_70, %dma_wait3A_71] : memref<16x1664xf32, #tpu.memory_space<vmem>> -> memref<16x1664xf32, #tpu.memory_space<vmem>>
    %dma_wait3A_73 = arith.constant 0 : i32
    %dma_wait3A_74 = arith.constant 0 : i32
    %dma_wait3A_75 = tpu.memref_slice %arg3[%dma_wait3A_73, %dma_wait3A_74] : memref<16x100000xf32, #tpu.memory_space<hbm>> -> memref<16x1664xf32, #tpu.memory_space<hbm>>
    tpu.wait_dma2 semaphore(%arg14 : memref<!tpu.dma_semaphore, #tpu.memory_space<semaphore_mem>>) src(%dma_wait3A_75 : memref<16x1664xf32, #tpu.memory_space<hbm>>) dst(%dma_wait3A_72 : memref<16x1664xf32, #tpu.memory_space<vmem>>)
    %scan3A_76 = arith.constant 0 : i32
    %scan3A_77 = arith.constant 0 : i32
    %scan3A_78 = arith.constant 128 : i32
    %scan3A_79 = arith.addi %scan3A_77, %scan3A_78 : i32
    %scan3A_80 = arith.constant 1 : i32
    scf.for %scan3A_176 = %scan3A_77 to %scan3A_79 step %scan3A_80  : i32 {
      %jit3A = arith.constant 8 : i32
      %div3A = arith.divsi %scan3A_176, %jit3A : i32
      %sign3A = arith.constant 0 : i32
      %sign3A_177 = arith.cmpi sgt, %scan3A_176, %sign3A : i32
      %sign3A_178 = arith.extui %sign3A_177 : i1 to i32
      %sign3A_179 = arith.constant 0 : i32
      %sign3A_180 = arith.cmpi slt, %scan3A_176, %sign3A_179 : i32
      %sign3A_181 = arith.extui %sign3A_180 : i1 to i32
      %sign3A_182 = arith.subi %sign3A_178, %sign3A_181 : i32
      %sign3A_183 = arith.constant 0 : i32
      %sign3A_184 = arith.cmpi sgt, %jit3A, %sign3A_183 : i32
      %sign3A_185 = arith.extui %sign3A_184 : i1 to i32
      %sign3A_186 = arith.constant 0 : i32
      %sign3A_187 = arith.cmpi slt, %jit3A, %sign3A_186 : i32
      %sign3A_188 = arith.extui %sign3A_187 : i1 to i32
      %sign3A_189 = arith.subi %sign3A_185, %sign3A_188 : i32
      %ne3A = arith.cmpi ne, %sign3A_182, %sign3A_189 : i32
      %rem3A = arith.remsi %scan3A_176, %jit3A : i32
      %ne3A_190 = arith.constant 0 : i32
      %ne3A_191 = arith.cmpi ne, %rem3A, %ne3A_190 : i32
      %and3A = arith.andi %ne3A, %ne3A_191 : i1
      %sub3A = arith.constant 1 : i32
      %sub3A_192 = arith.subi %div3A, %sub3A : i32
      %select_n3A = arith.select %and3A, %sub3A_192, %div3A : i32
      %jit3A_193 = arith.constant 8 : i32
      %eq3A = arith.constant 0 : i32
      %eq3A_194 = arith.cmpi eq, %jit3A_193, %eq3A : i32
      %jit3A_195 = arith.constant 1 : i32
      %select_n3A_196 = arith.select %eq3A_194, %jit3A_195, %jit3A_193 : i32
      %rem3A_197 = arith.remsi %scan3A_176, %select_n3A_196 : i32
      %ne3A_198 = arith.constant 0 : i32
      %ne3A_199 = arith.cmpi ne, %rem3A_197, %ne3A_198 : i32
      %lt3A = arith.constant 0 : i32
      %lt3A_200 = arith.cmpi slt, %rem3A_197, %lt3A : i32
      %lt3A_201 = arith.constant 0 : i32
      %lt3A_202 = arith.cmpi slt, %select_n3A_196, %lt3A_201 : i32
      %ne3A_203 = arith.xori %lt3A_200, %lt3A_202 : i1
      %and3A_204 = arith.andi %ne3A_203, %ne3A_199 : i1
      %add3A_205 = arith.addi %rem3A_197, %select_n3A_196 : i32
      %select_n3A_206 = arith.select %and3A_204, %add3A_205, %rem3A_197 : i32
      %mul3A_207 = arith.constant 16 : i32
      %mul3A_208 = arith.muli %select_n3A_206, %mul3A_207 : i32
      %add3A_209 = arith.constant 416 : i32
      %add3A_210 = arith.addi %add3A_209, %select_n3A : i32
      %get3A = arith.index_cast %add3A_210 : i32 to index
      %get3A_211 = arith.index_cast %mul3A_208 : i32 to index
      %get3A_212 = tpu.vector_load %arg9[%get3A, %get3A_211] {strides = array<i32>} : memref<432x128xf32, #tpu.memory_space<vmem>>, vector<1x16xf32>,
      %get3A_213 = vector.shape_cast %get3A_212 : vector<1x16xf32> to vector<16xf32>
      %get3A_214 = arith.index_cast %select_n3A : i32 to index
      %get3A_215 = arith.index_cast %mul3A_208 : i32 to index
      %get3A_216 = tpu.vector_load %arg12[%get3A_214, %get3A_215] {strides = array<i32>} : memref<16x128xf32, #tpu.memory_space<vmem>>, vector<1x16xf32>,
      %get3A_217 = vector.shape_cast %get3A_216 : vector<1x16xf32> to vector<16xf32>
      %add3A_218 = arith.constant 0 : i32
      %add3A_219 = arith.addi %add3A_218, %mul3A_208 : i32
      %get3A_220 = arith.index_cast %select_n3A : i32 to index
      %get3A_221 = arith.index_cast %add3A_219 : i32 to index
      %get3A_222 = tpu.vector_load %arg11[%get3A_220, %get3A_221] {strides = array<i32>} : memref<16x1664xf32, #tpu.memory_space<vmem>>, vector<1x16xf32>,
      %get3A_223 = vector.shape_cast %get3A_222 : vector<1x16xf32> to vector<16xf32>
      %add3A_224 = arith.addf %get3A_213, %get3A_223 : vector<16xf32>
      %ne3A_225 = arith.constant 0.000000e+00 : f32
      %ne3A_226 = vector.broadcast %ne3A_225 : f32 to vector<16xf32>
      %ne3A_227 = arith.cmpf one, %get3A_223, %ne3A_226 : vector<16xf32>
      %jit3A_228 = arith.constant 1.000000e+00 : f32
      %jit3A_229 = arith.constant 0.000000e+00 : f32
      %broadcast_in_dim3A = vector.broadcast %jit3A_228 : f32 to vector<16xf32>
      %broadcast_in_dim3A_230 = vector.broadcast %jit3A_229 : f32 to vector<16xf32>
      %select_n3A_231 = arith.select %ne3A_227, %broadcast_in_dim3A, %broadcast_in_dim3A_230 : vector<16xi1>, vector<16xf32>
      %add3A_232 = arith.addf %get3A_217, %select_n3A_231 : vector<16xf32>
      %add3A_233 = arith.constant 128 : i32
      %add3A_234 = arith.addi %add3A_233, %mul3A_208 : i32
      %get3A_235 = arith.index_cast %select_n3A : i32 to index
      %get3A_236 = arith.index_cast %add3A_234 : i32 to index
      %get3A_237 = tpu.vector_load %arg11[%get3A_235, %get3A_236] {strides = array<i32>} : memref<16x1664xf32, #tpu.memory_space<vmem>>, vector<1x16xf32>,
      %get3A_238 = vector.shape_cast %get3A_237 : vector<1x16xf32> to vector<16xf32>
      %add3A_239 = arith.addf %add3A_224, %get3A_238 : vector<16xf32>
      %ne3A_240 = arith.constant 0.000000e+00 : f32
      %ne3A_241 = vector.broadcast %ne3A_240 : f32 to vector<16xf32>
      %ne3A_242 = arith.cmpf one, %get3A_238, %ne3A_241 : vector<16xf32>
      %jit3A_243 = arith.constant 1.000000e+00 : f32
      %jit3A_244 = arith.constant 0.000000e+00 : f32
      %broadcast_in_dim3A_245 = vector.broadcast %jit3A_243 : f32 to vector<16xf32>
      %broadcast_in_dim3A_246 = vector.broadcast %jit3A_244 : f32 to vector<16xf32>
      %select_n3A_247 = arith.select %ne3A_242, %broadcast_in_dim3A_245, %broadcast_in_dim3A_246 : vector<16xi1>, vector<16xf32>
      %add3A_248 = arith.addf %add3A_232, %select_n3A_247 : vector<16xf32>
      %add3A_249 = arith.constant 256 : i32
      %add3A_250 = arith.addi %add3A_249, %mul3A_208 : i32
      %get3A_251 = arith.index_cast %select_n3A : i32 to index
      %get3A_252 = arith.index_cast %add3A_250 : i32 to index
      %get3A_253 = tpu.vector_load %arg11[%get3A_251, %get3A_252] {strides = array<i32>} : memref<16x1664xf32, #tpu.memory_space<vmem>>, vector<1x16xf32>,
      %get3A_254 = vector.shape_cast %get3A_253 : vector<1x16xf32> to vector<16xf32>
      %add3A_255 = arith.addf %add3A_239, %get3A_254 : vector<16xf32>
      %ne3A_256 = arith.constant 0.000000e+00 : f32
      %ne3A_257 = vector.broadcast %ne3A_256 : f32 to vector<16xf32>
      %ne3A_258 = arith.cmpf one, %get3A_254, %ne3A_257 : vector<16xf32>
      %jit3A_259 = arith.constant 1.000000e+00 : f32
      %jit3A_260 = arith.constant 0.000000e+00 : f32
      %broadcast_in_dim3A_261 = vector.broadcast %jit3A_259 : f32 to vector<16xf32>
      %broadcast_in_dim3A_262 = vector.broadcast %jit3A_260 : f32 to vector<16xf32>
      %select_n3A_263 = arith.select %ne3A_258, %broadcast_in_dim3A_261, %broadcast_in_dim3A_262 : vector<16xi1>, vector<16xf32>
      %add3A_264 = arith.addf %add3A_248, %select_n3A_263 : vector<16xf32>
      %add3A_265 = arith.constant 384 : i32
      %add3A_266 = arith.addi %add3A_265, %mul3A_208 : i32
      %get3A_267 = arith.index_cast %select_n3A : i32 to index
      %get3A_268 = arith.index_cast %add3A_266 : i32 to index
      %get3A_269 = tpu.vector_load %arg11[%get3A_267, %get3A_268] {strides = array<i32>} : memref<16x1664xf32, #tpu.memory_space<vmem>>, vector<1x16xf32>,
      %get3A_270 = vector.shape_cast %get3A_269 : vector<1x16xf32> to vector<16xf32>
      %add3A_271 = arith.addf %add3A_255, %get3A_270 : vector<16xf32>
      %ne3A_272 = arith.constant 0.000000e+00 : f32
      %ne3A_273 = vector.broadcast %ne3A_272 : f32 to vector<16xf32>
      %ne3A_274 = arith.cmpf one, %get3A_270, %ne3A_273 : vector<16xf32>
      %jit3A_275 = arith.constant 1.000000e+00 : f32
      %jit3A_276 = arith.constant 0.000000e+00 : f32
      %broadcast_in_dim3A_277 = vector.broadcast %jit3A_275 : f32 to vector<16xf32>
      %broadcast_in_dim3A_278 = vector.broadcast %jit3A_276 : f32 to vector<16xf32>
      %select_n3A_279 = arith.select %ne3A_274, %broadcast_in_dim3A_277, %broadcast_in_dim3A_278 : vector<16xi1>, vector<16xf32>
      %add3A_280 = arith.addf %add3A_264, %select_n3A_279 : vector<16xf32>
      %add3A_281 = arith.constant 512 : i32
      %add3A_282 = arith.addi %add3A_281, %mul3A_208 : i32
      %get3A_283 = arith.index_cast %select_n3A : i32 to index
      %get3A_284 = arith.index_cast %add3A_282 : i32 to index
      %get3A_285 = tpu.vector_load %arg11[%get3A_283, %get3A_284] {strides = array<i32>} : memref<16x1664xf32, #tpu.memory_space<vmem>>, vector<1x16xf32>,
      %get3A_286 = vector.shape_cast %get3A_285 : vector<1x16xf32> to vector<16xf32>
      %add3A_287 = arith.addf %add3A_271, %get3A_286 : vector<16xf32>
      %ne3A_288 = arith.constant 0.000000e+00 : f32
      %ne3A_289 = vector.broadcast %ne3A_288 : f32 to vector<16xf32>
      %ne3A_290 = arith.cmpf one, %get3A_286, %ne3A_289 : vector<16xf32>
      %jit3A_291 = arith.constant 1.000000e+00 : f32
      %jit3A_292 = arith.constant 0.000000e+00 : f32
      %broadcast_in_dim3A_293 = vector.broadcast %jit3A_291 : f32 to vector<16xf32>
      %broadcast_in_dim3A_294 = vector.broadcast %jit3A_292 : f32 to vector<16xf32>
      %select_n3A_295 = arith.select %ne3A_290, %broadcast_in_dim3A_293, %broadcast_in_dim3A_294 : vector<16xi1>, vector<16xf32>
      %add3A_296 = arith.addf %add3A_280, %select_n3A_295 : vector<16xf32>
      %add3A_297 = arith.constant 640 : i32
      %add3A_298 = arith.addi %add3A_297, %mul3A_208 : i32
      %get3A_299 = arith.index_cast %select_n3A : i32 to index
      %get3A_300 = arith.index_cast %add3A_298 : i32 to index
      %get3A_301 = tpu.vector_load %arg11[%get3A_299, %get3A_300] {strides = array<i32>} : memref<16x1664xf32, #tpu.memory_space<vmem>>, vector<1x16xf32>,
      %get3A_302 = vector.shape_cast %get3A_301 : vector<1x16xf32> to vector<16xf32>
      %add3A_303 = arith.addf %add3A_287, %get3A_302 : vector<16xf32>
      %ne3A_304 = arith.constant 0.000000e+00 : f32
      %ne3A_305 = vector.broadcast %ne3A_304 : f32 to vector<16xf32>
      %ne3A_306 = arith.cmpf one, %get3A_302, %ne3A_305 : vector<16xf32>
      %jit3A_307 = arith.constant 1.000000e+00 : f32
      %jit3A_308 = arith.constant 0.000000e+00 : f32
      %broadcast_in_dim3A_309 = vector.broadcast %jit3A_307 : f32 to vector<16xf32>
      %broadcast_in_dim3A_310 = vector.broadcast %jit3A_308 : f32 to vector<16xf32>
      %select_n3A_311 = arith.select %ne3A_306, %broadcast_in_dim3A_309, %broadcast_in_dim3A_310 : vector<16xi1>, vector<16xf32>
      %add3A_312 = arith.addf %add3A_296, %select_n3A_311 : vector<16xf32>
      %add3A_313 = arith.constant 768 : i32
      %add3A_314 = arith.addi %add3A_313, %mul3A_208 : i32
      %get3A_315 = arith.index_cast %select_n3A : i32 to index
      %get3A_316 = arith.index_cast %add3A_314 : i32 to index
      %get3A_317 = tpu.vector_load %arg11[%get3A_315, %get3A_316] {strides = array<i32>} : memref<16x1664xf32, #tpu.memory_space<vmem>>, vector<1x16xf32>,
      %get3A_318 = vector.shape_cast %get3A_317 : vector<1x16xf32> to vector<16xf32>
      %add3A_319 = arith.addf %add3A_303, %get3A_318 : vector<16xf32>
      %ne3A_320 = arith.constant 0.000000e+00 : f32
      %ne3A_321 = vector.broadcast %ne3A_320 : f32 to vector<16xf32>
      %ne3A_322 = arith.cmpf one, %get3A_318, %ne3A_321 : vector<16xf32>
      %jit3A_323 = arith.constant 1.000000e+00 : f32
      %jit3A_324 = arith.constant 0.000000e+00 : f32
      %broadcast_in_dim3A_325 = vector.broadcast %jit3A_323 : f32 to vector<16xf32>
      %broadcast_in_dim3A_326 = vector.broadcast %jit3A_324 : f32 to vector<16xf32>
      %select_n3A_327 = arith.select %ne3A_322, %broadcast_in_dim3A_325, %broadcast_in_dim3A_326 : vector<16xi1>, vector<16xf32>
      %add3A_328 = arith.addf %add3A_312, %select_n3A_327 : vector<16xf32>
      %add3A_329 = arith.constant 896 : i32
      %add3A_330 = arith.addi %add3A_329, %mul3A_208 : i32
      %get3A_331 = arith.index_cast %select_n3A : i32 to index
      %get3A_332 = arith.index_cast %add3A_330 : i32 to index
      %get3A_333 = tpu.vector_load %arg11[%get3A_331, %get3A_332] {strides = array<i32>} : memref<16x1664xf32, #tpu.memory_space<vmem>>, vector<1x16xf32>,
      %get3A_334 = vector.shape_cast %get3A_333 : vector<1x16xf32> to vector<16xf32>
      %add3A_335 = arith.addf %add3A_319, %get3A_334 : vector<16xf32>
      %ne3A_336 = arith.constant 0.000000e+00 : f32
      %ne3A_337 = vector.broadcast %ne3A_336 : f32 to vector<16xf32>
      %ne3A_338 = arith.cmpf one, %get3A_334, %ne3A_337 : vector<16xf32>
      %jit3A_339 = arith.constant 1.000000e+00 : f32
      %jit3A_340 = arith.constant 0.000000e+00 : f32
      %broadcast_in_dim3A_341 = vector.broadcast %jit3A_339 : f32 to vector<16xf32>
      %broadcast_in_dim3A_342 = vector.broadcast %jit3A_340 : f32 to vector<16xf32>
      %select_n3A_343 = arith.select %ne3A_338, %broadcast_in_dim3A_341, %broadcast_in_dim3A_342 : vector<16xi1>, vector<16xf32>
      %add3A_344 = arith.addf %add3A_328, %select_n3A_343 : vector<16xf32>
      %add3A_345 = arith.constant 1024 : i32
      %add3A_346 = arith.addi %add3A_345, %mul3A_208 : i32
      %get3A_347 = arith.index_cast %select_n3A : i32 to index
      %get3A_348 = arith.index_cast %add3A_346 : i32 to index
      %get3A_349 = tpu.vector_load %arg11[%get3A_347, %get3A_348] {strides = array<i32>} : memref<16x1664xf32, #tpu.memory_space<vmem>>, vector<1x16xf32>,
      %get3A_350 = vector.shape_cast %get3A_349 : vector<1x16xf32> to vector<16xf32>
      %add3A_351 = arith.addf %add3A_335, %get3A_350 : vector<16xf32>
      %ne3A_352 = arith.constant 0.000000e+00 : f32
      %ne3A_353 = vector.broadcast %ne3A_352 : f32 to vector<16xf32>
      %ne3A_354 = arith.cmpf one, %get3A_350, %ne3A_353 : vector<16xf32>
      %jit3A_355 = arith.constant 1.000000e+00 : f32
      %jit3A_356 = arith.constant 0.000000e+00 : f32
      %broadcast_in_dim3A_357 = vector.broadcast %jit3A_355 : f32 to vector<16xf32>
      %broadcast_in_dim3A_358 = vector.broadcast %jit3A_356 : f32 to vector<16xf32>
      %select_n3A_359 = arith.select %ne3A_354, %broadcast_in_dim3A_357, %broadcast_in_dim3A_358 : vector<16xi1>, vector<16xf32>
      %add3A_360 = arith.addf %add3A_344, %select_n3A_359 : vector<16xf32>
      %add3A_361 = arith.constant 1152 : i32
      %add3A_362 = arith.addi %add3A_361, %mul3A_208 : i32
      %get3A_363 = arith.index_cast %select_n3A : i32 to index
      %get3A_364 = arith.index_cast %add3A_362 : i32 to index
      %get3A_365 = tpu.vector_load %arg11[%get3A_363, %get3A_364] {strides = array<i32>} : memref<16x1664xf32, #tpu.memory_space<vmem>>, vector<1x16xf32>,
      %get3A_366 = vector.shape_cast %get3A_365 : vector<1x16xf32> to vector<16xf32>
      %add3A_367 = arith.addf %add3A_351, %get3A_366 : vector<16xf32>
      %ne3A_368 = arith.constant 0.000000e+00 : f32
      %ne3A_369 = vector.broadcast %ne3A_368 : f32 to vector<16xf32>
      %ne3A_370 = arith.cmpf one, %get3A_366, %ne3A_369 : vector<16xf32>
      %jit3A_371 = arith.constant 1.000000e+00 : f32
      %jit3A_372 = arith.constant 0.000000e+00 : f32
      %broadcast_in_dim3A_373 = vector.broadcast %jit3A_371 : f32 to vector<16xf32>
      %broadcast_in_dim3A_374 = vector.broadcast %jit3A_372 : f32 to vector<16xf32>
      %select_n3A_375 = arith.select %ne3A_370, %broadcast_in_dim3A_373, %broadcast_in_dim3A_374 : vector<16xi1>, vector<16xf32>
      %add3A_376 = arith.addf %add3A_360, %select_n3A_375 : vector<16xf32>
      %add3A_377 = arith.constant 1280 : i32
      %add3A_378 = arith.addi %add3A_377, %mul3A_208 : i32
      %get3A_379 = arith.index_cast %select_n3A : i32 to index
      %get3A_380 = arith.index_cast %add3A_378 : i32 to index
      %get3A_381 = tpu.vector_load %arg11[%get3A_379, %get3A_380] {strides = array<i32>} : memref<16x1664xf32, #tpu.memory_space<vmem>>, vector<1x16xf32>,
      %get3A_382 = vector.shape_cast %get3A_381 : vector<1x16xf32> to vector<16xf32>
      %add3A_383 = arith.addf %add3A_367, %get3A_382 : vector<16xf32>
      %ne3A_384 = arith.constant 0.000000e+00 : f32
      %ne3A_385 = vector.broadcast %ne3A_384 : f32 to vector<16xf32>
      %ne3A_386 = arith.cmpf one, %get3A_382, %ne3A_385 : vector<16xf32>
      %jit3A_387 = arith.constant 1.000000e+00 : f32
      %jit3A_388 = arith.constant 0.000000e+00 : f32
      %broadcast_in_dim3A_389 = vector.broadcast %jit3A_387 : f32 to vector<16xf32>
      %broadcast_in_dim3A_390 = vector.broadcast %jit3A_388 : f32 to vector<16xf32>
      %select_n3A_391 = arith.select %ne3A_386, %broadcast_in_dim3A_389, %broadcast_in_dim3A_390 : vector<16xi1>, vector<16xf32>
      %add3A_392 = arith.addf %add3A_376, %select_n3A_391 : vector<16xf32>
      %add3A_393 = arith.constant 1408 : i32
      %add3A_394 = arith.addi %add3A_393, %mul3A_208 : i32
      %get3A_395 = arith.index_cast %select_n3A : i32 to index
      %get3A_396 = arith.index_cast %add3A_394 : i32 to index
      %get3A_397 = tpu.vector_load %arg11[%get3A_395, %get3A_396] {strides = array<i32>} : memref<16x1664xf32, #tpu.memory_space<vmem>>, vector<1x16xf32>,
      %get3A_398 = vector.shape_cast %get3A_397 : vector<1x16xf32> to vector<16xf32>
      %add3A_399 = arith.addf %add3A_383, %get3A_398 : vector<16xf32>
      %ne3A_400 = arith.constant 0.000000e+00 : f32
      %ne3A_401 = vector.broadcast %ne3A_400 : f32 to vector<16xf32>
      %ne3A_402 = arith.cmpf one, %get3A_398, %ne3A_401 : vector<16xf32>
      %jit3A_403 = arith.constant 1.000000e+00 : f32
      %jit3A_404 = arith.constant 0.000000e+00 : f32
      %broadcast_in_dim3A_405 = vector.broadcast %jit3A_403 : f32 to vector<16xf32>
      %broadcast_in_dim3A_406 = vector.broadcast %jit3A_404 : f32 to vector<16xf32>
      %select_n3A_407 = arith.select %ne3A_402, %broadcast_in_dim3A_405, %broadcast_in_dim3A_406 : vector<16xi1>, vector<16xf32>
      %add3A_408 = arith.addf %add3A_392, %select_n3A_407 : vector<16xf32>
      %add3A_409 = arith.constant 1536 : i32
      %add3A_410 = arith.addi %add3A_409, %mul3A_208 : i32
      %get3A_411 = arith.index_cast %select_n3A : i32 to index
      %get3A_412 = arith.index_cast %add3A_410 : i32 to index
      %get3A_413 = tpu.vector_load %arg11[%get3A_411, %get3A_412] {strides = array<i32>} : memref<16x1664xf32, #tpu.memory_space<vmem>>, vector<1x16xf32>,
      %get3A_414 = vector.shape_cast %get3A_413 : vector<1x16xf32> to vector<16xf32>
      %add3A_415 = arith.addf %add3A_399, %get3A_414 : vector<16xf32>
      %ne3A_416 = arith.constant 0.000000e+00 : f32
      %ne3A_417 = vector.broadcast %ne3A_416 : f32 to vector<16xf32>
      %ne3A_418 = arith.cmpf one, %get3A_414, %ne3A_417 : vector<16xf32>
      %jit3A_419 = arith.constant 1.000000e+00 : f32
      %jit3A_420 = arith.constant 0.000000e+00 : f32
      %broadcast_in_dim3A_421 = vector.broadcast %jit3A_419 : f32 to vector<16xf32>
      %broadcast_in_dim3A_422 = vector.broadcast %jit3A_420 : f32 to vector<16xf32>
      %select_n3A_423 = arith.select %ne3A_418, %broadcast_in_dim3A_421, %broadcast_in_dim3A_422 : vector<16xi1>, vector<16xf32>
      %add3A_424 = arith.addf %add3A_408, %select_n3A_423 : vector<16xf32>
      %add3A_425 = arith.constant 416 : i32
      %add3A_426 = arith.addi %add3A_425, %select_n3A : i32
      %swap3A = arith.index_cast %add3A_426 : i32 to index
      %swap3A_427 = arith.index_cast %mul3A_208 : i32 to index
      %swap3A_428 = tpu.vector_load %arg9[%swap3A, %swap3A_427] {strides = array<i32>} : memref<432x128xf32, #tpu.memory_space<vmem>>, vector<1x16xf32>,
      %swap3A_429 = vector.shape_cast %swap3A_428 : vector<1x16xf32> to vector<16xf32>
      %swap3A_430 = vector.shape_cast %add3A_415 : vector<16xf32> to vector<1x16xf32>
      tpu.vector_store %arg9[%swap3A, %swap3A_427], %swap3A_430 {strides = array<i32>} : memref<432x128xf32, #tpu.memory_space<vmem>>, vector<1x16xf32>,
      %swap3A_431 = arith.index_cast %select_n3A : i32 to index
      %swap3A_432 = arith.index_cast %mul3A_208 : i32 to index
      %swap3A_433 = tpu.vector_load %arg12[%swap3A_431, %swap3A_432] {strides = array<i32>} : memref<16x128xf32, #tpu.memory_space<vmem>>, vector<1x16xf32>,
      %swap3A_434 = vector.shape_cast %swap3A_433 : vector<1x16xf32> to vector<16xf32>
      %swap3A_435 = vector.shape_cast %add3A_424 : vector<16xf32> to vector<1x16xf32>
      tpu.vector_store %arg12[%swap3A_431, %swap3A_432], %swap3A_435 {strides = array<i32>} : memref<16x128xf32, #tpu.memory_space<vmem>>, vector<1x16xf32>,
    }
    %scan3A_81 = arith.constant 128 : i32
    %scan3A_82 = arith.constant 0 : i32
    %scan3A_83 = arith.constant 0 : i32
    %scan3A_84 = arith.constant 12 : i32
    %scan3A_85 = arith.addi %scan3A_83, %scan3A_84 : i32
    %scan3A_86 = arith.constant 1 : i32
    scf.for %scan3A_176 = %scan3A_83 to %scan3A_85 step %scan3A_86  : i32 {
      %add3A_177 = arith.constant 38 : i32
      %add3A_178 = arith.addi %add3A_177, %scan3A_176 : i32
      %mul3A_179 = arith.constant 128 : i32
      %mul3A_180 = arith.muli %scan3A_176, %mul3A_179 : i32
      %dma_start3A_181 = arith.constant 0 : i32
      %dma_start3A_182 = arith.constant 0 : i32
      %dma_start3A_183 = tpu.memref_slice %arg11[%dma_start3A_182, %mul3A_180] : memref<16x1664xf32, #tpu.memory_space<vmem>> -> memref<1x128xf32, #tpu.memory_space<vmem>>
      %dma_start3A_184 = tpu.memref_squeeze %dma_start3A_183 : memref<1x128xf32, #tpu.memory_space<vmem>> -> memref<128xf32, #tpu.memory_space<vmem>>
      %dma_start3A_185 = arith.constant 0 : i32
      %dma_start3A_186 = tpu.memref_slice %arg8[%add3A_178, %dma_start3A_185] : memref<50x128xi32, #tpu.memory_space<vmem>> -> memref<1x128xi32, #tpu.memory_space<vmem>>
      %dma_start3A_187 = tpu.memref_squeeze %dma_start3A_186 : memref<1x128xi32, #tpu.memory_space<vmem>> -> memref<128xi32, #tpu.memory_space<vmem>>
      %dma_start3A_188 = arith.constant 0 : i32
      %dma_start3A_189 = tpu.memref_slice %arg3[%dma_start3A_181, %dma_start3A_188] : memref<16x100000xf32, #tpu.memory_space<hbm>> -> memref<1x100000xf32, #tpu.memory_space<hbm>>
      %dma_start3A_190 = tpu.memref_squeeze %dma_start3A_189 : memref<1x100000xf32, #tpu.memory_space<hbm>> -> memref<100000xf32, #tpu.memory_space<hbm>>
      %dma_start3A_191 = arith.constant 0 : i32
      %dma_start3A_192 = tpu.memref_slice %dma_start3A_190[%dma_start3A_191] : memref<100000xf32, #tpu.memory_space<hbm>> -> memref<100000xf32, #tpu.memory_space<hbm>>
      tpu.enqueue_indirect_dma source(%dma_start3A_192 : memref<100000xf32, #tpu.memory_space<hbm>>) target(%dma_start3A_184 : memref<128xf32, #tpu.memory_space<vmem>>) offsets(%dma_start3A_187 : memref<128xi32, #tpu.memory_space<vmem>>) semaphore(%arg14 : memref<!tpu.dma_semaphore, #tpu.memory_space<semaphore_mem>>)
      %add3A_193 = arith.constant 38 : i32
      %add3A_194 = arith.addi %add3A_193, %scan3A_176 : i32
      %mul3A_195 = arith.constant 128 : i32
      %mul3A_196 = arith.muli %scan3A_176, %mul3A_195 : i32
      %dma_start3A_197 = arith.constant 1 : i32
      %dma_start3A_198 = arith.constant 1 : i32
      %dma_start3A_199 = tpu.memref_slice %arg11[%dma_start3A_198, %mul3A_196] : memref<16x1664xf32, #tpu.memory_space<vmem>> -> memref<1x128xf32, #tpu.memory_space<vmem>>
      %dma_start3A_200 = tpu.memref_squeeze %dma_start3A_199 : memref<1x128xf32, #tpu.memory_space<vmem>> -> memref<128xf32, #tpu.memory_space<vmem>>
      %dma_start3A_201 = arith.constant 0 : i32
      %dma_start3A_202 = tpu.memref_slice %arg8[%add3A_194, %dma_start3A_201] : memref<50x128xi32, #tpu.memory_space<vmem>> -> memref<1x128xi32, #tpu.memory_space<vmem>>
      %dma_start3A_203 = tpu.memref_squeeze %dma_start3A_202 : memref<1x128xi32, #tpu.memory_space<vmem>> -> memref<128xi32, #tpu.memory_space<vmem>>
      %dma_start3A_204 = arith.constant 0 : i32
      %dma_start3A_205 = tpu.memref_slice %arg3[%dma_start3A_197, %dma_start3A_204] : memref<16x100000xf32, #tpu.memory_space<hbm>> -> memref<1x100000xf32, #tpu.memory_space<hbm>>
      %dma_start3A_206 = tpu.memref_squeeze %dma_start3A_205 : memref<1x100000xf32, #tpu.memory_space<hbm>> -> memref<100000xf32, #tpu.memory_space<hbm>>
      %dma_start3A_207 = arith.constant 0 : i32
      %dma_start3A_208 = tpu.memref_slice %dma_start3A_206[%dma_start3A_207] : memref<100000xf32, #tpu.memory_space<hbm>> -> memref<100000xf32, #tpu.memory_space<hbm>>
      tpu.enqueue_indirect_dma source(%dma_start3A_208 : memref<100000xf32, #tpu.memory_space<hbm>>) target(%dma_start3A_200 : memref<128xf32, #tpu.memory_space<vmem>>) offsets(%dma_start3A_203 : memref<128xi32, #tpu.memory_space<vmem>>) semaphore(%arg14 : memref<!tpu.dma_semaphore, #tpu.memory_space<semaphore_mem>>)
      %add3A_209 = arith.constant 38 : i32
      %add3A_210 = arith.addi %add3A_209, %scan3A_176 : i32
      %mul3A_211 = arith.constant 128 : i32
      %mul3A_212 = arith.muli %scan3A_176, %mul3A_211 : i32
      %dma_start3A_213 = arith.constant 2 : i32
      %dma_start3A_214 = arith.constant 2 : i32
      %dma_start3A_215 = tpu.memref_slice %arg11[%dma_start3A_214, %mul3A_212] : memref<16x1664xf32, #tpu.memory_space<vmem>> -> memref<1x128xf32, #tpu.memory_space<vmem>>
      %dma_start3A_216 = tpu.memref_squeeze %dma_start3A_215 : memref<1x128xf32, #tpu.memory_space<vmem>> -> memref<128xf32, #tpu.memory_space<vmem>>
      %dma_start3A_217 = arith.constant 0 : i32
      %dma_start3A_218 = tpu.memref_slice %arg8[%add3A_210, %dma_start3A_217] : memref<50x128xi32, #tpu.memory_space<vmem>> -> memref<1x128xi32, #tpu.memory_space<vmem>>
      %dma_start3A_219 = tpu.memref_squeeze %dma_start3A_218 : memref<1x128xi32, #tpu.memory_space<vmem>> -> memref<128xi32, #tpu.memory_space<vmem>>
      %dma_start3A_220 = arith.constant 0 : i32
      %dma_start3A_221 = tpu.memref_slice %arg3[%dma_start3A_213, %dma_start3A_220] : memref<16x100000xf32, #tpu.memory_space<hbm>> -> memref<1x100000xf32, #tpu.memory_space<hbm>>
      %dma_start3A_222 = tpu.memref_squeeze %dma_start3A_221 : memref<1x100000xf32, #tpu.memory_space<hbm>> -> memref<100000xf32, #tpu.memory_space<hbm>>
      %dma_start3A_223 = arith.constant 0 : i32
      %dma_start3A_224 = tpu.memref_slice %dma_start3A_222[%dma_start3A_223] : memref<100000xf32, #tpu.memory_space<hbm>> -> memref<100000xf32, #tpu.memory_space<hbm>>
      tpu.enqueue_indirect_dma source(%dma_start3A_224 : memref<100000xf32, #tpu.memory_space<hbm>>) target(%dma_start3A_216 : memref<128xf32, #tpu.memory_space<vmem>>) offsets(%dma_start3A_219 : memref<128xi32, #tpu.memory_space<vmem>>) semaphore(%arg14 : memref<!tpu.dma_semaphore, #tpu.memory_space<semaphore_mem>>)
      %add3A_225 = arith.constant 38 : i32
      %add3A_226 = arith.addi %add3A_225, %scan3A_176 : i32
      %mul3A_227 = arith.constant 128 : i32
      %mul3A_228 = arith.muli %scan3A_176, %mul3A_227 : i32
      %dma_start3A_229 = arith.constant 3 : i32
      %dma_start3A_230 = arith.constant 3 : i32
      %dma_start3A_231 = tpu.memref_slice %arg11[%dma_start3A_230, %mul3A_228] : memref<16x1664xf32, #tpu.memory_space<vmem>> -> memref<1x128xf32, #tpu.memory_space<vmem>>
      %dma_start3A_232 = tpu.memref_squeeze %dma_start3A_231 : memref<1x128xf32, #tpu.memory_space<vmem>> -> memref<128xf32, #tpu.memory_space<vmem>>
      %dma_start3A_233 = arith.constant 0 : i32
      %dma_start3A_234 = tpu.memref_slice %arg8[%add3A_226, %dma_start3A_233] : memref<50x128xi32, #tpu.memory_space<vmem>> -> memref<1x128xi32, #tpu.memory_space<vmem>>
      %dma_start3A_235 = tpu.memref_squeeze %dma_start3A_234 : memref<1x128xi32, #tpu.memory_space<vmem>> -> memref<128xi32, #tpu.memory_space<vmem>>
      %dma_start3A_236 = arith.constant 0 : i32
      %dma_start3A_237 = tpu.memref_slice %arg3[%dma_start3A_229, %dma_start3A_236] : memref<16x100000xf32, #tpu.memory_space<hbm>> -> memref<1x100000xf32, #tpu.memory_space<hbm>>
      %dma_start3A_238 = tpu.memref_squeeze %dma_start3A_237 : memref<1x100000xf32, #tpu.memory_space<hbm>> -> memref<100000xf32, #tpu.memory_space<hbm>>
      %dma_start3A_239 = arith.constant 0 : i32
      %dma_start3A_240 = tpu.memref_slice %dma_start3A_238[%dma_start3A_239] : memref<100000xf32, #tpu.memory_space<hbm>> -> memref<100000xf32, #tpu.memory_space<hbm>>
      tpu.enqueue_indirect_dma source(%dma_start3A_240 : memref<100000xf32, #tpu.memory_space<hbm>>) target(%dma_start3A_232 : memref<128xf32, #tpu.memory_space<vmem>>) offsets(%dma_start3A_235 : memref<128xi32, #tpu.memory_space<vmem>>) semaphore(%arg14 : memref<!tpu.dma_semaphore, #tpu.memory_space<semaphore_mem>>)
      %add3A_241 = arith.constant 38 : i32
      %add3A_242 = arith.addi %add3A_241, %scan3A_176 : i32
      %mul3A_243 = arith.constant 128 : i32
      %mul3A_244 = arith.muli %scan3A_176, %mul3A_243 : i32
      %dma_start3A_245 = arith.constant 4 : i32
      %dma_start3A_246 = arith.constant 4 : i32
      %dma_start3A_247 = tpu.memref_slice %arg11[%dma_start3A_246, %mul3A_244] : memref<16x1664xf32, #tpu.memory_space<vmem>> -> memref<1x128xf32, #tpu.memory_space<vmem>>
      %dma_start3A_248 = tpu.memref_squeeze %dma_start3A_247 : memref<1x128xf32, #tpu.memory_space<vmem>> -> memref<128xf32, #tpu.memory_space<vmem>>
      %dma_start3A_249 = arith.constant 0 : i32
      %dma_start3A_250 = tpu.memref_slice %arg8[%add3A_242, %dma_start3A_249] : memref<50x128xi32, #tpu.memory_space<vmem>> -> memref<1x128xi32, #tpu.memory_space<vmem>>
      %dma_start3A_251 = tpu.memref_squeeze %dma_start3A_250 : memref<1x128xi32, #tpu.memory_space<vmem>> -> memref<128xi32, #tpu.memory_space<vmem>>
      %dma_start3A_252 = arith.constant 0 : i32
      %dma_start3A_253 = tpu.memref_slice %arg3[%dma_start3A_245, %dma_start3A_252] : memref<16x100000xf32, #tpu.memory_space<hbm>> -> memref<1x100000xf32, #tpu.memory_space<hbm>>
      %dma_start3A_254 = tpu.memref_squeeze %dma_start3A_253 : memref<1x100000xf32, #tpu.memory_space<hbm>> -> memref<100000xf32, #tpu.memory_space<hbm>>
      %dma_start3A_255 = arith.constant 0 : i32
      %dma_start3A_256 = tpu.memref_slice %dma_start3A_254[%dma_start3A_255] : memref<100000xf32, #tpu.memory_space<hbm>> -> memref<100000xf32, #tpu.memory_space<hbm>>
      tpu.enqueue_indirect_dma source(%dma_start3A_256 : memref<100000xf32, #tpu.memory_space<hbm>>) target(%dma_start3A_248 : memref<128xf32, #tpu.memory_space<vmem>>) offsets(%dma_start3A_251 : memref<128xi32, #tpu.memory_space<vmem>>) semaphore(%arg14 : memref<!tpu.dma_semaphore, #tpu.memory_space<semaphore_mem>>)
      %add3A_257 = arith.constant 38 : i32
      %add3A_258 = arith.addi %add3A_257, %scan3A_176 : i32
      %mul3A_259 = arith.constant 128 : i32
      %mul3A_260 = arith.muli %scan3A_176, %mul3A_259 : i32
      %dma_start3A_261 = arith.constant 5 : i32
      %dma_start3A_262 = arith.constant 5 : i32
      %dma_start3A_263 = tpu.memref_slice %arg11[%dma_start3A_262, %mul3A_260] : memref<16x1664xf32, #tpu.memory_space<vmem>> -> memref<1x128xf32, #tpu.memory_space<vmem>>
      %dma_start3A_264 = tpu.memref_squeeze %dma_start3A_263 : memref<1x128xf32, #tpu.memory_space<vmem>> -> memref<128xf32, #tpu.memory_space<vmem>>
      %dma_start3A_265 = arith.constant 0 : i32
      %dma_start3A_266 = tpu.memref_slice %arg8[%add3A_258, %dma_start3A_265] : memref<50x128xi32, #tpu.memory_space<vmem>> -> memref<1x128xi32, #tpu.memory_space<vmem>>
      %dma_start3A_267 = tpu.memref_squeeze %dma_start3A_266 : memref<1x128xi32, #tpu.memory_space<vmem>> -> memref<128xi32, #tpu.memory_space<vmem>>
      %dma_start3A_268 = arith.constant 0 : i32
      %dma_start3A_269 = tpu.memref_slice %arg3[%dma_start3A_261, %dma_start3A_268] : memref<16x100000xf32, #tpu.memory_space<hbm>> -> memref<1x100000xf32, #tpu.memory_space<hbm>>
      %dma_start3A_270 = tpu.memref_squeeze %dma_start3A_269 : memref<1x100000xf32, #tpu.memory_space<hbm>> -> memref<100000xf32, #tpu.memory_space<hbm>>
      %dma_start3A_271 = arith.constant 0 : i32
      %dma_start3A_272 = tpu.memref_slice %dma_start3A_270[%dma_start3A_271] : memref<100000xf32, #tpu.memory_space<hbm>> -> memref<100000xf32, #tpu.memory_space<hbm>>
      tpu.enqueue_indirect_dma source(%dma_start3A_272 : memref<100000xf32, #tpu.memory_space<hbm>>) target(%dma_start3A_264 : memref<128xf32, #tpu.memory_space<vmem>>) offsets(%dma_start3A_267 : memref<128xi32, #tpu.memory_space<vmem>>) semaphore(%arg14 : memref<!tpu.dma_semaphore, #tpu.memory_space<semaphore_mem>>)
      %add3A_273 = arith.constant 38 : i32
      %add3A_274 = arith.addi %add3A_273, %scan3A_176 : i32
      %mul3A_275 = arith.constant 128 : i32
      %mul3A_276 = arith.muli %scan3A_176, %mul3A_275 : i32
      %dma_start3A_277 = arith.constant 6 : i32
      %dma_start3A_278 = arith.constant 6 : i32
      %dma_start3A_279 = tpu.memref_slice %arg11[%dma_start3A_278, %mul3A_276] : memref<16x1664xf32, #tpu.memory_space<vmem>> -> memref<1x128xf32, #tpu.memory_space<vmem>>
      %dma_start3A_280 = tpu.memref_squeeze %dma_start3A_279 : memref<1x128xf32, #tpu.memory_space<vmem>> -> memref<128xf32, #tpu.memory_space<vmem>>
      %dma_start3A_281 = arith.constant 0 : i32
      %dma_start3A_282 = tpu.memref_slice %arg8[%add3A_274, %dma_start3A_281] : memref<50x128xi32, #tpu.memory_space<vmem>> -> memref<1x128xi32, #tpu.memory_space<vmem>>
      %dma_start3A_283 = tpu.memref_squeeze %dma_start3A_282 : memref<1x128xi32, #tpu.memory_space<vmem>> -> memref<128xi32, #tpu.memory_space<vmem>>
      %dma_start3A_284 = arith.constant 0 : i32
      %dma_start3A_285 = tpu.memref_slice %arg3[%dma_start3A_277, %dma_start3A_284] : memref<16x100000xf32, #tpu.memory_space<hbm>> -> memref<1x100000xf32, #tpu.memory_space<hbm>>
      %dma_start3A_286 = tpu.memref_squeeze %dma_start3A_285 : memref<1x100000xf32, #tpu.memory_space<hbm>> -> memref<100000xf32, #tpu.memory_space<hbm>>
      %dma_start3A_287 = arith.constant 0 : i32
      %dma_start3A_288 = tpu.memref_slice %dma_start3A_286[%dma_start3A_287] : memref<100000xf32, #tpu.memory_space<hbm>> -> memref<100000xf32, #tpu.memory_space<hbm>>
      tpu.enqueue_indirect_dma source(%dma_start3A_288 : memref<100000xf32, #tpu.memory_space<hbm>>) target(%dma_start3A_280 : memref<128xf32, #tpu.memory_space<vmem>>) offsets(%dma_start3A_283 : memref<128xi32, #tpu.memory_space<vmem>>) semaphore(%arg14 : memref<!tpu.dma_semaphore, #tpu.memory_space<semaphore_mem>>)
      %add3A_289 = arith.constant 38 : i32
      %add3A_290 = arith.addi %add3A_289, %scan3A_176 : i32
      %mul3A_291 = arith.constant 128 : i32
      %mul3A_292 = arith.muli %scan3A_176, %mul3A_291 : i32
      %dma_start3A_293 = arith.constant 7 : i32
      %dma_start3A_294 = arith.constant 7 : i32
      %dma_start3A_295 = tpu.memref_slice %arg11[%dma_start3A_294, %mul3A_292] : memref<16x1664xf32, #tpu.memory_space<vmem>> -> memref<1x128xf32, #tpu.memory_space<vmem>>
      %dma_start3A_296 = tpu.memref_squeeze %dma_start3A_295 : memref<1x128xf32, #tpu.memory_space<vmem>> -> memref<128xf32, #tpu.memory_space<vmem>>
      %dma_start3A_297 = arith.constant 0 : i32
      %dma_start3A_298 = tpu.memref_slice %arg8[%add3A_290, %dma_start3A_297] : memref<50x128xi32, #tpu.memory_space<vmem>> -> memref<1x128xi32, #tpu.memory_space<vmem>>
      %dma_start3A_299 = tpu.memref_squeeze %dma_start3A_298 : memref<1x128xi32, #tpu.memory_space<vmem>> -> memref<128xi32, #tpu.memory_space<vmem>>
      %dma_start3A_300 = arith.constant 0 : i32
      %dma_start3A_301 = tpu.memref_slice %arg3[%dma_start3A_293, %dma_start3A_300] : memref<16x100000xf32, #tpu.memory_space<hbm>> -> memref<1x100000xf32, #tpu.memory_space<hbm>>
      %dma_start3A_302 = tpu.memref_squeeze %dma_start3A_301 : memref<1x100000xf32, #tpu.memory_space<hbm>> -> memref<100000xf32, #tpu.memory_space<hbm>>
      %dma_start3A_303 = arith.constant 0 : i32
      %dma_start3A_304 = tpu.memref_slice %dma_start3A_302[%dma_start3A_303] : memref<100000xf32, #tpu.memory_space<hbm>> -> memref<100000xf32, #tpu.memory_space<hbm>>
      tpu.enqueue_indirect_dma source(%dma_start3A_304 : memref<100000xf32, #tpu.memory_space<hbm>>) target(%dma_start3A_296 : memref<128xf32, #tpu.memory_space<vmem>>) offsets(%dma_start3A_299 : memref<128xi32, #tpu.memory_space<vmem>>) semaphore(%arg14 : memref<!tpu.dma_semaphore, #tpu.memory_space<semaphore_mem>>)
      %add3A_305 = arith.constant 38 : i32
      %add3A_306 = arith.addi %add3A_305, %scan3A_176 : i32
      %mul3A_307 = arith.constant 128 : i32
      %mul3A_308 = arith.muli %scan3A_176, %mul3A_307 : i32
      %dma_start3A_309 = arith.constant 8 : i32
      %dma_start3A_310 = arith.constant 8 : i32
      %dma_start3A_311 = tpu.memref_slice %arg11[%dma_start3A_310, %mul3A_308] : memref<16x1664xf32, #tpu.memory_space<vmem>> -> memref<1x128xf32, #tpu.memory_space<vmem>>
      %dma_start3A_312 = tpu.memref_squeeze %dma_start3A_311 : memref<1x128xf32, #tpu.memory_space<vmem>> -> memref<128xf32, #tpu.memory_space<vmem>>
      %dma_start3A_313 = arith.constant 0 : i32
      %dma_start3A_314 = tpu.memref_slice %arg8[%add3A_306, %dma_start3A_313] : memref<50x128xi32, #tpu.memory_space<vmem>> -> memref<1x128xi32, #tpu.memory_space<vmem>>
      %dma_start3A_315 = tpu.memref_squeeze %dma_start3A_314 : memref<1x128xi32, #tpu.memory_space<vmem>> -> memref<128xi32, #tpu.memory_space<vmem>>
      %dma_start3A_316 = arith.constant 0 : i32
      %dma_start3A_317 = tpu.memref_slice %arg3[%dma_start3A_309, %dma_start3A_316] : memref<16x100000xf32, #tpu.memory_space<hbm>> -> memref<1x100000xf32, #tpu.memory_space<hbm>>
      %dma_start3A_318 = tpu.memref_squeeze %dma_start3A_317 : memref<1x100000xf32, #tpu.memory_space<hbm>> -> memref<100000xf32, #tpu.memory_space<hbm>>
      %dma_start3A_319 = arith.constant 0 : i32
      %dma_start3A_320 = tpu.memref_slice %dma_start3A_318[%dma_start3A_319] : memref<100000xf32, #tpu.memory_space<hbm>> -> memref<100000xf32, #tpu.memory_space<hbm>>
      tpu.enqueue_indirect_dma source(%dma_start3A_320 : memref<100000xf32, #tpu.memory_space<hbm>>) target(%dma_start3A_312 : memref<128xf32, #tpu.memory_space<vmem>>) offsets(%dma_start3A_315 : memref<128xi32, #tpu.memory_space<vmem>>) semaphore(%arg14 : memref<!tpu.dma_semaphore, #tpu.memory_space<semaphore_mem>>)
      %add3A_321 = arith.constant 38 : i32
      %add3A_322 = arith.addi %add3A_321, %scan3A_176 : i32
      %mul3A_323 = arith.constant 128 : i32
      %mul3A_324 = arith.muli %scan3A_176, %mul3A_323 : i32
      %dma_start3A_325 = arith.constant 9 : i32
      %dma_start3A_326 = arith.constant 9 : i32
      %dma_start3A_327 = tpu.memref_slice %arg11[%dma_start3A_326, %mul3A_324] : memref<16x1664xf32, #tpu.memory_space<vmem>> -> memref<1x128xf32, #tpu.memory_space<vmem>>
      %dma_start3A_328 = tpu.memref_squeeze %dma_start3A_327 : memref<1x128xf32, #tpu.memory_space<vmem>> -> memref<128xf32, #tpu.memory_space<vmem>>
      %dma_start3A_329 = arith.constant 0 : i32
      %dma_start3A_330 = tpu.memref_slice %arg8[%add3A_322, %dma_start3A_329] : memref<50x128xi32, #tpu.memory_space<vmem>> -> memref<1x128xi32, #tpu.memory_space<vmem>>
      %dma_start3A_331 = tpu.memref_squeeze %dma_start3A_330 : memref<1x128xi32, #tpu.memory_space<vmem>> -> memref<128xi32, #tpu.memory_space<vmem>>
      %dma_start3A_332 = arith.constant 0 : i32
      %dma_start3A_333 = tpu.memref_slice %arg3[%dma_start3A_325, %dma_start3A_332] : memref<16x100000xf32, #tpu.memory_space<hbm>> -> memref<1x100000xf32, #tpu.memory_space<hbm>>
      %dma_start3A_334 = tpu.memref_squeeze %dma_start3A_333 : memref<1x100000xf32, #tpu.memory_space<hbm>> -> memref<100000xf32, #tpu.memory_space<hbm>>
      %dma_start3A_335 = arith.constant 0 : i32
      %dma_start3A_336 = tpu.memref_slice %dma_start3A_334[%dma_start3A_335] : memref<100000xf32, #tpu.memory_space<hbm>> -> memref<100000xf32, #tpu.memory_space<hbm>>
      tpu.enqueue_indirect_dma source(%dma_start3A_336 : memref<100000xf32, #tpu.memory_space<hbm>>) target(%dma_start3A_328 : memref<128xf32, #tpu.memory_space<vmem>>) offsets(%dma_start3A_331 : memref<128xi32, #tpu.memory_space<vmem>>) semaphore(%arg14 : memref<!tpu.dma_semaphore, #tpu.memory_space<semaphore_mem>>)
      %add3A_337 = arith.constant 38 : i32
      %add3A_338 = arith.addi %add3A_337, %scan3A_176 : i32
      %mul3A_339 = arith.constant 128 : i32
      %mul3A_340 = arith.muli %scan3A_176, %mul3A_339 : i32
      %dma_start3A_341 = arith.constant 10 : i32
      %dma_start3A_342 = arith.constant 10 : i32
      %dma_start3A_343 = tpu.memref_slice %arg11[%dma_start3A_342, %mul3A_340] : memref<16x1664xf32, #tpu.memory_space<vmem>> -> memref<1x128xf32, #tpu.memory_space<vmem>>
      %dma_start3A_344 = tpu.memref_squeeze %dma_start3A_343 : memref<1x128xf32, #tpu.memory_space<vmem>> -> memref<128xf32, #tpu.memory_space<vmem>>
      %dma_start3A_345 = arith.constant 0 : i32
      %dma_start3A_346 = tpu.memref_slice %arg8[%add3A_338, %dma_start3A_345] : memref<50x128xi32, #tpu.memory_space<vmem>> -> memref<1x128xi32, #tpu.memory_space<vmem>>
      %dma_start3A_347 = tpu.memref_squeeze %dma_start3A_346 : memref<1x128xi32, #tpu.memory_space<vmem>> -> memref<128xi32, #tpu.memory_space<vmem>>
      %dma_start3A_348 = arith.constant 0 : i32
      %dma_start3A_349 = tpu.memref_slice %arg3[%dma_start3A_341, %dma_start3A_348] : memref<16x100000xf32, #tpu.memory_space<hbm>> -> memref<1x100000xf32, #tpu.memory_space<hbm>>
      %dma_start3A_350 = tpu.memref_squeeze %dma_start3A_349 : memref<1x100000xf32, #tpu.memory_space<hbm>> -> memref<100000xf32, #tpu.memory_space<hbm>>
      %dma_start3A_351 = arith.constant 0 : i32
      %dma_start3A_352 = tpu.memref_slice %dma_start3A_350[%dma_start3A_351] : memref<100000xf32, #tpu.memory_space<hbm>> -> memref<100000xf32, #tpu.memory_space<hbm>>
      tpu.enqueue_indirect_dma source(%dma_start3A_352 : memref<100000xf32, #tpu.memory_space<hbm>>) target(%dma_start3A_344 : memref<128xf32, #tpu.memory_space<vmem>>) offsets(%dma_start3A_347 : memref<128xi32, #tpu.memory_space<vmem>>) semaphore(%arg14 : memref<!tpu.dma_semaphore, #tpu.memory_space<semaphore_mem>>)
      %add3A_353 = arith.constant 38 : i32
      %add3A_354 = arith.addi %add3A_353, %scan3A_176 : i32
      %mul3A_355 = arith.constant 128 : i32
      %mul3A_356 = arith.muli %scan3A_176, %mul3A_355 : i32
      %dma_start3A_357 = arith.constant 11 : i32
      %dma_start3A_358 = arith.constant 11 : i32
      %dma_start3A_359 = tpu.memref_slice %arg11[%dma_start3A_358, %mul3A_356] : memref<16x1664xf32, #tpu.memory_space<vmem>> -> memref<1x128xf32, #tpu.memory_space<vmem>>
      %dma_start3A_360 = tpu.memref_squeeze %dma_start3A_359 : memref<1x128xf32, #tpu.memory_space<vmem>> -> memref<128xf32, #tpu.memory_space<vmem>>
      %dma_start3A_361 = arith.constant 0 : i32
      %dma_start3A_362 = tpu.memref_slice %arg8[%add3A_354, %dma_start3A_361] : memref<50x128xi32, #tpu.memory_space<vmem>> -> memref<1x128xi32, #tpu.memory_space<vmem>>
      %dma_start3A_363 = tpu.memref_squeeze %dma_start3A_362 : memref<1x128xi32, #tpu.memory_space<vmem>> -> memref<128xi32, #tpu.memory_space<vmem>>
      %dma_start3A_364 = arith.constant 0 : i32
      %dma_start3A_365 = tpu.memref_slice %arg3[%dma_start3A_357, %dma_start3A_364] : memref<16x100000xf32, #tpu.memory_space<hbm>> -> memref<1x100000xf32, #tpu.memory_space<hbm>>
      %dma_start3A_366 = tpu.memref_squeeze %dma_start3A_365 : memref<1x100000xf32, #tpu.memory_space<hbm>> -> memref<100000xf32, #tpu.memory_space<hbm>>
      %dma_start3A_367 = arith.constant 0 : i32
      %dma_start3A_368 = tpu.memref_slice %dma_start3A_366[%dma_start3A_367] : memref<100000xf32, #tpu.memory_space<hbm>> -> memref<100000xf32, #tpu.memory_space<hbm>>
      tpu.enqueue_indirect_dma source(%dma_start3A_368 : memref<100000xf32, #tpu.memory_space<hbm>>) target(%dma_start3A_360 : memref<128xf32, #tpu.memory_space<vmem>>) offsets(%dma_start3A_363 : memref<128xi32, #tpu.memory_space<vmem>>) semaphore(%arg14 : memref<!tpu.dma_semaphore, #tpu.memory_space<semaphore_mem>>)
      %add3A_369 = arith.constant 38 : i32
      %add3A_370 = arith.addi %add3A_369, %scan3A_176 : i32
      %mul3A_371 = arith.constant 128 : i32
      %mul3A_372 = arith.muli %scan3A_176, %mul3A_371 : i32
      %dma_start3A_373 = arith.constant 12 : i32
      %dma_start3A_374 = arith.constant 12 : i32
      %dma_start3A_375 = tpu.memref_slice %arg11[%dma_start3A_374, %mul3A_372] : memref<16x1664xf32, #tpu.memory_space<vmem>> -> memref<1x128xf32, #tpu.memory_space<vmem>>
      %dma_start3A_376 = tpu.memref_squeeze %dma_start3A_375 : memref<1x128xf32, #tpu.memory_space<vmem>> -> memref<128xf32, #tpu.memory_space<vmem>>
      %dma_start3A_377 = arith.constant 0 : i32
      %dma_start3A_378 = tpu.memref_slice %arg8[%add3A_370, %dma_start3A_377] : memref<50x128xi32, #tpu.memory_space<vmem>> -> memref<1x128xi32, #tpu.memory_space<vmem>>
      %dma_start3A_379 = tpu.memref_squeeze %dma_start3A_378 : memref<1x128xi32, #tpu.memory_space<vmem>> -> memref<128xi32, #tpu.memory_space<vmem>>
      %dma_start3A_380 = arith.constant 0 : i32
      %dma_start3A_381 = tpu.memref_slice %arg3[%dma_start3A_373, %dma_start3A_380] : memref<16x100000xf32, #tpu.memory_space<hbm>> -> memref<1x100000xf32, #tpu.memory_space<hbm>>
      %dma_start3A_382 = tpu.memref_squeeze %dma_start3A_381 : memref<1x100000xf32, #tpu.memory_space<hbm>> -> memref<100000xf32, #tpu.memory_space<hbm>>
      %dma_start3A_383 = arith.constant 0 : i32
      %dma_start3A_384 = tpu.memref_slice %dma_start3A_382[%dma_start3A_383] : memref<100000xf32, #tpu.memory_space<hbm>> -> memref<100000xf32, #tpu.memory_space<hbm>>
      tpu.enqueue_indirect_dma source(%dma_start3A_384 : memref<100000xf32, #tpu.memory_space<hbm>>) target(%dma_start3A_376 : memref<128xf32, #tpu.memory_space<vmem>>) offsets(%dma_start3A_379 : memref<128xi32, #tpu.memory_space<vmem>>) semaphore(%arg14 : memref<!tpu.dma_semaphore, #tpu.memory_space<semaphore_mem>>)
      %add3A_385 = arith.constant 38 : i32
      %add3A_386 = arith.addi %add3A_385, %scan3A_176 : i32
      %mul3A_387 = arith.constant 128 : i32
      %mul3A_388 = arith.muli %scan3A_176, %mul3A_387 : i32
      %dma_start3A_389 = arith.constant 13 : i32
      %dma_start3A_390 = arith.constant 13 : i32
      %dma_start3A_391 = tpu.memref_slice %arg11[%dma_start3A_390, %mul3A_388] : memref<16x1664xf32, #tpu.memory_space<vmem>> -> memref<1x128xf32, #tpu.memory_space<vmem>>
      %dma_start3A_392 = tpu.memref_squeeze %dma_start3A_391 : memref<1x128xf32, #tpu.memory_space<vmem>> -> memref<128xf32, #tpu.memory_space<vmem>>
      %dma_start3A_393 = arith.constant 0 : i32
      %dma_start3A_394 = tpu.memref_slice %arg8[%add3A_386, %dma_start3A_393] : memref<50x128xi32, #tpu.memory_space<vmem>> -> memref<1x128xi32, #tpu.memory_space<vmem>>
      %dma_start3A_395 = tpu.memref_squeeze %dma_start3A_394 : memref<1x128xi32, #tpu.memory_space<vmem>> -> memref<128xi32, #tpu.memory_space<vmem>>
      %dma_start3A_396 = arith.constant 0 : i32
      %dma_start3A_397 = tpu.memref_slice %arg3[%dma_start3A_389, %dma_start3A_396] : memref<16x100000xf32, #tpu.memory_space<hbm>> -> memref<1x100000xf32, #tpu.memory_space<hbm>>
      %dma_start3A_398 = tpu.memref_squeeze %dma_start3A_397 : memref<1x100000xf32, #tpu.memory_space<hbm>> -> memref<100000xf32, #tpu.memory_space<hbm>>
      %dma_start3A_399 = arith.constant 0 : i32
      %dma_start3A_400 = tpu.memref_slice %dma_start3A_398[%dma_start3A_399] : memref<100000xf32, #tpu.memory_space<hbm>> -> memref<100000xf32, #tpu.memory_space<hbm>>
      tpu.enqueue_indirect_dma source(%dma_start3A_400 : memref<100000xf32, #tpu.memory_space<hbm>>) target(%dma_start3A_392 : memref<128xf32, #tpu.memory_space<vmem>>) offsets(%dma_start3A_395 : memref<128xi32, #tpu.memory_space<vmem>>) semaphore(%arg14 : memref<!tpu.dma_semaphore, #tpu.memory_space<semaphore_mem>>)
      %add3A_401 = arith.constant 38 : i32
      %add3A_402 = arith.addi %add3A_401, %scan3A_176 : i32
      %mul3A_403 = arith.constant 128 : i32
      %mul3A_404 = arith.muli %scan3A_176, %mul3A_403 : i32
      %dma_start3A_405 = arith.constant 14 : i32
      %dma_start3A_406 = arith.constant 14 : i32
      %dma_start3A_407 = tpu.memref_slice %arg11[%dma_start3A_406, %mul3A_404] : memref<16x1664xf32, #tpu.memory_space<vmem>> -> memref<1x128xf32, #tpu.memory_space<vmem>>
      %dma_start3A_408 = tpu.memref_squeeze %dma_start3A_407 : memref<1x128xf32, #tpu.memory_space<vmem>> -> memref<128xf32, #tpu.memory_space<vmem>>
      %dma_start3A_409 = arith.constant 0 : i32
      %dma_start3A_410 = tpu.memref_slice %arg8[%add3A_402, %dma_start3A_409] : memref<50x128xi32, #tpu.memory_space<vmem>> -> memref<1x128xi32, #tpu.memory_space<vmem>>
      %dma_start3A_411 = tpu.memref_squeeze %dma_start3A_410 : memref<1x128xi32, #tpu.memory_space<vmem>> -> memref<128xi32, #tpu.memory_space<vmem>>
      %dma_start3A_412 = arith.constant 0 : i32
      %dma_start3A_413 = tpu.memref_slice %arg3[%dma_start3A_405, %dma_start3A_412] : memref<16x100000xf32, #tpu.memory_space<hbm>> -> memref<1x100000xf32, #tpu.memory_space<hbm>>
      %dma_start3A_414 = tpu.memref_squeeze %dma_start3A_413 : memref<1x100000xf32, #tpu.memory_space<hbm>> -> memref<100000xf32, #tpu.memory_space<hbm>>
      %dma_start3A_415 = arith.constant 0 : i32
      %dma_start3A_416 = tpu.memref_slice %dma_start3A_414[%dma_start3A_415] : memref<100000xf32, #tpu.memory_space<hbm>> -> memref<100000xf32, #tpu.memory_space<hbm>>
      tpu.enqueue_indirect_dma source(%dma_start3A_416 : memref<100000xf32, #tpu.memory_space<hbm>>) target(%dma_start3A_408 : memref<128xf32, #tpu.memory_space<vmem>>) offsets(%dma_start3A_411 : memref<128xi32, #tpu.memory_space<vmem>>) semaphore(%arg14 : memref<!tpu.dma_semaphore, #tpu.memory_space<semaphore_mem>>)
      %add3A_417 = arith.constant 38 : i32
      %add3A_418 = arith.addi %add3A_417, %scan3A_176 : i32
      %mul3A_419 = arith.constant 128 : i32
      %mul3A_420 = arith.muli %scan3A_176, %mul3A_419 : i32
      %dma_start3A_421 = arith.constant 15 : i32
      %dma_start3A_422 = arith.constant 15 : i32
      %dma_start3A_423 = tpu.memref_slice %arg11[%dma_start3A_422, %mul3A_420] : memref<16x1664xf32, #tpu.memory_space<vmem>> -> memref<1x128xf32, #tpu.memory_space<vmem>>
      %dma_start3A_424 = tpu.memref_squeeze %dma_start3A_423 : memref<1x128xf32, #tpu.memory_space<vmem>> -> memref<128xf32, #tpu.memory_space<vmem>>
      %dma_start3A_425 = arith.constant 0 : i32
      %dma_start3A_426 = tpu.memref_slice %arg8[%add3A_418, %dma_start3A_425] : memref<50x128xi32, #tpu.memory_space<vmem>> -> memref<1x128xi32, #tpu.memory_space<vmem>>
      %dma_start3A_427 = tpu.memref_squeeze %dma_start3A_426 : memref<1x128xi32, #tpu.memory_space<vmem>> -> memref<128xi32, #tpu.memory_space<vmem>>
      %dma_start3A_428 = arith.constant 0 : i32
      %dma_start3A_429 = tpu.memref_slice %arg3[%dma_start3A_421, %dma_start3A_428] : memref<16x100000xf32, #tpu.memory_space<hbm>> -> memref<1x100000xf32, #tpu.memory_space<hbm>>
      %dma_start3A_430 = tpu.memref_squeeze %dma_start3A_429 : memref<1x100000xf32, #tpu.memory_space<hbm>> -> memref<100000xf32, #tpu.memory_space<hbm>>
      %dma_start3A_431 = arith.constant 0 : i32
      %dma_start3A_432 = tpu.memref_slice %dma_start3A_430[%dma_start3A_431] : memref<100000xf32, #tpu.memory_space<hbm>> -> memref<100000xf32, #tpu.memory_space<hbm>>
      tpu.enqueue_indirect_dma source(%dma_start3A_432 : memref<100000xf32, #tpu.memory_space<hbm>>) target(%dma_start3A_424 : memref<128xf32, #tpu.memory_space<vmem>>) offsets(%dma_start3A_427 : memref<128xi32, #tpu.memory_space<vmem>>) semaphore(%arg14 : memref<!tpu.dma_semaphore, #tpu.memory_space<semaphore_mem>>)
    }
    %scan3A_87 = arith.constant 12 : i32
    %dma_wait3A_88 = arith.constant 0 : i32
    %dma_wait3A_89 = arith.constant 0 : i32
    %dma_wait3A_90 = tpu.memref_slice %arg9[%dma_wait3A_88, %dma_wait3A_89] : memref<432x128xf32, #tpu.memory_space<vmem>> -> memref<416x128xf32, #tpu.memory_space<vmem>>
    %dma_wait3A_91 = arith.constant 0 : i32
    %dma_wait3A_92 = arith.constant 0 : i32
    %dma_wait3A_93 = tpu.memref_slice %arg2[%dma_wait3A_91, %dma_wait3A_92] : memref<416x100000xf32, #tpu.memory_space<hbm>> -> memref<416x128xf32, #tpu.memory_space<hbm>>
    %dma_wait3A_94 = arith.constant 0 : i32
    %dma_wait3A_95 = arith.constant 0 : i32
    %dma_wait3A_96 = tpu.memref_slice %arg9[%dma_wait3A_94, %dma_wait3A_95] : memref<432x128xf32, #tpu.memory_space<vmem>> -> memref<416x128xf32, #tpu.memory_space<vmem>>
    %dma_wait3A_97 = arith.constant 0 : i32
    %dma_wait3A_98 = arith.constant 0 : i32
    %dma_wait3A_99 = tpu.memref_slice %arg2[%dma_wait3A_97, %dma_wait3A_98] : memref<416x100000xf32, #tpu.memory_space<hbm>> -> memref<416x128xf32, #tpu.memory_space<hbm>>
    tpu.wait_dma2 semaphore(%arg13 : memref<!tpu.dma_semaphore, #tpu.memory_space<semaphore_mem>>) src(%dma_wait3A_99 : memref<416x128xf32, #tpu.memory_space<hbm>>) dst(%dma_wait3A_96 : memref<416x128xf32, #tpu.memory_space<vmem>>)
    %dma_start3A_100 = arith.constant 0 : i32
    %dma_start3A_101 = arith.constant 0 : i32
    %dma_start3A_102 = tpu.memref_slice %arg9[%dma_start3A_100, %dma_start3A_101] : memref<432x128xf32, #tpu.memory_space<vmem>> -> memref<416x128xf32, #tpu.memory_space<vmem>>
    %dma_start3A_103 = arith.constant 0 : i32
    %dma_start3A_104 = tpu.memref_slice %arg6[%dma_start3A_103, %mul3A_2] : memref<432x4096xf32, #tpu.memory_space<hbm>> -> memref<416x128xf32, #tpu.memory_space<hbm>>
    %dma_start3A_105 = arith.constant 0 : i32
    %dma_start3A_106 = tpu.memref_slice %arg6[%dma_start3A_105, %mul3A_2] : memref<432x4096xf32, #tpu.memory_space<hbm>> -> memref<416x128xf32, #tpu.memory_space<hbm>>
    %dma_start3A_107 = arith.constant 0 : i32
    %dma_start3A_108 = arith.constant 0 : i32
    %dma_start3A_109 = tpu.memref_slice %arg9[%dma_start3A_107, %dma_start3A_108] : memref<432x128xf32, #tpu.memory_space<vmem>> -> memref<416x128xf32, #tpu.memory_space<vmem>>
    tpu.enqueue_dma source(%dma_start3A_109 : memref<416x128xf32, #tpu.memory_space<vmem>>) target(%dma_start3A_106 : memref<416x128xf32, #tpu.memory_space<hbm>>) target_semaphore(%arg13 : memref<!tpu.dma_semaphore, #tpu.memory_space<semaphore_mem>>)
    %dma_wait3A_110 = arith.constant 0 : i32
    %dma_wait3A_111 = arith.constant 0 : i32
    %dma_wait3A_112 = tpu.memref_slice %arg10[%dma_wait3A_110, %dma_wait3A_111] : memref<16x1664xf32, #tpu.memory_space<vmem>> -> memref<16x1536xf32, #tpu.memory_space<vmem>>
    %dma_wait3A_113 = arith.constant 0 : i32
    %dma_wait3A_114 = arith.constant 0 : i32
    %dma_wait3A_115 = tpu.memref_slice %arg3[%dma_wait3A_113, %dma_wait3A_114] : memref<16x100000xf32, #tpu.memory_space<hbm>> -> memref<16x1536xf32, #tpu.memory_space<hbm>>
    %dma_wait3A_116 = arith.constant 0 : i32
    %dma_wait3A_117 = arith.constant 0 : i32
    %dma_wait3A_118 = tpu.memref_slice %arg10[%dma_wait3A_116, %dma_wait3A_117] : memref<16x1664xf32, #tpu.memory_space<vmem>> -> memref<16x1536xf32, #tpu.memory_space<vmem>>
    %dma_wait3A_119 = arith.constant 0 : i32
    %dma_wait3A_120 = arith.constant 0 : i32
    %dma_wait3A_121 = tpu.memref_slice %arg3[%dma_wait3A_119, %dma_wait3A_120] : memref<16x100000xf32, #tpu.memory_space<hbm>> -> memref<16x1536xf32, #tpu.memory_space<hbm>>
    tpu.wait_dma2 semaphore(%arg14 : memref<!tpu.dma_semaphore, #tpu.memory_space<semaphore_mem>>) src(%dma_wait3A_121 : memref<16x1536xf32, #tpu.memory_space<hbm>>) dst(%dma_wait3A_118 : memref<16x1536xf32, #tpu.memory_space<vmem>>)
    %scan3A_122 = arith.constant 0 : i32
    %scan3A_123 = arith.constant 0 : i32
    %scan3A_124 = arith.constant 128 : i32
    %scan3A_125 = arith.addi %scan3A_123, %scan3A_124 : i32
    %scan3A_126 = arith.constant 1 : i32
    scf.for %scan3A_176 = %scan3A_123 to %scan3A_125 step %scan3A_126  : i32 {
      %jit3A = arith.constant 8 : i32
      %div3A = arith.divsi %scan3A_176, %jit3A : i32
      %sign3A = arith.constant 0 : i32
      %sign3A_177 = arith.cmpi sgt, %scan3A_176, %sign3A : i32
      %sign3A_178 = arith.extui %sign3A_177 : i1 to i32
      %sign3A_179 = arith.constant 0 : i32
      %sign3A_180 = arith.cmpi slt, %scan3A_176, %sign3A_179 : i32
      %sign3A_181 = arith.extui %sign3A_180 : i1 to i32
      %sign3A_182 = arith.subi %sign3A_178, %sign3A_181 : i32
      %sign3A_183 = arith.constant 0 : i32
      %sign3A_184 = arith.cmpi sgt, %jit3A, %sign3A_183 : i32
      %sign3A_185 = arith.extui %sign3A_184 : i1 to i32
      %sign3A_186 = arith.constant 0 : i32
      %sign3A_187 = arith.cmpi slt, %jit3A, %sign3A_186 : i32
      %sign3A_188 = arith.extui %sign3A_187 : i1 to i32
      %sign3A_189 = arith.subi %sign3A_185, %sign3A_188 : i32
      %ne3A = arith.cmpi ne, %sign3A_182, %sign3A_189 : i32
      %rem3A = arith.remsi %scan3A_176, %jit3A : i32
      %ne3A_190 = arith.constant 0 : i32
      %ne3A_191 = arith.cmpi ne, %rem3A, %ne3A_190 : i32
      %and3A = arith.andi %ne3A, %ne3A_191 : i1
      %sub3A = arith.constant 1 : i32
      %sub3A_192 = arith.subi %div3A, %sub3A : i32
      %select_n3A = arith.select %and3A, %sub3A_192, %div3A : i32
      %jit3A_193 = arith.constant 8 : i32
      %eq3A = arith.constant 0 : i32
      %eq3A_194 = arith.cmpi eq, %jit3A_193, %eq3A : i32
      %jit3A_195 = arith.constant 1 : i32
      %select_n3A_196 = arith.select %eq3A_194, %jit3A_195, %jit3A_193 : i32
      %rem3A_197 = arith.remsi %scan3A_176, %select_n3A_196 : i32
      %ne3A_198 = arith.constant 0 : i32
      %ne3A_199 = arith.cmpi ne, %rem3A_197, %ne3A_198 : i32
      %lt3A = arith.constant 0 : i32
      %lt3A_200 = arith.cmpi slt, %rem3A_197, %lt3A : i32
      %lt3A_201 = arith.constant 0 : i32
      %lt3A_202 = arith.cmpi slt, %select_n3A_196, %lt3A_201 : i32
      %ne3A_203 = arith.xori %lt3A_200, %lt3A_202 : i1
      %and3A_204 = arith.andi %ne3A_203, %ne3A_199 : i1
      %add3A_205 = arith.addi %rem3A_197, %select_n3A_196 : i32
      %select_n3A_206 = arith.select %and3A_204, %add3A_205, %rem3A_197 : i32
      %mul3A_207 = arith.constant 16 : i32
      %mul3A_208 = arith.muli %select_n3A_206, %mul3A_207 : i32
      %add3A_209 = arith.constant 416 : i32
      %add3A_210 = arith.addi %add3A_209, %select_n3A : i32
      %get3A = arith.index_cast %add3A_210 : i32 to index
      %get3A_211 = arith.index_cast %mul3A_208 : i32 to index
      %get3A_212 = tpu.vector_load %arg9[%get3A, %get3A_211] {strides = array<i32>} : memref<432x128xf32, #tpu.memory_space<vmem>>, vector<1x16xf32>,
      %get3A_213 = vector.shape_cast %get3A_212 : vector<1x16xf32> to vector<16xf32>
      %get3A_214 = arith.index_cast %select_n3A : i32 to index
      %get3A_215 = arith.index_cast %mul3A_208 : i32 to index
      %get3A_216 = tpu.vector_load %arg12[%get3A_214, %get3A_215] {strides = array<i32>} : memref<16x128xf32, #tpu.memory_space<vmem>>, vector<1x16xf32>,
      %get3A_217 = vector.shape_cast %get3A_216 : vector<1x16xf32> to vector<16xf32>
      %add3A_218 = arith.constant 0 : i32
      %add3A_219 = arith.addi %add3A_218, %mul3A_208 : i32
      %get3A_220 = arith.index_cast %select_n3A : i32 to index
      %get3A_221 = arith.index_cast %add3A_219 : i32 to index
      %get3A_222 = tpu.vector_load %arg10[%get3A_220, %get3A_221] {strides = array<i32>} : memref<16x1664xf32, #tpu.memory_space<vmem>>, vector<1x16xf32>,
      %get3A_223 = vector.shape_cast %get3A_222 : vector<1x16xf32> to vector<16xf32>
      %add3A_224 = arith.addf %get3A_213, %get3A_223 : vector<16xf32>
      %ne3A_225 = arith.constant 0.000000e+00 : f32
      %ne3A_226 = vector.broadcast %ne3A_225 : f32 to vector<16xf32>
      %ne3A_227 = arith.cmpf one, %get3A_223, %ne3A_226 : vector<16xf32>
      %jit3A_228 = arith.constant 1.000000e+00 : f32
      %jit3A_229 = arith.constant 0.000000e+00 : f32
      %broadcast_in_dim3A = vector.broadcast %jit3A_228 : f32 to vector<16xf32>
      %broadcast_in_dim3A_230 = vector.broadcast %jit3A_229 : f32 to vector<16xf32>
      %select_n3A_231 = arith.select %ne3A_227, %broadcast_in_dim3A, %broadcast_in_dim3A_230 : vector<16xi1>, vector<16xf32>
      %add3A_232 = arith.addf %get3A_217, %select_n3A_231 : vector<16xf32>
      %add3A_233 = arith.constant 128 : i32
      %add3A_234 = arith.addi %add3A_233, %mul3A_208 : i32
      %get3A_235 = arith.index_cast %select_n3A : i32 to index
      %get3A_236 = arith.index_cast %add3A_234 : i32 to index
      %get3A_237 = tpu.vector_load %arg10[%get3A_235, %get3A_236] {strides = array<i32>} : memref<16x1664xf32, #tpu.memory_space<vmem>>, vector<1x16xf32>,
      %get3A_238 = vector.shape_cast %get3A_237 : vector<1x16xf32> to vector<16xf32>
      %add3A_239 = arith.addf %add3A_224, %get3A_238 : vector<16xf32>
      %ne3A_240 = arith.constant 0.000000e+00 : f32
      %ne3A_241 = vector.broadcast %ne3A_240 : f32 to vector<16xf32>
      %ne3A_242 = arith.cmpf one, %get3A_238, %ne3A_241 : vector<16xf32>
      %jit3A_243 = arith.constant 1.000000e+00 : f32
      %jit3A_244 = arith.constant 0.000000e+00 : f32
      %broadcast_in_dim3A_245 = vector.broadcast %jit3A_243 : f32 to vector<16xf32>
      %broadcast_in_dim3A_246 = vector.broadcast %jit3A_244 : f32 to vector<16xf32>
      %select_n3A_247 = arith.select %ne3A_242, %broadcast_in_dim3A_245, %broadcast_in_dim3A_246 : vector<16xi1>, vector<16xf32>
      %add3A_248 = arith.addf %add3A_232, %select_n3A_247 : vector<16xf32>
      %add3A_249 = arith.constant 256 : i32
      %add3A_250 = arith.addi %add3A_249, %mul3A_208 : i32
      %get3A_251 = arith.index_cast %select_n3A : i32 to index
      %get3A_252 = arith.index_cast %add3A_250 : i32 to index
      %get3A_253 = tpu.vector_load %arg10[%get3A_251, %get3A_252] {strides = array<i32>} : memref<16x1664xf32, #tpu.memory_space<vmem>>, vector<1x16xf32>,
      %get3A_254 = vector.shape_cast %get3A_253 : vector<1x16xf32> to vector<16xf32>
      %add3A_255 = arith.addf %add3A_239, %get3A_254 : vector<16xf32>
      %ne3A_256 = arith.constant 0.000000e+00 : f32
      %ne3A_257 = vector.broadcast %ne3A_256 : f32 to vector<16xf32>
      %ne3A_258 = arith.cmpf one, %get3A_254, %ne3A_257 : vector<16xf32>
      %jit3A_259 = arith.constant 1.000000e+00 : f32
      %jit3A_260 = arith.constant 0.000000e+00 : f32
      %broadcast_in_dim3A_261 = vector.broadcast %jit3A_259 : f32 to vector<16xf32>
      %broadcast_in_dim3A_262 = vector.broadcast %jit3A_260 : f32 to vector<16xf32>
      %select_n3A_263 = arith.select %ne3A_258, %broadcast_in_dim3A_261, %broadcast_in_dim3A_262 : vector<16xi1>, vector<16xf32>
      %add3A_264 = arith.addf %add3A_248, %select_n3A_263 : vector<16xf32>
      %add3A_265 = arith.constant 384 : i32
      %add3A_266 = arith.addi %add3A_265, %mul3A_208 : i32
      %get3A_267 = arith.index_cast %select_n3A : i32 to index
      %get3A_268 = arith.index_cast %add3A_266 : i32 to index
      %get3A_269 = tpu.vector_load %arg10[%get3A_267, %get3A_268] {strides = array<i32>} : memref<16x1664xf32, #tpu.memory_space<vmem>>, vector<1x16xf32>,
      %get3A_270 = vector.shape_cast %get3A_269 : vector<1x16xf32> to vector<16xf32>
      %add3A_271 = arith.addf %add3A_255, %get3A_270 : vector<16xf32>
      %ne3A_272 = arith.constant 0.000000e+00 : f32
      %ne3A_273 = vector.broadcast %ne3A_272 : f32 to vector<16xf32>
      %ne3A_274 = arith.cmpf one, %get3A_270, %ne3A_273 : vector<16xf32>
      %jit3A_275 = arith.constant 1.000000e+00 : f32
      %jit3A_276 = arith.constant 0.000000e+00 : f32
      %broadcast_in_dim3A_277 = vector.broadcast %jit3A_275 : f32 to vector<16xf32>
      %broadcast_in_dim3A_278 = vector.broadcast %jit3A_276 : f32 to vector<16xf32>
      %select_n3A_279 = arith.select %ne3A_274, %broadcast_in_dim3A_277, %broadcast_in_dim3A_278 : vector<16xi1>, vector<16xf32>
      %add3A_280 = arith.addf %add3A_264, %select_n3A_279 : vector<16xf32>
      %add3A_281 = arith.constant 512 : i32
      %add3A_282 = arith.addi %add3A_281, %mul3A_208 : i32
      %get3A_283 = arith.index_cast %select_n3A : i32 to index
      %get3A_284 = arith.index_cast %add3A_282 : i32 to index
      %get3A_285 = tpu.vector_load %arg10[%get3A_283, %get3A_284] {strides = array<i32>} : memref<16x1664xf32, #tpu.memory_space<vmem>>, vector<1x16xf32>,
      %get3A_286 = vector.shape_cast %get3A_285 : vector<1x16xf32> to vector<16xf32>
      %add3A_287 = arith.addf %add3A_271, %get3A_286 : vector<16xf32>
      %ne3A_288 = arith.constant 0.000000e+00 : f32
      %ne3A_289 = vector.broadcast %ne3A_288 : f32 to vector<16xf32>
      %ne3A_290 = arith.cmpf one, %get3A_286, %ne3A_289 : vector<16xf32>
      %jit3A_291 = arith.constant 1.000000e+00 : f32
      %jit3A_292 = arith.constant 0.000000e+00 : f32
      %broadcast_in_dim3A_293 = vector.broadcast %jit3A_291 : f32 to vector<16xf32>
      %broadcast_in_dim3A_294 = vector.broadcast %jit3A_292 : f32 to vector<16xf32>
      %select_n3A_295 = arith.select %ne3A_290, %broadcast_in_dim3A_293, %broadcast_in_dim3A_294 : vector<16xi1>, vector<16xf32>
      %add3A_296 = arith.addf %add3A_280, %select_n3A_295 : vector<16xf32>
      %add3A_297 = arith.constant 640 : i32
      %add3A_298 = arith.addi %add3A_297, %mul3A_208 : i32
      %get3A_299 = arith.index_cast %select_n3A : i32 to index
      %get3A_300 = arith.index_cast %add3A_298 : i32 to index
      %get3A_301 = tpu.vector_load %arg10[%get3A_299, %get3A_300] {strides = array<i32>} : memref<16x1664xf32, #tpu.memory_space<vmem>>, vector<1x16xf32>,
      %get3A_302 = vector.shape_cast %get3A_301 : vector<1x16xf32> to vector<16xf32>
      %add3A_303 = arith.addf %add3A_287, %get3A_302 : vector<16xf32>
      %ne3A_304 = arith.constant 0.000000e+00 : f32
      %ne3A_305 = vector.broadcast %ne3A_304 : f32 to vector<16xf32>
      %ne3A_306 = arith.cmpf one, %get3A_302, %ne3A_305 : vector<16xf32>
      %jit3A_307 = arith.constant 1.000000e+00 : f32
      %jit3A_308 = arith.constant 0.000000e+00 : f32
      %broadcast_in_dim3A_309 = vector.broadcast %jit3A_307 : f32 to vector<16xf32>
      %broadcast_in_dim3A_310 = vector.broadcast %jit3A_308 : f32 to vector<16xf32>
      %select_n3A_311 = arith.select %ne3A_306, %broadcast_in_dim3A_309, %broadcast_in_dim3A_310 : vector<16xi1>, vector<16xf32>
      %add3A_312 = arith.addf %add3A_296, %select_n3A_311 : vector<16xf32>
      %add3A_313 = arith.constant 768 : i32
      %add3A_314 = arith.addi %add3A_313, %mul3A_208 : i32
      %get3A_315 = arith.index_cast %select_n3A : i32 to index
      %get3A_316 = arith.index_cast %add3A_314 : i32 to index
      %get3A_317 = tpu.vector_load %arg10[%get3A_315, %get3A_316] {strides = array<i32>} : memref<16x1664xf32, #tpu.memory_space<vmem>>, vector<1x16xf32>,
      %get3A_318 = vector.shape_cast %get3A_317 : vector<1x16xf32> to vector<16xf32>
      %add3A_319 = arith.addf %add3A_303, %get3A_318 : vector<16xf32>
      %ne3A_320 = arith.constant 0.000000e+00 : f32
      %ne3A_321 = vector.broadcast %ne3A_320 : f32 to vector<16xf32>
      %ne3A_322 = arith.cmpf one, %get3A_318, %ne3A_321 : vector<16xf32>
      %jit3A_323 = arith.constant 1.000000e+00 : f32
      %jit3A_324 = arith.constant 0.000000e+00 : f32
      %broadcast_in_dim3A_325 = vector.broadcast %jit3A_323 : f32 to vector<16xf32>
      %broadcast_in_dim3A_326 = vector.broadcast %jit3A_324 : f32 to vector<16xf32>
      %select_n3A_327 = arith.select %ne3A_322, %broadcast_in_dim3A_325, %broadcast_in_dim3A_326 : vector<16xi1>, vector<16xf32>
      %add3A_328 = arith.addf %add3A_312, %select_n3A_327 : vector<16xf32>
      %add3A_329 = arith.constant 896 : i32
      %add3A_330 = arith.addi %add3A_329, %mul3A_208 : i32
      %get3A_331 = arith.index_cast %select_n3A : i32 to index
      %get3A_332 = arith.index_cast %add3A_330 : i32 to index
      %get3A_333 = tpu.vector_load %arg10[%get3A_331, %get3A_332] {strides = array<i32>} : memref<16x1664xf32, #tpu.memory_space<vmem>>, vector<1x16xf32>,
      %get3A_334 = vector.shape_cast %get3A_333 : vector<1x16xf32> to vector<16xf32>
      %add3A_335 = arith.addf %add3A_319, %get3A_334 : vector<16xf32>
      %ne3A_336 = arith.constant 0.000000e+00 : f32
      %ne3A_337 = vector.broadcast %ne3A_336 : f32 to vector<16xf32>
      %ne3A_338 = arith.cmpf one, %get3A_334, %ne3A_337 : vector<16xf32>
      %jit3A_339 = arith.constant 1.000000e+00 : f32
      %jit3A_340 = arith.constant 0.000000e+00 : f32
      %broadcast_in_dim3A_341 = vector.broadcast %jit3A_339 : f32 to vector<16xf32>
      %broadcast_in_dim3A_342 = vector.broadcast %jit3A_340 : f32 to vector<16xf32>
      %select_n3A_343 = arith.select %ne3A_338, %broadcast_in_dim3A_341, %broadcast_in_dim3A_342 : vector<16xi1>, vector<16xf32>
      %add3A_344 = arith.addf %add3A_328, %select_n3A_343 : vector<16xf32>
      %add3A_345 = arith.constant 1024 : i32
      %add3A_346 = arith.addi %add3A_345, %mul3A_208 : i32
      %get3A_347 = arith.index_cast %select_n3A : i32 to index
      %get3A_348 = arith.index_cast %add3A_346 : i32 to index
      %get3A_349 = tpu.vector_load %arg10[%get3A_347, %get3A_348] {strides = array<i32>} : memref<16x1664xf32, #tpu.memory_space<vmem>>, vector<1x16xf32>,
      %get3A_350 = vector.shape_cast %get3A_349 : vector<1x16xf32> to vector<16xf32>
      %add3A_351 = arith.addf %add3A_335, %get3A_350 : vector<16xf32>
      %ne3A_352 = arith.constant 0.000000e+00 : f32
      %ne3A_353 = vector.broadcast %ne3A_352 : f32 to vector<16xf32>
      %ne3A_354 = arith.cmpf one, %get3A_350, %ne3A_353 : vector<16xf32>
      %jit3A_355 = arith.constant 1.000000e+00 : f32
      %jit3A_356 = arith.constant 0.000000e+00 : f32
      %broadcast_in_dim3A_357 = vector.broadcast %jit3A_355 : f32 to vector<16xf32>
      %broadcast_in_dim3A_358 = vector.broadcast %jit3A_356 : f32 to vector<16xf32>
      %select_n3A_359 = arith.select %ne3A_354, %broadcast_in_dim3A_357, %broadcast_in_dim3A_358 : vector<16xi1>, vector<16xf32>
      %add3A_360 = arith.addf %add3A_344, %select_n3A_359 : vector<16xf32>
      %add3A_361 = arith.constant 1152 : i32
      %add3A_362 = arith.addi %add3A_361, %mul3A_208 : i32
      %get3A_363 = arith.index_cast %select_n3A : i32 to index
      %get3A_364 = arith.index_cast %add3A_362 : i32 to index
      %get3A_365 = tpu.vector_load %arg10[%get3A_363, %get3A_364] {strides = array<i32>} : memref<16x1664xf32, #tpu.memory_space<vmem>>, vector<1x16xf32>,
      %get3A_366 = vector.shape_cast %get3A_365 : vector<1x16xf32> to vector<16xf32>
      %add3A_367 = arith.addf %add3A_351, %get3A_366 : vector<16xf32>
      %ne3A_368 = arith.constant 0.000000e+00 : f32
      %ne3A_369 = vector.broadcast %ne3A_368 : f32 to vector<16xf32>
      %ne3A_370 = arith.cmpf one, %get3A_366, %ne3A_369 : vector<16xf32>
      %jit3A_371 = arith.constant 1.000000e+00 : f32
      %jit3A_372 = arith.constant 0.000000e+00 : f32
      %broadcast_in_dim3A_373 = vector.broadcast %jit3A_371 : f32 to vector<16xf32>
      %broadcast_in_dim3A_374 = vector.broadcast %jit3A_372 : f32 to vector<16xf32>
      %select_n3A_375 = arith.select %ne3A_370, %broadcast_in_dim3A_373, %broadcast_in_dim3A_374 : vector<16xi1>, vector<16xf32>
      %add3A_376 = arith.addf %add3A_360, %select_n3A_375 : vector<16xf32>
      %add3A_377 = arith.constant 1280 : i32
      %add3A_378 = arith.addi %add3A_377, %mul3A_208 : i32
      %get3A_379 = arith.index_cast %select_n3A : i32 to index
      %get3A_380 = arith.index_cast %add3A_378 : i32 to index
      %get3A_381 = tpu.vector_load %arg10[%get3A_379, %get3A_380] {strides = array<i32>} : memref<16x1664xf32, #tpu.memory_space<vmem>>, vector<1x16xf32>,
      %get3A_382 = vector.shape_cast %get3A_381 : vector<1x16xf32> to vector<16xf32>
      %add3A_383 = arith.addf %add3A_367, %get3A_382 : vector<16xf32>
      %ne3A_384 = arith.constant 0.000000e+00 : f32
      %ne3A_385 = vector.broadcast %ne3A_384 : f32 to vector<16xf32>
      %ne3A_386 = arith.cmpf one, %get3A_382, %ne3A_385 : vector<16xf32>
      %jit3A_387 = arith.constant 1.000000e+00 : f32
      %jit3A_388 = arith.constant 0.000000e+00 : f32
      %broadcast_in_dim3A_389 = vector.broadcast %jit3A_387 : f32 to vector<16xf32>
      %broadcast_in_dim3A_390 = vector.broadcast %jit3A_388 : f32 to vector<16xf32>
      %select_n3A_391 = arith.select %ne3A_386, %broadcast_in_dim3A_389, %broadcast_in_dim3A_390 : vector<16xi1>, vector<16xf32>
      %add3A_392 = arith.addf %add3A_376, %select_n3A_391 : vector<16xf32>
      %add3A_393 = arith.constant 1408 : i32
      %add3A_394 = arith.addi %add3A_393, %mul3A_208 : i32
      %get3A_395 = arith.index_cast %select_n3A : i32 to index
      %get3A_396 = arith.index_cast %add3A_394 : i32 to index
      %get3A_397 = tpu.vector_load %arg10[%get3A_395, %get3A_396] {strides = array<i32>} : memref<16x1664xf32, #tpu.memory_space<vmem>>, vector<1x16xf32>,
      %get3A_398 = vector.shape_cast %get3A_397 : vector<1x16xf32> to vector<16xf32>
      %add3A_399 = arith.addf %add3A_383, %get3A_398 : vector<16xf32>
      %ne3A_400 = arith.constant 0.000000e+00 : f32
      %ne3A_401 = vector.broadcast %ne3A_400 : f32 to vector<16xf32>
      %ne3A_402 = arith.cmpf one, %get3A_398, %ne3A_401 : vector<16xf32>
      %jit3A_403 = arith.constant 1.000000e+00 : f32
      %jit3A_404 = arith.constant 0.000000e+00 : f32
      %broadcast_in_dim3A_405 = vector.broadcast %jit3A_403 : f32 to vector<16xf32>
      %broadcast_in_dim3A_406 = vector.broadcast %jit3A_404 : f32 to vector<16xf32>
      %select_n3A_407 = arith.select %ne3A_402, %broadcast_in_dim3A_405, %broadcast_in_dim3A_406 : vector<16xi1>, vector<16xf32>
      %add3A_408 = arith.addf %add3A_392, %select_n3A_407 : vector<16xf32>
      %add3A_409 = arith.constant 416 : i32
      %add3A_410 = arith.addi %add3A_409, %select_n3A : i32
      %swap3A = arith.index_cast %add3A_410 : i32 to index
      %swap3A_411 = arith.index_cast %mul3A_208 : i32 to index
      %swap3A_412 = tpu.vector_load %arg9[%swap3A, %swap3A_411] {strides = array<i32>} : memref<432x128xf32, #tpu.memory_space<vmem>>, vector<1x16xf32>,
      %swap3A_413 = vector.shape_cast %swap3A_412 : vector<1x16xf32> to vector<16xf32>
      %swap3A_414 = vector.shape_cast %add3A_399 : vector<16xf32> to vector<1x16xf32>
      tpu.vector_store %arg9[%swap3A, %swap3A_411], %swap3A_414 {strides = array<i32>} : memref<432x128xf32, #tpu.memory_space<vmem>>, vector<1x16xf32>,
      %swap3A_415 = arith.index_cast %select_n3A : i32 to index
      %swap3A_416 = arith.index_cast %mul3A_208 : i32 to index
      %swap3A_417 = tpu.vector_load %arg12[%swap3A_415, %swap3A_416] {strides = array<i32>} : memref<16x128xf32, #tpu.memory_space<vmem>>, vector<1x16xf32>,
      %swap3A_418 = vector.shape_cast %swap3A_417 : vector<1x16xf32> to vector<16xf32>
      %swap3A_419 = vector.shape_cast %add3A_408 : vector<16xf32> to vector<1x16xf32>
      tpu.vector_store %arg12[%swap3A_415, %swap3A_416], %swap3A_419 {strides = array<i32>} : memref<16x128xf32, #tpu.memory_space<vmem>>, vector<1x16xf32>,
    }
    %scan3A_127 = arith.constant 128 : i32
    %dma_wait3A_128 = arith.constant 0 : i32
    %dma_wait3A_129 = arith.constant 0 : i32
    %dma_wait3A_130 = tpu.memref_slice %arg11[%dma_wait3A_128, %dma_wait3A_129] : memref<16x1664xf32, #tpu.memory_space<vmem>> -> memref<16x1536xf32, #tpu.memory_space<vmem>>
    %dma_wait3A_131 = arith.constant 0 : i32
    %dma_wait3A_132 = arith.constant 0 : i32
    %dma_wait3A_133 = tpu.memref_slice %arg3[%dma_wait3A_131, %dma_wait3A_132] : memref<16x100000xf32, #tpu.memory_space<hbm>> -> memref<16x1536xf32, #tpu.memory_space<hbm>>
    %dma_wait3A_134 = arith.constant 0 : i32
    %dma_wait3A_135 = arith.constant 0 : i32
    %dma_wait3A_136 = tpu.memref_slice %arg11[%dma_wait3A_134, %dma_wait3A_135] : memref<16x1664xf32, #tpu.memory_space<vmem>> -> memref<16x1536xf32, #tpu.memory_space<vmem>>
    %dma_wait3A_137 = arith.constant 0 : i32
    %dma_wait3A_138 = arith.constant 0 : i32
    %dma_wait3A_139 = tpu.memref_slice %arg3[%dma_wait3A_137, %dma_wait3A_138] : memref<16x100000xf32, #tpu.memory_space<hbm>> -> memref<16x1536xf32, #tpu.memory_space<hbm>>
    tpu.wait_dma2 semaphore(%arg14 : memref<!tpu.dma_semaphore, #tpu.memory_space<semaphore_mem>>) src(%dma_wait3A_139 : memref<16x1536xf32, #tpu.memory_space<hbm>>) dst(%dma_wait3A_136 : memref<16x1536xf32, #tpu.memory_space<vmem>>)
    %scan3A_140 = arith.constant 0 : i32
    %scan3A_141 = arith.constant 0 : i32
    %scan3A_142 = arith.constant 128 : i32
    %scan3A_143 = arith.addi %scan3A_141, %scan3A_142 : i32
    %scan3A_144 = arith.constant 1 : i32
    scf.for %scan3A_176 = %scan3A_141 to %scan3A_143 step %scan3A_144  : i32 {
      %jit3A = arith.constant 8 : i32
      %div3A = arith.divsi %scan3A_176, %jit3A : i32
      %sign3A = arith.constant 0 : i32
      %sign3A_177 = arith.cmpi sgt, %scan3A_176, %sign3A : i32
      %sign3A_178 = arith.extui %sign3A_177 : i1 to i32
      %sign3A_179 = arith.constant 0 : i32
      %sign3A_180 = arith.cmpi slt, %scan3A_176, %sign3A_179 : i32
      %sign3A_181 = arith.extui %sign3A_180 : i1 to i32
      %sign3A_182 = arith.subi %sign3A_178, %sign3A_181 : i32
      %sign3A_183 = arith.constant 0 : i32
      %sign3A_184 = arith.cmpi sgt, %jit3A, %sign3A_183 : i32
      %sign3A_185 = arith.extui %sign3A_184 : i1 to i32
      %sign3A_186 = arith.constant 0 : i32
      %sign3A_187 = arith.cmpi slt, %jit3A, %sign3A_186 : i32
      %sign3A_188 = arith.extui %sign3A_187 : i1 to i32
      %sign3A_189 = arith.subi %sign3A_185, %sign3A_188 : i32
      %ne3A = arith.cmpi ne, %sign3A_182, %sign3A_189 : i32
      %rem3A = arith.remsi %scan3A_176, %jit3A : i32
      %ne3A_190 = arith.constant 0 : i32
      %ne3A_191 = arith.cmpi ne, %rem3A, %ne3A_190 : i32
      %and3A = arith.andi %ne3A, %ne3A_191 : i1
      %sub3A = arith.constant 1 : i32
      %sub3A_192 = arith.subi %div3A, %sub3A : i32
      %select_n3A = arith.select %and3A, %sub3A_192, %div3A : i32
      %jit3A_193 = arith.constant 8 : i32
      %eq3A = arith.constant 0 : i32
      %eq3A_194 = arith.cmpi eq, %jit3A_193, %eq3A : i32
      %jit3A_195 = arith.constant 1 : i32
      %select_n3A_196 = arith.select %eq3A_194, %jit3A_195, %jit3A_193 : i32
      %rem3A_197 = arith.remsi %scan3A_176, %select_n3A_196 : i32
      %ne3A_198 = arith.constant 0 : i32
      %ne3A_199 = arith.cmpi ne, %rem3A_197, %ne3A_198 : i32
      %lt3A = arith.constant 0 : i32
      %lt3A_200 = arith.cmpi slt, %rem3A_197, %lt3A : i32
      %lt3A_201 = arith.constant 0 : i32
      %lt3A_202 = arith.cmpi slt, %select_n3A_196, %lt3A_201 : i32
      %ne3A_203 = arith.xori %lt3A_200, %lt3A_202 : i1
      %and3A_204 = arith.andi %ne3A_203, %ne3A_199 : i1
      %add3A_205 = arith.addi %rem3A_197, %select_n3A_196 : i32
      %select_n3A_206 = arith.select %and3A_204, %add3A_205, %rem3A_197 : i32
      %mul3A_207 = arith.constant 16 : i32
      %mul3A_208 = arith.muli %select_n3A_206, %mul3A_207 : i32
      %add3A_209 = arith.constant 416 : i32
      %add3A_210 = arith.addi %add3A_209, %select_n3A : i32
      %get3A = arith.index_cast %add3A_210 : i32 to index
      %get3A_211 = arith.index_cast %mul3A_208 : i32 to index
      %get3A_212 = tpu.vector_load %arg9[%get3A, %get3A_211] {strides = array<i32>} : memref<432x128xf32, #tpu.memory_space<vmem>>, vector<1x16xf32>,
      %get3A_213 = vector.shape_cast %get3A_212 : vector<1x16xf32> to vector<16xf32>
      %get3A_214 = arith.index_cast %select_n3A : i32 to index
      %get3A_215 = arith.index_cast %mul3A_208 : i32 to index
      %get3A_216 = tpu.vector_load %arg12[%get3A_214, %get3A_215] {strides = array<i32>} : memref<16x128xf32, #tpu.memory_space<vmem>>, vector<1x16xf32>,
      %get3A_217 = vector.shape_cast %get3A_216 : vector<1x16xf32> to vector<16xf32>
      %add3A_218 = arith.constant 0 : i32
      %add3A_219 = arith.addi %add3A_218, %mul3A_208 : i32
      %get3A_220 = arith.index_cast %select_n3A : i32 to index
      %get3A_221 = arith.index_cast %add3A_219 : i32 to index
      %get3A_222 = tpu.vector_load %arg11[%get3A_220, %get3A_221] {strides = array<i32>} : memref<16x1664xf32, #tpu.memory_space<vmem>>, vector<1x16xf32>,
      %get3A_223 = vector.shape_cast %get3A_222 : vector<1x16xf32> to vector<16xf32>
      %add3A_224 = arith.addf %get3A_213, %get3A_223 : vector<16xf32>
      %ne3A_225 = arith.constant 0.000000e+00 : f32
      %ne3A_226 = vector.broadcast %ne3A_225 : f32 to vector<16xf32>
      %ne3A_227 = arith.cmpf one, %get3A_223, %ne3A_226 : vector<16xf32>
      %jit3A_228 = arith.constant 1.000000e+00 : f32
      %jit3A_229 = arith.constant 0.000000e+00 : f32
      %broadcast_in_dim3A = vector.broadcast %jit3A_228 : f32 to vector<16xf32>
      %broadcast_in_dim3A_230 = vector.broadcast %jit3A_229 : f32 to vector<16xf32>
      %select_n3A_231 = arith.select %ne3A_227, %broadcast_in_dim3A, %broadcast_in_dim3A_230 : vector<16xi1>, vector<16xf32>
      %add3A_232 = arith.addf %get3A_217, %select_n3A_231 : vector<16xf32>
      %add3A_233 = arith.constant 128 : i32
      %add3A_234 = arith.addi %add3A_233, %mul3A_208 : i32
      %get3A_235 = arith.index_cast %select_n3A : i32 to index
      %get3A_236 = arith.index_cast %add3A_234 : i32 to index
      %get3A_237 = tpu.vector_load %arg11[%get3A_235, %get3A_236] {strides = array<i32>} : memref<16x1664xf32, #tpu.memory_space<vmem>>, vector<1x16xf32>,
      %get3A_238 = vector.shape_cast %get3A_237 : vector<1x16xf32> to vector<16xf32>
      %add3A_239 = arith.addf %add3A_224, %get3A_238 : vector<16xf32>
      %ne3A_240 = arith.constant 0.000000e+00 : f32
      %ne3A_241 = vector.broadcast %ne3A_240 : f32 to vector<16xf32>
      %ne3A_242 = arith.cmpf one, %get3A_238, %ne3A_241 : vector<16xf32>
      %jit3A_243 = arith.constant 1.000000e+00 : f32
      %jit3A_244 = arith.constant 0.000000e+00 : f32
      %broadcast_in_dim3A_245 = vector.broadcast %jit3A_243 : f32 to vector<16xf32>
      %broadcast_in_dim3A_246 = vector.broadcast %jit3A_244 : f32 to vector<16xf32>
      %select_n3A_247 = arith.select %ne3A_242, %broadcast_in_dim3A_245, %broadcast_in_dim3A_246 : vector<16xi1>, vector<16xf32>
      %add3A_248 = arith.addf %add3A_232, %select_n3A_247 : vector<16xf32>
      %add3A_249 = arith.constant 256 : i32
      %add3A_250 = arith.addi %add3A_249, %mul3A_208 : i32
      %get3A_251 = arith.index_cast %select_n3A : i32 to index
      %get3A_252 = arith.index_cast %add3A_250 : i32 to index
      %get3A_253 = tpu.vector_load %arg11[%get3A_251, %get3A_252] {strides = array<i32>} : memref<16x1664xf32, #tpu.memory_space<vmem>>, vector<1x16xf32>,
      %get3A_254 = vector.shape_cast %get3A_253 : vector<1x16xf32> to vector<16xf32>
      %add3A_255 = arith.addf %add3A_239, %get3A_254 : vector<16xf32>
      %ne3A_256 = arith.constant 0.000000e+00 : f32
      %ne3A_257 = vector.broadcast %ne3A_256 : f32 to vector<16xf32>
      %ne3A_258 = arith.cmpf one, %get3A_254, %ne3A_257 : vector<16xf32>
      %jit3A_259 = arith.constant 1.000000e+00 : f32
      %jit3A_260 = arith.constant 0.000000e+00 : f32
      %broadcast_in_dim3A_261 = vector.broadcast %jit3A_259 : f32 to vector<16xf32>
      %broadcast_in_dim3A_262 = vector.broadcast %jit3A_260 : f32 to vector<16xf32>
      %select_n3A_263 = arith.select %ne3A_258, %broadcast_in_dim3A_261, %broadcast_in_dim3A_262 : vector<16xi1>, vector<16xf32>
      %add3A_264 = arith.addf %add3A_248, %select_n3A_263 : vector<16xf32>
      %add3A_265 = arith.constant 384 : i32
      %add3A_266 = arith.addi %add3A_265, %mul3A_208 : i32
      %get3A_267 = arith.index_cast %select_n3A : i32 to index
      %get3A_268 = arith.index_cast %add3A_266 : i32 to index
      %get3A_269 = tpu.vector_load %arg11[%get3A_267, %get3A_268] {strides = array<i32>} : memref<16x1664xf32, #tpu.memory_space<vmem>>, vector<1x16xf32>,
      %get3A_270 = vector.shape_cast %get3A_269 : vector<1x16xf32> to vector<16xf32>
      %add3A_271 = arith.addf %add3A_255, %get3A_270 : vector<16xf32>
      %ne3A_272 = arith.constant 0.000000e+00 : f32
      %ne3A_273 = vector.broadcast %ne3A_272 : f32 to vector<16xf32>
      %ne3A_274 = arith.cmpf one, %get3A_270, %ne3A_273 : vector<16xf32>
      %jit3A_275 = arith.constant 1.000000e+00 : f32
      %jit3A_276 = arith.constant 0.000000e+00 : f32
      %broadcast_in_dim3A_277 = vector.broadcast %jit3A_275 : f32 to vector<16xf32>
      %broadcast_in_dim3A_278 = vector.broadcast %jit3A_276 : f32 to vector<16xf32>
      %select_n3A_279 = arith.select %ne3A_274, %broadcast_in_dim3A_277, %broadcast_in_dim3A_278 : vector<16xi1>, vector<16xf32>
      %add3A_280 = arith.addf %add3A_264, %select_n3A_279 : vector<16xf32>
      %add3A_281 = arith.constant 512 : i32
      %add3A_282 = arith.addi %add3A_281, %mul3A_208 : i32
      %get3A_283 = arith.index_cast %select_n3A : i32 to index
      %get3A_284 = arith.index_cast %add3A_282 : i32 to index
      %get3A_285 = tpu.vector_load %arg11[%get3A_283, %get3A_284] {strides = array<i32>} : memref<16x1664xf32, #tpu.memory_space<vmem>>, vector<1x16xf32>,
      %get3A_286 = vector.shape_cast %get3A_285 : vector<1x16xf32> to vector<16xf32>
      %add3A_287 = arith.addf %add3A_271, %get3A_286 : vector<16xf32>
      %ne3A_288 = arith.constant 0.000000e+00 : f32
      %ne3A_289 = vector.broadcast %ne3A_288 : f32 to vector<16xf32>
      %ne3A_290 = arith.cmpf one, %get3A_286, %ne3A_289 : vector<16xf32>
      %jit3A_291 = arith.constant 1.000000e+00 : f32
      %jit3A_292 = arith.constant 0.000000e+00 : f32
      %broadcast_in_dim3A_293 = vector.broadcast %jit3A_291 : f32 to vector<16xf32>
      %broadcast_in_dim3A_294 = vector.broadcast %jit3A_292 : f32 to vector<16xf32>
      %select_n3A_295 = arith.select %ne3A_290, %broadcast_in_dim3A_293, %broadcast_in_dim3A_294 : vector<16xi1>, vector<16xf32>
      %add3A_296 = arith.addf %add3A_280, %select_n3A_295 : vector<16xf32>
      %add3A_297 = arith.constant 640 : i32
      %add3A_298 = arith.addi %add3A_297, %mul3A_208 : i32
      %get3A_299 = arith.index_cast %select_n3A : i32 to index
      %get3A_300 = arith.index_cast %add3A_298 : i32 to index
      %get3A_301 = tpu.vector_load %arg11[%get3A_299, %get3A_300] {strides = array<i32>} : memref<16x1664xf32, #tpu.memory_space<vmem>>, vector<1x16xf32>,
      %get3A_302 = vector.shape_cast %get3A_301 : vector<1x16xf32> to vector<16xf32>
      %add3A_303 = arith.addf %add3A_287, %get3A_302 : vector<16xf32>
      %ne3A_304 = arith.constant 0.000000e+00 : f32
      %ne3A_305 = vector.broadcast %ne3A_304 : f32 to vector<16xf32>
      %ne3A_306 = arith.cmpf one, %get3A_302, %ne3A_305 : vector<16xf32>
      %jit3A_307 = arith.constant 1.000000e+00 : f32
      %jit3A_308 = arith.constant 0.000000e+00 : f32
      %broadcast_in_dim3A_309 = vector.broadcast %jit3A_307 : f32 to vector<16xf32>
      %broadcast_in_dim3A_310 = vector.broadcast %jit3A_308 : f32 to vector<16xf32>
      %select_n3A_311 = arith.select %ne3A_306, %broadcast_in_dim3A_309, %broadcast_in_dim3A_310 : vector<16xi1>, vector<16xf32>
      %add3A_312 = arith.addf %add3A_296, %select_n3A_311 : vector<16xf32>
      %add3A_313 = arith.constant 768 : i32
      %add3A_314 = arith.addi %add3A_313, %mul3A_208 : i32
      %get3A_315 = arith.index_cast %select_n3A : i32 to index
      %get3A_316 = arith.index_cast %add3A_314 : i32 to index
      %get3A_317 = tpu.vector_load %arg11[%get3A_315, %get3A_316] {strides = array<i32>} : memref<16x1664xf32, #tpu.memory_space<vmem>>, vector<1x16xf32>,
      %get3A_318 = vector.shape_cast %get3A_317 : vector<1x16xf32> to vector<16xf32>
      %add3A_319 = arith.addf %add3A_303, %get3A_318 : vector<16xf32>
      %ne3A_320 = arith.constant 0.000000e+00 : f32
      %ne3A_321 = vector.broadcast %ne3A_320 : f32 to vector<16xf32>
      %ne3A_322 = arith.cmpf one, %get3A_318, %ne3A_321 : vector<16xf32>
      %jit3A_323 = arith.constant 1.000000e+00 : f32
      %jit3A_324 = arith.constant 0.000000e+00 : f32
      %broadcast_in_dim3A_325 = vector.broadcast %jit3A_323 : f32 to vector<16xf32>
      %broadcast_in_dim3A_326 = vector.broadcast %jit3A_324 : f32 to vector<16xf32>
      %select_n3A_327 = arith.select %ne3A_322, %broadcast_in_dim3A_325, %broadcast_in_dim3A_326 : vector<16xi1>, vector<16xf32>
      %add3A_328 = arith.addf %add3A_312, %select_n3A_327 : vector<16xf32>
      %add3A_329 = arith.constant 896 : i32
      %add3A_330 = arith.addi %add3A_329, %mul3A_208 : i32
      %get3A_331 = arith.index_cast %select_n3A : i32 to index
      %get3A_332 = arith.index_cast %add3A_330 : i32 to index
      %get3A_333 = tpu.vector_load %arg11[%get3A_331, %get3A_332] {strides = array<i32>} : memref<16x1664xf32, #tpu.memory_space<vmem>>, vector<1x16xf32>,
      %get3A_334 = vector.shape_cast %get3A_333 : vector<1x16xf32> to vector<16xf32>
      %add3A_335 = arith.addf %add3A_319, %get3A_334 : vector<16xf32>
      %ne3A_336 = arith.constant 0.000000e+00 : f32
      %ne3A_337 = vector.broadcast %ne3A_336 : f32 to vector<16xf32>
      %ne3A_338 = arith.cmpf one, %get3A_334, %ne3A_337 : vector<16xf32>
      %jit3A_339 = arith.constant 1.000000e+00 : f32
      %jit3A_340 = arith.constant 0.000000e+00 : f32
      %broadcast_in_dim3A_341 = vector.broadcast %jit3A_339 : f32 to vector<16xf32>
      %broadcast_in_dim3A_342 = vector.broadcast %jit3A_340 : f32 to vector<16xf32>
      %select_n3A_343 = arith.select %ne3A_338, %broadcast_in_dim3A_341, %broadcast_in_dim3A_342 : vector<16xi1>, vector<16xf32>
      %add3A_344 = arith.addf %add3A_328, %select_n3A_343 : vector<16xf32>
      %add3A_345 = arith.constant 1024 : i32
      %add3A_346 = arith.addi %add3A_345, %mul3A_208 : i32
      %get3A_347 = arith.index_cast %select_n3A : i32 to index
      %get3A_348 = arith.index_cast %add3A_346 : i32 to index
      %get3A_349 = tpu.vector_load %arg11[%get3A_347, %get3A_348] {strides = array<i32>} : memref<16x1664xf32, #tpu.memory_space<vmem>>, vector<1x16xf32>,
      %get3A_350 = vector.shape_cast %get3A_349 : vector<1x16xf32> to vector<16xf32>
      %add3A_351 = arith.addf %add3A_335, %get3A_350 : vector<16xf32>
      %ne3A_352 = arith.constant 0.000000e+00 : f32
      %ne3A_353 = vector.broadcast %ne3A_352 : f32 to vector<16xf32>
      %ne3A_354 = arith.cmpf one, %get3A_350, %ne3A_353 : vector<16xf32>
      %jit3A_355 = arith.constant 1.000000e+00 : f32
      %jit3A_356 = arith.constant 0.000000e+00 : f32
      %broadcast_in_dim3A_357 = vector.broadcast %jit3A_355 : f32 to vector<16xf32>
      %broadcast_in_dim3A_358 = vector.broadcast %jit3A_356 : f32 to vector<16xf32>
      %select_n3A_359 = arith.select %ne3A_354, %broadcast_in_dim3A_357, %broadcast_in_dim3A_358 : vector<16xi1>, vector<16xf32>
      %add3A_360 = arith.addf %add3A_344, %select_n3A_359 : vector<16xf32>
      %add3A_361 = arith.constant 1152 : i32
      %add3A_362 = arith.addi %add3A_361, %mul3A_208 : i32
      %get3A_363 = arith.index_cast %select_n3A : i32 to index
      %get3A_364 = arith.index_cast %add3A_362 : i32 to index
      %get3A_365 = tpu.vector_load %arg11[%get3A_363, %get3A_364] {strides = array<i32>} : memref<16x1664xf32, #tpu.memory_space<vmem>>, vector<1x16xf32>,
      %get3A_366 = vector.shape_cast %get3A_365 : vector<1x16xf32> to vector<16xf32>
      %add3A_367 = arith.addf %add3A_351, %get3A_366 : vector<16xf32>
      %ne3A_368 = arith.constant 0.000000e+00 : f32
      %ne3A_369 = vector.broadcast %ne3A_368 : f32 to vector<16xf32>
      %ne3A_370 = arith.cmpf one, %get3A_366, %ne3A_369 : vector<16xf32>
      %jit3A_371 = arith.constant 1.000000e+00 : f32
      %jit3A_372 = arith.constant 0.000000e+00 : f32
      %broadcast_in_dim3A_373 = vector.broadcast %jit3A_371 : f32 to vector<16xf32>
      %broadcast_in_dim3A_374 = vector.broadcast %jit3A_372 : f32 to vector<16xf32>
      %select_n3A_375 = arith.select %ne3A_370, %broadcast_in_dim3A_373, %broadcast_in_dim3A_374 : vector<16xi1>, vector<16xf32>
      %add3A_376 = arith.addf %add3A_360, %select_n3A_375 : vector<16xf32>
      %add3A_377 = arith.constant 1280 : i32
      %add3A_378 = arith.addi %add3A_377, %mul3A_208 : i32
      %get3A_379 = arith.index_cast %select_n3A : i32 to index
      %get3A_380 = arith.index_cast %add3A_378 : i32 to index
      %get3A_381 = tpu.vector_load %arg11[%get3A_379, %get3A_380] {strides = array<i32>} : memref<16x1664xf32, #tpu.memory_space<vmem>>, vector<1x16xf32>,
      %get3A_382 = vector.shape_cast %get3A_381 : vector<1x16xf32> to vector<16xf32>
      %add3A_383 = arith.addf %add3A_367, %get3A_382 : vector<16xf32>
      %ne3A_384 = arith.constant 0.000000e+00 : f32
      %ne3A_385 = vector.broadcast %ne3A_384 : f32 to vector<16xf32>
      %ne3A_386 = arith.cmpf one, %get3A_382, %ne3A_385 : vector<16xf32>
      %jit3A_387 = arith.constant 1.000000e+00 : f32
      %jit3A_388 = arith.constant 0.000000e+00 : f32
      %broadcast_in_dim3A_389 = vector.broadcast %jit3A_387 : f32 to vector<16xf32>
      %broadcast_in_dim3A_390 = vector.broadcast %jit3A_388 : f32 to vector<16xf32>
      %select_n3A_391 = arith.select %ne3A_386, %broadcast_in_dim3A_389, %broadcast_in_dim3A_390 : vector<16xi1>, vector<16xf32>
      %add3A_392 = arith.addf %add3A_376, %select_n3A_391 : vector<16xf32>
      %add3A_393 = arith.constant 1408 : i32
      %add3A_394 = arith.addi %add3A_393, %mul3A_208 : i32
      %get3A_395 = arith.index_cast %select_n3A : i32 to index
      %get3A_396 = arith.index_cast %add3A_394 : i32 to index
      %get3A_397 = tpu.vector_load %arg11[%get3A_395, %get3A_396] {strides = array<i32>} : memref<16x1664xf32, #tpu.memory_space<vmem>>, vector<1x16xf32>,
      %get3A_398 = vector.shape_cast %get3A_397 : vector<1x16xf32> to vector<16xf32>
      %add3A_399 = arith.addf %add3A_383, %get3A_398 : vector<16xf32>
      %ne3A_400 = arith.constant 0.000000e+00 : f32
      %ne3A_401 = vector.broadcast %ne3A_400 : f32 to vector<16xf32>
      %ne3A_402 = arith.cmpf one, %get3A_398, %ne3A_401 : vector<16xf32>
      %jit3A_403 = arith.constant 1.000000e+00 : f32
      %jit3A_404 = arith.constant 0.000000e+00 : f32
      %broadcast_in_dim3A_405 = vector.broadcast %jit3A_403 : f32 to vector<16xf32>
      %broadcast_in_dim3A_406 = vector.broadcast %jit3A_404 : f32 to vector<16xf32>
      %select_n3A_407 = arith.select %ne3A_402, %broadcast_in_dim3A_405, %broadcast_in_dim3A_406 : vector<16xi1>, vector<16xf32>
      %add3A_408 = arith.addf %add3A_392, %select_n3A_407 : vector<16xf32>
      %add3A_409 = arith.constant 1.000000e-16 : f32
      %add3A_410 = vector.broadcast %add3A_409 : f32 to vector<16xf32>
      %add3A_411 = arith.addf %add3A_408, %add3A_410 : vector<16xf32>
      %div3A_412 = arith.divf %add3A_399, %add3A_411 : vector<16xf32>
      %add3A_413 = arith.constant 416 : i32
      %add3A_414 = arith.addi %add3A_413, %select_n3A : i32
      %swap3A = arith.index_cast %add3A_414 : i32 to index
      %swap3A_415 = arith.index_cast %mul3A_208 : i32 to index
      %swap3A_416 = tpu.vector_load %arg9[%swap3A, %swap3A_415] {strides = array<i32>} : memref<432x128xf32, #tpu.memory_space<vmem>>, vector<1x16xf32>,
      %swap3A_417 = vector.shape_cast %swap3A_416 : vector<1x16xf32> to vector<16xf32>
      %swap3A_418 = vector.shape_cast %div3A_412 : vector<16xf32> to vector<1x16xf32>
      tpu.vector_store %arg9[%swap3A, %swap3A_415], %swap3A_418 {strides = array<i32>} : memref<432x128xf32, #tpu.memory_space<vmem>>, vector<1x16xf32>,
    }
    %scan3A_145 = arith.constant 128 : i32
    %dma_start3A_146 = arith.constant 416 : i32
    %dma_start3A_147 = arith.constant 0 : i32
    %dma_start3A_148 = tpu.memref_slice %arg9[%dma_start3A_146, %dma_start3A_147] : memref<432x128xf32, #tpu.memory_space<vmem>> -> memref<16x128xf32, #tpu.memory_space<vmem>>
    %dma_start3A_149 = arith.constant 416 : i32
    %dma_start3A_150 = tpu.memref_slice %arg6[%dma_start3A_149, %mul3A_2] : memref<432x4096xf32, #tpu.memory_space<hbm>> -> memref<16x128xf32, #tpu.memory_space<hbm>>
    %dma_start3A_151 = arith.constant 416 : i32
    %dma_start3A_152 = tpu.memref_slice %arg6[%dma_start3A_151, %mul3A_2] : memref<432x4096xf32, #tpu.memory_space<hbm>> -> memref<16x128xf32, #tpu.memory_space<hbm>>
    %dma_start3A_153 = arith.constant 416 : i32
    %dma_start3A_154 = arith.constant 0 : i32
    %dma_start3A_155 = tpu.memref_slice %arg9[%dma_start3A_153, %dma_start3A_154] : memref<432x128xf32, #tpu.memory_space<vmem>> -> memref<16x128xf32, #tpu.memory_space<vmem>>
    tpu.enqueue_dma source(%dma_start3A_155 : memref<16x128xf32, #tpu.memory_space<vmem>>) target(%dma_start3A_152 : memref<16x128xf32, #tpu.memory_space<hbm>>) target_semaphore(%arg13 : memref<!tpu.dma_semaphore, #tpu.memory_space<semaphore_mem>>)
    %dma_wait3A_156 = arith.constant 0 : i32
    %dma_wait3A_157 = arith.constant 0 : i32
    %dma_wait3A_158 = tpu.memref_slice %arg9[%dma_wait3A_156, %dma_wait3A_157] : memref<432x128xf32, #tpu.memory_space<vmem>> -> memref<416x128xf32, #tpu.memory_space<vmem>>
    %dma_wait3A_159 = arith.constant 0 : i32
    %dma_wait3A_160 = tpu.memref_slice %arg6[%dma_wait3A_159, %mul3A_2] : memref<432x4096xf32, #tpu.memory_space<hbm>> -> memref<416x128xf32, #tpu.memory_space<hbm>>
    %dma_wait3A_161 = arith.constant 0 : i32
    %dma_wait3A_162 = tpu.memref_slice %arg6[%dma_wait3A_161, %mul3A_2] : memref<432x4096xf32, #tpu.memory_space<hbm>> -> memref<416x128xf32, #tpu.memory_space<hbm>>
    %dma_wait3A_163 = arith.constant 0 : i32
    %dma_wait3A_164 = arith.constant 0 : i32
    %dma_wait3A_165 = tpu.memref_slice %arg9[%dma_wait3A_163, %dma_wait3A_164] : memref<432x128xf32, #tpu.memory_space<vmem>> -> memref<416x128xf32, #tpu.memory_space<vmem>>
    tpu.wait_dma2 semaphore(%arg13 : memref<!tpu.dma_semaphore, #tpu.memory_space<semaphore_mem>>) src(%dma_wait3A_165 : memref<416x128xf32, #tpu.memory_space<vmem>>) dst(%dma_wait3A_162 : memref<416x128xf32, #tpu.memory_space<hbm>>)
    %dma_wait3A_166 = arith.constant 416 : i32
    %dma_wait3A_167 = arith.constant 0 : i32
    %dma_wait3A_168 = tpu.memref_slice %arg9[%dma_wait3A_166, %dma_wait3A_167] : memref<432x128xf32, #tpu.memory_space<vmem>> -> memref<16x128xf32, #tpu.memory_space<vmem>>
    %dma_wait3A_169 = arith.constant 416 : i32
    %dma_wait3A_170 = tpu.memref_slice %arg6[%dma_wait3A_169, %mul3A_2] : memref<432x4096xf32, #tpu.memory_space<hbm>> -> memref<16x128xf32, #tpu.memory_space<hbm>>
    %dma_wait3A_171 = arith.constant 416 : i32
    %dma_wait3A_172 = tpu.memref_slice %arg6[%dma_wait3A_171, %mul3A_2] : memref<432x4096xf32, #tpu.memory_space<hbm>> -> memref<16x128xf32, #tpu.memory_space<hbm>>
    %dma_wait3A_173 = arith.constant 416 : i32
    %dma_wait3A_174 = arith.constant 0 : i32
    %dma_wait3A_175 = tpu.memref_slice %arg9[%dma_wait3A_173, %dma_wait3A_174] : memref<432x128xf32, #tpu.memory_space<vmem>> -> memref<16x128xf32, #tpu.memory_space<vmem>>
    tpu.wait_dma2 semaphore(%arg13 : memref<!tpu.dma_semaphore, #tpu.memory_space<semaphore_mem>>) src(%dma_wait3A_175 : memref<16x128xf32, #tpu.memory_space<vmem>>) dst(%dma_wait3A_172 : memref<16x128xf32, #tpu.memory_space<hbm>>)
    return
  }
}

</mosaic_0001>

<sc_bundles>
// kernel: kernel.3.cloned.1.call-start
scs
__scs_entry_jumppad:
0x0: {  	(pc) =	sbr.rel $0x88, $3  }
0x1: {  	(tag) =	ssettag $0x0;
	lr =	simm.s32 $0x1  }
0x2: {  	[smem:$0x3F9D] =	sst lr;
	_ =	strace $0xD0000000  }
0x3: {  	_ = 	snop  }
0x4: {  	_ = 	snop  }
0x5: {  	_ = 	snop  }
0x6: {  	_ = 	snop  }
0x7: {  	_ = 	snop  }
__scs_overlays_trampoline_lowered:
0x8: {  	[smem:$0x3FAC] =	sst s0  }
0x9: {  	[smem:$0x3FAD] =	sst s1  }
0xa: {  	[smem:$0x3FAE] =	sst s2  }
0xb: {  	[smem:$0x3FAF] =	sst s3  }
0xc: {  	[smem:$0x3FB0] =	sst s4  }
0xd: {  	[smem:$0x3FB1] =	sst s5  }
0xe: {  	[smem:$0x3FB2] =	sst s6  }
0xf: {  	[smem:$0x3FB3] =	sst s7  }
0x10: {  	[smem:$0x3FB4] =	sst s8  }
0x11: {  	[smem:$0x3FB5] =	sst s9;
	s0 =	simm.s32 @!p0 $0x0  }
0x12: {  	s1 =	sld [smem:$0x3F9B];
	s0 =	simm.s32 @p0 $0x1  }
0x13: {  	[smem:$0x3FB6] =	sst s0;
	s0 =	simm.s32 @!p1 $0x0  }
0x14: {  	s2 =	sld [smem:$0x3F9A];
	s0 =	simm.s32 @p1 $0x1  }
0x15: {  	[smem:$0x3FB7] =	sst s0;
	s0 =	simm.s32 @!p2 $0x0  }
0x16: {  	s3 =	sld [smem:$0x3FDB];
	s0 =	simm.s32 @p2 $0x1  }
0x17: {  	s4 =	simm.s32 $0x1BF5;
	[smem:$0x3FB9] =	sst s0  }
0x18: {  	s0 =	sld [smem:$0x3F9C];
	_ =	swait.ge [sflag:s4], $0x0  }
0x19: {  	s7 =	sld [smem:$0x3F9D]  }
0x1a: {  	s8 =	sadd.s32 $0xFFFFE003, lr  }
0x1b: {  	s9 =	sadd.s32 $0xFFFFFEF7, lr;
	s5 =	simm.s32 $0xFFFFFFFF;
	p2 =	slt.u32 s8, $0xFFFFF086  }
0x1c: {  	p1 =	slt.u32 s9, $0xF7A;
	s5 =	simm.s32 @!p2 $0x0  }
0x1d: {  	s5 =	simm.s32 @p1 $0x1;
	p0 =	seq.s32 s7, s2  }
0x1e: {  	s7 =	smul.u32 @!p0 $0xF7A, s2;
	p2 =	seq.s32 @!p0 s5, $0x0  }
0x1f: {  	s9 =	smul.u32 $0xF7A, s1;
	s8 =	simm.s32 @!p0 $0x1BF5;
	p2 =	por !p2, p0  }
0x20: {  	[sflag:s8] =	ssyncset.s32 @!p0 $0xFFFFF086;
	s6 =	sadd.s32 @!p0 s3, s7;
	s7 =	simm.s32 @!p0 $0x108  }
0x21: {  	s3 =	sadd.s32 s3, s9;
	s6 =	sadd.s32 @!p0 $0x88, s6;
	s7 =	simm.s32 @p2 $0x1082  }
0x22: {  	[simem:s7], [sflag:s8] =	dma.local @!p0 [hbm:s6], $0xF7A  }
0x23: {  	s9 =	sor.u32 $0xD0000000, s2;
	s6 =	simm.s32 $0x108;
	_ =	swait.ge @!p0 [sflag:s8], $0x0  }
0x24: {  	s3 =	sadd.s32 $0x88, s3;
	s6 =	simm.s32 @!p1 $0x1082;
	[sflag:s4] =	ssyncset.s32 $0xFFFFF086  }
0x25: {  	[simem:s6], [sflag:s4] =	dma.local [hbm:s3], $0xF7A  }
0x26: {  	[smem:$0x3F9D] =	sst s1;
	(tag) =	ssettag s2;
	_ =	strace s9  }
0x27: {  	s1 =	sld [smem:$0x3FAD]  }
0x28: {  	s2 =	sld [smem:$0x3FAE]  }
0x29: {  	s4 =	sld [smem:$0x3FB0]  }
0x2a: {  	p0 =	seq.s32 s5, $0x0;
	s5 =	sld [smem:$0x3FB1]  }
0x2b: {  	s6 =	sld [smem:$0x3FB2]  }
0x2c: {  	s7 =	sld [smem:$0x3FB3]  }
0x2d: {  	s3 =	simm.s32 $0x108;
	s8 =	sld [smem:$0x3FB4]  }
0x2e: {  	s3 =	simm.s32 @!p0 $0x1082;
	s9 =	sld [smem:$0x3FB5]  }
0x2f: {  	lr =	sadd.s32 s0, s3;
	s0 =	sld [smem:$0x3FAC]  }
0x30: {  	s3 =	sld [smem:$0x3FAF]  }
0x31: {  	[smem:$0x3FB8] =	sst s10  }
0x32: {  	s10 =	sld [smem:$0x3FB6];
	_ =	sdelay $0x3  }
0x33: {  	p0 =	seq.s32 s10, $0x1;
	s10 =	sld [smem:$0x3FB8];
	_ =	sdelay $0x3  }
0x34: {  	[smem:$0x3FB8] =	sst s10  }
0x35: {  	s10 =	sld [smem:$0x3FB7];
	_ =	sdelay $0x3  }
0x36: {  	p1 =	seq.s32 s10, $0x1;
	s10 =	sld [smem:$0x3FB8];
	_ =	sdelay $0x3  }
0x37: {  	[smem:$0x3FB8] =	sst s10  }
0x38: {  	s10 =	sld [smem:$0x3FB9]  }
0x39: {  	_ = 	snop;
	(pc) =	sbr.ind lr, $3  }
0x3a: {  	_ = 	snop  }
0x3b: {  	_ = 	snop  }
0x3c: {  	p2 =	seq.s32 s10, $0x1;
	s10 =	sld [smem:$0x3FB8]  }
0x3d: {  	_ =	shalt  }
0x3e: {  	_ =	shalt  }
0x3f: {  	_ =	shalt  }
0x40: {  	_ =	shalt  }
0x41: {  	_ =	shalt  }
0x42: {  	_ =	shalt  }
0x43: {  	_ =	shalt  }
0x44: {  	_ =	shalt  }
0x45: {  	_ =	shalt  }
0x46: {  	_ =	shalt  }
0x47: {  	_ =	shalt  }
0x48: {  	_ =	shalt  }
0x49: {  	_ =	shalt  }
0x4a: {  	_ =	shalt  }
0x4b: {  	_ =	shalt  }
0x4c: {  	_ =	shalt  }
0x4d: {  	_ =	shalt  }
0x4e: {  	_ =	shalt  }
0x4f: {  	_ =	shalt  }
0x50: {  	_ =	shalt  }
0x51: {  	_ =	shalt  }
0x52: {  	_ =	shalt  }
0x53: {  	_ =	shalt  }
0x54: {  	_ =	shalt  }
0x55: {  	_ =	shalt  }
0x56: {  	_ =	shalt  }
0x57: {  	_ =	shalt  }
0x58: {  	_ =	shalt  }
0x59: {  	_ =	shalt  }
0x5a: {  	_ =	shalt  }
0x5b: {  	_ =	shalt  }
0x5c: {  	_ =	shalt  }
0x5d: {  	_ =	shalt  }
0x5e: {  	_ =	shalt  }
0x5f: {  	_ =	shalt  }
0x60: {  	_ =	shalt  }
0x61: {  	_ =	shalt  }
0x62: {  	_ =	shalt  }
0x63: {  	_ =	shalt  }
0x64: {  	_ =	shalt  }
0x65: {  	_ =	shalt  }
0x66: {  	_ =	shalt  }
0x67: {  	_ =	shalt  }
0x68: {  	_ =	shalt  }
0x69: {  	_ =	shalt  }
0x6a: {  	_ =	shalt  }
0x6b: {  	_ =	shalt  }
0x6c: {  	_ =	shalt  }
0x6d: {  	_ =	shalt  }
0x6e: {  	_ =	shalt  }
0x6f: {  	_ =	shalt  }
0x70: {  	_ =	shalt  }
0x71: {  	_ =	shalt  }
0x72: {  	_ =	shalt  }
0x73: {  	_ =	shalt  }
0x74: {  	_ =	shalt  }
0x75: {  	_ =	shalt  }
0x76: {  	_ =	shalt  }
0x77: {  	_ =	shalt  }
0x78: {  	_ =	shalt  }
0x79: {  	_ =	shalt  }
0x7a: {  	_ =	shalt  }
0x7b: {  	_ =	shalt  }
0x7c: {  	_ =	shalt  }
0x7d: {  	_ =	shalt  }
0x7e: {  	_ =	shalt  }
0x7f: {  	_ =	shalt  }
0x80: {  	_ =	shalt  }
0x81: {  	_ =	shalt  }
0x82: {  	_ =	shalt  }
0x83: {  	_ =	shalt  }
0x84: {  	_ =	shalt  }
0x85: {  	_ =	shalt  }
0x86: {  	_ =	shalt  }
0x87: {  	_ =	shalt  }
.Lfunc_end0:
.L_simem_size_0:
called_computation_lowered:
.L_overlay_start_0:
0x88: {  	s2 =	sld [smem:$0x3FD9]  }
0x89: {  	s3 =	sld [smem:$0x3FFE];
	_ =	sdelay $0x1  }
0x8a: {  	s1 =	srdreg.scid  }
0x8b: {  	s0 =	sand.u32 $0x1, s1  }
0x8c: {  	s17 =	sshll.u32 s0, $0xA;
	s2 =	sadd.s32 s3, s2  }
0x8d: {  	s2 =	sadd.s32 s2, s17  }
0x8e: {  	[smem:$0x3FC4] =	sst s2  }
0x8f: {  	_ = 	snop  }
0x90: {  	s2 =	sld [smem:$0x3FD0];
	(tm) =	ssettm $0x1  }
0x91: {  	s18 =	sld [smem:$0x3FFB];
	_ =	sdelay $0x3  }
0x92: {  	_ =	strace s18  }
0x93: {  	s3 =	sld [smem:$0x3FFC];
	_ =	sdelay $0x3  }
0x94: {  	_ =	strace s3  }
0x95: {  	s3 =	sld [smem:$0x3FFD];
	_ =	sdelay $0x3  }
0x96: {  	_ =	strace s3  }
0x97: {  	_ =	strace $0x8FFFFFFF  }
0x98: {  	s19 =	sld [smem:$0x3FDB];
	_ =	sdelay $0x1  }
0x99: {  	s4 =	simm.s32 $_scs_section_size  }
0x9a: {  	s5 =	simm.s32 $_size__tile_overlayer_lowered;
	s6 =	simm.s32 $_tile_overlayer_lowered  }
0x9b: {  	s22 =	simm.s32 $0x1BFF;
	s21 =	sshll.u32 s6, $0x1;
	s3 =	sadd.s32 s4, s19  }
0x9c: {  	s7 =	simm.s32 $0x0;
	s20 =	sshll.u32 s5, $0x1;
	s5 =	sadd.s32 s21, s3  }
0x9d: {  	[timem:s7], [sflag:s22] =	dma.local [hbm:s5], s20  }
0x9e: {  	_ =	swait.ge [sflag:s22], s20  }
0x9f: {  	s4 =	ssub.s32 $0x0, s20;
	[sflag:s22] =	ssyncset.done $0x0  }
0xa0: {  	[sflag:s22] =	ssyncadd.s32 s4;
	_ =	sdelay $0x1  }
0xa1: {  	s23 =	simm.s32 $0x1B8B  }
0xa2: {  	_ =	swait.ge [sflag:s23], $0x1  }
0xa3: {  	[sflag:s23] =	ssyncset.done $0x0  }
0xa4: {  	s25 =	simm.s32 $0x1B8E;
	s24 =	sld [smem:$0x3FFE];
	[sflag:s23] =	ssyncadd.s32 $0xFFFFFFFF  }
0xa5: {  	s26 =	simm.s32 $execute0_lowered;
	[smem:$0x3FD2] =	sst s25  }
0xa6: {  	s5 =	sshll.u32 s26, $0x1;
	_ =	strace $0x80000046;
	[dreg:$0x1] =	wrdreg $0xFFFFFFFF  }
0xa7: {  	s28 =	simm.s32 $_size_execute0_lowered;
	s3 =	sadd.s32 s3, s5;
	[dreg:$0x0] =	wrdreg $0x0  }
0xa8: {  	s5 =	sshll.u32 s28, $0x1;
	[dreg:$0x2] =	wrdreg s3  }
0xa9: {  	[dreg:$0x3] =	wrdreg s5  }
0xaa: {  	[dreg:$0x4] =	wrdreg $0xC0  }
0xab: {  	_ =	task [dreg:s7], $0x5FFFF  }
0xac: {  	[dreg:$0x1] =	wrdreg $0xFFFFFFFF  }
0xad: {  	[dreg:$0x0] =	wrdreg $0x60  }
0xae: {  	[dreg:$0x2] =	wrdreg s24  }
0xaf: {  	[dreg:$0x3] =	wrdreg s2  }
0xb0: {  	[dreg:$0x4] =	wrdreg $0x9  }
0xb1: {  	_ =	task.clear_ibuf [dreg:s7], $0x5FFFF;
	_ =	strace $0x90000046  }
0xb2: {  	s29 =	simm.s32 $0x9;
	_ =	strace $0x80000048  }
0xb3: {  	_ =	swait.ge [sflag:s29], $0x1  }
0xb4: {  	[sflag:s29] =	ssyncadd.s32 $0xFFFFFFFF  }
0xb5: {  	_ =	strace $0x90000048  }
0xb6: {  	_ =	sfence  }
0xb7: {  	s30 =	sld [smem:$0x0];
	_ =	sdelay $0x2  }
0xb8: {  	s31 =	sshll.u32 s1, $0xD;
	s1 =	sshrl.u32 s1, $0x2  }
0xb9: {  	s3 =	sand.u32 $0x4000, s31;
	s1 =	sadd.s32 s1, s30  }
0xba: {  	s0 =	sor.u32 s3, s0;
	s1 =	sshll.u32 s1, $0x11  }
0xbb: {  	s0 =	sor.u32 s1, s0  }
0xbc: {  	s0 =	sadd.s32 $0x8F2B, s0  }
0xbd: {  	[sflag:s0] =	ssyncadd.remote.s32 $0x1  }
0xbe: {  	_ =	sfence.sel $0xFFFF  }
0xbf: {  	[dreg:$0x0] =	wrdreg $0xFFFFFFFF;
	(pc) =	sbr.abs _section_cstart, $3  }
0xc0: {  	[dreg:$0x1] =	wrdreg $0xFFFFFFFF  }
0xc1: {  	_ =	task.clear_ibuf [dreg:s7], $0x2FFFF;
	_ =	strace $0x9FFFFFFF  }
0xc2: {  	(tm) =	ssettm $0x7FFFFFFF  }
0xc3: {  	_ =	shalt  }
tec
execute0_lowered:
.L_overlay_start_1:
0x0: {  	(tag) =	ssettag $0x1  }
0x1: {  	s0 =	rddreg [dreg:$0x0]  }
0x2: {  	s2 =	rddreg [dreg:$0x1];
	s1 =	srdreg.scid  }
0x3: {  	s4 =	stileid.u32;
	s3 =	simm.s32 $0x0;
	s25 =	simm.s32 $0x80  }
0x4: {  	s23 =	simm.s32 $0x1000;
	s26 =	simm.s32 $0x1;
	s1 =	sand.u32 $0x1, s1  }
0x5: {  	s4 =	sshll.u32 s4, $0x5;
	[smem:$0x7FF] =	sst s3;
	s6 =	sadd.s32 $0x30D4, s2  }
0x6: {  	s7 =	sadd.s32 $0x61A8, s2;
	s8 =	sadd.s32 $0x927C, s2;
	s9 =	sadd.s32 $0xC350, s2  }
0x7: {  	s10 =	sadd.s32 $0xF424, s2;
	s11 =	sadd.s32 $0x124F8, s2;
	s12 =	sadd.s32 $0x155CC, s2  }
0x8: {  	s13 =	sadd.s32 $0x186A0, s2;
	s14 =	sadd.s32 $0x1B774, s2;
	s5 =	sshll.u32 s1, $0x4  }
0x9: {  	s15 =	sadd.s32 $0x1E848, s2;
	s16 =	sadd.s32 $0x2191C, s2;
	s4 =	sor.u32 s5, s4  }
0xa: {  	s17 =	sadd.s32 $0x249F0, s2;
	s18 =	sadd.s32 $0x27AC4, s2;
	s4 =	sadd.s32 s4, s0  }
0xb: {  	s19 =	sadd.s32 $0x2AB98, s2;
	s1 =	ssub.s32 $0x2, s1;
	s29 =	sadd.s32 $0x400, s4  }
0xc: {  	_ =	strace $0x80000047;
	s30 =	sadd.s32 $0x3800, s4;
	[dreg:$0x3] =	wrdreg s29  }
0xd: {  	s28 =	sshrl.u32 s1, $0x1;
	s31 =	sadd.s32 $0x4FF600, s4;
	[dreg:$0x4] =	wrdreg s30  }
0xe: {  	s1 =	ssub.s32 s1, s28;
	s4 =	sadd.s32 $0x533600, s4;
	[dreg:$0x5] =	wrdreg s31  }
0xf: {  	s20 =	sadd.s32 $0x2DC6C, s2;
	s1 =	smax.u32 s1, $0x1;
	[dreg:$0x6] =	wrdreg s4  }
0x10: {  	v0 =	vimm.f32 $0.0e+00;
	s24 =	sadd.s32 $0x3786C, s0;
	[dreg:$0x7] =	wrdreg s1;
	s1 =	simm.s32 $0x0  }
.LBB2_1:
0x11: {  	[dreg:$0x8] =	wrdreg s1  }
0x12: {  	s0 =	rddreg [dreg:$0x3]  }
0x13: {  	[tilespmem:s3], [sflag:$0x1] =	stream.strided.gather [hbm4b:s0+s25], $0xD00, s23, s25, $0x38;
	[tilespmem:$0x1D600] =	vst v63  }
0x14: {  	s1 =	rddreg [dreg:$0x4];
	s4 =	simm.s32 $0xD00  }
0x15: {  	[tilespmem:s4], [sflag:$0x2] =	stream.strided.gather [hbm4b:s1+s25], $0x1900, s23, s25, $0x38;
	[tilespmem:$0x1D600] =	vst v63  }
0x16: {  	_ =	swait.ge [sflag:s26], $0xD00  }
0x17: {  	[sflag:s26] =	ssyncset.done $0x0  }
0x18: {  	s5 =	sadd.s32 $0xFFFD2394, s24;
	s21 =	simm.s32 $0x2600;
	[sflag:s26] =	ssyncadd.s32 $0xFFFFF300  }
0x19: {  	[tilespmem:s21], [sflag:$0x1] =	stream.indirect.gather [hbm4b:s5+s25], $0x1, s3, s25, $0xb8;
	[tilespmem:$0x1D600] =	vst v63  }
0x1a: {  	s22 =	sadd.s32 $0xFFFD5468, s24;
	s23 =	simm.s32 $0x2680  }
0x1b: {  	[tilespmem:s23], [sflag:$0x1] =	stream.indirect.gather [hbm4b:s22+s25], $0x1, s3, s25, $0xb8;
	[tilespmem:$0x1D600] =	vst v63  }
0x1c: {  	s30 =	sadd.s32 $0xFFFD853C, s24;
	s26 =	simm.s32 $0x2700  }
0x1d: {  	[tilespmem:s26], [sflag:$0x1] =	stream.indirect.gather [hbm4b:s30+s25], $0x1, s3, s25, $0xb8;
	[tilespmem:$0x1D600] =	vst v63  }
0x1e: {  	s1 =	simm.s32 $0x2780;
	s4 =	sadd.s32 $0xFFFDB610, s24  }
0x1f: {  	[tilespmem:s1], [sflag:$0x1] =	stream.indirect.gather [hbm4b:s4+s25], $0x1, s3, s25, $0xb8;
	[tilespmem:$0x1D600] =	vst v63  }
0x20: {  	s5 =	simm.s32 $0x2800;
	s21 =	sadd.s32 $0xFFFDE6E4, s24  }
0x21: {  	[tilespmem:s5], [sflag:$0x1] =	stream.indirect.gather [hbm4b:s21+s25], $0x1, s3, s25, $0xb8;
	[tilespmem:$0x1D600] =	vst v63  }
0x22: {  	s22 =	simm.s32 $0x2880;
	s23 =	sadd.s32 $0xFFFE17B8, s24  }
0x23: {  	[tilespmem:s22], [sflag:$0x1] =	stream.indirect.gather [hbm4b:s23+s25], $0x1, s3, s25, $0xb8;
	[tilespmem:$0x1D600] =	vst v63  }
0x24: {  	s26 =	simm.s32 $0x2900;
	s30 =	sadd.s32 $0xFFFE488C, s24  }
0x25: {  	[tilespmem:s26], [sflag:$0x1] =	stream.indirect.gather [hbm4b:s30+s25], $0x1, s3, s25, $0xb8;
	[tilespmem:$0x1D600] =	vst v63  }
0x26: {  	s1 =	simm.s32 $0x2980;
	s4 =	sadd.s32 $0xFFFE7960, s24  }
0x27: {  	[tilespmem:s1], [sflag:$0x1] =	stream.indirect.gather [hbm4b:s4+s25], $0x1, s3, s25, $0xb8;
	[tilespmem:$0x1D600] =	vst v63  }
0x28: {  	s5 =	simm.s32 $0x2A00;
	s21 =	sadd.s32 $0xFFFEAA34, s24  }
0x29: {  	[tilespmem:s5], [sflag:$0x1] =	stream.indirect.gather [hbm4b:s21+s25], $0x1, s3, s25, $0xb8;
	[tilespmem:$0x1D600] =	vst v63  }
0x2a: {  	s31 =	simm.s32 $0x2D80;
	s22 =	simm.s32 $0x2A80;
	s23 =	sadd.s32 $0xFFFEDB08, s24  }
0x2b: {  	[tilespmem:s22], [sflag:$0x1] =	stream.indirect.gather [hbm4b:s23+s25], $0x1, s3, s25, $0xb8;
	[tilespmem:$0x1D600] =	vst v63  }
0x2c: {  	s28 =	simm.s32 $0x80;
	s26 =	simm.s32 $0x2B00;
	s30 =	sadd.s32 $0xFFFF0BDC, s24  }
0x2d: {  	[tilespmem:s26], [sflag:$0x1] =	stream.indirect.gather [hbm4b:s30+s25], $0x1, s3, s25, $0xb8;
	[tilespmem:$0x1D600] =	vst v63  }
0x2e: {  	s0 =	sadd.s32 $0x30D40, s24;
	s4 =	simm.s32 $0x2B80;
	s5 =	sadd.s32 $0xFFFF3CB0, s24  }
0x2f: {  	[tilespmem:s4], [sflag:$0x1] =	stream.indirect.gather [hbm4b:s5+s25], $0x1, s3, s25, $0xb8;
	[tilespmem:$0x1D600] =	vst v63  }
0x30: {  	s29 =	sadd.s32 $0xFFFD5468, s0;
	s21 =	simm.s32 $0x2C00;
	s22 =	sadd.s32 $0xFFFF6D84, s24  }
0x31: {  	[tilespmem:s21], [sflag:$0x1] =	stream.indirect.gather [hbm4b:s22+s25], $0x1, s3, s25, $0xb8;
	[tilespmem:$0x1D600] =	vst v63  }
0x32: {  	s1 =	sadd.s32 $0xFFFD2394, s0;
	s23 =	simm.s32 $0x2C80;
	s26 =	sadd.s32 $0xFFFF9E58, s24  }
0x33: {  	[tilespmem:s23], [sflag:$0x1] =	stream.indirect.gather [hbm4b:s26+s25], $0x1, s3, s25, $0xb8;
	[tilespmem:$0x1D600] =	vst v63  }
0x34: {  	s30 =	simm.s32 $0x2D00;
	s4 =	simm.s32 $0x800;
	s5 =	sadd.s32 $0xFFFFCF2C, s24  }
0x35: {  	[tilespmem:s30], [sflag:$0x1] =	stream.indirect.gather [hbm4b:s5+s25], $0x1, s3, s25, $0xb8;
	[tilespmem:$0x1D600] =	vst v63  }
0x36: {  	s22 =	simm.s32 $0x4000;
	s23 =	simm.s32 $0x0;
	s5 =	smov.u32 s24  }
.LBB2_2:
0x37: {  	[tilespmem:s31], [sflag:$0x1] =	stream.indirect.gather [hbm4b:s5+s25], $0x1, s23, s25, $0xb8;
	[tilespmem:$0x1D600] =	vst v63  }
0x38: {  	s21 =	smov.u32 s4;
	s4 =	smov.u32 s22;
	s5 =	smov.u32 s0  }
0x39: {  	s4 =	sadd.s32 $0x2600, s21;
	s23 =	sadd.s32 $0x2680, s21;
	s30 =	sadd.s32 $0x2780, s21  }
0x3a: {  	[tilespmem:s4], [sflag:$0x1] =	stream.indirect.gather [hbm4b:s1+s25], $0x1, s28, s25, $0xb8;
	[tilespmem:$0x1D600] =	vst v63  }
0x3b: {  	s31 =	sadd.s32 $0x2D80, s21;
	s4 =	sshra.s32 s22, $0x2;
	s1 =	sadd.s32 $0x2980, s21  }
0x3c: {  	[tilespmem:s23], [sflag:$0x1] =	stream.indirect.gather [hbm4b:s29+s25], $0x1, s28, s25, $0xb8;
	[tilespmem:$0x1D600] =	vst v63  }
0x3d: {  	s26 =	sadd.s32 $0x2000, s22;
	s23 =	sadd.s32 $0x2700, s21;
	s29 =	sadd.s32 $0xFFFD853C, s0  }
0x3e: {  	[tilespmem:s23], [sflag:$0x1] =	stream.indirect.gather [hbm4b:s29+s25], $0x1, s28, s25, $0xb8;
	[tilespmem:$0x1D600] =	vst v63  }
0x3f: {  	p0 =	sne.s32 s22, $0x32000;
	s22 =	sadd.s32 $0xFFFDB610, s0;
	s23 =	smov.u32 s28  }
0x40: {  	[tilespmem:s30], [sflag:$0x1] =	stream.indirect.gather [hbm4b:s22+s25], $0x1, s28, s25, $0xb8;
	[tilespmem:$0x1D600] =	vst v63  }
0x41: {  	s29 =	sadd.s32 $0xFFFDE6E4, s0;
	s22 =	sadd.s32 $0x2800, s21  }
0x42: {  	[tilespmem:s22], [sflag:$0x1] =	stream.indirect.gather [hbm4b:s29+s25], $0x1, s28, s25, $0xb8;
	[tilespmem:$0x1D600] =	vst v63  }
0x43: {  	s22 =	sadd.s32 $0x2880, s21;
	s29 =	sadd.s32 $0xFFFE17B8, s0  }
0x44: {  	[tilespmem:s22], [sflag:$0x1] =	stream.indirect.gather [hbm4b:s29+s25], $0x1, s28, s25, $0xb8;
	[tilespmem:$0x1D600] =	vst v63  }
0x45: {  	s22 =	sadd.s32 $0x2900, s21;
	s29 =	sadd.s32 $0xFFFE488C, s0  }
0x46: {  	[tilespmem:s22], [sflag:$0x1] =	stream.indirect.gather [hbm4b:s29+s25], $0x1, s28, s25, $0xb8;
	[tilespmem:$0x1D600] =	vst v63  }
0x47: {  	s22 =	sadd.s32 $0xFFFE7960, s0  }
0x48: {  	[tilespmem:s1], [sflag:$0x1] =	stream.indirect.gather [hbm4b:s22+s25], $0x1, s28, s25, $0xb8;
	[tilespmem:$0x1D600] =	vst v63  }
0x49: {  	s1 =	sadd.s32 $0x2A00, s21;
	s22 =	sadd.s32 $0xFFFEAA34, s0  }
0x4a: {  	[tilespmem:s1], [sflag:$0x1] =	stream.indirect.gather [hbm4b:s22+s25], $0x1, s28, s25, $0xb8;
	[tilespmem:$0x1D600] =	vst v63  }
0x4b: {  	s1 =	sadd.s32 $0x2A80, s21;
	s22 =	sadd.s32 $0xFFFEDB08, s0  }
0x4c: {  	[tilespmem:s1], [sflag:$0x1] =	stream.indirect.gather [hbm4b:s22+s25], $0x1, s28, s25, $0xb8;
	[tilespmem:$0x1D600] =	vst v63  }
0x4d: {  	s1 =	sadd.s32 $0x2B00, s21;
	s22 =	sadd.s32 $0xFFFF0BDC, s0  }
0x4e: {  	[tilespmem:s1], [sflag:$0x1] =	stream.indirect.gather [hbm4b:s22+s25], $0x1, s28, s25, $0xb8;
	[tilespmem:$0x1D600] =	vst v63  }
0x4f: {  	s1 =	sadd.s32 $0x2B80, s21;
	s22 =	sadd.s32 $0xFFFF3CB0, s0  }
0x50: {  	[tilespmem:s1], [sflag:$0x1] =	stream.indirect.gather [hbm4b:s22+s25], $0x1, s28, s25, $0xb8;
	[tilespmem:$0x1D600] =	vst v63  }
0x51: {  	s1 =	sadd.s32 $0x2C00, s21;
	s22 =	sadd.s32 $0xFFFF6D84, s0  }
0x52: {  	[tilespmem:s1], [sflag:$0x1] =	stream.indirect.gather [hbm4b:s22+s25], $0x1, s28, s25, $0xb8;
	[tilespmem:$0x1D600] =	vst v63  }
0x53: {  	s1 =	sadd.s32 $0x2C80, s21  }
.Ltmp0:
0x54: {  	s22 =	sadd.s32 $0xFFFF9E58, s0;
	s0 =	sadd.s32 $0x30D40, s0;
	(pc) =	sbr.rel @p0 .LBB2_2-.Ltmp0, $4  }
0x55: {  	[tilespmem:s1], [sflag:$0x1] =	stream.indirect.gather [hbm4b:s22+s25], $0x1, s28, s25, $0xb8;
	[tilespmem:$0x1D600] =	vst v63  }
0x56: {  	s29 =	sadd.s32 $0xFFFD5468, s0;
	s1 =	sadd.s32 $0x2D00, s21;
	s21 =	sadd.s32 $0xFFFFCF2C, s5  }
0x57: {  	[tilespmem:s1], [sflag:$0x1] =	stream.indirect.gather [hbm4b:s21+s25], $0x1, s28, s25, $0xb8;
	[tilespmem:$0x1D600] =	vst v63  }
0x58: {  	s22 =	smov.u32 s26;
	s1 =	sadd.s32 $0xFFFD2394, s0;
	s28 =	sadd.s32 $0x80, s28  }
0x59: {  	[tilespmem:s31], [sflag:$0x1] =	stream.indirect.gather [hbm4b:s5+s25], $0x1, s23, s25, $0xb8;
	[tilespmem:$0x1D600] =	vst v63  }
0x5a: {  	s23 =	sadd.s32 $0x2600, s4  }
0x5b: {  	[tilespmem:s23], [sflag:$0x1] =	stream.indirect.gather [hbm4b:s1+s25], $0x1, s28, s25, $0xb8;
	[tilespmem:$0x1D600] =	vst v63  }
0x5c: {  	s26 =	sadd.s32 $0x2680, s4  }
0x5d: {  	[tilespmem:s26], [sflag:$0x1] =	stream.indirect.gather [hbm4b:s29+s25], $0x1, s28, s25, $0xb8;
	[tilespmem:$0x1D600] =	vst v63  }
0x5e: {  	s30 =	sadd.s32 $0x2700, s4;
	s31 =	sadd.s32 $0xFFFD853C, s0  }
0x5f: {  	[tilespmem:s30], [sflag:$0x1] =	stream.indirect.gather [hbm4b:s31+s25], $0x1, s28, s25, $0xb8;
	[tilespmem:$0x1D600] =	vst v63  }
0x60: {  	s5 =	sadd.s32 $0x2780, s4;
	s21 =	sadd.s32 $0xFFFDB610, s0  }
0x61: {  	[tilespmem:s5], [sflag:$0x1] =	stream.indirect.gather [hbm4b:s21+s25], $0x1, s28, s25, $0xb8;
	[tilespmem:$0x1D600] =	vst v63  }
0x62: {  	s22 =	sadd.s32 $0x2800, s4;
	s23 =	sadd.s32 $0xFFFDE6E4, s0  }
0x63: {  	[tilespmem:s22], [sflag:$0x1] =	stream.indirect.gather [hbm4b:s23+s25], $0x1, s28, s25, $0xb8;
	[tilespmem:$0x1D600] =	vst v63  }
0x64: {  	s26 =	sadd.s32 $0x2880, s4;
	s29 =	sadd.s32 $0xFFFE17B8, s0  }
0x65: {  	[tilespmem:s26], [sflag:$0x1] =	stream.indirect.gather [hbm4b:s29+s25], $0x1, s28, s25, $0xb8;
	[tilespmem:$0x1D600] =	vst v63  }
0x66: {  	s30 =	sadd.s32 $0x2900, s4;
	s31 =	sadd.s32 $0xFFFE488C, s0  }
0x67: {  	[tilespmem:s30], [sflag:$0x1] =	stream.indirect.gather [hbm4b:s31+s25], $0x1, s28, s25, $0xb8;
	[tilespmem:$0x1D600] =	vst v63  }
0x68: {  	s5 =	sadd.s32 $0x2980, s4;
	s21 =	sadd.s32 $0xFFFE7960, s0  }
0x69: {  	[tilespmem:s5], [sflag:$0x1] =	stream.indirect.gather [hbm4b:s21+s25], $0x1, s28, s25, $0xb8;
	[tilespmem:$0x1D600] =	vst v63  }
0x6a: {  	s22 =	sadd.s32 $0x2A00, s4;
	s23 =	sadd.s32 $0xFFFEAA34, s0  }
0x6b: {  	[tilespmem:s22], [sflag:$0x1] =	stream.indirect.gather [hbm4b:s23+s25], $0x1, s28, s25, $0xb8;
	[tilespmem:$0x1D600] =	vst v63  }
0x6c: {  	s26 =	sadd.s32 $0x2A80, s4;
	s29 =	sadd.s32 $0xFFFEDB08, s0  }
0x6d: {  	[tilespmem:s26], [sflag:$0x1] =	stream.indirect.gather [hbm4b:s29+s25], $0x1, s28, s25, $0xb8;
	[tilespmem:$0x1D600] =	vst v63  }
0x6e: {  	s30 =	sadd.s32 $0x2B00, s4;
	s31 =	sadd.s32 $0xFFFF0BDC, s0  }
0x6f: {  	[tilespmem:s30], [sflag:$0x1] =	stream.indirect.gather [hbm4b:s31+s25], $0x1, s28, s25, $0xb8;
	[tilespmem:$0x1D600] =	vst v63  }
0x70: {  	s5 =	sadd.s32 $0x2B80, s4;
	s21 =	sadd.s32 $0xFFFF3CB0, s0  }
0x71: {  	[tilespmem:s5], [sflag:$0x1] =	stream.indirect.gather [hbm4b:s21+s25], $0x1, s28, s25, $0xb8;
	[tilespmem:$0x1D600] =	vst v63  }
0x72: {  	s22 =	sadd.s32 $0x2C00, s4;
	s23 =	sadd.s32 $0xFFFF6D84, s0  }
0x73: {  	[tilespmem:s22], [sflag:$0x1] =	stream.indirect.gather [hbm4b:s23+s25], $0x1, s28, s25, $0xb8;
	[tilespmem:$0x1D600] =	vst v63  }
0x74: {  	s26 =	sadd.s32 $0x2C80, s4;
	s29 =	sadd.s32 $0xFFFF9E58, s0  }
0x75: {  	[tilespmem:s26], [sflag:$0x1] =	stream.indirect.gather [hbm4b:s29+s25], $0x1, s28, s25, $0xb8;
	[tilespmem:$0x1D600] =	vst v63  }
0x76: {  	s30 =	sadd.s32 $0x2D00, s4;
	s31 =	sadd.s32 $0xFFFFCF2C, s0  }
0x77: {  	[tilespmem:s30], [sflag:$0x1] =	stream.indirect.gather [hbm4b:s31+s25], $0x1, s28, s25, $0xb8;
	[tilespmem:$0x1D600] =	vst v63  }
0x78: {  	s4 =	sadd.s32 $0x2D80, s4;
	s22 =	simm.s32 $0x2  }
0x79: {  	[tilespmem:s4], [sflag:$0x1] =	stream.indirect.gather [hbm4b:s0+s25], $0x1, s28, s25, $0xb8;
	[tilespmem:$0x1D600] =	vst v63  }
0x7a: {  	_ =	swait.ge [sflag:s22], $0x1900  }
0x7b: {  	[sflag:s22] =	ssyncset.done $0x0  }
0x7c: {  	s5 =	simm.s32 $0xFE00;
	s4 =	simm.s32 $0xD00;
	[sflag:s22] =	ssyncadd.s32 $0xFFFFE700  }
0x7d: {  	[tilespmem:s5], [sflag:$0x2] =	stream.indirect.gather [hbm4b:s2+s25], $0x1, s4, s25, $0xb8;
	[tilespmem:$0x1D600] =	vst v63  }
0x7e: {  	s21 =	simm.s32 $0x10480  }
0x7f: {  	[tilespmem:s21], [sflag:$0x2] =	stream.indirect.gather [hbm4b:s6+s25], $0x1, s4, s25, $0xb8;
	[tilespmem:$0x1D600] =	vst v63  }
0x80: {  	s23 =	simm.s32 $0x10B00  }
0x81: {  	[tilespmem:s23], [sflag:$0x2] =	stream.indirect.gather [hbm4b:s7+s25], $0x1, s4, s25, $0xb8;
	[tilespmem:$0x1D600] =	vst v63  }
0x82: {  	s26 =	simm.s32 $0x11180  }
0x83: {  	[tilespmem:s26], [sflag:$0x2] =	stream.indirect.gather [hbm4b:s8+s25], $0x1, s4, s25, $0xb8;
	[tilespmem:$0x1D600] =	vst v63  }
0x84: {  	s29 =	simm.s32 $0x11800  }
0x85: {  	[tilespmem:s29], [sflag:$0x2] =	stream.indirect.gather [hbm4b:s9+s25], $0x1, s4, s25, $0xb8;
	[tilespmem:$0x1D600] =	vst v63  }
0x86: {  	s30 =	simm.s32 $0x11E80  }
0x87: {  	[tilespmem:s30], [sflag:$0x2] =	stream.indirect.gather [hbm4b:s10+s25], $0x1, s4, s25, $0xb8;
	[tilespmem:$0x1D600] =	vst v63  }
0x88: {  	s31 =	simm.s32 $0x12500  }
0x89: {  	[tilespmem:s31], [sflag:$0x2] =	stream.indirect.gather [hbm4b:s11+s25], $0x1, s4, s25, $0xb8;
	[tilespmem:$0x1D600] =	vst v63  }
0x8a: {  	s1 =	simm.s32 $0x12B80  }
0x8b: {  	[tilespmem:s1], [sflag:$0x2] =	stream.indirect.gather [hbm4b:s12+s25], $0x1, s4, s25, $0xb8;
	[tilespmem:$0x1D600] =	vst v63  }
0x8c: {  	s5 =	simm.s32 $0x13200  }
0x8d: {  	[tilespmem:s5], [sflag:$0x2] =	stream.indirect.gather [hbm4b:s13+s25], $0x1, s4, s25, $0xb8;
	[tilespmem:$0x1D600] =	vst v63  }
0x8e: {  	s21 =	simm.s32 $0x13880  }
0x8f: {  	[tilespmem:s21], [sflag:$0x2] =	stream.indirect.gather [hbm4b:s14+s25], $0x1, s4, s25, $0xb8;
	[tilespmem:$0x1D600] =	vst v63  }
0x90: {  	s23 =	simm.s32 $0x13F00  }
0x91: {  	[tilespmem:s23], [sflag:$0x2] =	stream.indirect.gather [hbm4b:s15+s25], $0x1, s4, s25, $0xb8;
	[tilespmem:$0x1D600] =	vst v63  }
0x92: {  	s26 =	simm.s32 $0x14580  }
0x93: {  	[tilespmem:s26], [sflag:$0x2] =	stream.indirect.gather [hbm4b:s16+s25], $0x1, s4, s25, $0xb8;
	[tilespmem:$0x1D600] =	vst v63  }
0x94: {  	s29 =	simm.s32 $0x14C00  }
0x95: {  	[tilespmem:s29], [sflag:$0x2] =	stream.indirect.gather [hbm4b:s17+s25], $0x1, s4, s25, $0xb8;
	[tilespmem:$0x1D600] =	vst v63  }
0x96: {  	s28 =	simm.s32 $0x80;
	s0 =	simm.s32 $0x80;
	s30 =	simm.s32 $0x15280  }
0x97: {  	[tilespmem:s30], [sflag:$0x2] =	stream.indirect.gather [hbm4b:s18+s25], $0x1, s4, s25, $0xb8;
	[tilespmem:$0x1D600] =	vst v63  }
0x98: {  	s31 =	simm.s32 $0x15900;
	s1 =	simm.s32 $0x15F80;
	s5 =	simm.s32 $0x400  }
0x99: {  	[tilespmem:s31], [sflag:$0x2] =	stream.indirect.gather [hbm4b:s19+s25], $0x1, s4, s25, $0xb8;
	[tilespmem:$0x1D600] =	vst v63  }
.LBB2_4:
0x9a: {  	[tilespmem:s1], [sflag:$0x2] =	stream.indirect.gather [hbm4b:s20+s25], $0x1, s4, s25, $0xb8;
	[tilespmem:$0x1D600] =	vst v63  }
0x9b: {  	s21 =	sshra.s32 s5, $0x2;
	s1 =	sadd.s32 $0xFE00, s0;
	s4 =	sadd.s32 $0xD00, s0  }
0x9c: {  	[tilespmem:s1], [sflag:$0x2] =	stream.indirect.gather [hbm4b:s2+s25], $0x1, s4, s25, $0xb8;
	[tilespmem:$0x1D600] =	vst v63  }
0x9d: {  	p0 =	sne.s32 s5, $0x1800;
	s5 =	sadd.s32 $0x200, s5;
	s1 =	sadd.s32 $0x10480, s0  }
0x9e: {  	[tilespmem:s1], [sflag:$0x2] =	stream.indirect.gather [hbm4b:s6+s25], $0x1, s4, s25, $0xb8;
	[tilespmem:$0x1D600] =	vst v63  }
0x9f: {  	s1 =	sadd.s32 $0x10B00, s0  }
0xa0: {  	[tilespmem:s1], [sflag:$0x2] =	stream.indirect.gather [hbm4b:s7+s25], $0x1, s4, s25, $0xb8;
	[tilespmem:$0x1D600] =	vst v63  }
0xa1: {  	s1 =	sadd.s32 $0x11180, s0  }
0xa2: {  	[tilespmem:s1], [sflag:$0x2] =	stream.indirect.gather [hbm4b:s8+s25], $0x1, s4, s25, $0xb8;
	[tilespmem:$0x1D600] =	vst v63  }
0xa3: {  	s1 =	sadd.s32 $0x11800, s0  }
0xa4: {  	[tilespmem:s1], [sflag:$0x2] =	stream.indirect.gather [hbm4b:s9+s25], $0x1, s4, s25, $0xb8;
	[tilespmem:$0x1D600] =	vst v63  }
0xa5: {  	s1 =	sadd.s32 $0x11E80, s0  }
0xa6: {  	[tilespmem:s1], [sflag:$0x2] =	stream.indirect.gather [hbm4b:s10+s25], $0x1, s4, s25, $0xb8;
	[tilespmem:$0x1D600] =	vst v63  }
0xa7: {  	s1 =	sadd.s32 $0x12500, s0  }
0xa8: {  	[tilespmem:s1], [sflag:$0x2] =	stream.indirect.gather [hbm4b:s11+s25], $0x1, s4, s25, $0xb8;
	[tilespmem:$0x1D600] =	vst v63  }
0xa9: {  	s1 =	sadd.s32 $0x12B80, s0  }
0xaa: {  	[tilespmem:s1], [sflag:$0x2] =	stream.indirect.gather [hbm4b:s12+s25], $0x1, s4, s25, $0xb8;
	[tilespmem:$0x1D600] =	vst v63  }
0xab: {  	s1 =	sadd.s32 $0x13200, s0  }
0xac: {  	[tilespmem:s1], [sflag:$0x2] =	stream.indirect.gather [hbm4b:s13+s25], $0x1, s4, s25, $0xb8;
	[tilespmem:$0x1D600] =	vst v63  }
0xad: {  	s1 =	sadd.s32 $0x13880, s0  }
0xae: {  	[tilespmem:s1], [sflag:$0x2] =	stream.indirect.gather [hbm4b:s14+s25], $0x1, s4, s25, $0xb8;
	[tilespmem:$0x1D600] =	vst v63  }
0xaf: {  	s1 =	sadd.s32 $0x13F00, s0  }
0xb0: {  	[tilespmem:s1], [sflag:$0x2] =	stream.indirect.gather [hbm4b:s15+s25], $0x1, s4, s25, $0xb8;
	[tilespmem:$0x1D600] =	vst v63  }
0xb1: {  	s1 =	sadd.s32 $0x14580, s0  }
0xb2: {  	[tilespmem:s1], [sflag:$0x2] =	stream.indirect.gather [hbm4b:s16+s25], $0x1, s4, s25, $0xb8;
	[tilespmem:$0x1D600] =	vst v63  }
0xb3: {  	s1 =	sadd.s32 $0x14C00, s0  }
0xb4: {  	[tilespmem:s1], [sflag:$0x2] =	stream.indirect.gather [hbm4b:s17+s25], $0x1, s4, s25, $0xb8;
	[tilespmem:$0x1D600] =	vst v63  }
.Ltmp1:
0xb5: {  	s1 =	sadd.s32 $0x15280, s0;
	(pc) =	sbr.rel @p0 .LBB2_4-.Ltmp1, $4  }
0xb6: {  	[tilespmem:s1], [sflag:$0x2] =	stream.indirect.gather [hbm4b:s18+s25], $0x1, s4, s25, $0xb8;
	[tilespmem:$0x1D600] =	vst v63  }
0xb7: {  	s1 =	sadd.s32 $0x15900, s0  }
0xb8: {  	[tilespmem:s1], [sflag:$0x2] =	stream.indirect.gather [hbm4b:s19+s25], $0x1, s4, s25, $0xb8;
	[tilespmem:$0x1D600] =	vst v63  }
0xb9: {  	s1 =	sadd.s32 $0x15F80, s0;
	s0 =	smov.u32 s21  }
0xba: {  	[tilespmem:s1], [sflag:$0x2] =	stream.indirect.gather [hbm4b:s20+s25], $0x1, s4, s25, $0xb8;
	[tilespmem:$0x1D600] =	vst v63  }
0xbb: {  	s31 =	sadd.s32 $0xFE00, s0;
	s4 =	sadd.s32 $0xD00, s0  }
0xbc: {  	[tilespmem:s31], [sflag:$0x2] =	stream.indirect.gather [hbm4b:s2+s25], $0x1, s4, s25, $0xb8;
	[tilespmem:$0x1D600] =	vst v63  }
0xbd: {  	s5 =	sadd.s32 $0x10480, s0  }
0xbe: {  	[tilespmem:s5], [sflag:$0x2] =	stream.indirect.gather [hbm4b:s6+s25], $0x1, s4, s25, $0xb8;
	[tilespmem:$0x1D600] =	vst v63  }
0xbf: {  	s21 =	sadd.s32 $0x10B00, s0  }
0xc0: {  	[tilespmem:s21], [sflag:$0x2] =	stream.indirect.gather [hbm4b:s7+s25], $0x1, s4, s25, $0xb8;
	[tilespmem:$0x1D600] =	vst v63  }
0xc1: {  	s23 =	sadd.s32 $0x11180, s0  }
0xc2: {  	[tilespmem:s23], [sflag:$0x2] =	stream.indirect.gather [hbm4b:s8+s25], $0x1, s4, s25, $0xb8;
	[tilespmem:$0x1D600] =	vst v63  }
0xc3: {  	s26 =	sadd.s32 $0x11800, s0  }
0xc4: {  	[tilespmem:s26], [sflag:$0x2] =	stream.indirect.gather [hbm4b:s9+s25], $0x1, s4, s25, $0xb8;
	[tilespmem:$0x1D600] =	vst v63  }
0xc5: {  	s29 =	sadd.s32 $0x11E80, s0  }
0xc6: {  	[tilespmem:s29], [sflag:$0x2] =	stream.indirect.gather [hbm4b:s10+s25], $0x1, s4, s25, $0xb8;
	[tilespmem:$0x1D600] =	vst v63  }
0xc7: {  	s30 =	sadd.s32 $0x12500, s0  }
0xc8: {  	[tilespmem:s30], [sflag:$0x2] =	stream.indirect.gather [hbm4b:s11+s25], $0x1, s4, s25, $0xb8;
	[tilespmem:$0x1D600] =	vst v63  }
0xc9: {  	s31 =	sadd.s32 $0x12B80, s0  }
0xca: {  	[tilespmem:s31], [sflag:$0x2] =	stream.indirect.gather [hbm4b:s12+s25], $0x1, s4, s25, $0xb8;
	[tilespmem:$0x1D600] =	vst v63  }
0xcb: {  	s5 =	sadd.s32 $0x13200, s0  }
0xcc: {  	[tilespmem:s5], [sflag:$0x2] =	stream.indirect.gather [hbm4b:s13+s25], $0x1, s4, s25, $0xb8;
	[tilespmem:$0x1D600] =	vst v63  }
0xcd: {  	s21 =	sadd.s32 $0x13880, s0  }
0xce: {  	[tilespmem:s21], [sflag:$0x2] =	stream.indirect.gather [hbm4b:s14+s25], $0x1, s4, s25, $0xb8;
	[tilespmem:$0x1D600] =	vst v63  }
0xcf: {  	s23 =	sadd.s32 $0x13F00, s0  }
0xd0: {  	[tilespmem:s23], [sflag:$0x2] =	stream.indirect.gather [hbm4b:s15+s25], $0x1, s4, s25, $0xb8;
	[tilespmem:$0x1D600] =	vst v63  }
0xd1: {  	s26 =	sadd.s32 $0x14580, s0  }
0xd2: {  	[tilespmem:s26], [sflag:$0x2] =	stream.indirect.gather [hbm4b:s16+s25], $0x1, s4, s25, $0xb8;
	[tilespmem:$0x1D600] =	vst v63  }
0xd3: {  	s29 =	sadd.s32 $0x14C00, s0  }
0xd4: {  	[tilespmem:s29], [sflag:$0x2] =	stream.indirect.gather [hbm4b:s17+s25], $0x1, s4, s25, $0xb8;
	[tilespmem:$0x1D600] =	vst v63  }
0xd5: {  	s30 =	sadd.s32 $0x15280, s0  }
0xd6: {  	[tilespmem:s30], [sflag:$0x2] =	stream.indirect.gather [hbm4b:s18+s25], $0x1, s4, s25, $0xb8;
	[tilespmem:$0x1D600] =	vst v63  }
0xd7: {  	s31 =	sadd.s32 $0x15900, s0  }
0xd8: {  	[tilespmem:s31], [sflag:$0x2] =	stream.indirect.gather [hbm4b:s19+s25], $0x1, s4, s25, $0xb8;
	[tilespmem:$0x1D600] =	vst v63  }
0xd9: {  	s1 =	sadd.s32 $0x15F80, s0  }
0xda: {  	[tilespmem:s1], [sflag:$0x2] =	stream.indirect.gather [hbm4b:s20+s25], $0x1, s4, s25, $0xb8;
	[tilespmem:$0x1D600] =	vst v63  }
0xdb: {  	s0 =	simm.s32 $0x1380;
	s5 =	simm.s32 $0x16600  }
0xdc: {  	[tilespmem:s5], [sflag:$0x2] =	stream.indirect.gather [hbm4b:s2+s25], $0x1, s0, s25, $0xb8;
	[tilespmem:$0x1D600] =	vst v63  }
0xdd: {  	s21 =	simm.s32 $0x16C80  }
0xde: {  	[tilespmem:s21], [sflag:$0x2] =	stream.indirect.gather [hbm4b:s6+s25], $0x1, s0, s25, $0xb8;
	[tilespmem:$0x1D600] =	vst v63  }
0xdf: {  	s23 =	simm.s32 $0x17300  }
0xe0: {  	[tilespmem:s23], [sflag:$0x2] =	stream.indirect.gather [hbm4b:s7+s25], $0x1, s0, s25, $0xb8;
	[tilespmem:$0x1D600] =	vst v63  }
0xe1: {  	s26 =	simm.s32 $0x17980  }
0xe2: {  	[tilespmem:s26], [sflag:$0x2] =	stream.indirect.gather [hbm4b:s8+s25], $0x1, s0, s25, $0xb8;
	[tilespmem:$0x1D600] =	vst v63  }
0xe3: {  	s29 =	simm.s32 $0x18000  }
0xe4: {  	[tilespmem:s29], [sflag:$0x2] =	stream.indirect.gather [hbm4b:s9+s25], $0x1, s0, s25, $0xb8;
	[tilespmem:$0x1D600] =	vst v63  }
0xe5: {  	s30 =	simm.s32 $0x18680  }
0xe6: {  	[tilespmem:s30], [sflag:$0x2] =	stream.indirect.gather [hbm4b:s10+s25], $0x1, s0, s25, $0xb8;
	[tilespmem:$0x1D600] =	vst v63  }
0xe7: {  	s31 =	simm.s32 $0x18D00  }
0xe8: {  	[tilespmem:s31], [sflag:$0x2] =	stream.indirect.gather [hbm4b:s11+s25], $0x1, s0, s25, $0xb8;
	[tilespmem:$0x1D600] =	vst v63  }
0xe9: {  	s4 =	simm.s32 $0x19380  }
0xea: {  	[tilespmem:s4], [sflag:$0x2] =	stream.indirect.gather [hbm4b:s12+s25], $0x1, s0, s25, $0xb8;
	[tilespmem:$0x1D600] =	vst v63  }
0xeb: {  	s5 =	simm.s32 $0x19A00  }
0xec: {  	[tilespmem:s5], [sflag:$0x2] =	stream.indirect.gather [hbm4b:s13+s25], $0x1, s0, s25, $0xb8;
	[tilespmem:$0x1D600] =	vst v63  }
0xed: {  	s21 =	simm.s32 $0x1A080  }
0xee: {  	[tilespmem:s21], [sflag:$0x2] =	stream.indirect.gather [hbm4b:s14+s25], $0x1, s0, s25, $0xb8;
	[tilespmem:$0x1D600] =	vst v63  }
0xef: {  	s23 =	simm.s32 $0x1A700  }
0xf0: {  	[tilespmem:s23], [sflag:$0x2] =	stream.indirect.gather [hbm4b:s15+s25], $0x1, s0, s25, $0xb8;
	[tilespmem:$0x1D600] =	vst v63  }
0xf1: {  	s26 =	simm.s32 $0x1AD80  }
0xf2: {  	[tilespmem:s26], [sflag:$0x2] =	stream.indirect.gather [hbm4b:s16+s25], $0x1, s0, s25, $0xb8;
	[tilespmem:$0x1D600] =	vst v63  }
0xf3: {  	s29 =	simm.s32 $0x1B400  }
0xf4: {  	[tilespmem:s29], [sflag:$0x2] =	stream.indirect.gather [hbm4b:s17+s25], $0x1, s0, s25, $0xb8;
	[tilespmem:$0x1D600] =	vst v63  }
0xf5: {  	s1 =	simm.s32 $0x1C780;
	s30 =	simm.s32 $0x1BA80  }
0xf6: {  	[tilespmem:s30], [sflag:$0x2] =	stream.indirect.gather [hbm4b:s18+s25], $0x1, s0, s25, $0xb8;
	[tilespmem:$0x1D600] =	vst v63  }
0xf7: {  	s31 =	simm.s32 $0x1C100;
	s4 =	simm.s32 $0x400;
	s23 =	simm.s32 $0x1000  }
0xf8: {  	[tilespmem:s31], [sflag:$0x2] =	stream.indirect.gather [hbm4b:s19+s25], $0x1, s0, s25, $0xb8;
	[tilespmem:$0x1D600] =	vst v63  }
.LBB2_6:
0xf9: {  	[tilespmem:s1], [sflag:$0x2] =	stream.indirect.gather [hbm4b:s20+s25], $0x1, s0, s25, $0xb8;
	[tilespmem:$0x1D600] =	vst v63  }
0xfa: {  	s5 =	sshra.s32 s4, $0x2;
	s1 =	sadd.s32 $0x16600, s28;
	s0 =	sadd.s32 $0x1380, s28  }
0xfb: {  	[tilespmem:s1], [sflag:$0x2] =	stream.indirect.gather [hbm4b:s2+s25], $0x1, s0, s25, $0xb8;
	[tilespmem:$0x1D600] =	vst v63  }
0xfc: {  	p0 =	sne.s32 s4, $0x1800;
	s4 =	sadd.s32 $0x200, s4;
	s1 =	sadd.s32 $0x16C80, s28  }
0xfd: {  	[tilespmem:s1], [sflag:$0x2] =	stream.indirect.gather [hbm4b:s6+s25], $0x1, s0, s25, $0xb8;
	[tilespmem:$0x1D600] =	vst v63  }
0xfe: {  	s1 =	sadd.s32 $0x17300, s28  }
0xff: {  	[tilespmem:s1], [sflag:$0x2] =	stream.indirect.gather [hbm4b:s7+s25], $0x1, s0, s25, $0xb8;
	[tilespmem:$0x1D600] =	vst v63  }
0x100: {  	s1 =	sadd.s32 $0x17980, s28  }
0x101: {  	[tilespmem:s1], [sflag:$0x2] =	stream.indirect.gather [hbm4b:s8+s25], $0x1, s0, s25, $0xb8;
	[tilespmem:$0x1D600] =	vst v63  }
0x102: {  	s1 =	sadd.s32 $0x18000, s28  }
0x103: {  	[tilespmem:s1], [sflag:$0x2] =	stream.indirect.gather [hbm4b:s9+s25], $0x1, s0, s25, $0xb8;
	[tilespmem:$0x1D600] =	vst v63  }
0x104: {  	s1 =	sadd.s32 $0x18680, s28  }
0x105: {  	[tilespmem:s1], [sflag:$0x2] =	stream.indirect.gather [hbm4b:s10+s25], $0x1, s0, s25, $0xb8;
	[tilespmem:$0x1D600] =	vst v63  }
0x106: {  	s1 =	sadd.s32 $0x18D00, s28  }
0x107: {  	[tilespmem:s1], [sflag:$0x2] =	stream.indirect.gather [hbm4b:s11+s25], $0x1, s0, s25, $0xb8;
	[tilespmem:$0x1D600] =	vst v63  }
0x108: {  	s1 =	sadd.s32 $0x19380, s28  }
0x109: {  	[tilespmem:s1], [sflag:$0x2] =	stream.indirect.gather [hbm4b:s12+s25], $0x1, s0, s25, $0xb8;
	[tilespmem:$0x1D600] =	vst v63  }
0x10a: {  	s1 =	sadd.s32 $0x19A00, s28  }
0x10b: {  	[tilespmem:s1], [sflag:$0x2] =	stream.indirect.gather [hbm4b:s13+s25], $0x1, s0, s25, $0xb8;
	[tilespmem:$0x1D600] =	vst v63  }
0x10c: {  	s1 =	sadd.s32 $0x1A080, s28  }
0x10d: {  	[tilespmem:s1], [sflag:$0x2] =	stream.indirect.gather [hbm4b:s14+s25], $0x1, s0, s25, $0xb8;
	[tilespmem:$0x1D600] =	vst v63  }
0x10e: {  	s1 =	sadd.s32 $0x1A700, s28  }
0x10f: {  	[tilespmem:s1], [sflag:$0x2] =	stream.indirect.gather [hbm4b:s15+s25], $0x1, s0, s25, $0xb8;
	[tilespmem:$0x1D600] =	vst v63  }
0x110: {  	s1 =	sadd.s32 $0x1AD80, s28  }
0x111: {  	[tilespmem:s1], [sflag:$0x2] =	stream.indirect.gather [hbm4b:s16+s25], $0x1, s0, s25, $0xb8;
	[tilespmem:$0x1D600] =	vst v63  }
0x112: {  	s1 =	sadd.s32 $0x1B400, s28  }
0x113: {  	[tilespmem:s1], [sflag:$0x2] =	stream.indirect.gather [hbm4b:s17+s25], $0x1, s0, s25, $0xb8;
	[tilespmem:$0x1D600] =	vst v63  }
.Ltmp2:
0x114: {  	s1 =	sadd.s32 $0x1BA80, s28;
	(pc) =	sbr.rel @p0 .LBB2_6-.Ltmp2, $4  }
0x115: {  	[tilespmem:s1], [sflag:$0x2] =	stream.indirect.gather [hbm4b:s18+s25], $0x1, s0, s25, $0xb8;
	[tilespmem:$0x1D600] =	vst v63  }
0x116: {  	s1 =	sadd.s32 $0x1C100, s28  }
0x117: {  	[tilespmem:s1], [sflag:$0x2] =	stream.indirect.gather [hbm4b:s19+s25], $0x1, s0, s25, $0xb8;
	[tilespmem:$0x1D600] =	vst v63  }
0x118: {  	s1 =	sadd.s32 $0x1C780, s28;
	s28 =	smov.u32 s5  }
0x119: {  	[tilespmem:s1], [sflag:$0x2] =	stream.indirect.gather [hbm4b:s20+s25], $0x1, s0, s25, $0xb8;
	[tilespmem:$0x1D600] =	vst v63  }
0x11a: {  	s29 =	sadd.s32 $0x16600, s28;
	s1 =	sadd.s32 $0x1380, s28  }
0x11b: {  	[tilespmem:s29], [sflag:$0x2] =	stream.indirect.gather [hbm4b:s2+s25], $0x1, s1, s25, $0xb8;
	[tilespmem:$0x1D600] =	vst v63  }
0x11c: {  	s30 =	sadd.s32 $0x16C80, s28  }
0x11d: {  	[tilespmem:s30], [sflag:$0x2] =	stream.indirect.gather [hbm4b:s6+s25], $0x1, s1, s25, $0xb8;
	[tilespmem:$0x1D600] =	vst v63  }
0x11e: {  	s31 =	sadd.s32 $0x17300, s28  }
0x11f: {  	[tilespmem:s31], [sflag:$0x2] =	stream.indirect.gather [hbm4b:s7+s25], $0x1, s1, s25, $0xb8;
	[tilespmem:$0x1D600] =	vst v63  }
0x120: {  	s4 =	sadd.s32 $0x17980, s28  }
0x121: {  	[tilespmem:s4], [sflag:$0x2] =	stream.indirect.gather [hbm4b:s8+s25], $0x1, s1, s25, $0xb8;
	[tilespmem:$0x1D600] =	vst v63  }
0x122: {  	s5 =	sadd.s32 $0x18000, s28  }
0x123: {  	[tilespmem:s5], [sflag:$0x2] =	stream.indirect.gather [hbm4b:s9+s25], $0x1, s1, s25, $0xb8;
	[tilespmem:$0x1D600] =	vst v63  }
0x124: {  	s21 =	sadd.s32 $0x18680, s28  }
0x125: {  	[tilespmem:s21], [sflag:$0x2] =	stream.indirect.gather [hbm4b:s10+s25], $0x1, s1, s25, $0xb8;
	[tilespmem:$0x1D600] =	vst v63  }
0x126: {  	s26 =	sadd.s32 $0x18D00, s28  }
0x127: {  	[tilespmem:s26], [sflag:$0x2] =	stream.indirect.gather [hbm4b:s11+s25], $0x1, s1, s25, $0xb8;
	[tilespmem:$0x1D600] =	vst v63  }
0x128: {  	s29 =	sadd.s32 $0x19380, s28  }
0x129: {  	[tilespmem:s29], [sflag:$0x2] =	stream.indirect.gather [hbm4b:s12+s25], $0x1, s1, s25, $0xb8;
	[tilespmem:$0x1D600] =	vst v63  }
0x12a: {  	s30 =	sadd.s32 $0x19A00, s28  }
0x12b: {  	[tilespmem:s30], [sflag:$0x2] =	stream.indirect.gather [hbm4b:s13+s25], $0x1, s1, s25, $0xb8;
	[tilespmem:$0x1D600] =	vst v63  }
0x12c: {  	s31 =	sadd.s32 $0x1A080, s28  }
0x12d: {  	[tilespmem:s31], [sflag:$0x2] =	stream.indirect.gather [hbm4b:s14+s25], $0x1, s1, s25, $0xb8;
	[tilespmem:$0x1D600] =	vst v63  }
0x12e: {  	s4 =	sadd.s32 $0x1A700, s28  }
0x12f: {  	[tilespmem:s4], [sflag:$0x2] =	stream.indirect.gather [hbm4b:s15+s25], $0x1, s1, s25, $0xb8;
	[tilespmem:$0x1D600] =	vst v63  }
0x130: {  	s5 =	sadd.s32 $0x1AD80, s28  }
0x131: {  	[tilespmem:s5], [sflag:$0x2] =	stream.indirect.gather [hbm4b:s16+s25], $0x1, s1, s25, $0xb8;
	[tilespmem:$0x1D600] =	vst v63  }
0x132: {  	s21 =	sadd.s32 $0x1B400, s28  }
0x133: {  	[tilespmem:s21], [sflag:$0x2] =	stream.indirect.gather [hbm4b:s17+s25], $0x1, s1, s25, $0xb8;
	[tilespmem:$0x1D600] =	vst v63  }
0x134: {  	s26 =	sadd.s32 $0x1BA80, s28  }
0x135: {  	[tilespmem:s26], [sflag:$0x2] =	stream.indirect.gather [hbm4b:s18+s25], $0x1, s1, s25, $0xb8;
	[tilespmem:$0x1D600] =	vst v63  }
0x136: {  	s0 =	simm.s32 $0x0;
	s29 =	sadd.s32 $0x1C100, s28;
	s31 =	simm.s32 $0x0  }
0x137: {  	[tilespmem:s29], [sflag:$0x2] =	stream.indirect.gather [hbm4b:s19+s25], $0x1, s1, s25, $0xb8;
	[tilespmem:$0x1D600] =	vst v63  }
0x138: {  	s30 =	sadd.s32 $0x1C780, s28;
	s4 =	sand.u32 $0x70, s0;
	s5 =	sand.u32 $0x780, s31  }
0x139: {  	[tilespmem:s30], [sflag:$0x2] =	stream.indirect.gather [hbm4b:s20+s25], $0x1, s1, s25, $0xb8;
	[tilespmem:$0x1D600] =	vst v63  }
0x13a: {  	s4 =	sor.u32 s4, s5;
	s1 =	simm.s32 $0x40  }
.LBB2_8:
0x13b: {  	p0 =	sne.s32 s1, $0x1FC0  }
0x13c: {  	[tilespmem:s4+$0xF600] =	vst v0;
	s0 =	sadd.s32 $0x10, s0;
	s5 =	smov.u32 s1;
	s1 =	sadd.s32 $0x40, s1  }
.Ltmp3:
0x13d: {  	[tilespmem:s4+$0x1CE00] =	vst v0;
	(pc) =	sbr.rel @p0 .LBB2_8-.Ltmp3, $4  }
0x13e: {  	_ = 	snop  }
0x13f: {  	s4 =	sshrl.u32 s5, $0x2  }
0x140: {  	s5 =	sand.u32 $0x70, s0;
	s4 =	sand.u32 $0x780, s4  }
0x141: {  	s4 =	sor.u32 s5, s4  }
0x142: {  	[tilespmem:s4+$0xF600] =	vst v0;
	s0 =	simm.s32 $0x0  }
0x143: {  	[tilespmem:s4+$0x1CE00] =	vst v0;
	s0 =	smul.u32 $0x1A00, s0  }
0x144: {  	s1 =	simm.s32 $0x0;
	s29 =	simm.s32 $0x0;
	_ =	swait.ge [sflag:s22], $0x6800  }
0x145: {  	s1 =	sand.u32 $0x70, s1;
	[sflag:s22] =	ssyncset.done $0x0;
	s0 =	sshra.s32 s0, $0x2  }
0x146: {  	s4 =	sand.u32 $0x3FFFFF80, s29;
	[sflag:s22] =	ssyncadd.s32 $0xFFFF9800;
	s0 =	sor.u32 s1, s0  }
0x147: {  	s28 =	sor.u32 s1, s4;
	v1 =	vld [tilespmem:s0+$0xFE00]  }
0x148: {  	v2 =	vld [tilespmem:s28+$0xF600]  }
0x149: {  	v3 =	vld [tilespmem:s0+$0xFE80]  }
0x14a: {  	v4 =	vld [tilespmem:s28+$0x1CE00]  }
0x14b: {  	v5 =	vld [tilespmem:s0+$0xFF00]  }
0x14c: {  	vm0 =	vlt.f32 v1, $0.0e+00;
	vm1 =	vgt.f32 v1, $0.0e+00  }
0x14d: {  	v1 =	vadd.f32 v1, v2;
	v2 =	vld [tilespmem:s0+$0xFF80];
	vm0 =	vmor vm1, vm0  }
0x14e: {  	s0 =	sadd.s32 $0xFE00, s0;
	vm4 =	vlt.f32 v3, $0.0e+00;
	vm5 =	vgt.f32 v3, $0.0e+00;
	v6 =	vsel vm0, $0x3F800000, v0  }
0x14f: {  	v1 =	vadd.f32 v3, v1;
	vm0 =	vmor vm5, vm4;
	v3 =	vld [tilespmem:s0+$0x200];
	v4 =	vadd.f32 v6, v4  }
0x150: {  	vm6 =	vlt.f32 v5, $0.0e+00;
	vm7 =	vgt.f32 v5, $0.0e+00;
	v51 =	vsel vm0, $0x3F800000, v0  }
0x151: {  	v52 =	vld [tilespmem:s0+$0x280];
	vm0 =	vmor vm7, vm6;
	v1 =	vadd.f32 v5, v1;
	v4 =	vadd.f32 v51, v4  }
0x152: {  	v53 =	vsel vm0, $0x3F800000, v0;
	vm8 =	vlt.f32 v2, $0.0e+00;
	vm9 =	vgt.f32 v2, $0.0e+00  }
0x153: {  	v1 =	vadd.f32 v2, v1;
	vm0 =	vmor vm9, vm8;
	v2 =	vld [tilespmem:s0+$0x300];
	v4 =	vadd.f32 v53, v4  }
0x154: {  	v54 =	vsel vm0, $0x3F800000, v0;
	vm10 =	vlt.f32 v3, $0.0e+00;
	vm11 =	vgt.f32 v3, $0.0e+00  }
0x155: {  	v1 =	vadd.f32 v3, v1;
	vm0 =	vmor vm11, vm10;
	v3 =	vld [tilespmem:s0+$0x380];
	v4 =	vadd.f32 v54, v4  }
0x156: {  	vm12 =	vlt.f32 v52, $0.0e+00;
	vm13 =	vgt.f32 v52, $0.0e+00;
	v55 =	vsel vm0, $0x3F800000, v0  }
0x157: {  	v56 =	vld [tilespmem:s0+$0x400];
	vm0 =	vmor vm13, vm12;
	v1 =	vadd.f32 v52, v1;
	v4 =	vadd.f32 v55, v4  }
0x158: {  	v57 =	vsel vm0, $0x3F800000, v0;
	vm14 =	vlt.f32 v2, $0.0e+00;
	vm15 =	vgt.f32 v2, $0.0e+00  }
0x159: {  	v1 =	vadd.f32 v2, v1;
	vm0 =	vmor vm15, vm14;
	v2 =	vld [tilespmem:s0+$0x480];
	v4 =	vadd.f32 v57, v4  }
0x15a: {  	v58 =	vsel vm0, $0x3F800000, v0;
	vm4 =	vlt.f32 v3, $0.0e+00;
	vm5 =	vgt.f32 v3, $0.0e+00  }
0x15b: {  	v1 =	vadd.f32 v3, v1;
	vm0 =	vmor vm5, vm4;
	v3 =	vld [tilespmem:s0+$0x500];
	v4 =	vadd.f32 v58, v4  }
0x15c: {  	vm6 =	vlt.f32 v56, $0.0e+00;
	vm7 =	vgt.f32 v56, $0.0e+00;
	v59 =	vsel vm0, $0x3F800000, v0  }
0x15d: {  	v60 =	vld [tilespmem:s0+$0x580];
	vm0 =	vmor vm7, vm6;
	v1 =	vadd.f32 v56, v1;
	v4 =	vadd.f32 v59, v4  }
0x15e: {  	v61 =	vsel vm0, $0x3F800000, v0;
	vm8 =	vlt.f32 v2, $0.0e+00;
	vm9 =	vgt.f32 v2, $0.0e+00  }
0x15f: {  	v1 =	vadd.f32 v2, v1;
	vm0 =	vmor vm9, vm8;
	v2 =	vld [tilespmem:s0+$0x600];
	v4 =	vadd.f32 v61, v4  }
0x160: {  	v62 =	vsel vm0, $0x3F800000, v0;
	vm10 =	vlt.f32 v3, $0.0e+00;
	vm11 =	vgt.f32 v3, $0.0e+00  }
0x161: {  	v1 =	vadd.f32 v3, v1;
	vm0 =	vmor vm11, vm10;
	v4 =	vadd.f32 v62, v4  }
0x162: {  	vm12 =	vlt.f32 v60, $0.0e+00;
	vm13 =	vgt.f32 v60, $0.0e+00;
	v3 =	vsel vm0, $0x3F800000, v0  }
0x163: {  	vm0 =	vmor vm13, vm12;
	v1 =	vadd.f32 v60, v1;
	v3 =	vadd.f32 v3, v4  }
0x164: {  	s30 =	simm.s32 $0x0;
	v63 =	vsel vm0, $0x3F800000, v0;
	vm14 =	vlt.f32 v2, $0.0e+00;
	vm15 =	vgt.f32 v2, $0.0e+00  }
0x165: {  	s31 =	simm.s32 $0x10;
	s21 =	smul.u32 $0x1A00, s30;
	s0 =	simm.s32 $0x10;
	v2 =	vadd.f32 v2, v1;
	vm0 =	vmor vm15, vm14;
	v3 =	vadd.f32 v63, v3  }
0x166: {  	s26 =	simm.s32 $0x1;
	s5 =	sand.u32 $0x3FFFFF80, s31;
	s1 =	sand.u32 $0x70, s0;
	v1 =	vsel vm0, $0x3F800000, v0  }
0x167: {  	s4 =	simm.s32 $0x2;
	s21 =	sshra.s32 s21, $0x2;
	s5 =	sor.u32 s1, s5;
	[tilespmem:s28+$0xF600] =	vst v2;
	v1 =	vadd.f32 v1, v3  }
.LBB2_10:
0x168: {  	p0 =	sne.s32 s4, $0x7F;
	s1 =	sor.u32 s1, s21  }
0x169: {  	v2 =	vld [tilespmem:s5+$0xF600];
	[tilespmem:s28+$0x1CE00] =	vst v1;
	s31 =	smov.u32 s4;
	s4 =	sadd.s32 $0x1, s4;
	s28 =	smov.u32 s5  }
0x16a: {  	s5 =	sadd.s32 $0xFE00, s1;
	v1 =	vld [tilespmem:s1+$0xFE00];
	_ =	sdelay $0x1  }
0x16b: {  	v3 =	vld [tilespmem:s1+$0xFE80]  }
0x16c: {  	v4 =	vld [tilespmem:s28+$0x1CE00]  }
0x16d: {  	v5 =	vld [tilespmem:s1+$0xFF00]  }
0x16e: {  	v2 =	vadd.f32 v1, v2;
	vm0 =	vlt.f32 v1, $0.0e+00;
	vm1 =	vgt.f32 v1, $0.0e+00  }
0x16f: {  	vm0 =	vmor vm1, vm0;
	v1 =	vld [tilespmem:s1+$0xFF80]  }
0x170: {  	v6 =	vsel vm0, $0x3F800000, v0;
	vm0 =	vlt.f32 v3, $0.0e+00;
	vm1 =	vgt.f32 v3, $0.0e+00  }
0x171: {  	v2 =	vadd.f32 v3, v2;
	v4 =	vadd.f32 v6, v4;
	vm0 =	vmor vm1, vm0;
	v3 =	vld [tilespmem:s5+$0x200]  }
0x172: {  	v6 =	vsel vm0, $0x3F800000, v0;
	vm0 =	vlt.f32 v5, $0.0e+00;
	vm1 =	vgt.f32 v5, $0.0e+00  }
0x173: {  	v2 =	vadd.f32 v5, v2;
	v4 =	vadd.f32 v6, v4;
	vm0 =	vmor vm1, vm0;
	v5 =	vld [tilespmem:s5+$0x280]  }
0x174: {  	v6 =	vsel vm0, $0x3F800000, v0;
	vm0 =	vlt.f32 v1, $0.0e+00;
	vm1 =	vgt.f32 v1, $0.0e+00  }
0x175: {  	v1 =	vadd.f32 v1, v2;
	v4 =	vadd.f32 v6, v4;
	vm0 =	vmor vm1, vm0;
	v2 =	vld [tilespmem:s5+$0x300]  }
0x176: {  	v6 =	vsel vm0, $0x3F800000, v0;
	vm0 =	vlt.f32 v3, $0.0e+00;
	vm1 =	vgt.f32 v3, $0.0e+00  }
0x177: {  	v1 =	vadd.f32 v3, v1;
	v4 =	vadd.f32 v6, v4;
	vm0 =	vmor vm1, vm0;
	v3 =	vld [tilespmem:s5+$0x380]  }
0x178: {  	v6 =	vsel vm0, $0x3F800000, v0;
	vm0 =	vlt.f32 v5, $0.0e+00;
	vm1 =	vgt.f32 v5, $0.0e+00  }
0x179: {  	v1 =	vadd.f32 v5, v1;
	v4 =	vadd.f32 v6, v4;
	vm0 =	vmor vm1, vm0;
	v5 =	vld [tilespmem:s5+$0x400]  }
0x17a: {  	v6 =	vsel vm0, $0x3F800000, v0;
	vm0 =	vlt.f32 v2, $0.0e+00;
	vm1 =	vgt.f32 v2, $0.0e+00  }
0x17b: {  	v1 =	vadd.f32 v2, v1;
	v4 =	vadd.f32 v6, v4;
	vm0 =	vmor vm1, vm0;
	v2 =	vld [tilespmem:s5+$0x480]  }
0x17c: {  	v6 =	vsel vm0, $0x3F800000, v0;
	vm0 =	vlt.f32 v3, $0.0e+00;
	vm1 =	vgt.f32 v3, $0.0e+00  }
0x17d: {  	v1 =	vadd.f32 v3, v1;
	v4 =	vadd.f32 v6, v4;
	vm0 =	vmor vm1, vm0;
	v3 =	vld [tilespmem:s5+$0x500]  }
0x17e: {  	v6 =	vsel vm0, $0x3F800000, v0;
	vm0 =	vlt.f32 v5, $0.0e+00;
	vm1 =	vgt.f32 v5, $0.0e+00  }
0x17f: {  	v1 =	vadd.f32 v5, v1;
	v4 =	vadd.f32 v6, v4;
	vm0 =	vmor vm1, vm0;
	v5 =	vld [tilespmem:s5+$0x580]  }
0x180: {  	v6 =	vsel vm0, $0x3F800000, v0;
	vm0 =	vlt.f32 v2, $0.0e+00;
	vm1 =	vgt.f32 v2, $0.0e+00  }
0x181: {  	v1 =	vadd.f32 v2, v1;
	v4 =	vadd.f32 v6, v4;
	vm0 =	vmor vm1, vm0;
	v2 =	vld [tilespmem:s5+$0x600]  }
0x182: {  	v6 =	vsel vm0, $0x3F800000, v0;
	vm0 =	vlt.f32 v3, $0.0e+00;
	vm1 =	vgt.f32 v3, $0.0e+00  }
0x183: {  	v1 =	vadd.f32 v3, v1;
	v4 =	vadd.f32 v6, v4;
	vm0 =	vmor vm1, vm0  }
0x184: {  	v3 =	vsel vm0, $0x3F800000, v0;
	vm0 =	vlt.f32 v5, $0.0e+00;
	vm1 =	vgt.f32 v5, $0.0e+00  }
0x185: {  	v1 =	vadd.f32 v5, v1;
	v3 =	vadd.f32 v3, v4;
	vm0 =	vmor vm1, vm0  }
.Ltmp4:
0x186: {  	v4 =	vsel vm0, $0x3F800000, v0;
	vm0 =	vlt.f32 v2, $0.0e+00;
	vm1 =	vgt.f32 v2, $0.0e+00;
	(pc) =	sbr.rel @p0 .LBB2_10-.Ltmp4, $4  }
0x187: {  	s1 =	sshrl.u32 s31, $0x3;
	v2 =	vadd.f32 v2, v1;
	v3 =	vadd.f32 v4, v3;
	vm0 =	vmor vm1, vm0  }
0x188: {  	s0 =	sadd.s32 $0x10, s0;
	s21 =	smul.u32 $0x1A00, s1;
	s5 =	sshll.u32 s31, $0x4;
	v1 =	vsel vm0, $0x3F800000, v0  }
0x189: {  	s1 =	sand.u32 $0x70, s0;
	s5 =	sand.u32 $0x3FFFFF80, s5;
	v1 =	vadd.f32 v1, v3;
	[tilespmem:s28+$0xF600] =	vst v2  }
0x18a: {  	s21 =	sshra.s32 s21, $0x2;
	s5 =	sor.u32 s1, s5  }
0x18b: {  	v2 =	vld [tilespmem:s5+$0xF600];
	s0 =	sor.u32 s1, s21;
	[tilespmem:s28+$0x1CE00] =	vst v1  }
0x18c: {  	v1 =	vld [tilespmem:s0+$0xFE00];
	_ =	sdelay $0x1  }
0x18d: {  	v3 =	vld [tilespmem:s0+$0xFE80]  }
0x18e: {  	v4 =	vld [tilespmem:s5+$0x1CE00]  }
0x18f: {  	v5 =	vld [tilespmem:s0+$0xFF00]  }
0x190: {  	vm0 =	vlt.f32 v1, $0.0e+00;
	vm1 =	vgt.f32 v1, $0.0e+00  }
0x191: {  	v1 =	vadd.f32 v1, v2;
	v2 =	vld [tilespmem:s0+$0xFF80];
	vm0 =	vmor vm1, vm0  }
0x192: {  	s0 =	sadd.s32 $0xFE00, s0;
	vm4 =	vlt.f32 v3, $0.0e+00;
	vm5 =	vgt.f32 v3, $0.0e+00;
	v6 =	vsel vm0, $0x3F800000, v0  }
0x193: {  	v1 =	vadd.f32 v3, v1;
	vm0 =	vmor vm5, vm4;
	v3 =	vld [tilespmem:s0+$0x200];
	v4 =	vadd.f32 v6, v4  }
0x194: {  	vm6 =	vlt.f32 v5, $0.0e+00;
	vm7 =	vgt.f32 v5, $0.0e+00;
	v51 =	vsel vm0, $0x3F800000, v0  }
0x195: {  	v52 =	vld [tilespmem:s0+$0x280];
	vm0 =	vmor vm7, vm6;
	v1 =	vadd.f32 v5, v1;
	v4 =	vadd.f32 v51, v4  }
0x196: {  	v53 =	vsel vm0, $0x3F800000, v0;
	vm8 =	vlt.f32 v2, $0.0e+00;
	vm9 =	vgt.f32 v2, $0.0e+00  }
0x197: {  	v1 =	vadd.f32 v2, v1;
	vm0 =	vmor vm9, vm8;
	v2 =	vld [tilespmem:s0+$0x300];
	v4 =	vadd.f32 v53, v4  }
0x198: {  	v54 =	vsel vm0, $0x3F800000, v0;
	vm10 =	vlt.f32 v3, $0.0e+00;
	vm11 =	vgt.f32 v3, $0.0e+00  }
0x199: {  	v1 =	vadd.f32 v3, v1;
	vm0 =	vmor vm11, vm10;
	v3 =	vld [tilespmem:s0+$0x380];
	v4 =	vadd.f32 v54, v4  }
0x19a: {  	vm12 =	vlt.f32 v52, $0.0e+00;
	vm13 =	vgt.f32 v52, $0.0e+00;
	v55 =	vsel vm0, $0x3F800000, v0  }
0x19b: {  	v56 =	vld [tilespmem:s0+$0x400];
	vm0 =	vmor vm13, vm12;
	v1 =	vadd.f32 v52, v1;
	v4 =	vadd.f32 v55, v4  }
0x19c: {  	v57 =	vsel vm0, $0x3F800000, v0;
	vm14 =	vlt.f32 v2, $0.0e+00;
	vm15 =	vgt.f32 v2, $0.0e+00  }
0x19d: {  	v1 =	vadd.f32 v2, v1;
	vm0 =	vmor vm15, vm14;
	v2 =	vld [tilespmem:s0+$0x480];
	v4 =	vadd.f32 v57, v4  }
0x19e: {  	v58 =	vsel vm0, $0x3F800000, v0;
	vm4 =	vlt.f32 v3, $0.0e+00;
	vm5 =	vgt.f32 v3, $0.0e+00  }
0x19f: {  	v1 =	vadd.f32 v3, v1;
	vm0 =	vmor vm5, vm4;
	v3 =	vld [tilespmem:s0+$0x500];
	v4 =	vadd.f32 v58, v4  }
0x1a0: {  	vm6 =	vlt.f32 v56, $0.0e+00;
	vm7 =	vgt.f32 v56, $0.0e+00;
	v59 =	vsel vm0, $0x3F800000, v0  }
0x1a1: {  	v60 =	vld [tilespmem:s0+$0x580];
	vm0 =	vmor vm7, vm6;
	v1 =	vadd.f32 v56, v1;
	v4 =	vadd.f32 v59, v4  }
0x1a2: {  	v61 =	vsel vm0, $0x3F800000, v0;
	vm8 =	vlt.f32 v2, $0.0e+00;
	vm9 =	vgt.f32 v2, $0.0e+00  }
0x1a3: {  	v1 =	vadd.f32 v2, v1;
	vm0 =	vmor vm9, vm8;
	v2 =	vld [tilespmem:s0+$0x600];
	v4 =	vadd.f32 v61, v4  }
0x1a4: {  	v62 =	vsel vm0, $0x3F800000, v0;
	vm10 =	vlt.f32 v3, $0.0e+00;
	vm11 =	vgt.f32 v3, $0.0e+00  }
0x1a5: {  	v1 =	vadd.f32 v3, v1;
	vm0 =	vmor vm11, vm10;
	v4 =	vadd.f32 v62, v4  }
0x1a6: {  	vm12 =	vlt.f32 v60, $0.0e+00;
	vm13 =	vgt.f32 v60, $0.0e+00;
	v3 =	vsel vm0, $0x3F800000, v0  }
0x1a7: {  	vm0 =	vmor vm13, vm12;
	v1 =	vadd.f32 v60, v1;
	v3 =	vadd.f32 v3, v4  }
0x1a8: {  	v63 =	vsel vm0, $0x3F800000, v0;
	vm14 =	vlt.f32 v2, $0.0e+00;
	vm15 =	vgt.f32 v2, $0.0e+00  }
0x1a9: {  	vm0 =	vmor vm15, vm14;
	v3 =	vadd.f32 v63, v3  }
0x1aa: {  	v1 =	vadd.f32 v2, v1;
	v2 =	vsel vm0, $0x3F800000, v0  }
0x1ab: {  	v2 =	vadd.f32 v2, v3  }
0x1ac: {  	[tilespmem:s5+$0xF600] =	vst v1  }
0x1ad: {  	s31 =	simm.s32 $0xFE00;
	s4 =	simm.s32 $0x1A00;
	[tilespmem:s5+$0x1CE00] =	vst v2  }
0x1ae: {  	[tilespmem:s31], [sflag:$0x2] =	stream.indirect.gather [hbm4b:s2+s25], $0x1, s4, s25, $0xb8;
	[tilespmem:$0x1D600] =	vst v63  }
0x1af: {  	s1 =	simm.s32 $0x10480  }
0x1b0: {  	[tilespmem:s1], [sflag:$0x2] =	stream.indirect.gather [hbm4b:s6+s25], $0x1, s4, s25, $0xb8;
	[tilespmem:$0x1D600] =	vst v63  }
0x1b1: {  	s5 =	simm.s32 $0x10B00  }
0x1b2: {  	[tilespmem:s5], [sflag:$0x2] =	stream.indirect.gather [hbm4b:s7+s25], $0x1, s4, s25, $0xb8;
	[tilespmem:$0x1D600] =	vst v63  }
0x1b3: {  	s21 =	simm.s32 $0x11180  }
0x1b4: {  	[tilespmem:s21], [sflag:$0x2] =	stream.indirect.gather [hbm4b:s8+s25], $0x1, s4, s25, $0xb8;
	[tilespmem:$0x1D600] =	vst v63  }
0x1b5: {  	s28 =	simm.s32 $0x11800  }
0x1b6: {  	[tilespmem:s28], [sflag:$0x2] =	stream.indirect.gather [hbm4b:s9+s25], $0x1, s4, s25, $0xb8;
	[tilespmem:$0x1D600] =	vst v63  }
0x1b7: {  	s29 =	simm.s32 $0x11E80  }
0x1b8: {  	[tilespmem:s29], [sflag:$0x2] =	stream.indirect.gather [hbm4b:s10+s25], $0x1, s4, s25, $0xb8;
	[tilespmem:$0x1D600] =	vst v63  }
0x1b9: {  	s30 =	simm.s32 $0x12500  }
0x1ba: {  	[tilespmem:s30], [sflag:$0x2] =	stream.indirect.gather [hbm4b:s11+s25], $0x1, s4, s25, $0xb8;
	[tilespmem:$0x1D600] =	vst v63  }
0x1bb: {  	s31 =	simm.s32 $0x12B80  }
0x1bc: {  	[tilespmem:s31], [sflag:$0x2] =	stream.indirect.gather [hbm4b:s12+s25], $0x1, s4, s25, $0xb8;
	[tilespmem:$0x1D600] =	vst v63  }
0x1bd: {  	s1 =	simm.s32 $0x13200  }
0x1be: {  	[tilespmem:s1], [sflag:$0x2] =	stream.indirect.gather [hbm4b:s13+s25], $0x1, s4, s25, $0xb8;
	[tilespmem:$0x1D600] =	vst v63  }
0x1bf: {  	s5 =	simm.s32 $0x13880  }
0x1c0: {  	[tilespmem:s5], [sflag:$0x2] =	stream.indirect.gather [hbm4b:s14+s25], $0x1, s4, s25, $0xb8;
	[tilespmem:$0x1D600] =	vst v63  }
0x1c1: {  	s21 =	simm.s32 $0x13F00  }
0x1c2: {  	[tilespmem:s21], [sflag:$0x2] =	stream.indirect.gather [hbm4b:s15+s25], $0x1, s4, s25, $0xb8;
	[tilespmem:$0x1D600] =	vst v63  }
0x1c3: {  	s28 =	simm.s32 $0x14580  }
0x1c4: {  	[tilespmem:s28], [sflag:$0x2] =	stream.indirect.gather [hbm4b:s16+s25], $0x1, s4, s25, $0xb8;
	[tilespmem:$0x1D600] =	vst v63  }
0x1c5: {  	s29 =	simm.s32 $0x14C00  }
0x1c6: {  	[tilespmem:s29], [sflag:$0x2] =	stream.indirect.gather [hbm4b:s17+s25], $0x1, s4, s25, $0xb8;
	[tilespmem:$0x1D600] =	vst v63  }
0x1c7: {  	s0 =	simm.s32 $0x80;
	s30 =	simm.s32 $0x15280  }
0x1c8: {  	[tilespmem:s30], [sflag:$0x2] =	stream.indirect.gather [hbm4b:s18+s25], $0x1, s4, s25, $0xb8;
	[tilespmem:$0x1D600] =	vst v63  }
0x1c9: {  	s31 =	simm.s32 $0x15900;
	s1 =	simm.s32 $0x15F80;
	s5 =	simm.s32 $0x400  }
0x1ca: {  	[tilespmem:s31], [sflag:$0x2] =	stream.indirect.gather [hbm4b:s19+s25], $0x1, s4, s25, $0xb8;
	[tilespmem:$0x1D600] =	vst v63  }
.LBB2_12:
0x1cb: {  	[tilespmem:s1], [sflag:$0x2] =	stream.indirect.gather [hbm4b:s20+s25], $0x1, s4, s25, $0xb8;
	[tilespmem:$0x1D600] =	vst v63  }
0x1cc: {  	s21 =	sshra.s32 s5, $0x2;
	s1 =	sadd.s32 $0xFE00, s0;
	s4 =	sadd.s32 $0x1A00, s0  }
0x1cd: {  	[tilespmem:s1], [sflag:$0x2] =	stream.indirect.gather [hbm4b:s2+s25], $0x1, s4, s25, $0xb8;
	[tilespmem:$0x1D600] =	vst v63  }
0x1ce: {  	p0 =	sne.s32 s5, $0x1600;
	s5 =	sadd.s32 $0x200, s5;
	s1 =	sadd.s32 $0x10480, s0  }
0x1cf: {  	[tilespmem:s1], [sflag:$0x2] =	stream.indirect.gather [hbm4b:s6+s25], $0x1, s4, s25, $0xb8;
	[tilespmem:$0x1D600] =	vst v63  }
0x1d0: {  	s1 =	sadd.s32 $0x10B00, s0  }
0x1d1: {  	[tilespmem:s1], [sflag:$0x2] =	stream.indirect.gather [hbm4b:s7+s25], $0x1, s4, s25, $0xb8;
	[tilespmem:$0x1D600] =	vst v63  }
0x1d2: {  	s1 =	sadd.s32 $0x11180, s0  }
0x1d3: {  	[tilespmem:s1], [sflag:$0x2] =	stream.indirect.gather [hbm4b:s8+s25], $0x1, s4, s25, $0xb8;
	[tilespmem:$0x1D600] =	vst v63  }
0x1d4: {  	s1 =	sadd.s32 $0x11800, s0  }
0x1d5: {  	[tilespmem:s1], [sflag:$0x2] =	stream.indirect.gather [hbm4b:s9+s25], $0x1, s4, s25, $0xb8;
	[tilespmem:$0x1D600] =	vst v63  }
0x1d6: {  	s1 =	sadd.s32 $0x11E80, s0  }
0x1d7: {  	[tilespmem:s1], [sflag:$0x2] =	stream.indirect.gather [hbm4b:s10+s25], $0x1, s4, s25, $0xb8;
	[tilespmem:$0x1D600] =	vst v63  }
0x1d8: {  	s1 =	sadd.s32 $0x12500, s0  }
0x1d9: {  	[tilespmem:s1], [sflag:$0x2] =	stream.indirect.gather [hbm4b:s11+s25], $0x1, s4, s25, $0xb8;
	[tilespmem:$0x1D600] =	vst v63  }
0x1da: {  	s1 =	sadd.s32 $0x12B80, s0  }
0x1db: {  	[tilespmem:s1], [sflag:$0x2] =	stream.indirect.gather [hbm4b:s12+s25], $0x1, s4, s25, $0xb8;
	[tilespmem:$0x1D600] =	vst v63  }
0x1dc: {  	s1 =	sadd.s32 $0x13200, s0  }
0x1dd: {  	[tilespmem:s1], [sflag:$0x2] =	stream.indirect.gather [hbm4b:s13+s25], $0x1, s4, s25, $0xb8;
	[tilespmem:$0x1D600] =	vst v63  }
0x1de: {  	s1 =	sadd.s32 $0x13880, s0  }
0x1df: {  	[tilespmem:s1], [sflag:$0x2] =	stream.indirect.gather [hbm4b:s14+s25], $0x1, s4, s25, $0xb8;
	[tilespmem:$0x1D600] =	vst v63  }
0x1e0: {  	s1 =	sadd.s32 $0x13F00, s0  }
0x1e1: {  	[tilespmem:s1], [sflag:$0x2] =	stream.indirect.gather [hbm4b:s15+s25], $0x1, s4, s25, $0xb8;
	[tilespmem:$0x1D600] =	vst v63  }
0x1e2: {  	s1 =	sadd.s32 $0x14580, s0  }
0x1e3: {  	[tilespmem:s1], [sflag:$0x2] =	stream.indirect.gather [hbm4b:s16+s25], $0x1, s4, s25, $0xb8;
	[tilespmem:$0x1D600] =	vst v63  }
0x1e4: {  	s1 =	sadd.s32 $0x14C00, s0  }
0x1e5: {  	[tilespmem:s1], [sflag:$0x2] =	stream.indirect.gather [hbm4b:s17+s25], $0x1, s4, s25, $0xb8;
	[tilespmem:$0x1D600] =	vst v63  }
.Ltmp5:
0x1e6: {  	s1 =	sadd.s32 $0x15280, s0;
	(pc) =	sbr.rel @p0 .LBB2_12-.Ltmp5, $4  }
0x1e7: {  	[tilespmem:s1], [sflag:$0x2] =	stream.indirect.gather [hbm4b:s18+s25], $0x1, s4, s25, $0xb8;
	[tilespmem:$0x1D600] =	vst v63  }
0x1e8: {  	s1 =	sadd.s32 $0x15900, s0  }
0x1e9: {  	[tilespmem:s1], [sflag:$0x2] =	stream.indirect.gather [hbm4b:s19+s25], $0x1, s4, s25, $0xb8;
	[tilespmem:$0x1D600] =	vst v63  }
0x1ea: {  	s1 =	sadd.s32 $0x15F80, s0;
	s0 =	smov.u32 s21  }
0x1eb: {  	[tilespmem:s1], [sflag:$0x2] =	stream.indirect.gather [hbm4b:s20+s25], $0x1, s4, s25, $0xb8;
	[tilespmem:$0x1D600] =	vst v63  }
0x1ec: {  	s5 =	sadd.s32 $0xFE00, s0;
	s4 =	sadd.s32 $0x1A00, s0  }
0x1ed: {  	[tilespmem:s5], [sflag:$0x2] =	stream.indirect.gather [hbm4b:s2+s25], $0x1, s4, s25, $0xb8;
	[tilespmem:$0x1D600] =	vst v63  }
0x1ee: {  	s21 =	sadd.s32 $0x10480, s0  }
0x1ef: {  	[tilespmem:s21], [sflag:$0x2] =	stream.indirect.gather [hbm4b:s6+s25], $0x1, s4, s25, $0xb8;
	[tilespmem:$0x1D600] =	vst v63  }
0x1f0: {  	s29 =	sadd.s32 $0x10B00, s0  }
0x1f1: {  	[tilespmem:s29], [sflag:$0x2] =	stream.indirect.gather [hbm4b:s7+s25], $0x1, s4, s25, $0xb8;
	[tilespmem:$0x1D600] =	vst v63  }
0x1f2: {  	s30 =	sadd.s32 $0x11180, s0  }
0x1f3: {  	[tilespmem:s30], [sflag:$0x2] =	stream.indirect.gather [hbm4b:s8+s25], $0x1, s4, s25, $0xb8;
	[tilespmem:$0x1D600] =	vst v63  }
0x1f4: {  	s31 =	sadd.s32 $0x11800, s0  }
0x1f5: {  	[tilespmem:s31], [sflag:$0x2] =	stream.indirect.gather [hbm4b:s9+s25], $0x1, s4, s25, $0xb8;
	[tilespmem:$0x1D600] =	vst v63  }
0x1f6: {  	s5 =	sadd.s32 $0x11E80, s0  }
0x1f7: {  	[tilespmem:s5], [sflag:$0x2] =	stream.indirect.gather [hbm4b:s10+s25], $0x1, s4, s25, $0xb8;
	[tilespmem:$0x1D600] =	vst v63  }
0x1f8: {  	s21 =	sadd.s32 $0x12500, s0  }
0x1f9: {  	[tilespmem:s21], [sflag:$0x2] =	stream.indirect.gather [hbm4b:s11+s25], $0x1, s4, s25, $0xb8;
	[tilespmem:$0x1D600] =	vst v63  }
0x1fa: {  	s29 =	sadd.s32 $0x12B80, s0  }
0x1fb: {  	[tilespmem:s29], [sflag:$0x2] =	stream.indirect.gather [hbm4b:s12+s25], $0x1, s4, s25, $0xb8;
	[tilespmem:$0x1D600] =	vst v63  }
0x1fc: {  	s30 =	sadd.s32 $0x13200, s0  }
0x1fd: {  	[tilespmem:s30], [sflag:$0x2] =	stream.indirect.gather [hbm4b:s13+s25], $0x1, s4, s25, $0xb8;
	[tilespmem:$0x1D600] =	vst v63  }
0x1fe: {  	s31 =	sadd.s32 $0x13880, s0  }
0x1ff: {  	[tilespmem:s31], [sflag:$0x2] =	stream.indirect.gather [hbm4b:s14+s25], $0x1, s4, s25, $0xb8;
	[tilespmem:$0x1D600] =	vst v63  }
0x200: {  	s5 =	sadd.s32 $0x13F00, s0  }
0x201: {  	[tilespmem:s5], [sflag:$0x2] =	stream.indirect.gather [hbm4b:s15+s25], $0x1, s4, s25, $0xb8;
	[tilespmem:$0x1D600] =	vst v63  }
0x202: {  	s21 =	sadd.s32 $0x14580, s0  }
0x203: {  	[tilespmem:s21], [sflag:$0x2] =	stream.indirect.gather [hbm4b:s16+s25], $0x1, s4, s25, $0xb8;
	[tilespmem:$0x1D600] =	vst v63  }
0x204: {  	s29 =	sadd.s32 $0x14C00, s0  }
0x205: {  	[tilespmem:s29], [sflag:$0x2] =	stream.indirect.gather [hbm4b:s17+s25], $0x1, s4, s25, $0xb8;
	[tilespmem:$0x1D600] =	vst v63  }
0x206: {  	s30 =	sadd.s32 $0x15280, s0  }
0x207: {  	[tilespmem:s30], [sflag:$0x2] =	stream.indirect.gather [hbm4b:s18+s25], $0x1, s4, s25, $0xb8;
	[tilespmem:$0x1D600] =	vst v63  }
0x208: {  	s31 =	sadd.s32 $0x15900, s0;
	s5 =	simm.s32 $0x0  }
0x209: {  	[tilespmem:s31], [sflag:$0x2] =	stream.indirect.gather [hbm4b:s19+s25], $0x1, s4, s25, $0xb8;
	[tilespmem:$0x1D600] =	vst v63  }
0x20a: {  	s1 =	sadd.s32 $0x15F80, s0;
	s0 =	smul.u32 $0x1A00, s5  }
0x20b: {  	[tilespmem:s1], [sflag:$0x2] =	stream.indirect.gather [hbm4b:s20+s25], $0x1, s4, s25, $0xb8;
	[tilespmem:$0x1D600] =	vst v63  }
0x20c: {  	s21 =	simm.s32 $0x0;
	s0 =	sshra.s32 s0, $0x2;
	_ =	swait.ge [sflag:s22], $0x6800  }
0x20d: {  	s29 =	simm.s32 $0x0;
	s1 =	sand.u32 $0x70, s21;
	[sflag:s22] =	ssyncset.done $0x0  }
0x20e: {  	s4 =	sand.u32 $0x3FFFFF80, s29;
	s0 =	sor.u32 s1, s0;
	[sflag:s22] =	ssyncadd.s32 $0xFFFF9800  }
0x20f: {  	s28 =	sor.u32 s1, s4;
	v1 =	vld [tilespmem:s0+$0x16600]  }
0x210: {  	v2 =	vld [tilespmem:s28+$0xF600];
	s0 =	sadd.s32 $0x16600, s0  }
0x211: {  	v3 =	vld [tilespmem:s0+$0x80]  }
0x212: {  	v4 =	vld [tilespmem:s28+$0x1CE00]  }
0x213: {  	v5 =	vld [tilespmem:s0+$0x100]  }
0x214: {  	vm0 =	vlt.f32 v1, $0.0e+00;
	vm1 =	vgt.f32 v1, $0.0e+00  }
0x215: {  	v1 =	vadd.f32 v1, v2;
	v2 =	vld [tilespmem:s0+$0x180];
	vm0 =	vmor vm1, vm0  }
0x216: {  	vm4 =	vlt.f32 v3, $0.0e+00;
	vm5 =	vgt.f32 v3, $0.0e+00;
	v6 =	vsel vm0, $0x3F800000, v0  }
0x217: {  	v1 =	vadd.f32 v3, v1;
	vm0 =	vmor vm5, vm4;
	v3 =	vld [tilespmem:s0+$0x200];
	v4 =	vadd.f32 v6, v4  }
0x218: {  	vm6 =	vlt.f32 v5, $0.0e+00;
	vm7 =	vgt.f32 v5, $0.0e+00;
	v51 =	vsel vm0, $0x3F800000, v0  }
0x219: {  	v52 =	vld [tilespmem:s0+$0x280];
	vm0 =	vmor vm7, vm6;
	v1 =	vadd.f32 v5, v1;
	v4 =	vadd.f32 v51, v4  }
0x21a: {  	v53 =	vsel vm0, $0x3F800000, v0;
	vm8 =	vlt.f32 v2, $0.0e+00;
	vm9 =	vgt.f32 v2, $0.0e+00  }
0x21b: {  	v1 =	vadd.f32 v2, v1;
	vm0 =	vmor vm9, vm8;
	v2 =	vld [tilespmem:s0+$0x300];
	v4 =	vadd.f32 v53, v4  }
0x21c: {  	v54 =	vsel vm0, $0x3F800000, v0;
	vm10 =	vlt.f32 v3, $0.0e+00;
	vm11 =	vgt.f32 v3, $0.0e+00  }
0x21d: {  	v1 =	vadd.f32 v3, v1;
	vm0 =	vmor vm11, vm10;
	v3 =	vld [tilespmem:s0+$0x380];
	v4 =	vadd.f32 v54, v4  }
0x21e: {  	vm12 =	vlt.f32 v52, $0.0e+00;
	vm13 =	vgt.f32 v52, $0.0e+00;
	v55 =	vsel vm0, $0x3F800000, v0  }
0x21f: {  	v56 =	vld [tilespmem:s0+$0x400];
	vm0 =	vmor vm13, vm12;
	v1 =	vadd.f32 v52, v1;
	v4 =	vadd.f32 v55, v4  }
0x220: {  	v57 =	vsel vm0, $0x3F800000, v0;
	vm14 =	vlt.f32 v2, $0.0e+00;
	vm15 =	vgt.f32 v2, $0.0e+00  }
0x221: {  	v1 =	vadd.f32 v2, v1;
	vm0 =	vmor vm15, vm14;
	v2 =	vld [tilespmem:s0+$0x480];
	v4 =	vadd.f32 v57, v4  }
0x222: {  	v58 =	vsel vm0, $0x3F800000, v0;
	vm4 =	vlt.f32 v3, $0.0e+00;
	vm5 =	vgt.f32 v3, $0.0e+00  }
0x223: {  	v1 =	vadd.f32 v3, v1;
	vm0 =	vmor vm5, vm4;
	v3 =	vld [tilespmem:s0+$0x500];
	v4 =	vadd.f32 v58, v4  }
0x224: {  	vm6 =	vlt.f32 v56, $0.0e+00;
	vm7 =	vgt.f32 v56, $0.0e+00;
	v59 =	vsel vm0, $0x3F800000, v0  }
0x225: {  	v60 =	vld [tilespmem:s0+$0x580];
	vm0 =	vmor vm7, vm6;
	v1 =	vadd.f32 v56, v1;
	v4 =	vadd.f32 v59, v4  }
0x226: {  	v61 =	vsel vm0, $0x3F800000, v0;
	vm8 =	vlt.f32 v2, $0.0e+00;
	vm9 =	vgt.f32 v2, $0.0e+00  }
0x227: {  	v1 =	vadd.f32 v2, v1;
	vm0 =	vmor vm9, vm8;
	v2 =	vld [tilespmem:s0+$0x600];
	v4 =	vadd.f32 v61, v4  }
0x228: {  	v62 =	vsel vm0, $0x3F800000, v0;
	vm10 =	vlt.f32 v3, $0.0e+00;
	vm11 =	vgt.f32 v3, $0.0e+00  }
0x229: {  	v1 =	vadd.f32 v3, v1;
	vm0 =	vmor vm11, vm10;
	v4 =	vadd.f32 v62, v4  }
0x22a: {  	vm12 =	vlt.f32 v60, $0.0e+00;
	vm13 =	vgt.f32 v60, $0.0e+00;
	v3 =	vsel vm0, $0x3F800000, v0  }
0x22b: {  	vm0 =	vmor vm13, vm12;
	v1 =	vadd.f32 v60, v1;
	v3 =	vadd.f32 v3, v4  }
0x22c: {  	s30 =	simm.s32 $0x0;
	v63 =	vsel vm0, $0x3F800000, v0;
	vm14 =	vlt.f32 v2, $0.0e+00;
	vm15 =	vgt.f32 v2, $0.0e+00  }
0x22d: {  	s31 =	simm.s32 $0x10;
	s21 =	smul.u32 $0x1A00, s30;
	s0 =	simm.s32 $0x10;
	v2 =	vadd.f32 v2, v1;
	vm0 =	vmor vm15, vm14;
	v3 =	vadd.f32 v63, v3  }
0x22e: {  	s5 =	sand.u32 $0x3FFFFF80, s31;
	s1 =	sand.u32 $0x70, s0;
	v1 =	vsel vm0, $0x3F800000, v0  }
0x22f: {  	s4 =	simm.s32 $0x2;
	s21 =	sshra.s32 s21, $0x2;
	s5 =	sor.u32 s1, s5;
	[tilespmem:s28+$0xF600] =	vst v2;
	v1 =	vadd.f32 v1, v3  }
.LBB2_14:
0x230: {  	p0 =	sne.s32 s4, $0x7F;
	s1 =	sor.u32 s1, s21  }
0x231: {  	v2 =	vld [tilespmem:s5+$0xF600];
	[tilespmem:s28+$0x1CE00] =	vst v1;
	s31 =	smov.u32 s4;
	s4 =	sadd.s32 $0x1, s4;
	s28 =	smov.u32 s5  }
0x232: {  	s5 =	sadd.s32 $0x16600, s1;
	v1 =	vld [tilespmem:s1+$0x16600];
	_ =	sdelay $0x1  }
0x233: {  	v3 =	vld [tilespmem:s5+$0x80]  }
0x234: {  	v4 =	vld [tilespmem:s28+$0x1CE00]  }
0x235: {  	v5 =	vld [tilespmem:s5+$0x100]  }
0x236: {  	v2 =	vadd.f32 v1, v2;
	vm0 =	vlt.f32 v1, $0.0e+00;
	vm1 =	vgt.f32 v1, $0.0e+00  }
0x237: {  	vm0 =	vmor vm1, vm0;
	v1 =	vld [tilespmem:s5+$0x180]  }
0x238: {  	v6 =	vsel vm0, $0x3F800000, v0;
	vm0 =	vlt.f32 v3, $0.0e+00;
	vm1 =	vgt.f32 v3, $0.0e+00  }
0x239: {  	v2 =	vadd.f32 v3, v2;
	v4 =	vadd.f32 v6, v4;
	vm0 =	vmor vm1, vm0;
	v3 =	vld [tilespmem:s5+$0x200]  }
0x23a: {  	v6 =	vsel vm0, $0x3F800000, v0;
	vm0 =	vlt.f32 v5, $0.0e+00;
	vm1 =	vgt.f32 v5, $0.0e+00  }
0x23b: {  	v2 =	vadd.f32 v5, v2;
	v4 =	vadd.f32 v6, v4;
	vm0 =	vmor vm1, vm0;
	v5 =	vld [tilespmem:s5+$0x280]  }
0x23c: {  	v6 =	vsel vm0, $0x3F800000, v0;
	vm0 =	vlt.f32 v1, $0.0e+00;
	vm1 =	vgt.f32 v1, $0.0e+00  }
0x23d: {  	v1 =	vadd.f32 v1, v2;
	v4 =	vadd.f32 v6, v4;
	vm0 =	vmor vm1, vm0;
	v2 =	vld [tilespmem:s5+$0x300]  }
0x23e: {  	v6 =	vsel vm0, $0x3F800000, v0;
	vm0 =	vlt.f32 v3, $0.0e+00;
	vm1 =	vgt.f32 v3, $0.0e+00  }
0x23f: {  	v1 =	vadd.f32 v3, v1;
	v4 =	vadd.f32 v6, v4;
	vm0 =	vmor vm1, vm0;
	v3 =	vld [tilespmem:s5+$0x380]  }
0x240: {  	v6 =	vsel vm0, $0x3F800000, v0;
	vm0 =	vlt.f32 v5, $0.0e+00;
	vm1 =	vgt.f32 v5, $0.0e+00  }
0x241: {  	v1 =	vadd.f32 v5, v1;
	v4 =	vadd.f32 v6, v4;
	vm0 =	vmor vm1, vm0;
	v5 =	vld [tilespmem:s5+$0x400]  }
0x242: {  	v6 =	vsel vm0, $0x3F800000, v0;
	vm0 =	vlt.f32 v2, $0.0e+00;
	vm1 =	vgt.f32 v2, $0.0e+00  }
0x243: {  	v1 =	vadd.f32 v2, v1;
	v4 =	vadd.f32 v6, v4;
	vm0 =	vmor vm1, vm0;
	v2 =	vld [tilespmem:s5+$0x480]  }
0x244: {  	v6 =	vsel vm0, $0x3F800000, v0;
	vm0 =	vlt.f32 v3, $0.0e+00;
	vm1 =	vgt.f32 v3, $0.0e+00  }
0x245: {  	v1 =	vadd.f32 v3, v1;
	v4 =	vadd.f32 v6, v4;
	vm0 =	vmor vm1, vm0;
	v3 =	vld [tilespmem:s5+$0x500]  }
0x246: {  	v6 =	vsel vm0, $0x3F800000, v0;
	vm0 =	vlt.f32 v5, $0.0e+00;
	vm1 =	vgt.f32 v5, $0.0e+00  }
0x247: {  	v1 =	vadd.f32 v5, v1;
	v4 =	vadd.f32 v6, v4;
	vm0 =	vmor vm1, vm0;
	v5 =	vld [tilespmem:s5+$0x580]  }
0x248: {  	v6 =	vsel vm0, $0x3F800000, v0;
	vm0 =	vlt.f32 v2, $0.0e+00;
	vm1 =	vgt.f32 v2, $0.0e+00  }
0x249: {  	v1 =	vadd.f32 v2, v1;
	v4 =	vadd.f32 v6, v4;
	vm0 =	vmor vm1, vm0;
	v2 =	vld [tilespmem:s5+$0x600]  }
0x24a: {  	v6 =	vsel vm0, $0x3F800000, v0;
	vm0 =	vlt.f32 v3, $0.0e+00;
	vm1 =	vgt.f32 v3, $0.0e+00  }
0x24b: {  	v1 =	vadd.f32 v3, v1;
	v4 =	vadd.f32 v6, v4;
	vm0 =	vmor vm1, vm0  }
0x24c: {  	v3 =	vsel vm0, $0x3F800000, v0;
	vm0 =	vlt.f32 v5, $0.0e+00;
	vm1 =	vgt.f32 v5, $0.0e+00  }
0x24d: {  	v1 =	vadd.f32 v5, v1;
	v3 =	vadd.f32 v3, v4;
	vm0 =	vmor vm1, vm0  }
.Ltmp6:
0x24e: {  	v4 =	vsel vm0, $0x3F800000, v0;
	vm0 =	vlt.f32 v2, $0.0e+00;
	vm1 =	vgt.f32 v2, $0.0e+00;
	(pc) =	sbr.rel @p0 .LBB2_14-.Ltmp6, $4  }
0x24f: {  	s1 =	sshrl.u32 s31, $0x3;
	v2 =	vadd.f32 v2, v1;
	v3 =	vadd.f32 v4, v3;
	vm0 =	vmor vm1, vm0  }
0x250: {  	s0 =	sadd.s32 $0x10, s0;
	s21 =	smul.u32 $0x1A00, s1;
	s5 =	sshll.u32 s31, $0x4;
	v1 =	vsel vm0, $0x3F800000, v0  }
0x251: {  	s1 =	sand.u32 $0x70, s0;
	s5 =	sand.u32 $0x3FFFFF80, s5;
	v1 =	vadd.f32 v1, v3;
	[tilespmem:s28+$0xF600] =	vst v2  }
0x252: {  	s21 =	sshra.s32 s21, $0x2;
	s5 =	sor.u32 s1, s5  }
0x253: {  	v2 =	vld [tilespmem:s5+$0xF600];
	s0 =	sor.u32 s1, s21;
	[tilespmem:s28+$0x1CE00] =	vst v1  }
0x254: {  	v1 =	vld [tilespmem:s0+$0x16600]  }
0x255: {  	s0 =	sadd.s32 $0x16600, s0  }
0x256: {  	v3 =	vld [tilespmem:s0+$0x80]  }
0x257: {  	v4 =	vld [tilespmem:s5+$0x1CE00]  }
0x258: {  	v5 =	vld [tilespmem:s0+$0x100]  }
0x259: {  	vm0 =	vlt.f32 v1, $0.0e+00;
	vm1 =	vgt.f32 v1, $0.0e+00  }
0x25a: {  	v1 =	vadd.f32 v1, v2;
	v2 =	vld [tilespmem:s0+$0x180];
	vm0 =	vmor vm1, vm0  }
0x25b: {  	vm4 =	vlt.f32 v3, $0.0e+00;
	vm5 =	vgt.f32 v3, $0.0e+00;
	v6 =	vsel vm0, $0x3F800000, v0  }
0x25c: {  	v1 =	vadd.f32 v3, v1;
	vm0 =	vmor vm5, vm4;
	v3 =	vld [tilespmem:s0+$0x200];
	v4 =	vadd.f32 v6, v4  }
0x25d: {  	vm6 =	vlt.f32 v5, $0.0e+00;
	vm7 =	vgt.f32 v5, $0.0e+00;
	v51 =	vsel vm0, $0x3F800000, v0  }
0x25e: {  	v52 =	vld [tilespmem:s0+$0x280];
	vm0 =	vmor vm7, vm6;
	v1 =	vadd.f32 v5, v1;
	v4 =	vadd.f32 v51, v4  }
0x25f: {  	v53 =	vsel vm0, $0x3F800000, v0;
	vm8 =	vlt.f32 v2, $0.0e+00;
	vm9 =	vgt.f32 v2, $0.0e+00  }
0x260: {  	v1 =	vadd.f32 v2, v1;
	vm0 =	vmor vm9, vm8;
	v2 =	vld [tilespmem:s0+$0x300];
	v4 =	vadd.f32 v53, v4  }
0x261: {  	v54 =	vsel vm0, $0x3F800000, v0;
	vm10 =	vlt.f32 v3, $0.0e+00;
	vm11 =	vgt.f32 v3, $0.0e+00  }
0x262: {  	v1 =	vadd.f32 v3, v1;
	vm0 =	vmor vm11, vm10;
	v3 =	vld [tilespmem:s0+$0x380];
	v4 =	vadd.f32 v54, v4  }
0x263: {  	vm12 =	vlt.f32 v52, $0.0e+00;
	vm13 =	vgt.f32 v52, $0.0e+00;
	v55 =	vsel vm0, $0x3F800000, v0  }
0x264: {  	v56 =	vld [tilespmem:s0+$0x400];
	vm0 =	vmor vm13, vm12;
	v1 =	vadd.f32 v52, v1;
	v4 =	vadd.f32 v55, v4  }
0x265: {  	v57 =	vsel vm0, $0x3F800000, v0;
	vm14 =	vlt.f32 v2, $0.0e+00;
	vm15 =	vgt.f32 v2, $0.0e+00  }
0x266: {  	v1 =	vadd.f32 v2, v1;
	vm0 =	vmor vm15, vm14;
	v2 =	vld [tilespmem:s0+$0x480];
	v4 =	vadd.f32 v57, v4  }
0x267: {  	v58 =	vsel vm0, $0x3F800000, v0;
	vm4 =	vlt.f32 v3, $0.0e+00;
	vm5 =	vgt.f32 v3, $0.0e+00  }
0x268: {  	v1 =	vadd.f32 v3, v1;
	vm0 =	vmor vm5, vm4;
	v3 =	vld [tilespmem:s0+$0x500];
	v4 =	vadd.f32 v58, v4  }
0x269: {  	vm6 =	vlt.f32 v56, $0.0e+00;
	vm7 =	vgt.f32 v56, $0.0e+00;
	v59 =	vsel vm0, $0x3F800000, v0  }
0x26a: {  	v60 =	vld [tilespmem:s0+$0x580];
	vm0 =	vmor vm7, vm6;
	v1 =	vadd.f32 v56, v1;
	v4 =	vadd.f32 v59, v4  }
0x26b: {  	v61 =	vsel vm0, $0x3F800000, v0;
	vm8 =	vlt.f32 v2, $0.0e+00;
	vm9 =	vgt.f32 v2, $0.0e+00  }
0x26c: {  	v1 =	vadd.f32 v2, v1;
	vm0 =	vmor vm9, vm8;
	v2 =	vld [tilespmem:s0+$0x600];
	v4 =	vadd.f32 v61, v4  }
0x26d: {  	v62 =	vsel vm0, $0x3F800000, v0;
	vm10 =	vlt.f32 v3, $0.0e+00;
	vm11 =	vgt.f32 v3, $0.0e+00  }
0x26e: {  	v1 =	vadd.f32 v3, v1;
	vm0 =	vmor vm11, vm10;
	v4 =	vadd.f32 v62, v4  }
0x26f: {  	vm12 =	vlt.f32 v60, $0.0e+00;
	vm13 =	vgt.f32 v60, $0.0e+00;
	v3 =	vsel vm0, $0x3F800000, v0  }
0x270: {  	vm0 =	vmor vm13, vm12;
	v1 =	vadd.f32 v60, v1;
	v3 =	vadd.f32 v3, v4  }
0x271: {  	v63 =	vsel vm0, $0x3F800000, v0;
	vm14 =	vlt.f32 v2, $0.0e+00;
	vm15 =	vgt.f32 v2, $0.0e+00  }
0x272: {  	vm0 =	vmor vm15, vm14;
	v3 =	vadd.f32 v63, v3  }
0x273: {  	v1 =	vadd.f32 v2, v1;
	v2 =	vsel vm0, $0x3F800000, v0  }
0x274: {  	v2 =	vadd.f32 v2, v3  }
0x275: {  	[tilespmem:s5+$0xF600] =	vst v1  }
0x276: {  	s31 =	simm.s32 $0x16600;
	s4 =	simm.s32 $0x2000;
	[tilespmem:s5+$0x1CE00] =	vst v2  }
0x277: {  	[tilespmem:s31], [sflag:$0x2] =	stream.indirect.gather [hbm4b:s2+s25], $0x1, s4, s25, $0xb8;
	[tilespmem:$0x1D600] =	vst v63  }
0x278: {  	s1 =	simm.s32 $0x16C80  }
0x279: {  	[tilespmem:s1], [sflag:$0x2] =	stream.indirect.gather [hbm4b:s6+s25], $0x1, s4, s25, $0xb8;
	[tilespmem:$0x1D600] =	vst v63  }
0x27a: {  	s5 =	simm.s32 $0x17300  }
0x27b: {  	[tilespmem:s5], [sflag:$0x2] =	stream.indirect.gather [hbm4b:s7+s25], $0x1, s4, s25, $0xb8;
	[tilespmem:$0x1D600] =	vst v63  }
0x27c: {  	s21 =	simm.s32 $0x17980  }
0x27d: {  	[tilespmem:s21], [sflag:$0x2] =	stream.indirect.gather [hbm4b:s8+s25], $0x1, s4, s25, $0xb8;
	[tilespmem:$0x1D600] =	vst v63  }
0x27e: {  	s28 =	simm.s32 $0x18000  }
0x27f: {  	[tilespmem:s28], [sflag:$0x2] =	stream.indirect.gather [hbm4b:s9+s25], $0x1, s4, s25, $0xb8;
	[tilespmem:$0x1D600] =	vst v63  }
0x280: {  	s29 =	simm.s32 $0x18680  }
0x281: {  	[tilespmem:s29], [sflag:$0x2] =	stream.indirect.gather [hbm4b:s10+s25], $0x1, s4, s25, $0xb8;
	[tilespmem:$0x1D600] =	vst v63  }
0x282: {  	s30 =	simm.s32 $0x18D00  }
0x283: {  	[tilespmem:s30], [sflag:$0x2] =	stream.indirect.gather [hbm4b:s11+s25], $0x1, s4, s25, $0xb8;
	[tilespmem:$0x1D600] =	vst v63  }
0x284: {  	s31 =	simm.s32 $0x19380  }
0x285: {  	[tilespmem:s31], [sflag:$0x2] =	stream.indirect.gather [hbm4b:s12+s25], $0x1, s4, s25, $0xb8;
	[tilespmem:$0x1D600] =	vst v63  }
0x286: {  	s1 =	simm.s32 $0x19A00  }
0x287: {  	[tilespmem:s1], [sflag:$0x2] =	stream.indirect.gather [hbm4b:s13+s25], $0x1, s4, s25, $0xb8;
	[tilespmem:$0x1D600] =	vst v63  }
0x288: {  	s5 =	simm.s32 $0x1A080  }
0x289: {  	[tilespmem:s5], [sflag:$0x2] =	stream.indirect.gather [hbm4b:s14+s25], $0x1, s4, s25, $0xb8;
	[tilespmem:$0x1D600] =	vst v63  }
0x28a: {  	s21 =	simm.s32 $0x1A700  }
0x28b: {  	[tilespmem:s21], [sflag:$0x2] =	stream.indirect.gather [hbm4b:s15+s25], $0x1, s4, s25, $0xb8;
	[tilespmem:$0x1D600] =	vst v63  }
0x28c: {  	s28 =	simm.s32 $0x1AD80  }
0x28d: {  	[tilespmem:s28], [sflag:$0x2] =	stream.indirect.gather [hbm4b:s16+s25], $0x1, s4, s25, $0xb8;
	[tilespmem:$0x1D600] =	vst v63  }
0x28e: {  	s29 =	simm.s32 $0x1B400  }
0x28f: {  	[tilespmem:s29], [sflag:$0x2] =	stream.indirect.gather [hbm4b:s17+s25], $0x1, s4, s25, $0xb8;
	[tilespmem:$0x1D600] =	vst v63  }
0x290: {  	s0 =	simm.s32 $0x80;
	s30 =	simm.s32 $0x1BA80  }
0x291: {  	[tilespmem:s30], [sflag:$0x2] =	stream.indirect.gather [hbm4b:s18+s25], $0x1, s4, s25, $0xb8;
	[tilespmem:$0x1D600] =	vst v63  }
0x292: {  	s31 =	simm.s32 $0x1C100;
	s1 =	simm.s32 $0x1C780;
	s5 =	simm.s32 $0x400  }
0x293: {  	[tilespmem:s31], [sflag:$0x2] =	stream.indirect.gather [hbm4b:s19+s25], $0x1, s4, s25, $0xb8;
	[tilespmem:$0x1D600] =	vst v63  }
.LBB2_16:
0x294: {  	[tilespmem:s1], [sflag:$0x2] =	stream.indirect.gather [hbm4b:s20+s25], $0x1, s4, s25, $0xb8;
	[tilespmem:$0x1D600] =	vst v63  }
0x295: {  	s21 =	sshra.s32 s5, $0x2;
	s1 =	sadd.s32 $0x16600, s0;
	s4 =	sadd.s32 $0x2000, s0  }
0x296: {  	[tilespmem:s1], [sflag:$0x2] =	stream.indirect.gather [hbm4b:s2+s25], $0x1, s4, s25, $0xb8;
	[tilespmem:$0x1D600] =	vst v63  }
0x297: {  	p0 =	sne.s32 s5, $0x1600;
	s5 =	sadd.s32 $0x200, s5;
	s1 =	sadd.s32 $0x16C80, s0  }
0x298: {  	[tilespmem:s1], [sflag:$0x2] =	stream.indirect.gather [hbm4b:s6+s25], $0x1, s4, s25, $0xb8;
	[tilespmem:$0x1D600] =	vst v63  }
0x299: {  	s1 =	sadd.s32 $0x17300, s0  }
0x29a: {  	[tilespmem:s1], [sflag:$0x2] =	stream.indirect.gather [hbm4b:s7+s25], $0x1, s4, s25, $0xb8;
	[tilespmem:$0x1D600] =	vst v63  }
0x29b: {  	s1 =	sadd.s32 $0x17980, s0  }
0x29c: {  	[tilespmem:s1], [sflag:$0x2] =	stream.indirect.gather [hbm4b:s8+s25], $0x1, s4, s25, $0xb8;
	[tilespmem:$0x1D600] =	vst v63  }
0x29d: {  	s1 =	sadd.s32 $0x18000, s0  }
0x29e: {  	[tilespmem:s1], [sflag:$0x2] =	stream.indirect.gather [hbm4b:s9+s25], $0x1, s4, s25, $0xb8;
	[tilespmem:$0x1D600] =	vst v63  }
0x29f: {  	s1 =	sadd.s32 $0x18680, s0  }
0x2a0: {  	[tilespmem:s1], [sflag:$0x2] =	stream.indirect.gather [hbm4b:s10+s25], $0x1, s4, s25, $0xb8;
	[tilespmem:$0x1D600] =	vst v63  }
0x2a1: {  	s1 =	sadd.s32 $0x18D00, s0  }
0x2a2: {  	[tilespmem:s1], [sflag:$0x2] =	stream.indirect.gather [hbm4b:s11+s25], $0x1, s4, s25, $0xb8;
	[tilespmem:$0x1D600] =	vst v63  }
0x2a3: {  	s1 =	sadd.s32 $0x19380, s0  }
0x2a4: {  	[tilespmem:s1], [sflag:$0x2] =	stream.indirect.gather [hbm4b:s12+s25], $0x1, s4, s25, $0xb8;
	[tilespmem:$0x1D600] =	vst v63  }
0x2a5: {  	s1 =	sadd.s32 $0x19A00, s0  }
0x2a6: {  	[tilespmem:s1], [sflag:$0x2] =	stream.indirect.gather [hbm4b:s13+s25], $0x1, s4, s25, $0xb8;
	[tilespmem:$0x1D600] =	vst v63  }
0x2a7: {  	s1 =	sadd.s32 $0x1A080, s0  }
0x2a8: {  	[tilespmem:s1], [sflag:$0x2] =	stream.indirect.gather [hbm4b:s14+s25], $0x1, s4, s25, $0xb8;
	[tilespmem:$0x1D600] =	vst v63  }
0x2a9: {  	s1 =	sadd.s32 $0x1A700, s0  }
0x2aa: {  	[tilespmem:s1], [sflag:$0x2] =	stream.indirect.gather [hbm4b:s15+s25], $0x1, s4, s25, $0xb8;
	[tilespmem:$0x1D600] =	vst v63  }
0x2ab: {  	s1 =	sadd.s32 $0x1AD80, s0  }
0x2ac: {  	[tilespmem:s1], [sflag:$0x2] =	stream.indirect.gather [hbm4b:s16+s25], $0x1, s4, s25, $0xb8;
	[tilespmem:$0x1D600] =	vst v63  }
0x2ad: {  	s1 =	sadd.s32 $0x1B400, s0  }
0x2ae: {  	[tilespmem:s1], [sflag:$0x2] =	stream.indirect.gather [hbm4b:s17+s25], $0x1, s4, s25, $0xb8;
	[tilespmem:$0x1D600] =	vst v63  }
.Ltmp7:
0x2af: {  	s1 =	sadd.s32 $0x1BA80, s0;
	(pc) =	sbr.rel @p0 .LBB2_16-.Ltmp7, $4  }
0x2b0: {  	[tilespmem:s1], [sflag:$0x2] =	stream.indirect.gather [hbm4b:s18+s25], $0x1, s4, s25, $0xb8;
	[tilespmem:$0x1D600] =	vst v63  }
0x2b1: {  	s1 =	sadd.s32 $0x1C100, s0  }
0x2b2: {  	[tilespmem:s1], [sflag:$0x2] =	stream.indirect.gather [hbm4b:s19+s25], $0x1, s4, s25, $0xb8;
	[tilespmem:$0x1D600] =	vst v63  }
0x2b3: {  	s1 =	sadd.s32 $0x1C780, s0;
	s0 =	smov.u32 s21  }
0x2b4: {  	[tilespmem:s1], [sflag:$0x2] =	stream.indirect.gather [hbm4b:s20+s25], $0x1, s4, s25, $0xb8;
	[tilespmem:$0x1D600] =	vst v63  }
0x2b5: {  	s31 =	sadd.s32 $0x16600, s0;
	s4 =	sadd.s32 $0x2000, s0  }
0x2b6: {  	[tilespmem:s31], [sflag:$0x2] =	stream.indirect.gather [hbm4b:s2+s25], $0x1, s4, s25, $0xb8;
	[tilespmem:$0x1D600] =	vst v63  }
0x2b7: {  	s5 =	sadd.s32 $0x16C80, s0  }
0x2b8: {  	[tilespmem:s5], [sflag:$0x2] =	stream.indirect.gather [hbm4b:s6+s25], $0x1, s4, s25, $0xb8;
	[tilespmem:$0x1D600] =	vst v63  }
0x2b9: {  	s21 =	sadd.s32 $0x17300, s0  }
0x2ba: {  	[tilespmem:s21], [sflag:$0x2] =	stream.indirect.gather [hbm4b:s7+s25], $0x1, s4, s25, $0xb8;
	[tilespmem:$0x1D600] =	vst v63  }
0x2bb: {  	s29 =	sadd.s32 $0x17980, s0  }
0x2bc: {  	[tilespmem:s29], [sflag:$0x2] =	stream.indirect.gather [hbm4b:s8+s25], $0x1, s4, s25, $0xb8;
	[tilespmem:$0x1D600] =	vst v63  }
0x2bd: {  	s30 =	sadd.s32 $0x18000, s0  }
0x2be: {  	[tilespmem:s30], [sflag:$0x2] =	stream.indirect.gather [hbm4b:s9+s25], $0x1, s4, s25, $0xb8;
	[tilespmem:$0x1D600] =	vst v63  }
0x2bf: {  	s31 =	sadd.s32 $0x18680, s0  }
0x2c0: {  	[tilespmem:s31], [sflag:$0x2] =	stream.indirect.gather [hbm4b:s10+s25], $0x1, s4, s25, $0xb8;
	[tilespmem:$0x1D600] =	vst v63  }
0x2c1: {  	s5 =	sadd.s32 $0x18D00, s0  }
0x2c2: {  	[tilespmem:s5], [sflag:$0x2] =	stream.indirect.gather [hbm4b:s11+s25], $0x1, s4, s25, $0xb8;
	[tilespmem:$0x1D600] =	vst v63  }
0x2c3: {  	s21 =	sadd.s32 $0x19380, s0  }
0x2c4: {  	[tilespmem:s21], [sflag:$0x2] =	stream.indirect.gather [hbm4b:s12+s25], $0x1, s4, s25, $0xb8;
	[tilespmem:$0x1D600] =	vst v63  }
0x2c5: {  	s29 =	sadd.s32 $0x19A00, s0  }
0x2c6: {  	[tilespmem:s29], [sflag:$0x2] =	stream.indirect.gather [hbm4b:s13+s25], $0x1, s4, s25, $0xb8;
	[tilespmem:$0x1D600] =	vst v63  }
0x2c7: {  	s30 =	sadd.s32 $0x1A080, s0  }
0x2c8: {  	[tilespmem:s30], [sflag:$0x2] =	stream.indirect.gather [hbm4b:s14+s25], $0x1, s4, s25, $0xb8;
	[tilespmem:$0x1D600] =	vst v63  }
0x2c9: {  	s31 =	sadd.s32 $0x1A700, s0  }
0x2ca: {  	[tilespmem:s31], [sflag:$0x2] =	stream.indirect.gather [hbm4b:s15+s25], $0x1, s4, s25, $0xb8;
	[tilespmem:$0x1D600] =	vst v63  }
0x2cb: {  	s5 =	sadd.s32 $0x1AD80, s0  }
0x2cc: {  	[tilespmem:s5], [sflag:$0x2] =	stream.indirect.gather [hbm4b:s16+s25], $0x1, s4, s25, $0xb8;
	[tilespmem:$0x1D600] =	vst v63  }
0x2cd: {  	s21 =	sadd.s32 $0x1B400, s0  }
0x2ce: {  	[tilespmem:s21], [sflag:$0x2] =	stream.indirect.gather [hbm4b:s17+s25], $0x1, s4, s25, $0xb8;
	[tilespmem:$0x1D600] =	vst v63  }
0x2cf: {  	s29 =	sadd.s32 $0x1BA80, s0  }
0x2d0: {  	[tilespmem:s29], [sflag:$0x2] =	stream.indirect.gather [hbm4b:s18+s25], $0x1, s4, s25, $0xb8;
	[tilespmem:$0x1D600] =	vst v63  }
0x2d1: {  	s30 =	sadd.s32 $0x1C100, s0  }
0x2d2: {  	[tilespmem:s30], [sflag:$0x2] =	stream.indirect.gather [hbm4b:s19+s25], $0x1, s4, s25, $0xb8;
	[tilespmem:$0x1D600] =	vst v63  }
0x2d3: {  	s31 =	sadd.s32 $0x1C780, s0  }
0x2d4: {  	[tilespmem:s31], [sflag:$0x2] =	stream.indirect.gather [hbm4b:s20+s25], $0x1, s4, s25, $0xb8;
	[tilespmem:$0x1D600] =	vst v63  }
0x2d5: {  	s5 =	simm.s32 $0x0;
	_ =	swait.ge [sflag:s26], $0xD000  }
0x2d6: {  	s0 =	smul.u32 $0x1A00, s5;
	[sflag:s26] =	ssyncset.done $0x0  }
0x2d7: {  	s4 =	simm.s32 $0x2600;
	s1 =	rddreg [dreg:$0x5];
	[sflag:s26] =	ssyncadd.s32 $0xFFFF3000  }
0x2d8: {  	[hbm4b:s1+s25] =	stream.strided.scatter [tilespmem:s4], [sflag:$0x1], $0xD000, s23, s25, $0x38;
	[tilespmem:$0x1D600] =	vst v63  }
0x2d9: {  	s21 =	simm.s32 $0x0;
	s0 =	sshra.s32 s0, $0x2;
	_ =	swait.ge [sflag:s22], $0x6000  }
0x2da: {  	s29 =	simm.s32 $0x0;
	s1 =	sand.u32 $0x70, s21;
	[sflag:s22] =	ssyncset.done $0x0  }
0x2db: {  	s4 =	sand.u32 $0x3FFFFF80, s29;
	s0 =	sor.u32 s1, s0;
	[sflag:s22] =	ssyncadd.s32 $0xFFFFA000  }
0x2dc: {  	s28 =	sor.u32 s1, s4;
	v1 =	vld [tilespmem:s0+$0xFE00]  }
0x2dd: {  	v2 =	vld [tilespmem:s28+$0xF600]  }
0x2de: {  	v3 =	vld [tilespmem:s0+$0xFE80]  }
0x2df: {  	v4 =	vld [tilespmem:s28+$0x1CE00]  }
0x2e0: {  	v5 =	vld [tilespmem:s0+$0xFF00]  }
0x2e1: {  	vm0 =	vlt.f32 v1, $0.0e+00;
	vm1 =	vgt.f32 v1, $0.0e+00  }
0x2e2: {  	v1 =	vadd.f32 v1, v2;
	v2 =	vld [tilespmem:s0+$0xFF80];
	vm0 =	vmor vm1, vm0  }
0x2e3: {  	s0 =	sadd.s32 $0xFE00, s0;
	vm6 =	vlt.f32 v3, $0.0e+00;
	vm7 =	vgt.f32 v3, $0.0e+00;
	v6 =	vsel vm0, $0x3F800000, v0  }
0x2e4: {  	v1 =	vadd.f32 v3, v1;
	vm0 =	vmor vm7, vm6;
	v3 =	vld [tilespmem:s0+$0x200];
	v4 =	vadd.f32 v6, v4  }
0x2e5: {  	vm8 =	vlt.f32 v5, $0.0e+00;
	vm9 =	vgt.f32 v5, $0.0e+00;
	v53 =	vsel vm0, $0x3F800000, v0  }
0x2e6: {  	v54 =	vld [tilespmem:s0+$0x280];
	vm0 =	vmor vm9, vm8;
	v1 =	vadd.f32 v5, v1;
	v4 =	vadd.f32 v53, v4  }
0x2e7: {  	v55 =	vsel vm0, $0x3F800000, v0;
	vm10 =	vlt.f32 v2, $0.0e+00;
	vm11 =	vgt.f32 v2, $0.0e+00  }
0x2e8: {  	v1 =	vadd.f32 v2, v1;
	vm0 =	vmor vm11, vm10;
	v2 =	vld [tilespmem:s0+$0x300];
	v4 =	vadd.f32 v55, v4  }
0x2e9: {  	v56 =	vsel vm0, $0x3F800000, v0;
	vm12 =	vlt.f32 v3, $0.0e+00;
	vm13 =	vgt.f32 v3, $0.0e+00  }
0x2ea: {  	v1 =	vadd.f32 v3, v1;
	vm0 =	vmor vm13, vm12;
	v3 =	vld [tilespmem:s0+$0x380];
	v4 =	vadd.f32 v56, v4  }
0x2eb: {  	vm14 =	vlt.f32 v54, $0.0e+00;
	vm15 =	vgt.f32 v54, $0.0e+00;
	v57 =	vsel vm0, $0x3F800000, v0  }
0x2ec: {  	v58 =	vld [tilespmem:s0+$0x400];
	vm0 =	vmor vm15, vm14;
	v1 =	vadd.f32 v54, v1;
	v4 =	vadd.f32 v57, v4  }
0x2ed: {  	v59 =	vsel vm0, $0x3F800000, v0;
	vm4 =	vlt.f32 v2, $0.0e+00;
	vm5 =	vgt.f32 v2, $0.0e+00  }
0x2ee: {  	v1 =	vadd.f32 v2, v1;
	vm0 =	vmor vm5, vm4;
	v2 =	vld [tilespmem:s0+$0x480];
	v4 =	vadd.f32 v59, v4  }
0x2ef: {  	v60 =	vsel vm0, $0x3F800000, v0;
	vm6 =	vlt.f32 v3, $0.0e+00;
	vm7 =	vgt.f32 v3, $0.0e+00  }
0x2f0: {  	v1 =	vadd.f32 v3, v1;
	vm0 =	vmor vm7, vm6;
	v3 =	vld [tilespmem:s0+$0x500];
	v4 =	vadd.f32 v60, v4  }
0x2f1: {  	vm8 =	vlt.f32 v58, $0.0e+00;
	vm9 =	vgt.f32 v58, $0.0e+00;
	v61 =	vsel vm0, $0x3F800000, v0  }
0x2f2: {  	v62 =	vld [tilespmem:s0+$0x580];
	vm0 =	vmor vm9, vm8;
	v1 =	vadd.f32 v58, v1;
	v4 =	vadd.f32 v61, v4  }
0x2f3: {  	v63 =	vsel vm0, $0x3F800000, v0;
	vm10 =	vlt.f32 v2, $0.0e+00;
	vm11 =	vgt.f32 v2, $0.0e+00  }
0x2f4: {  	v1 =	vadd.f32 v2, v1;
	vm0 =	vmor vm11, vm10;
	v4 =	vadd.f32 v63, v4  }
0x2f5: {  	v2 =	vsel vm0, $0x3F800000, v0;
	vm12 =	vlt.f32 v3, $0.0e+00;
	vm13 =	vgt.f32 v3, $0.0e+00  }
0x2f6: {  	v1 =	vadd.f32 v3, v1;
	vm0 =	vmor vm13, vm12;
	v2 =	vadd.f32 v2, v4  }
0x2f7: {  	s30 =	simm.s32 $0x0;
	vm14 =	vlt.f32 v62, $0.0e+00;
	vm15 =	vgt.f32 v62, $0.0e+00;
	v3 =	vsel vm0, $0x3F800000, v0  }
0x2f8: {  	s31 =	simm.s32 $0x10;
	s21 =	smul.u32 $0x1A00, s30;
	s0 =	simm.s32 $0x10;
	vm0 =	vmor vm15, vm14;
	v2 =	vadd.f32 v3, v2;
	v3 =	vadd.f32 v62, v1  }
0x2f9: {  	s5 =	sand.u32 $0x3FFFFF80, s31;
	s1 =	sand.u32 $0x70, s0;
	v1 =	vsel vm0, $0x3F800000, v0  }
0x2fa: {  	s4 =	simm.s32 $0x2;
	s21 =	sshra.s32 s21, $0x2;
	s5 =	sor.u32 s1, s5;
	v1 =	vadd.f32 v1, v2;
	[tilespmem:s28+$0xF600] =	vst v3  }
.LBB2_18:
0x2fb: {  	p0 =	sne.s32 s4, $0x7F;
	s1 =	sor.u32 s1, s21  }
0x2fc: {  	v2 =	vld [tilespmem:s5+$0xF600];
	[tilespmem:s28+$0x1CE00] =	vst v1;
	s31 =	smov.u32 s4;
	s4 =	sadd.s32 $0x1, s4;
	s28 =	smov.u32 s5  }
0x2fd: {  	s5 =	sadd.s32 $0xFE00, s1;
	v1 =	vld [tilespmem:s1+$0xFE00];
	_ =	sdelay $0x1  }
0x2fe: {  	v3 =	vld [tilespmem:s1+$0xFE80]  }
0x2ff: {  	v4 =	vld [tilespmem:s28+$0x1CE00]  }
0x300: {  	v5 =	vld [tilespmem:s1+$0xFF00]  }
0x301: {  	v2 =	vadd.f32 v1, v2;
	vm0 =	vlt.f32 v1, $0.0e+00;
	vm1 =	vgt.f32 v1, $0.0e+00  }
0x302: {  	vm0 =	vmor vm1, vm0;
	v1 =	vld [tilespmem:s1+$0xFF80]  }
0x303: {  	v6 =	vsel vm0, $0x3F800000, v0;
	vm0 =	vlt.f32 v3, $0.0e+00;
	vm1 =	vgt.f32 v3, $0.0e+00  }
0x304: {  	v2 =	vadd.f32 v3, v2;
	v4 =	vadd.f32 v6, v4;
	vm0 =	vmor vm1, vm0;
	v3 =	vld [tilespmem:s5+$0x200]  }
0x305: {  	v6 =	vsel vm0, $0x3F800000, v0;
	vm0 =	vlt.f32 v5, $0.0e+00;
	vm1 =	vgt.f32 v5, $0.0e+00  }
0x306: {  	v2 =	vadd.f32 v5, v2;
	v4 =	vadd.f32 v6, v4;
	vm0 =	vmor vm1, vm0;
	v5 =	vld [tilespmem:s5+$0x280]  }
0x307: {  	v6 =	vsel vm0, $0x3F800000, v0;
	vm0 =	vlt.f32 v1, $0.0e+00;
	vm1 =	vgt.f32 v1, $0.0e+00  }
0x308: {  	v1 =	vadd.f32 v1, v2;
	v4 =	vadd.f32 v6, v4;
	vm0 =	vmor vm1, vm0;
	v2 =	vld [tilespmem:s5+$0x300]  }
0x309: {  	v6 =	vsel vm0, $0x3F800000, v0;
	vm0 =	vlt.f32 v3, $0.0e+00;
	vm1 =	vgt.f32 v3, $0.0e+00  }
0x30a: {  	v1 =	vadd.f32 v3, v1;
	v4 =	vadd.f32 v6, v4;
	vm0 =	vmor vm1, vm0;
	v3 =	vld [tilespmem:s5+$0x380]  }
0x30b: {  	v6 =	vsel vm0, $0x3F800000, v0;
	vm0 =	vlt.f32 v5, $0.0e+00;
	vm1 =	vgt.f32 v5, $0.0e+00  }
0x30c: {  	v1 =	vadd.f32 v5, v1;
	v4 =	vadd.f32 v6, v4;
	vm0 =	vmor vm1, vm0;
	v5 =	vld [tilespmem:s5+$0x400]  }
0x30d: {  	v6 =	vsel vm0, $0x3F800000, v0;
	vm0 =	vlt.f32 v2, $0.0e+00;
	vm1 =	vgt.f32 v2, $0.0e+00  }
0x30e: {  	v1 =	vadd.f32 v2, v1;
	v4 =	vadd.f32 v6, v4;
	vm0 =	vmor vm1, vm0;
	v2 =	vld [tilespmem:s5+$0x480]  }
0x30f: {  	v6 =	vsel vm0, $0x3F800000, v0;
	vm0 =	vlt.f32 v3, $0.0e+00;
	vm1 =	vgt.f32 v3, $0.0e+00  }
0x310: {  	v1 =	vadd.f32 v3, v1;
	v4 =	vadd.f32 v6, v4;
	vm0 =	vmor vm1, vm0;
	v3 =	vld [tilespmem:s5+$0x500]  }
0x311: {  	v6 =	vsel vm0, $0x3F800000, v0;
	vm0 =	vlt.f32 v5, $0.0e+00;
	vm1 =	vgt.f32 v5, $0.0e+00  }
0x312: {  	v1 =	vadd.f32 v5, v1;
	v4 =	vadd.f32 v6, v4;
	vm0 =	vmor vm1, vm0;
	v5 =	vld [tilespmem:s5+$0x580]  }
0x313: {  	v6 =	vsel vm0, $0x3F800000, v0;
	vm0 =	vlt.f32 v2, $0.0e+00;
	vm1 =	vgt.f32 v2, $0.0e+00  }
0x314: {  	v1 =	vadd.f32 v2, v1;
	v4 =	vadd.f32 v6, v4;
	vm0 =	vmor vm1, vm0  }
0x315: {  	v2 =	vsel vm0, $0x3F800000, v0;
	vm0 =	vlt.f32 v3, $0.0e+00;
	vm1 =	vgt.f32 v3, $0.0e+00  }
0x316: {  	v1 =	vadd.f32 v3, v1;
	v2 =	vadd.f32 v2, v4;
	vm0 =	vmor vm1, vm0  }
.Ltmp8:
0x317: {  	v3 =	vsel vm0, $0x3F800000, v0;
	vm0 =	vlt.f32 v5, $0.0e+00;
	vm1 =	vgt.f32 v5, $0.0e+00;
	(pc) =	sbr.rel @p0 .LBB2_18-.Ltmp8, $4  }
0x318: {  	s1 =	sshrl.u32 s31, $0x3;
	v2 =	vadd.f32 v3, v2;
	v3 =	vadd.f32 v5, v1;
	vm0 =	vmor vm1, vm0  }
0x319: {  	s0 =	sadd.s32 $0x10, s0;
	s21 =	smul.u32 $0x1A00, s1;
	s5 =	sshll.u32 s31, $0x4;
	v1 =	vsel vm0, $0x3F800000, v0  }
0x31a: {  	s1 =	sand.u32 $0x70, s0;
	s5 =	sand.u32 $0x3FFFFF80, s5;
	v1 =	vadd.f32 v1, v2;
	[tilespmem:s28+$0xF600] =	vst v3  }
0x31b: {  	s21 =	sshra.s32 s21, $0x2;
	s5 =	sor.u32 s1, s5  }
0x31c: {  	v2 =	vld [tilespmem:s5+$0xF600];
	s0 =	sor.u32 s1, s21;
	[tilespmem:s28+$0x1CE00] =	vst v1  }
0x31d: {  	v1 =	vld [tilespmem:s0+$0xFE00];
	_ =	sdelay $0x1  }
0x31e: {  	v3 =	vld [tilespmem:s0+$0xFE80]  }
0x31f: {  	v4 =	vld [tilespmem:s5+$0x1CE00]  }
0x320: {  	v5 =	vld [tilespmem:s0+$0xFF00]  }
0x321: {  	vm0 =	vlt.f32 v1, $0.0e+00;
	vm1 =	vgt.f32 v1, $0.0e+00  }
0x322: {  	v1 =	vadd.f32 v1, v2;
	v2 =	vld [tilespmem:s0+$0xFF80];
	vm0 =	vmor vm1, vm0  }
0x323: {  	s0 =	sadd.s32 $0xFE00, s0;
	vm6 =	vlt.f32 v3, $0.0e+00;
	vm7 =	vgt.f32 v3, $0.0e+00;
	v6 =	vsel vm0, $0x3F800000, v0  }
0x324: {  	v1 =	vadd.f32 v3, v1;
	vm0 =	vmor vm7, vm6;
	v3 =	vld [tilespmem:s0+$0x200];
	v4 =	vadd.f32 v6, v4  }
0x325: {  	vm8 =	vlt.f32 v5, $0.0e+00;
	vm9 =	vgt.f32 v5, $0.0e+00;
	v36 =	vsel vm0, $0x3F800000, v0  }
0x326: {  	v37 =	vld [tilespmem:s0+$0x280];
	vm0 =	vmor vm9, vm8;
	v1 =	vadd.f32 v5, v1;
	v4 =	vadd.f32 v36, v4  }
0x327: {  	v38 =	vsel vm0, $0x3F800000, v0;
	vm10 =	vlt.f32 v2, $0.0e+00;
	vm11 =	vgt.f32 v2, $0.0e+00  }
0x328: {  	v1 =	vadd.f32 v2, v1;
	vm0 =	vmor vm11, vm10;
	v2 =	vld [tilespmem:s0+$0x300];
	v4 =	vadd.f32 v38, v4  }
0x329: {  	v39 =	vsel vm0, $0x3F800000, v0;
	vm12 =	vlt.f32 v3, $0.0e+00;
	vm13 =	vgt.f32 v3, $0.0e+00  }
0x32a: {  	v1 =	vadd.f32 v3, v1;
	vm0 =	vmor vm13, vm12;
	v3 =	vld [tilespmem:s0+$0x380];
	v4 =	vadd.f32 v39, v4  }
0x32b: {  	vm14 =	vlt.f32 v37, $0.0e+00;
	vm15 =	vgt.f32 v37, $0.0e+00;
	v40 =	vsel vm0, $0x3F800000, v0  }
0x32c: {  	v41 =	vld [tilespmem:s0+$0x400];
	vm0 =	vmor vm15, vm14;
	v1 =	vadd.f32 v37, v1;
	v4 =	vadd.f32 v40, v4  }
0x32d: {  	v42 =	vsel vm0, $0x3F800000, v0;
	vm4 =	vlt.f32 v2, $0.0e+00;
	vm5 =	vgt.f32 v2, $0.0e+00  }
0x32e: {  	v1 =	vadd.f32 v2, v1;
	vm0 =	vmor vm5, vm4;
	v2 =	vld [tilespmem:s0+$0x480];
	v4 =	vadd.f32 v42, v4  }
0x32f: {  	v43 =	vsel vm0, $0x3F800000, v0;
	vm6 =	vlt.f32 v3, $0.0e+00;
	vm7 =	vgt.f32 v3, $0.0e+00  }
0x330: {  	v1 =	vadd.f32 v3, v1;
	vm0 =	vmor vm7, vm6;
	v3 =	vld [tilespmem:s0+$0x500];
	v4 =	vadd.f32 v43, v4  }
0x331: {  	v45 =	vld [tilespmem:s0+$0x580];
	vm8 =	vlt.f32 v41, $0.0e+00;
	vm9 =	vgt.f32 v41, $0.0e+00;
	v44 =	vsel vm0, $0x3F800000, v0  }
0x332: {  	vm0 =	vmor vm9, vm8;
	v1 =	vadd.f32 v41, v1;
	v4 =	vadd.f32 v44, v4  }
0x333: {  	v46 =	vsel vm0, $0x3F800000, v0;
	vm10 =	vlt.f32 v2, $0.0e+00;
	vm11 =	vgt.f32 v2, $0.0e+00  }
0x334: {  	v1 =	vadd.f32 v2, v1;
	vm0 =	vmor vm11, vm10;
	v4 =	vadd.f32 v46, v4  }
0x335: {  	v2 =	vsel vm0, $0x3F800000, v0;
	vm12 =	vlt.f32 v3, $0.0e+00;
	vm13 =	vgt.f32 v3, $0.0e+00  }
0x336: {  	vm14 =	vlt.f32 v45, $0.0e+00;
	vm0 =	vmor vm13, vm12;
	v2 =	vadd.f32 v2, v4  }
0x337: {  	vm15 =	vgt.f32 v45, $0.0e+00;
	v1 =	vadd.f32 v3, v1;
	v3 =	vsel vm0, $0x3F800000, v0  }
0x338: {  	vm0 =	vmor vm15, vm14;
	v2 =	vadd.f32 v3, v2  }
0x339: {  	v1 =	vadd.f32 v45, v1;
	v3 =	vsel vm0, $0x3F800000, v0  }
0x33a: {  	v2 =	vadd.f32 v3, v2  }
0x33b: {  	s29 =	simm.s32 $0x0;
	[tilespmem:s5+$0xF600] =	vst v1  }
0x33c: {  	s0 =	smul.u32 $0x1A00, s29;
	[tilespmem:s5+$0x1CE00] =	vst v2  }
0x33d: {  	s28 =	simm.s32 $0x0;
	_ =	swait.ge [sflag:s22], $0x6000  }
0x33e: {  	s30 =	sand.u32 $0x70, s28;
	s0 =	sshra.s32 s0, $0x2;
	[sflag:s22] =	ssyncset.done $0x0  }
0x33f: {  	s0 =	sor.u32 s30, s0;
	[sflag:s22] =	ssyncadd.s32 $0xFFFFA000  }
0x340: {  	s4 =	simm.s32 $0x0;
	v1 =	vld [tilespmem:s0+$0x16600]  }
0x341: {  	s4 =	sand.u32 $0x3FFFFF80, s4;
	s0 =	sadd.s32 $0x16600, s0  }
0x342: {  	s31 =	sor.u32 s30, s4;
	v2 =	vld [tilespmem:s0+$0x80]  }
0x343: {  	v3 =	vld [tilespmem:s31+$0x1CE00]  }
0x344: {  	v47 =	vld [tilespmem:s0+$0x100]  }
0x345: {  	vm4 =	vlt.f32 v1, $0.0e+00;
	vm5 =	vgt.f32 v1, $0.0e+00  }
0x346: {  	v48 =	vld [tilespmem:s0+$0x180];
	vm0 =	vmor vm5, vm4  }
0x347: {  	v7 =	vld [tilespmem:s31+$0xF600];
	vm6 =	vlt.f32 v2, $0.0e+00;
	vm7 =	vgt.f32 v2, $0.0e+00;
	v49 =	vsel vm0, $0x3F800000, v0  }
0x348: {  	v50 =	vld [tilespmem:s0+$0x200];
	vm0 =	vmor vm7, vm6;
	v3 =	vadd.f32 v49, v3  }
0x349: {  	vm8 =	vlt.f32 v47, $0.0e+00;
	vm9 =	vgt.f32 v47, $0.0e+00;
	v8 =	vsel vm0, $0x3F800000, v0  }
0x34a: {  	v51 =	vld [tilespmem:s0+$0x280];
	vm0 =	vmor vm9, vm8;
	v3 =	vadd.f32 v8, v3  }
0x34b: {  	vm10 =	vlt.f32 v48, $0.0e+00;
	vm11 =	vgt.f32 v48, $0.0e+00;
	v9 =	vsel vm0, $0x3F800000, v0  }
0x34c: {  	v52 =	vld [tilespmem:s0+$0x300];
	v1 =	vadd.f32 v1, v7;
	vm0 =	vmor vm11, vm10;
	v3 =	vadd.f32 v9, v3  }
0x34d: {  	vm12 =	vlt.f32 v50, $0.0e+00;
	vm13 =	vgt.f32 v50, $0.0e+00;
	v53 =	vsel vm0, $0x3F800000, v0  }
0x34e: {  	v54 =	vld [tilespmem:s0+$0x380];
	v1 =	vadd.f32 v2, v1;
	vm0 =	vmor vm13, vm12;
	v3 =	vadd.f32 v53, v3  }
0x34f: {  	vm14 =	vlt.f32 v51, $0.0e+00;
	vm15 =	vgt.f32 v51, $0.0e+00;
	v2 =	vsel vm0, $0x3F800000, v0  }
0x350: {  	v1 =	vadd.f32 v47, v1;
	vm0 =	vmor vm15, vm14;
	v2 =	vadd.f32 v2, v3;
	v3 =	vld [tilespmem:s0+$0x400]  }
0x351: {  	v56 =	vld [tilespmem:s0+$0x480];
	vm4 =	vlt.f32 v52, $0.0e+00;
	vm5 =	vgt.f32 v52, $0.0e+00;
	v55 =	vsel vm0, $0x3F800000, v0  }
0x352: {  	v1 =	vadd.f32 v48, v1;
	vm0 =	vmor vm5, vm4;
	v2 =	vadd.f32 v55, v2  }
0x353: {  	v58 =	vld [tilespmem:s0+$0x500];
	vm6 =	vlt.f32 v54, $0.0e+00;
	vm7 =	vgt.f32 v54, $0.0e+00;
	v57 =	vsel vm0, $0x3F800000, v0  }
0x354: {  	vm0 =	vmor vm7, vm6;
	v1 =	vadd.f32 v50, v1;
	v2 =	vadd.f32 v57, v2  }
0x355: {  	v60 =	vld [tilespmem:s0+$0x580];
	v59 =	vsel vm0, $0x3F800000, v0;
	vm8 =	vlt.f32 v3, $0.0e+00;
	vm9 =	vgt.f32 v3, $0.0e+00  }
0x356: {  	vm10 =	vlt.f32 v56, $0.0e+00;
	v2 =	vadd.f32 v59, v2;
	vm0 =	vmor vm9, vm8  }
0x357: {  	vm11 =	vgt.f32 v56, $0.0e+00;
	v1 =	vadd.f32 v51, v1;
	v61 =	vsel vm0, $0x3F800000, v0  }
0x358: {  	vm12 =	vlt.f32 v58, $0.0e+00;
	vm0 =	vmor vm11, vm10;
	v2 =	vadd.f32 v61, v2  }
0x359: {  	vm13 =	vgt.f32 v58, $0.0e+00;
	v1 =	vadd.f32 v52, v1;
	v62 =	vsel vm0, $0x3F800000, v0  }
0x35a: {  	vm14 =	vlt.f32 v60, $0.0e+00;
	vm0 =	vmor vm13, vm12;
	v2 =	vadd.f32 v62, v2  }
0x35b: {  	vm15 =	vgt.f32 v60, $0.0e+00;
	v1 =	vadd.f32 v54, v1;
	v63 =	vsel vm0, $0x3F800000, v0  }
0x35c: {  	vm0 =	vmor vm15, vm14;
	v2 =	vadd.f32 v63, v2  }
0x35d: {  	v1 =	vadd.f32 v3, v1;
	v3 =	vsel vm0, $0x3F800000, v0  }
0x35e: {  	v2 =	vadd.f32 v3, v2;
	_ =	sdelay $0x1  }
0x35f: {  	v2 =	vadd.f32 $1.000000020e-16, v2;
	_ =	sdelay $0x1  }
0x360: {  	(erf) = vrcp.f32 v2;
	_ =	sdelay $0x3  }
0x361: {  	v1 =	vadd.f32 v56, v1;
	_ =	sdelay $0x1  }
0x362: {  	v1 =	vadd.f32 v58, v1;
	_ =	sdelay $0x1  }
0x363: {  	s1 =	simm.s32 $0x0;
	s4 =	simm.s32 $0x2;
	s0 =	simm.s32 $0x1;
	v1 =	vadd.f32 v60, v1  }
.LBB2_20:
0x364: {  	p0 =	sne.s32 s4, $0x7F;
	s1 =	smul.u32 $0x1A00, s1;
	v2 =	vpop (erf)  }
0x365: {  	s28 =	sadd.s32 $0x10, s28;
	v1 =	vmul.f32 v2, v1  }
0x366: {  	s21 =	sand.u32 $0x70, s28;
	s1 =	sshra.s32 s1, $0x2  }
0x367: {  	s1 =	sor.u32 s21, s1;
	[tilespmem:s31+$0xF600] =	vst v1  }
0x368: {  	s5 =	sshll.u32 s0, $0x4;
	s0 =	smov.u32 s4;
	v1 =	vld [tilespmem:s1+$0x16600]  }
0x369: {  	s22 =	sand.u32 $0x3FFFFF80, s5;
	s5 =	sadd.s32 $0x16600, s1  }
0x36a: {  	s31 =	sor.u32 s21, s22;
	v2 =	vld [tilespmem:s5+$0x80]  }
0x36b: {  	v3 =	vld [tilespmem:s31+$0x1CE00]  }
0x36c: {  	v4 =	vld [tilespmem:s5+$0x100]  }
0x36d: {  	vm0 =	vlt.f32 v1, $0.0e+00;
	vm1 =	vgt.f32 v1, $0.0e+00  }
0x36e: {  	vm0 =	vmor vm1, vm0;
	v5 =	vld [tilespmem:s5+$0x180]  }
0x36f: {  	v6 =	vsel vm0, $0x3F800000, v0;
	vm0 =	vlt.f32 v2, $0.0e+00;
	vm1 =	vgt.f32 v2, $0.0e+00  }
0x370: {  	v3 =	vadd.f32 v6, v3;
	vm0 =	vmor vm1, vm0;
	v6 =	vld [tilespmem:s5+$0x200]  }
0x371: {  	v7 =	vsel vm0, $0x3F800000, v0;
	vm0 =	vlt.f32 v4, $0.0e+00;
	vm1 =	vgt.f32 v4, $0.0e+00  }
0x372: {  	v3 =	vadd.f32 v7, v3;
	vm0 =	vmor vm1, vm0;
	v7 =	vld [tilespmem:s5+$0x280]  }
0x373: {  	v8 =	vsel vm0, $0x3F800000, v0;
	vm0 =	vlt.f32 v5, $0.0e+00;
	vm1 =	vgt.f32 v5, $0.0e+00  }
0x374: {  	v3 =	vadd.f32 v8, v3;
	vm0 =	vmor vm1, vm0;
	v8 =	vld [tilespmem:s5+$0x300]  }
0x375: {  	v9 =	vsel vm0, $0x3F800000, v0;
	vm0 =	vlt.f32 v6, $0.0e+00;
	vm1 =	vgt.f32 v6, $0.0e+00  }
0x376: {  	v3 =	vadd.f32 v9, v3;
	vm0 =	vmor vm1, vm0;
	v9 =	vld [tilespmem:s5+$0x380]  }
0x377: {  	v10 =	vld [tilespmem:s31+$0xF600];
	v11 =	vsel vm0, $0x3F800000, v0;
	vm0 =	vlt.f32 v7, $0.0e+00;
	vm1 =	vgt.f32 v7, $0.0e+00  }
0x378: {  	v3 =	vadd.f32 v11, v3;
	vm0 =	vmor vm1, vm0;
	v11 =	vld [tilespmem:s5+$0x400]  }
0x379: {  	v12 =	vsel vm0, $0x3F800000, v0;
	vm0 =	vlt.f32 v8, $0.0e+00;
	vm1 =	vgt.f32 v8, $0.0e+00  }
0x37a: {  	v3 =	vadd.f32 v12, v3;
	vm0 =	vmor vm1, vm0;
	v12 =	vld [tilespmem:s5+$0x480]  }
0x37b: {  	v13 =	vsel vm0, $0x3F800000, v0;
	vm0 =	vlt.f32 v9, $0.0e+00;
	vm1 =	vgt.f32 v9, $0.0e+00  }
0x37c: {  	v1 =	vadd.f32 v1, v10;
	v3 =	vadd.f32 v13, v3;
	vm0 =	vmor vm1, vm0;
	v10 =	vld [tilespmem:s5+$0x500]  }
0x37d: {  	v13 =	vsel vm0, $0x3F800000, v0;
	vm0 =	vlt.f32 v11, $0.0e+00;
	vm1 =	vgt.f32 v11, $0.0e+00  }
0x37e: {  	v1 =	vadd.f32 v2, v1;
	v2 =	vadd.f32 v13, v3;
	vm0 =	vmor vm1, vm0;
	v3 =	vld [tilespmem:s5+$0x580]  }
0x37f: {  	v13 =	vsel vm0, $0x3F800000, v0;
	vm0 =	vlt.f32 v12, $0.0e+00;
	vm1 =	vgt.f32 v12, $0.0e+00  }
0x380: {  	v1 =	vadd.f32 v4, v1;
	v2 =	vadd.f32 v13, v2;
	vm0 =	vmor vm1, vm0  }
0x381: {  	v4 =	vsel vm0, $0x3F800000, v0;
	vm0 =	vlt.f32 v10, $0.0e+00;
	vm1 =	vgt.f32 v10, $0.0e+00  }
0x382: {  	v1 =	vadd.f32 v5, v1;
	v2 =	vadd.f32 v4, v2;
	vm0 =	vmor vm1, vm0  }
0x383: {  	v4 =	vsel vm0, $0x3F800000, v0;
	vm0 =	vlt.f32 v3, $0.0e+00;
	vm1 =	vgt.f32 v3, $0.0e+00  }
0x384: {  	v1 =	vadd.f32 v6, v1;
	v2 =	vadd.f32 v4, v2;
	vm0 =	vmor vm1, vm0  }
0x385: {  	v4 =	vsel vm0, $0x3F800000, v0  }
0x386: {  	v1 =	vadd.f32 v7, v1;
	v2 =	vadd.f32 v4, v2;
	_ =	sdelay $0x1  }
0x387: {  	v1 =	vadd.f32 v8, v1;
	v2 =	vadd.f32 $1.000000020e-16, v2;
	_ =	sdelay $0x1  }
0x388: {  	v1 =	vadd.f32 v9, v1;
	(erf) = vrcp.f32 v2;
	_ =	sdelay $0x1  }
0x389: {  	v1 =	vadd.f32 v11, v1;
	_ =	sdelay $0x1  }
.Ltmp9:
0x38a: {  	v1 =	vadd.f32 v12, v1;
	(pc) =	sbr.rel @p0 .LBB2_20-.Ltmp9, $3  }
0x38b: {  	_ = 	snop  }
0x38c: {  	v1 =	vadd.f32 v10, v1;
	_ =	sdelay $0x1  }
0x38d: {  	s4 =	sadd.s32 $0x1, s4;
	s1 =	sshrl.u32 s0, $0x3;
	v1 =	vadd.f32 v3, v1  }
0x38e: {  	s1 =	smul.u32 $0x1A00, s1;
	v2 =	vpop (erf)  }
0x38f: {  	s4 =	sadd.s32 $0x10, s28;
	v1 =	vmul.f32 v2, v1  }
0x390: {  	s4 =	sand.u32 $0x70, s4;
	s1 =	sshra.s32 s1, $0x2  }
0x391: {  	s1 =	sor.u32 s4, s1;
	[tilespmem:s31+$0xF600] =	vst v1  }
0x392: {  	s0 =	sshll.u32 s0, $0x4;
	v1 =	vld [tilespmem:s1+$0x16600]  }
0x393: {  	s0 =	sand.u32 $0x3FFFFF80, s0;
	s1 =	sadd.s32 $0x16600, s1  }
0x394: {  	s0 =	sor.u32 s4, s0;
	v2 =	vld [tilespmem:s1+$0x80]  }
0x395: {  	v3 =	vld [tilespmem:s0+$0x1CE00]  }
0x396: {  	v4 =	vld [tilespmem:s1+$0x100]  }
0x397: {  	vm0 =	vlt.f32 v1, $0.0e+00;
	vm1 =	vgt.f32 v1, $0.0e+00  }
0x398: {  	v5 =	vld [tilespmem:s1+$0x180];
	vm0 =	vmor vm1, vm0  }
0x399: {  	vm6 =	vlt.f32 v2, $0.0e+00;
	vm7 =	vgt.f32 v2, $0.0e+00;
	v6 =	vsel vm0, $0x3F800000, v0  }
0x39a: {  	v52 =	vld [tilespmem:s1+$0x200];
	vm0 =	vmor vm7, vm6;
	v3 =	vadd.f32 v6, v3  }
0x39b: {  	vm8 =	vlt.f32 v4, $0.0e+00;
	vm9 =	vgt.f32 v4, $0.0e+00;
	v7 =	vsel vm0, $0x3F800000, v0  }
0x39c: {  	v53 =	vld [tilespmem:s1+$0x280];
	vm0 =	vmor vm9, vm8;
	v3 =	vadd.f32 v7, v3  }
0x39d: {  	vm10 =	vlt.f32 v5, $0.0e+00;
	vm11 =	vgt.f32 v5, $0.0e+00;
	v8 =	vsel vm0, $0x3F800000, v0  }
0x39e: {  	v54 =	vld [tilespmem:s1+$0x300];
	vm0 =	vmor vm11, vm10;
	v3 =	vadd.f32 v8, v3  }
0x39f: {  	vm12 =	vlt.f32 v52, $0.0e+00;
	vm13 =	vgt.f32 v52, $0.0e+00;
	v9 =	vsel vm0, $0x3F800000, v0  }
0x3a0: {  	v55 =	vld [tilespmem:s1+$0x380];
	vm0 =	vmor vm13, vm12;
	v3 =	vadd.f32 v9, v3  }
0x3a1: {  	v10 =	vld [tilespmem:s0+$0xF600];
	vm14 =	vlt.f32 v53, $0.0e+00;
	vm15 =	vgt.f32 v53, $0.0e+00;
	v11 =	vsel vm0, $0x3F800000, v0  }
0x3a2: {  	v56 =	vld [tilespmem:s1+$0x400];
	vm0 =	vmor vm15, vm14;
	v3 =	vadd.f32 v11, v3  }
0x3a3: {  	vm4 =	vlt.f32 v54, $0.0e+00;
	vm5 =	vgt.f32 v54, $0.0e+00;
	v12 =	vsel vm0, $0x3F800000, v0  }
0x3a4: {  	v57 =	vld [tilespmem:s1+$0x480];
	vm0 =	vmor vm5, vm4;
	v3 =	vadd.f32 v12, v3  }
0x3a5: {  	vm6 =	vlt.f32 v55, $0.0e+00;
	vm7 =	vgt.f32 v55, $0.0e+00;
	v13 =	vsel vm0, $0x3F800000, v0  }
0x3a6: {  	v58 =	vld [tilespmem:s1+$0x500];
	v1 =	vadd.f32 v1, v10;
	vm0 =	vmor vm7, vm6;
	v3 =	vadd.f32 v13, v3  }
0x3a7: {  	vm8 =	vlt.f32 v56, $0.0e+00;
	vm9 =	vgt.f32 v56, $0.0e+00;
	v59 =	vsel vm0, $0x3F800000, v0  }
0x3a8: {  	v1 =	vadd.f32 v2, v1;
	vm0 =	vmor vm9, vm8;
	v2 =	vadd.f32 v59, v3;
	v3 =	vld [tilespmem:s1+$0x580]  }
0x3a9: {  	vm10 =	vlt.f32 v57, $0.0e+00;
	vm11 =	vgt.f32 v57, $0.0e+00;
	v60 =	vsel vm0, $0x3F800000, v0  }
0x3aa: {  	v1 =	vadd.f32 v4, v1;
	vm0 =	vmor vm11, vm10;
	v2 =	vadd.f32 v60, v2  }
0x3ab: {  	vm12 =	vlt.f32 v58, $0.0e+00;
	vm13 =	vgt.f32 v58, $0.0e+00;
	v61 =	vsel vm0, $0x3F800000, v0  }
0x3ac: {  	v1 =	vadd.f32 v5, v1;
	vm0 =	vmor vm13, vm12;
	v2 =	vadd.f32 v61, v2  }
0x3ad: {  	v62 =	vsel vm0, $0x3F800000, v0;
	vm14 =	vlt.f32 v3, $0.0e+00;
	vm15 =	vgt.f32 v3, $0.0e+00  }
0x3ae: {  	v1 =	vadd.f32 v52, v1;
	v2 =	vadd.f32 v62, v2;
	vm0 =	vmor vm15, vm14  }
0x3af: {  	v63 =	vsel vm0, $0x3F800000, v0  }
0x3b0: {  	v1 =	vadd.f32 v53, v1;
	v2 =	vadd.f32 v63, v2;
	_ =	sdelay $0x1  }
0x3b1: {  	v1 =	vadd.f32 v54, v1;
	v2 =	vadd.f32 $1.000000020e-16, v2;
	_ =	sdelay $0x1  }
0x3b2: {  	v1 =	vadd.f32 v55, v1;
	(erf) = vrcp.f32 v2;
	_ =	sdelay $0x1  }
0x3b3: {  	v1 =	vadd.f32 v56, v1;
	_ =	sdelay $0x1  }
0x3b4: {  	v1 =	vadd.f32 v57, v1;
	_ =	sdelay $0x1  }
0x3b5: {  	v1 =	vadd.f32 v58, v1;
	_ =	sdelay $0x1  }
0x3b6: {  	v1 =	vadd.f32 v3, v1  }
0x3b7: {  	v2 =	vpop (erf)  }
0x3b8: {  	v1 =	vmul.f32 v2, v1;
	_ =	sdelay $0x1  }
0x3b9: {  	s28 =	rddreg [dreg:$0x6];
	s29 =	simm.s32 $0xF600;
	[tilespmem:s0+$0xF600] =	vst v1  }
0x3ba: {  	[hbm4b:s28+s25] =	stream.strided.scatter [tilespmem:s29], [sflag:$0x1], $0x800, s23, s25, $0x38;
	[tilespmem:$0x1D600] =	vst v63  }
0x3bb: {  	_ =	swait.ge [sflag:s26], $0xD000  }
0x3bc: {  	[sflag:s26] =	ssyncset.done $0x0  }
0x3bd: {  	[sflag:s26] =	ssyncadd.s32 $0xFFFF3000  }
0x3be: {  	_ =	swait.ge [sflag:s26], $0x800  }
0x3bf: {  	s30 =	rddreg [dreg:$0x8]  }
0x3c0: {  	s31 =	rddreg [dreg:$0x7];
	s1 =	sadd.s32 $0x1, s30  }
0x3c1: {  	p0 =	sne.s32 s1, s31  }
.Ltmp10:
0x3c2: {  	_ = 	snop;
	(pc) =	sbr.rel @p0 .LBB2_1-.Ltmp10, $3  }
0x3c3: {  	_ =	sdelay $0x1  }
0x3c4: {  	[sflag:s26] =	ssyncset.done $0x0  }
0x3c5: {  	[sflag:s26] =	ssyncadd.s32 $0xFFFFF800  }
0x3c6: {  	_ =	sfence.sel $0x180000  }
0x3c7: {  	[bflag:$0x0] =	sbarrier.arrive $0xFFFF  }
0x3c8: {  	_ =	strace $0x90000047  }
0x3c9: {  	s0 =	stileid.u32;
	[bflag:$0x2] =	sbarrier.arrive $0xFFFF  }
0x3ca: {  	p0 =	sne.s32 s0, $0x0;
	s0 =	rddreg [dreg:$0x2]  }
0x3cb: {  	s0 =	sadd.s32 @!p0 $0x100000, s0  }
0x3cc: {  	[sflag:s0] =	ssyncadd.tile.s32 @!p0 $0x1;
	_ =	shalt  }
.Lfunc_end2:
_tile_overlayer_lowered:
.L_overlay_start_2:
0x3cd: {  	(tag) =	ssettag $0x2  }
0x3ce: {  	s0 =	rddreg [dreg:$0x0];
	s2 =	stileid.u32  }
0x3cf: {  	s1 =	rddreg [dreg:$0x1];
	p0 =	sne.s32 s2, $0x0  }
0x3d0: {  	s3 =	rddreg [dreg:$0x2];
	[bflag:$0x3] =	sbarrier.arrive $0xFFFF;
	s2 =	simm.s32 @!p0 $0x1C03  }
0x3d1: {  	[timem:s3], [sflag:s2] =	dma.local @!p0 [hbm:s0], s1  }
0x3d2: {  	s0 =	simm.s32 @!p0 $0x3  }
0x3d3: {  	_ =	swait.ge @!p0 [sflag:s0], s1  }
0x3d4: {  	s1 =	ssub.s32 @!p0 $0x0, s1;
	[sflag:s0] =	ssyncset.done @!p0 $0x0  }
0x3d5: {  	[sflag:s0] =	ssyncadd.s32 @!p0 s1  }
0x3d6: {  	[bflag:$0x3] =	sbarrier.arrive $0xFFFF  }
0x3d7: {  	_ =	shalt  }

</sc_bundles>
